<compile_context>
chip_gen: v7x
topology: tpu7x:2x2x1
jax: 0.10.2.dev20260603
libtpu: 0.0.44.dev20260713+nightly
codegen_flags: <defaults>
</compile_context>

<pallas_src>
import functools

import jax
import jax.numpy as jnp
import numpy as np
from jax import lax
from jax.experimental import pallas as pl
from jax.experimental.pallas import tpu as pltpu
from jax.experimental.pallas import tpu_sc as plsc

N = 10000
D_IN = 128
HEADS = 8
CH = 8
D_HID = 64

NP_ = 10240
BLK = 1024
NC, NS = 2, 16
C = 128
G = 81
EPAD = NC * NS * G * C
ROWS_PER_TILE = NP_ // NS

_HM = np.arange(64)
_CM_OF_HM = (_HM % 8) * 8 + (_HM // 8)
_P_CM2HM = np.zeros((64, 64), np.float32)
_P_CM2HM[_CM_OF_HM, _HM] = 1.0
_R16 = np.zeros((64, 16), np.float32)
for _k in range(64):
    _R16[_k, _k % 8] = 1.0
    _R16[_k, 8 + _k % 8] = 1.0
_E8 = np.ascontiguousarray(_R16[:, :8].T)
_NE = 330000
_PAD_SRC = np.full(EPAD - _NE, N, np.int32)
_PAD_DST = (N + np.arange(_NE, EPAD, dtype=np.int64) % (NP_ - N)).astype(np.int32)


def _att_cm(att):
    return jnp.transpose(att[0], (1, 0)).reshape(1, 64)


def _perm_cols_cm(W):
    return jnp.zeros_like(W).at[:, _CM_OF_HM].set(W)



def _attn_tail(h, as_ref, ad_ref, r_ref, src_ref, dst_ref, am_ref, mx_ref):
    s16 = jnp.dot(h * as_ref[...], r_ref[...], preferred_element_type=jnp.float32)
    d16 = jnp.dot(h * ad_ref[...], r_ref[...], preferred_element_type=jnp.float32)
    src_ref[...] = jnp.concatenate([h, s16], axis=1)
    dst_ref[...] = d16
    bm = jnp.max(s16, axis=0, keepdims=True)
    i = pl.program_id(0)

    @pl.when(i == 0)
    def _():
        mx_ref[...] = jnp.full((8, 16), -1e30, jnp.float32)

    cur = jnp.maximum(mx_ref[...], jnp.broadcast_to(bm, (8, 16)))
    mx_ref[...] = cur
    am_ref[...] = cur


def _dense1_body(x_ref, w_ref, as_ref, ad_ref, r_ref,
                 src_ref, dst_ref, am_ref, mx_ref):
    h = jnp.dot(x_ref[...], w_ref[...], preferred_element_type=jnp.float32)
    _attn_tail(h, as_ref, ad_ref, r_ref, src_ref, dst_ref, am_ref, mx_ref)


def _combine(p, e8_ref, b_ref):
    acc = p[0, :, 0:64] + p[1, :, 0:64]
    den = jnp.maximum(p[0, :, 64:72] + p[1, :, 64:72], 1e-30)
    rep = jnp.dot(den, e8_ref[...], preferred_element_type=jnp.float32)
    return acc / rep + b_ref[...]


def _mid_body(p_ref, e8_ref, b_ref, w_ref, as_ref,
              ad_ref, r_ref, src_ref, dst_ref, am_ref, mx_ref):
    h1 = jnp.maximum(_combine(p_ref[...], e8_ref, b_ref), 0.0)
    h2 = jnp.dot(h1, w_ref[...], preferred_element_type=jnp.float32)
    _attn_tail(h2, as_ref, ad_ref, r_ref, src_ref, dst_ref, am_ref, mx_ref)


def _post_body(p_ref, e8_ref, b_ref, pm_ref, lg_ref, pr_ref):
    lg = jnp.dot(_combine(p_ref[...], e8_ref, b_ref),
                 pm_ref[...], preferred_element_type=jnp.float32)
    lg_ref[...] = lg
    m = jnp.max(lg, axis=1, keepdims=True)
    e = jnp.exp(lg - m)
    pr_ref[...] = e / jnp.sum(e, axis=1, keepdims=True)


def _dense1_call(x_pad, W1cc, as1, ad1, r16, interpret=False):
    grid = NP_ // BLK
    return pl.pallas_call(
        _dense1_body,
        grid=(grid,),
        in_specs=[
            pl.BlockSpec((BLK, D_IN), lambda i: (i, 0)),
            pl.BlockSpec((D_IN, 64), lambda i: (0, 0)),
            pl.BlockSpec((1, 64), lambda i: (0, 0)),
            pl.BlockSpec((1, 64), lambda i: (0, 0)),
            pl.BlockSpec((64, 16), lambda i: (0, 0)),
        ],
        out_specs=[
            pl.BlockSpec((BLK, 80), lambda i: (i, 0)),
            pl.BlockSpec((BLK, 16), lambda i: (i, 0)),
            pl.BlockSpec((8, 16), lambda i: (0, 0)),
        ],
        out_shape=[
            jax.ShapeDtypeStruct((NP_, 80), jnp.float32),
            jax.ShapeDtypeStruct((NP_, 16), jnp.float32),
            jax.ShapeDtypeStruct((8, 16), jnp.float32),
        ],
        scratch_shapes=[pltpu.VMEM((8, 16), jnp.float32)],
        interpret=interpret,
    )(x_pad, W1cc, as1, ad1, r16)


def _mid_call(part, b1cm, W2cc, as2, ad2, r16, interpret=False):
    grid = NP_ // BLK
    return pl.pallas_call(
        _mid_body,
        grid=(grid,),
        in_specs=[
            pl.BlockSpec((2, BLK, 80), lambda i: (0, i, 0)),
            pl.BlockSpec((8, 64), lambda i: (0, 0)),
            pl.BlockSpec((1, 64), lambda i: (0, 0)),
            pl.BlockSpec((64, 64), lambda i: (0, 0)),
            pl.BlockSpec((1, 64), lambda i: (0, 0)),
            pl.BlockSpec((1, 64), lambda i: (0, 0)),
            pl.BlockSpec((64, 16), lambda i: (0, 0)),
        ],
        out_specs=[
            pl.BlockSpec((BLK, 80), lambda i: (i, 0)),
            pl.BlockSpec((BLK, 16), lambda i: (i, 0)),
            pl.BlockSpec((8, 16), lambda i: (0, 0)),
        ],
        out_shape=[
            jax.ShapeDtypeStruct((NP_, 80), jnp.float32),
            jax.ShapeDtypeStruct((NP_, 16), jnp.float32),
            jax.ShapeDtypeStruct((8, 16), jnp.float32),
        ],
        scratch_shapes=[pltpu.VMEM((8, 16), jnp.float32)],
        interpret=interpret,
    )(part, jnp.asarray(_E8), b1cm, W2cc, as2, ad2, r16)


def _post_call(part, b2cm, pmat, interpret=False):
    blk = 1000
    grid = N // blk
    return pl.pallas_call(
        _post_body,
        grid=(grid,),
        in_specs=[
            pl.BlockSpec((2, blk, 80), lambda i: (0, i, 0)),
            pl.BlockSpec((8, 64), lambda i: (0, 0)),
            pl.BlockSpec((1, 64), lambda i: (0, 0)),
            pl.BlockSpec((64, 64), lambda i: (0, 0)),
        ],
        out_specs=[
            pl.BlockSpec((blk, 64), lambda i: (i, 0)),
            pl.BlockSpec((blk, 64), lambda i: (i, 0)),
        ],
        out_shape=[
            jax.ShapeDtypeStruct((N, 64), jnp.float32),
            jax.ShapeDtypeStruct((N, 64), jnp.float32),
        ],
        interpret=interpret,
    )(part, jnp.asarray(_E8), b2cm, pmat)



def _edge_body(esrc_hbm, edst_hbm, src_hbm, dst_hbm, am_hbm, out_hbm,
               acc_sh, es2, ed2, srows, drows, orows, am_v, sem_g, sem_s):
    cid = lax.axis_index("c")
    sid = lax.axis_index("s")
    tile_lin = cid * NS + sid
    row0 = sid * ROWS_PER_TILE

    pltpu.sync_copy(esrc_hbm.at[pl.ds(tile_lin * G, G)], es2)
    pltpu.sync_copy(edst_hbm.at[pl.ds(tile_lin * G, G)], ed2)

    def zrow(r, _):
        z = jnp.zeros((16,), jnp.float32)
        for j in range(5):
            orows[0, r, pl.ds(16 * j, 16)] = z
        return 0

    lax.fori_loop(0, C, zrow, 0)
    for k in range(ROWS_PER_TILE // C):
        pltpu.sync_copy(orows.at[0], acc_sh.at[pl.ds(row0 + k * C, C)])
    plsc.subcore_barrier()

    pltpu.sync_copy(am_hbm.at[0], am_v)
    am = am_v[...]

    def gathers(g, slot):
        pltpu.async_copy(src_hbm.at[es2.at[g]], srows.at[slot], sem_g.at[slot])
        pltpu.async_copy(dst_hbm.at[ed2.at[g]], drows.at[slot], sem_g.at[slot])

    def wait_gathers(slot):
        pltpu.make_async_copy(src_hbm.at[es2.at[0]], srows.at[slot],
                              sem_g.at[slot]).wait()
        pltpu.make_async_copy(dst_hbm.at[ed2.at[0]], drows.at[slot],
                              sem_g.at[slot]).wait()

    def scatter(g, slot):
        pltpu.async_copy(orows.at[slot], acc_sh.at[ed2.at[g]], sem_s.at[slot],
                         add=True)

    def wait_scatter(slot):
        pltpu.make_async_copy(orows.at[slot], acc_sh.at[ed2.at[0]],
                              sem_s.at[slot]).wait()

    gathers(0, 0)

    def step(g, _):
        slot = lax.rem(g, 2)

        @pl.when(g < G)
        def _():
            gathers(g, slot)

        gp = g - 1
        pslot = lax.rem(gp, 2)
        wait_gathers(pslot)

        @pl.when(gp >= 2)
        def _():
            wait_scatter(pslot)

        for sslot in (0, 1):
            @pl.when(pslot == sslot)
            def _(sslot=sslot):
                @plsc.parallel_loop(0, C, unroll=8)
                def edge(e):
                    sv = srows[sslot, e, pl.ds(64, 16)]
                    dv = drows[sslot, e, pl.ds(0, 16)]
                    t = sv + dv
                    al = jnp.maximum(t, 0.2 * t)
                    u = am + dv
                    cc = jnp.maximum(u, 0.2 * u)
                    w = jnp.exp(al - cc)
                    orows[sslot, e, pl.ds(64, 16)] = w
                    for j in range(4):
                        orows[sslot, e, pl.ds(16 * j, 16)] = \
                            srows[sslot, e, pl.ds(16 * j, 16)] * w

        scatter(gp, pslot)
        return 0

    lax.fori_loop(1, G + 1, step, 0)
    wait_scatter(lax.rem(G - 2, 2))
    wait_scatter(lax.rem(G - 1, 2))
    plsc.subcore_barrier()
    pltpu.sync_copy(acc_sh.at[pl.ds(row0, ROWS_PER_TILE)],
                    out_hbm.at[cid, pl.ds(row0, ROWS_PER_TILE)])


def _edge_call(esrc, edst, src_tab, dst_tab, am):
    mesh = plsc.VectorSubcoreMesh(core_axis_name="c", subcore_axis_name="s")
    f = pl.kernel(
        _edge_body,
        out_type=jax.ShapeDtypeStruct((NC, NP_, 80), jnp.float32),
        mesh=mesh,
        compiler_params=pltpu.CompilerParams(use_tc_tiling_on_sc=False),
        scratch_types=[
            pltpu.VMEM_SHARED((NP_, 80), jnp.float32),
            pltpu.VMEM((G, C), jnp.int32),
            pltpu.VMEM((G, C), jnp.int32),
            pltpu.VMEM((2, C, 80), jnp.float32),
            pltpu.VMEM((2, C, 16), jnp.float32),
            pltpu.VMEM((2, C, 80), jnp.float32),
            pltpu.VMEM((16,), jnp.float32),
            pltpu.SemaphoreType.DMA((2,)),
            pltpu.SemaphoreType.DMA((2,)),
        ],
    )
    def shuf(e):
        return e.reshape(G, NC * NS, C).transpose(1, 0, 2).reshape(NC * NS * G, C)

    return f(shuf(esrc), shuf(edst), src_tab, dst_tab, am)



def kernel(x, edge_index, W1, a_src1, a_dst1, b1, W2, a_src2, a_dst2, b2):
    f32 = jnp.float32
    x_pad = jnp.zeros((NP_, D_IN), f32).at[:N].set(x)
    loop = jnp.arange(N, dtype=jnp.int32)
    esrc = jnp.concatenate([edge_index[0].astype(jnp.int32), loop,
                            jnp.asarray(_PAD_SRC)])
    edst = jnp.concatenate([edge_index[1].astype(jnp.int32), loop,
                            jnp.asarray(_PAD_DST)])

    W1cc = _perm_cols_cm(W1)
    pmat = jnp.asarray(_P_CM2HM)
    W2cc = _perm_cols_cm(pmat @ W2)
    r16 = jnp.asarray(_R16)
    as1, ad1 = _att_cm(a_src1), _att_cm(a_dst1)
    as2, ad2 = _att_cm(a_src2), _att_cm(a_dst2)
    b1cm = jnp.zeros((1, 64), f32).at[0, _CM_OF_HM].set(b1)
    b2cm = jnp.zeros((1, 64), f32).at[0, _CM_OF_HM].set(b2)

    src1, dst1, am1 = _dense1_call(x_pad, W1cc, as1, ad1, r16)
    part1 = _edge_call(esrc, edst, src1, dst1, am1)
    src2, dst2, am2 = _mid_call(part1, b1cm, W2cc, as2, ad2, r16)
    part2 = _edge_call(esrc, edst, src2, dst2, am2)
    logits, probs = _post_call(part2, b2cm, pmat)
    return (logits, probs)

# --- scband reference (transcript-rebuilt; emitter-appended) ---
"""Pipeline reference for scband-gatnet-nc-51015621542151 (READ-ONLY COPY).

The authoritative reference and input builder live on the scoring server;
editing this copy changes nothing except your own understanding.
"""

import jax, jax.numpy as jnp
import numpy as np

N = 10000
E = 320000
D_IN = 128
HEADS = 8
CH = 8
D_HID = HEADS * CH  # 64, concat=True


def gat_conv(x, edge_index, W, att_src, att_dst, bias):
    """PyG-style GATConv with add_self_loops=True, concat=True, dropout=0."""
    n = x.shape[0]
    src = edge_index[0]
    dst = edge_index[1]
    loop = jnp.arange(n, dtype=src.dtype)
    src = jnp.concatenate([src, loop])
    dst = jnp.concatenate([dst, loop])
    h = (x @ W).reshape(n, HEADS, CH)              # [N, H, C]
    a_src = (h * att_src).sum(-1)                   # [N, H]
    a_dst = (h * att_dst).sum(-1)                   # [N, H]
    alpha = jax.nn.leaky_relu(a_src[src] + a_dst[dst], negative_slope=0.2)  # [E', H]
    amax = jax.ops.segment_max(alpha, dst, num_segments=n)
    alpha = jnp.exp(alpha - amax[dst])
    denom = jax.ops.segment_sum(alpha, dst, num_segments=n)
    alpha = alpha / (denom[dst] + 1e-16)
    msg = h[src] * alpha[:, :, None]                # [E', H, C]
    out = jax.ops.segment_sum(msg, dst, num_segments=n)  # [N, H, C]
    return out.reshape(n, HEADS * CH) + bias


def setup_inputs(seed: int = 0) -> dict:
    key = jax.random.key(seed)
    ks = jax.random.split(key, 12)
    x = jax.random.normal(ks[0], (N, D_IN), dtype=jnp.float32)
    edge_index = jax.random.randint(ks[1], (2, E), 0, N)
    s1 = 1.0 / np.sqrt(D_IN)
    s2 = 1.0 / np.sqrt(D_HID)
    W1 = jax.random.normal(ks[2], (D_IN, D_HID), dtype=jnp.float32) * s1
    a_src1 = jax.random.normal(ks[3], (1, HEADS, CH), dtype=jnp.float32) * s2
    a_dst1 = jax.random.normal(ks[4], (1, HEADS, CH), dtype=jnp.float32) * s2
    b1 = jnp.zeros((D_HID,), dtype=jnp.float32)
    W2 = jax.random.normal(ks[5], (D_HID, D_HID), dtype=jnp.float32) * s2
    a_src2 = jax.random.normal(ks[6], (1, HEADS, CH), dtype=jnp.float32) * s2
    a_dst2 = jax.random.normal(ks[7], (1, HEADS, CH), dtype=jnp.float32) * s2
    b2 = jnp.zeros((D_HID,), dtype=jnp.float32)
    return {"x": x, "edge_index": edge_index,
            "W1": W1, "a_src1": a_src1, "a_dst1": a_dst1, "b1": b1,
            "W2": W2, "a_src2": a_src2, "a_dst2": a_dst2, "b2": b2}


def reference(x, edge_index, W1, a_src1, a_dst1, b1, W2, a_src2, a_dst2, b2):
    # layer 1 (num_gnn_layers - 1 hidden layers): GATConv -> ReLU (emb_normlize=False)
    h = gat_conv(x, edge_index, W1, a_src1, a_dst1, b1)
    h = jax.nn.relu(h)
    # final layer
    logits = gat_conv(h, edge_index, W2, a_src2, a_dst2, b2)
    probs = jax.nn.softmax(logits, axis=-1)
    return (logits, probs)

if __name__ == "__main__":
    import jax
    _d = setup_inputs()
    print(jax.jit(kernel)(*tuple(_d.values())))

</pallas_src>

<mosaic_0001>
#map = affine_map<(d0, d1) -> (0, 0)>
#map1 = affine_map<(d0, d1) -> (0, 0, 0)>
module attributes {stable_mosaic.version = 14 : i64} {
  func.func @_edge_body(%arg0: i32, %arg1: i32, %arg2: memref<2592x128xi32, #tpu.memory_space<hbm>>, %arg3: memref<2592x128xi32, #tpu.memory_space<hbm>>, %arg4: memref<10240x80xf32, #tpu.memory_space<hbm>>, %arg5: memref<10240x16xf32, #tpu.memory_space<hbm>>, %arg6: memref<8x16xf32, #tpu.memory_space<hbm>>, %arg7: memref<2x10240x80xf32, #tpu.memory_space<hbm>>, %arg8: memref<10240x80xf32, #tpu.memory_space<vmem_shared>>, %arg9: memref<81x128xi32, #tpu.memory_space<vmem>>, %arg10: memref<81x128xi32, #tpu.memory_space<vmem>>, %arg11: memref<2x128x80xf32, #tpu.memory_space<vmem>>, %arg12: memref<2x128x16xf32, #tpu.memory_space<vmem>>, %arg13: memref<2x128x80xf32, #tpu.memory_space<vmem>>, %arg14: memref<16xf32, #tpu.memory_space<vmem>>, %arg15: memref<2x!tpu.dma_semaphore, #tpu.memory_space<semaphore_mem>>, %arg16: memref<2x!tpu.dma_semaphore, #tpu.memory_space<semaphore_mem>>) attributes {dimension_semantics = [#tpu.dimension_semantics<core_parallel>, #tpu.dimension_semantics<subcore_parallel>], iteration_bounds = array<i64: 2, 16>, scalar_prefetch = 0 : i64, scratch_operands = 9 : i64, tpu.core_type = #tpu.core_type<sc_vector_subcore>, window_params = [{transform_indices = #map}, {transform_indices = #map}, {transform_indices = #map}, {transform_indices = #map}, {transform_indices = #map}, {transform_indices = #map1}]} {
    %mul3A = arith.constant 16 : i32
    %mul3A_0 = arith.muli %arg0, %mul3A : i32
    %add3A = arith.addi %mul3A_0, %arg1 : i32
    %mul3A_1 = arith.constant 640 : i32
    %mul3A_2 = arith.muli %arg1, %mul3A_1 : i32
    %mul3A_3 = arith.constant 81 : i32
    %mul3A_4 = arith.muli %add3A, %mul3A_3 : i32
    "tpu.region"() ({
      %run_scoped3A_97 = tpu.sem_alloc : memref<!tpu.dma_semaphore, #tpu.memory_space<semaphore_mem>>
      %dma_start3A_98 = arith.constant 0 : i32
      %dma_start3A_99 = tpu.memref_slice %arg2[%mul3A_4, %dma_start3A_98] : memref<2592x128xi32, #tpu.memory_space<hbm>> -> memref<81x128xi32, #tpu.memory_space<hbm>>
      %dma_start3A_100 = arith.constant 0 : i32
      %dma_start3A_101 = tpu.memref_slice %arg2[%mul3A_4, %dma_start3A_100] : memref<2592x128xi32, #tpu.memory_space<hbm>> -> memref<81x128xi32, #tpu.memory_space<hbm>>
      tpu.enqueue_dma source(%dma_start3A_101 : memref<81x128xi32, #tpu.memory_space<hbm>>) target(%arg9 : memref<81x128xi32, #tpu.memory_space<vmem>>) target_semaphore(%run_scoped3A_97 : memref<!tpu.dma_semaphore, #tpu.memory_space<semaphore_mem>>)
      %dma_wait3A_102 = arith.constant 0 : i32
      %dma_wait3A_103 = tpu.memref_slice %arg2[%mul3A_4, %dma_wait3A_102] : memref<2592x128xi32, #tpu.memory_space<hbm>> -> memref<81x128xi32, #tpu.memory_space<hbm>>
      %dma_wait3A_104 = arith.constant 0 : i32
      %dma_wait3A_105 = tpu.memref_slice %arg2[%mul3A_4, %dma_wait3A_104] : memref<2592x128xi32, #tpu.memory_space<hbm>> -> memref<81x128xi32, #tpu.memory_space<hbm>>
      tpu.wait_dma2 semaphore(%run_scoped3A_97 : memref<!tpu.dma_semaphore, #tpu.memory_space<semaphore_mem>>) src(%dma_wait3A_105 : memref<81x128xi32, #tpu.memory_space<hbm>>) dst(%arg9 : memref<81x128xi32, #tpu.memory_space<vmem>>)
      tpu.yield
    }) : () -> ()
    %mul3A_5 = arith.constant 81 : i32
    %mul3A_6 = arith.muli %add3A, %mul3A_5 : i32
    "tpu.region"() ({
      %run_scoped3A_97 = tpu.sem_alloc : memref<!tpu.dma_semaphore, #tpu.memory_space<semaphore_mem>>
      %dma_start3A_98 = arith.constant 0 : i32
      %dma_start3A_99 = tpu.memref_slice %arg3[%mul3A_6, %dma_start3A_98] : memref<2592x128xi32, #tpu.memory_space<hbm>> -> memref<81x128xi32, #tpu.memory_space<hbm>>
      %dma_start3A_100 = arith.constant 0 : i32
      %dma_start3A_101 = tpu.memref_slice %arg3[%mul3A_6, %dma_start3A_100] : memref<2592x128xi32, #tpu.memory_space<hbm>> -> memref<81x128xi32, #tpu.memory_space<hbm>>
      tpu.enqueue_dma source(%dma_start3A_101 : memref<81x128xi32, #tpu.memory_space<hbm>>) target(%arg10 : memref<81x128xi32, #tpu.memory_space<vmem>>) target_semaphore(%run_scoped3A_97 : memref<!tpu.dma_semaphore, #tpu.memory_space<semaphore_mem>>)
      %dma_wait3A_102 = arith.constant 0 : i32
      %dma_wait3A_103 = tpu.memref_slice %arg3[%mul3A_6, %dma_wait3A_102] : memref<2592x128xi32, #tpu.memory_space<hbm>> -> memref<81x128xi32, #tpu.memory_space<hbm>>
      %dma_wait3A_104 = arith.constant 0 : i32
      %dma_wait3A_105 = tpu.memref_slice %arg3[%mul3A_6, %dma_wait3A_104] : memref<2592x128xi32, #tpu.memory_space<hbm>> -> memref<81x128xi32, #tpu.memory_space<hbm>>
      tpu.wait_dma2 semaphore(%run_scoped3A_97 : memref<!tpu.dma_semaphore, #tpu.memory_space<semaphore_mem>>) src(%dma_wait3A_105 : memref<81x128xi32, #tpu.memory_space<hbm>>) dst(%arg10 : memref<81x128xi32, #tpu.memory_space<vmem>>)
      tpu.yield
    }) : () -> ()
    %scan3A = arith.constant 0 : i32
    %scan3A_7 = arith.constant 0 : i32
    %scan3A_8 = arith.constant 128 : i32
    %scan3A_9 = arith.addi %scan3A_7, %scan3A_8 : i32
    %scan3A_10 = arith.constant 1 : i32
    %scan3A_11 = scf.for %scan3A_97 = %scan3A_7 to %scan3A_9 step %scan3A_10 iter_args(%scan3A_98 = %scan3A) -> (i32)  : i32 {
      %broadcast_in_dim3A = arith.constant 0.000000e+00 : f32
      %broadcast_in_dim3A_99 = vector.broadcast %broadcast_in_dim3A : f32 to vector<16xf32>
      %swap3A = arith.constant 0 : i32
      %swap3A_100 = arith.index_cast %swap3A : i32 to index
      %swap3A_101 = arith.index_cast %scan3A_97 : i32 to index
      %swap3A_102 = arith.constant 0 : index
      %swap3A_103 = tpu.vector_load %arg13[%swap3A_100, %swap3A_101, %swap3A_102] {strides = array<i32>} : memref<2x128x80xf32, #tpu.memory_space<vmem>>, vector<1x1x16xf32>,
      %swap3A_104 = vector.shape_cast %swap3A_103 : vector<1x1x16xf32> to vector<16xf32>
      %swap3A_105 = vector.shape_cast %broadcast_in_dim3A_99 : vector<16xf32> to vector<1x1x16xf32>
      tpu.vector_store %arg13[%swap3A_100, %swap3A_101, %swap3A_102], %swap3A_105 {strides = array<i32>} : memref<2x128x80xf32, #tpu.memory_space<vmem>>, vector<1x1x16xf32>,
      %swap3A_106 = arith.constant 0 : i32
      %swap3A_107 = arith.index_cast %swap3A_106 : i32 to index
      %swap3A_108 = arith.index_cast %scan3A_97 : i32 to index
      %swap3A_109 = arith.constant 16 : index
      %swap3A_110 = tpu.vector_load %arg13[%swap3A_107, %swap3A_108, %swap3A_109] {strides = array<i32>} : memref<2x128x80xf32, #tpu.memory_space<vmem>>, vector<1x1x16xf32>,
      %swap3A_111 = vector.shape_cast %swap3A_110 : vector<1x1x16xf32> to vector<16xf32>
      %swap3A_112 = vector.shape_cast %broadcast_in_dim3A_99 : vector<16xf32> to vector<1x1x16xf32>
      tpu.vector_store %arg13[%swap3A_107, %swap3A_108, %swap3A_109], %swap3A_112 {strides = array<i32>} : memref<2x128x80xf32, #tpu.memory_space<vmem>>, vector<1x1x16xf32>,
      %swap3A_113 = arith.constant 0 : i32
      %swap3A_114 = arith.index_cast %swap3A_113 : i32 to index
      %swap3A_115 = arith.index_cast %scan3A_97 : i32 to index
      %swap3A_116 = arith.constant 32 : index
      %swap3A_117 = tpu.vector_load %arg13[%swap3A_114, %swap3A_115, %swap3A_116] {strides = array<i32>} : memref<2x128x80xf32, #tpu.memory_space<vmem>>, vector<1x1x16xf32>,
      %swap3A_118 = vector.shape_cast %swap3A_117 : vector<1x1x16xf32> to vector<16xf32>
      %swap3A_119 = vector.shape_cast %broadcast_in_dim3A_99 : vector<16xf32> to vector<1x1x16xf32>
      tpu.vector_store %arg13[%swap3A_114, %swap3A_115, %swap3A_116], %swap3A_119 {strides = array<i32>} : memref<2x128x80xf32, #tpu.memory_space<vmem>>, vector<1x1x16xf32>,
      %swap3A_120 = arith.constant 0 : i32
      %swap3A_121 = arith.index_cast %swap3A_120 : i32 to index
      %swap3A_122 = arith.index_cast %scan3A_97 : i32 to index
      %swap3A_123 = arith.constant 48 : index
      %swap3A_124 = tpu.vector_load %arg13[%swap3A_121, %swap3A_122, %swap3A_123] {strides = array<i32>} : memref<2x128x80xf32, #tpu.memory_space<vmem>>, vector<1x1x16xf32>,
      %swap3A_125 = vector.shape_cast %swap3A_124 : vector<1x1x16xf32> to vector<16xf32>
      %swap3A_126 = vector.shape_cast %broadcast_in_dim3A_99 : vector<16xf32> to vector<1x1x16xf32>
      tpu.vector_store %arg13[%swap3A_121, %swap3A_122, %swap3A_123], %swap3A_126 {strides = array<i32>} : memref<2x128x80xf32, #tpu.memory_space<vmem>>, vector<1x1x16xf32>,
      %swap3A_127 = arith.constant 0 : i32
      %swap3A_128 = arith.index_cast %swap3A_127 : i32 to index
      %swap3A_129 = arith.index_cast %scan3A_97 : i32 to index
      %swap3A_130 = arith.constant 64 : index
      %swap3A_131 = tpu.vector_load %arg13[%swap3A_128, %swap3A_129, %swap3A_130] {strides = array<i32>} : memref<2x128x80xf32, #tpu.memory_space<vmem>>, vector<1x1x16xf32>,
      %swap3A_132 = vector.shape_cast %swap3A_131 : vector<1x1x16xf32> to vector<16xf32>
      %swap3A_133 = vector.shape_cast %broadcast_in_dim3A_99 : vector<16xf32> to vector<1x1x16xf32>
      tpu.vector_store %arg13[%swap3A_128, %swap3A_129, %swap3A_130], %swap3A_133 {strides = array<i32>} : memref<2x128x80xf32, #tpu.memory_space<vmem>>, vector<1x1x16xf32>,
      %scan3A_134 = arith.constant 0 : i32
      scf.yield %scan3A_134 : i32
    }
    %scan3A_12 = arith.constant 128 : i32
    %add3A_13 = arith.constant 0 : i32
    %add3A_14 = arith.addi %mul3A_2, %add3A_13 : i32
    %run_scoped3A = arith.constant 0 : i32
    "tpu.region"() ({
      %run_scoped3A_97 = tpu.sem_alloc : memref<!tpu.dma_semaphore, #tpu.memory_space<semaphore_mem>>
      %dma_start3A_98 = arith.constant 0 : i32
      %dma_start3A_99 = arith.constant 0 : i32
      %dma_start3A_100 = tpu.memref_slice %arg13[%run_scoped3A, %dma_start3A_98, %dma_start3A_99] : memref<2x128x80xf32, #tpu.memory_space<vmem>> -> memref<1x128x80xf32, #tpu.memory_space<vmem>>
      %dma_start3A_101 = tpu.memref_squeeze %dma_start3A_100 : memref<1x128x80xf32, #tpu.memory_space<vmem>> -> memref<128x80xf32, #tpu.memory_space<vmem>>
      %dma_start3A_102 = arith.constant 0 : i32
      %dma_start3A_103 = tpu.memref_slice %arg8[%add3A_14, %dma_start3A_102] : memref<10240x80xf32, #tpu.memory_space<vmem_shared>> -> memref<128x80xf32, #tpu.memory_space<vmem_shared>>
      %dma_start3A_104 = arith.constant 0 : i32
      %dma_start3A_105 = tpu.memref_slice %arg8[%add3A_14, %dma_start3A_104] : memref<10240x80xf32, #tpu.memory_space<vmem_shared>> -> memref<128x80xf32, #tpu.memory_space<vmem_shared>>
      %dma_start3A_106 = arith.constant 0 : i32
      %dma_start3A_107 = arith.constant 0 : i32
      %dma_start3A_108 = tpu.memref_slice %arg13[%run_scoped3A, %dma_start3A_106, %dma_start3A_107] : memref<2x128x80xf32, #tpu.memory_space<vmem>> -> memref<1x128x80xf32, #tpu.memory_space<vmem>>
      %dma_start3A_109 = tpu.memref_squeeze %dma_start3A_108 : memref<1x128x80xf32, #tpu.memory_space<vmem>> -> memref<128x80xf32, #tpu.memory_space<vmem>>
      tpu.enqueue_dma source(%dma_start3A_109 : memref<128x80xf32, #tpu.memory_space<vmem>>) target(%dma_start3A_105 : memref<128x80xf32, #tpu.memory_space<vmem_shared>>) target_semaphore(%run_scoped3A_97 : memref<!tpu.dma_semaphore, #tpu.memory_space<semaphore_mem>>)
      %dma_wait3A_110 = arith.constant 0 : i32
      %dma_wait3A_111 = arith.constant 0 : i32
      %dma_wait3A_112 = tpu.memref_slice %arg13[%run_scoped3A, %dma_wait3A_110, %dma_wait3A_111] : memref<2x128x80xf32, #tpu.memory_space<vmem>> -> memref<1x128x80xf32, #tpu.memory_space<vmem>>
      %dma_wait3A_113 = tpu.memref_squeeze %dma_wait3A_112 : memref<1x128x80xf32, #tpu.memory_space<vmem>> -> memref<128x80xf32, #tpu.memory_space<vmem>>
      %dma_wait3A_114 = arith.constant 0 : i32
      %dma_wait3A_115 = tpu.memref_slice %arg8[%add3A_14, %dma_wait3A_114] : memref<10240x80xf32, #tpu.memory_space<vmem_shared>> -> memref<128x80xf32, #tpu.memory_space<vmem_shared>>
      %dma_wait3A_116 = arith.constant 0 : i32
      %dma_wait3A_117 = tpu.memref_slice %arg8[%add3A_14, %dma_wait3A_116] : memref<10240x80xf32, #tpu.memory_space<vmem_shared>> -> memref<128x80xf32, #tpu.memory_space<vmem_shared>>
      %dma_wait3A_118 = arith.constant 0 : i32
      %dma_wait3A_119 = arith.constant 0 : i32
      %dma_wait3A_120 = tpu.memref_slice %arg13[%run_scoped3A, %dma_wait3A_118, %dma_wait3A_119] : memref<2x128x80xf32, #tpu.memory_space<vmem>> -> memref<1x128x80xf32, #tpu.memory_space<vmem>>
      %dma_wait3A_121 = tpu.memref_squeeze %dma_wait3A_120 : memref<1x128x80xf32, #tpu.memory_space<vmem>> -> memref<128x80xf32, #tpu.memory_space<vmem>>
      tpu.wait_dma2 semaphore(%run_scoped3A_97 : memref<!tpu.dma_semaphore, #tpu.memory_space<semaphore_mem>>) src(%dma_wait3A_121 : memref<128x80xf32, #tpu.memory_space<vmem>>) dst(%dma_wait3A_117 : memref<128x80xf32, #tpu.memory_space<vmem_shared>>)
      tpu.yield
    }) : () -> ()
    %add3A_15 = arith.constant 128 : i32
    %add3A_16 = arith.addi %mul3A_2, %add3A_15 : i32
    %run_scoped3A_17 = arith.constant 0 : i32
    "tpu.region"() ({
      %run_scoped3A_97 = tpu.sem_alloc : memref<!tpu.dma_semaphore, #tpu.memory_space<semaphore_mem>>
      %dma_start3A_98 = arith.constant 0 : i32
      %dma_start3A_99 = arith.constant 0 : i32
      %dma_start3A_100 = tpu.memref_slice %arg13[%run_scoped3A_17, %dma_start3A_98, %dma_start3A_99] : memref<2x128x80xf32, #tpu.memory_space<vmem>> -> memref<1x128x80xf32, #tpu.memory_space<vmem>>
      %dma_start3A_101 = tpu.memref_squeeze %dma_start3A_100 : memref<1x128x80xf32, #tpu.memory_space<vmem>> -> memref<128x80xf32, #tpu.memory_space<vmem>>
      %dma_start3A_102 = arith.constant 0 : i32
      %dma_start3A_103 = tpu.memref_slice %arg8[%add3A_16, %dma_start3A_102] : memref<10240x80xf32, #tpu.memory_space<vmem_shared>> -> memref<128x80xf32, #tpu.memory_space<vmem_shared>>
      %dma_start3A_104 = arith.constant 0 : i32
      %dma_start3A_105 = tpu.memref_slice %arg8[%add3A_16, %dma_start3A_104] : memref<10240x80xf32, #tpu.memory_space<vmem_shared>> -> memref<128x80xf32, #tpu.memory_space<vmem_shared>>
      %dma_start3A_106 = arith.constant 0 : i32
      %dma_start3A_107 = arith.constant 0 : i32
      %dma_start3A_108 = tpu.memref_slice %arg13[%run_scoped3A_17, %dma_start3A_106, %dma_start3A_107] : memref<2x128x80xf32, #tpu.memory_space<vmem>> -> memref<1x128x80xf32, #tpu.memory_space<vmem>>
      %dma_start3A_109 = tpu.memref_squeeze %dma_start3A_108 : memref<1x128x80xf32, #tpu.memory_space<vmem>> -> memref<128x80xf32, #tpu.memory_space<vmem>>
      tpu.enqueue_dma source(%dma_start3A_109 : memref<128x80xf32, #tpu.memory_space<vmem>>) target(%dma_start3A_105 : memref<128x80xf32, #tpu.memory_space<vmem_shared>>) target_semaphore(%run_scoped3A_97 : memref<!tpu.dma_semaphore, #tpu.memory_space<semaphore_mem>>)
      %dma_wait3A_110 = arith.constant 0 : i32
      %dma_wait3A_111 = arith.constant 0 : i32
      %dma_wait3A_112 = tpu.memref_slice %arg13[%run_scoped3A_17, %dma_wait3A_110, %dma_wait3A_111] : memref<2x128x80xf32, #tpu.memory_space<vmem>> -> memref<1x128x80xf32, #tpu.memory_space<vmem>>
      %dma_wait3A_113 = tpu.memref_squeeze %dma_wait3A_112 : memref<1x128x80xf32, #tpu.memory_space<vmem>> -> memref<128x80xf32, #tpu.memory_space<vmem>>
      %dma_wait3A_114 = arith.constant 0 : i32
      %dma_wait3A_115 = tpu.memref_slice %arg8[%add3A_16, %dma_wait3A_114] : memref<10240x80xf32, #tpu.memory_space<vmem_shared>> -> memref<128x80xf32, #tpu.memory_space<vmem_shared>>
      %dma_wait3A_116 = arith.constant 0 : i32
      %dma_wait3A_117 = tpu.memref_slice %arg8[%add3A_16, %dma_wait3A_116] : memref<10240x80xf32, #tpu.memory_space<vmem_shared>> -> memref<128x80xf32, #tpu.memory_space<vmem_shared>>
      %dma_wait3A_118 = arith.constant 0 : i32
      %dma_wait3A_119 = arith.constant 0 : i32
      %dma_wait3A_120 = tpu.memref_slice %arg13[%run_scoped3A_17, %dma_wait3A_118, %dma_wait3A_119] : memref<2x128x80xf32, #tpu.memory_space<vmem>> -> memref<1x128x80xf32, #tpu.memory_space<vmem>>
      %dma_wait3A_121 = tpu.memref_squeeze %dma_wait3A_120 : memref<1x128x80xf32, #tpu.memory_space<vmem>> -> memref<128x80xf32, #tpu.memory_space<vmem>>
      tpu.wait_dma2 semaphore(%run_scoped3A_97 : memref<!tpu.dma_semaphore, #tpu.memory_space<semaphore_mem>>) src(%dma_wait3A_121 : memref<128x80xf32, #tpu.memory_space<vmem>>) dst(%dma_wait3A_117 : memref<128x80xf32, #tpu.memory_space<vmem_shared>>)
      tpu.yield
    }) : () -> ()
    %add3A_18 = arith.constant 256 : i32
    %add3A_19 = arith.addi %mul3A_2, %add3A_18 : i32
    %run_scoped3A_20 = arith.constant 0 : i32
    "tpu.region"() ({
      %run_scoped3A_97 = tpu.sem_alloc : memref<!tpu.dma_semaphore, #tpu.memory_space<semaphore_mem>>
      %dma_start3A_98 = arith.constant 0 : i32
      %dma_start3A_99 = arith.constant 0 : i32
      %dma_start3A_100 = tpu.memref_slice %arg13[%run_scoped3A_20, %dma_start3A_98, %dma_start3A_99] : memref<2x128x80xf32, #tpu.memory_space<vmem>> -> memref<1x128x80xf32, #tpu.memory_space<vmem>>
      %dma_start3A_101 = tpu.memref_squeeze %dma_start3A_100 : memref<1x128x80xf32, #tpu.memory_space<vmem>> -> memref<128x80xf32, #tpu.memory_space<vmem>>
      %dma_start3A_102 = arith.constant 0 : i32
      %dma_start3A_103 = tpu.memref_slice %arg8[%add3A_19, %dma_start3A_102] : memref<10240x80xf32, #tpu.memory_space<vmem_shared>> -> memref<128x80xf32, #tpu.memory_space<vmem_shared>>
      %dma_start3A_104 = arith.constant 0 : i32
      %dma_start3A_105 = tpu.memref_slice %arg8[%add3A_19, %dma_start3A_104] : memref<10240x80xf32, #tpu.memory_space<vmem_shared>> -> memref<128x80xf32, #tpu.memory_space<vmem_shared>>
      %dma_start3A_106 = arith.constant 0 : i32
      %dma_start3A_107 = arith.constant 0 : i32
      %dma_start3A_108 = tpu.memref_slice %arg13[%run_scoped3A_20, %dma_start3A_106, %dma_start3A_107] : memref<2x128x80xf32, #tpu.memory_space<vmem>> -> memref<1x128x80xf32, #tpu.memory_space<vmem>>
      %dma_start3A_109 = tpu.memref_squeeze %dma_start3A_108 : memref<1x128x80xf32, #tpu.memory_space<vmem>> -> memref<128x80xf32, #tpu.memory_space<vmem>>
      tpu.enqueue_dma source(%dma_start3A_109 : memref<128x80xf32, #tpu.memory_space<vmem>>) target(%dma_start3A_105 : memref<128x80xf32, #tpu.memory_space<vmem_shared>>) target_semaphore(%run_scoped3A_97 : memref<!tpu.dma_semaphore, #tpu.memory_space<semaphore_mem>>)
      %dma_wait3A_110 = arith.constant 0 : i32
      %dma_wait3A_111 = arith.constant 0 : i32
      %dma_wait3A_112 = tpu.memref_slice %arg13[%run_scoped3A_20, %dma_wait3A_110, %dma_wait3A_111] : memref<2x128x80xf32, #tpu.memory_space<vmem>> -> memref<1x128x80xf32, #tpu.memory_space<vmem>>
      %dma_wait3A_113 = tpu.memref_squeeze %dma_wait3A_112 : memref<1x128x80xf32, #tpu.memory_space<vmem>> -> memref<128x80xf32, #tpu.memory_space<vmem>>
      %dma_wait3A_114 = arith.constant 0 : i32
      %dma_wait3A_115 = tpu.memref_slice %arg8[%add3A_19, %dma_wait3A_114] : memref<10240x80xf32, #tpu.memory_space<vmem_shared>> -> memref<128x80xf32, #tpu.memory_space<vmem_shared>>
      %dma_wait3A_116 = arith.constant 0 : i32
      %dma_wait3A_117 = tpu.memref_slice %arg8[%add3A_19, %dma_wait3A_116] : memref<10240x80xf32, #tpu.memory_space<vmem_shared>> -> memref<128x80xf32, #tpu.memory_space<vmem_shared>>
      %dma_wait3A_118 = arith.constant 0 : i32
      %dma_wait3A_119 = arith.constant 0 : i32
      %dma_wait3A_120 = tpu.memref_slice %arg13[%run_scoped3A_20, %dma_wait3A_118, %dma_wait3A_119] : memref<2x128x80xf32, #tpu.memory_space<vmem>> -> memref<1x128x80xf32, #tpu.memory_space<vmem>>
      %dma_wait3A_121 = tpu.memref_squeeze %dma_wait3A_120 : memref<1x128x80xf32, #tpu.memory_space<vmem>> -> memref<128x80xf32, #tpu.memory_space<vmem>>
      tpu.wait_dma2 semaphore(%run_scoped3A_97 : memref<!tpu.dma_semaphore, #tpu.memory_space<semaphore_mem>>) src(%dma_wait3A_121 : memref<128x80xf32, #tpu.memory_space<vmem>>) dst(%dma_wait3A_117 : memref<128x80xf32, #tpu.memory_space<vmem_shared>>)
      tpu.yield
    }) : () -> ()
    %add3A_21 = arith.constant 384 : i32
    %add3A_22 = arith.addi %mul3A_2, %add3A_21 : i32
    %run_scoped3A_23 = arith.constant 0 : i32
    "tpu.region"() ({
      %run_scoped3A_97 = tpu.sem_alloc : memref<!tpu.dma_semaphore, #tpu.memory_space<semaphore_mem>>
      %dma_start3A_98 = arith.constant 0 : i32
      %dma_start3A_99 = arith.constant 0 : i32
      %dma_start3A_100 = tpu.memref_slice %arg13[%run_scoped3A_23, %dma_start3A_98, %dma_start3A_99] : memref<2x128x80xf32, #tpu.memory_space<vmem>> -> memref<1x128x80xf32, #tpu.memory_space<vmem>>
      %dma_start3A_101 = tpu.memref_squeeze %dma_start3A_100 : memref<1x128x80xf32, #tpu.memory_space<vmem>> -> memref<128x80xf32, #tpu.memory_space<vmem>>
      %dma_start3A_102 = arith.constant 0 : i32
      %dma_start3A_103 = tpu.memref_slice %arg8[%add3A_22, %dma_start3A_102] : memref<10240x80xf32, #tpu.memory_space<vmem_shared>> -> memref<128x80xf32, #tpu.memory_space<vmem_shared>>
      %dma_start3A_104 = arith.constant 0 : i32
      %dma_start3A_105 = tpu.memref_slice %arg8[%add3A_22, %dma_start3A_104] : memref<10240x80xf32, #tpu.memory_space<vmem_shared>> -> memref<128x80xf32, #tpu.memory_space<vmem_shared>>
      %dma_start3A_106 = arith.constant 0 : i32
      %dma_start3A_107 = arith.constant 0 : i32
      %dma_start3A_108 = tpu.memref_slice %arg13[%run_scoped3A_23, %dma_start3A_106, %dma_start3A_107] : memref<2x128x80xf32, #tpu.memory_space<vmem>> -> memref<1x128x80xf32, #tpu.memory_space<vmem>>
      %dma_start3A_109 = tpu.memref_squeeze %dma_start3A_108 : memref<1x128x80xf32, #tpu.memory_space<vmem>> -> memref<128x80xf32, #tpu.memory_space<vmem>>
      tpu.enqueue_dma source(%dma_start3A_109 : memref<128x80xf32, #tpu.memory_space<vmem>>) target(%dma_start3A_105 : memref<128x80xf32, #tpu.memory_space<vmem_shared>>) target_semaphore(%run_scoped3A_97 : memref<!tpu.dma_semaphore, #tpu.memory_space<semaphore_mem>>)
      %dma_wait3A_110 = arith.constant 0 : i32
      %dma_wait3A_111 = arith.constant 0 : i32
      %dma_wait3A_112 = tpu.memref_slice %arg13[%run_scoped3A_23, %dma_wait3A_110, %dma_wait3A_111] : memref<2x128x80xf32, #tpu.memory_space<vmem>> -> memref<1x128x80xf32, #tpu.memory_space<vmem>>
      %dma_wait3A_113 = tpu.memref_squeeze %dma_wait3A_112 : memref<1x128x80xf32, #tpu.memory_space<vmem>> -> memref<128x80xf32, #tpu.memory_space<vmem>>
      %dma_wait3A_114 = arith.constant 0 : i32
      %dma_wait3A_115 = tpu.memref_slice %arg8[%add3A_22, %dma_wait3A_114] : memref<10240x80xf32, #tpu.memory_space<vmem_shared>> -> memref<128x80xf32, #tpu.memory_space<vmem_shared>>
      %dma_wait3A_116 = arith.constant 0 : i32
      %dma_wait3A_117 = tpu.memref_slice %arg8[%add3A_22, %dma_wait3A_116] : memref<10240x80xf32, #tpu.memory_space<vmem_shared>> -> memref<128x80xf32, #tpu.memory_space<vmem_shared>>
      %dma_wait3A_118 = arith.constant 0 : i32
      %dma_wait3A_119 = arith.constant 0 : i32
      %dma_wait3A_120 = tpu.memref_slice %arg13[%run_scoped3A_23, %dma_wait3A_118, %dma_wait3A_119] : memref<2x128x80xf32, #tpu.memory_space<vmem>> -> memref<1x128x80xf32, #tpu.memory_space<vmem>>
      %dma_wait3A_121 = tpu.memref_squeeze %dma_wait3A_120 : memref<1x128x80xf32, #tpu.memory_space<vmem>> -> memref<128x80xf32, #tpu.memory_space<vmem>>
      tpu.wait_dma2 semaphore(%run_scoped3A_97 : memref<!tpu.dma_semaphore, #tpu.memory_space<semaphore_mem>>) src(%dma_wait3A_121 : memref<128x80xf32, #tpu.memory_space<vmem>>) dst(%dma_wait3A_117 : memref<128x80xf32, #tpu.memory_space<vmem_shared>>)
      tpu.yield
    }) : () -> ()
    %add3A_24 = arith.constant 512 : i32
    %add3A_25 = arith.addi %mul3A_2, %add3A_24 : i32
    %run_scoped3A_26 = arith.constant 0 : i32
    "tpu.region"() ({
      %run_scoped3A_97 = tpu.sem_alloc : memref<!tpu.dma_semaphore, #tpu.memory_space<semaphore_mem>>
      %dma_start3A_98 = arith.constant 0 : i32
      %dma_start3A_99 = arith.constant 0 : i32
      %dma_start3A_100 = tpu.memref_slice %arg13[%run_scoped3A_26, %dma_start3A_98, %dma_start3A_99] : memref<2x128x80xf32, #tpu.memory_space<vmem>> -> memref<1x128x80xf32, #tpu.memory_space<vmem>>
      %dma_start3A_101 = tpu.memref_squeeze %dma_start3A_100 : memref<1x128x80xf32, #tpu.memory_space<vmem>> -> memref<128x80xf32, #tpu.memory_space<vmem>>
      %dma_start3A_102 = arith.constant 0 : i32
      %dma_start3A_103 = tpu.memref_slice %arg8[%add3A_25, %dma_start3A_102] : memref<10240x80xf32, #tpu.memory_space<vmem_shared>> -> memref<128x80xf32, #tpu.memory_space<vmem_shared>>
      %dma_start3A_104 = arith.constant 0 : i32
      %dma_start3A_105 = tpu.memref_slice %arg8[%add3A_25, %dma_start3A_104] : memref<10240x80xf32, #tpu.memory_space<vmem_shared>> -> memref<128x80xf32, #tpu.memory_space<vmem_shared>>
      %dma_start3A_106 = arith.constant 0 : i32
      %dma_start3A_107 = arith.constant 0 : i32
      %dma_start3A_108 = tpu.memref_slice %arg13[%run_scoped3A_26, %dma_start3A_106, %dma_start3A_107] : memref<2x128x80xf32, #tpu.memory_space<vmem>> -> memref<1x128x80xf32, #tpu.memory_space<vmem>>
      %dma_start3A_109 = tpu.memref_squeeze %dma_start3A_108 : memref<1x128x80xf32, #tpu.memory_space<vmem>> -> memref<128x80xf32, #tpu.memory_space<vmem>>
      tpu.enqueue_dma source(%dma_start3A_109 : memref<128x80xf32, #tpu.memory_space<vmem>>) target(%dma_start3A_105 : memref<128x80xf32, #tpu.memory_space<vmem_shared>>) target_semaphore(%run_scoped3A_97 : memref<!tpu.dma_semaphore, #tpu.memory_space<semaphore_mem>>)
      %dma_wait3A_110 = arith.constant 0 : i32
      %dma_wait3A_111 = arith.constant 0 : i32
      %dma_wait3A_112 = tpu.memref_slice %arg13[%run_scoped3A_26, %dma_wait3A_110, %dma_wait3A_111] : memref<2x128x80xf32, #tpu.memory_space<vmem>> -> memref<1x128x80xf32, #tpu.memory_space<vmem>>
      %dma_wait3A_113 = tpu.memref_squeeze %dma_wait3A_112 : memref<1x128x80xf32, #tpu.memory_space<vmem>> -> memref<128x80xf32, #tpu.memory_space<vmem>>
      %dma_wait3A_114 = arith.constant 0 : i32
      %dma_wait3A_115 = tpu.memref_slice %arg8[%add3A_25, %dma_wait3A_114] : memref<10240x80xf32, #tpu.memory_space<vmem_shared>> -> memref<128x80xf32, #tpu.memory_space<vmem_shared>>
      %dma_wait3A_116 = arith.constant 0 : i32
      %dma_wait3A_117 = tpu.memref_slice %arg8[%add3A_25, %dma_wait3A_116] : memref<10240x80xf32, #tpu.memory_space<vmem_shared>> -> memref<128x80xf32, #tpu.memory_space<vmem_shared>>
      %dma_wait3A_118 = arith.constant 0 : i32
      %dma_wait3A_119 = arith.constant 0 : i32
      %dma_wait3A_120 = tpu.memref_slice %arg13[%run_scoped3A_26, %dma_wait3A_118, %dma_wait3A_119] : memref<2x128x80xf32, #tpu.memory_space<vmem>> -> memref<1x128x80xf32, #tpu.memory_space<vmem>>
      %dma_wait3A_121 = tpu.memref_squeeze %dma_wait3A_120 : memref<1x128x80xf32, #tpu.memory_space<vmem>> -> memref<128x80xf32, #tpu.memory_space<vmem>>
      tpu.wait_dma2 semaphore(%run_scoped3A_97 : memref<!tpu.dma_semaphore, #tpu.memory_space<semaphore_mem>>) src(%dma_wait3A_121 : memref<128x80xf32, #tpu.memory_space<vmem>>) dst(%dma_wait3A_117 : memref<128x80xf32, #tpu.memory_space<vmem_shared>>)
      tpu.yield
    }) : () -> ()
    %barrier3A = arith.constant 0 : index
    tpu.barrier barrier_id(%barrier3A)
    %run_scoped3A_27 = arith.constant 0 : i32
    "tpu.region"() ({
      %run_scoped3A_97 = tpu.sem_alloc : memref<!tpu.dma_semaphore, #tpu.memory_space<semaphore_mem>>
      %dma_start3A_98 = arith.constant 0 : i32
      %dma_start3A_99 = tpu.memref_slice %arg6[%run_scoped3A_27, %dma_start3A_98] : memref<8x16xf32, #tpu.memory_space<hbm>> -> memref<1x16xf32, #tpu.memory_space<hbm>>
      %dma_start3A_100 = tpu.memref_squeeze %dma_start3A_99 : memref<1x16xf32, #tpu.memory_space<hbm>> -> memref<16xf32, #tpu.memory_space<hbm>>
      %dma_start3A_101 = arith.constant 0 : i32
      %dma_start3A_102 = tpu.memref_slice %arg6[%run_scoped3A_27, %dma_start3A_101] : memref<8x16xf32, #tpu.memory_space<hbm>> -> memref<1x16xf32, #tpu.memory_space<hbm>>
      %dma_start3A_103 = tpu.memref_squeeze %dma_start3A_102 : memref<1x16xf32, #tpu.memory_space<hbm>> -> memref<16xf32, #tpu.memory_space<hbm>>
      tpu.enqueue_dma source(%dma_start3A_103 : memref<16xf32, #tpu.memory_space<hbm>>) target(%arg14 : memref<16xf32, #tpu.memory_space<vmem>>) target_semaphore(%run_scoped3A_97 : memref<!tpu.dma_semaphore, #tpu.memory_space<semaphore_mem>>)
      %dma_wait3A_104 = arith.constant 0 : i32
      %dma_wait3A_105 = tpu.memref_slice %arg6[%run_scoped3A_27, %dma_wait3A_104] : memref<8x16xf32, #tpu.memory_space<hbm>> -> memref<1x16xf32, #tpu.memory_space<hbm>>
      %dma_wait3A_106 = tpu.memref_squeeze %dma_wait3A_105 : memref<1x16xf32, #tpu.memory_space<hbm>> -> memref<16xf32, #tpu.memory_space<hbm>>
      %dma_wait3A_107 = arith.constant 0 : i32
      %dma_wait3A_108 = tpu.memref_slice %arg6[%run_scoped3A_27, %dma_wait3A_107] : memref<8x16xf32, #tpu.memory_space<hbm>> -> memref<1x16xf32, #tpu.memory_space<hbm>>
      %dma_wait3A_109 = tpu.memref_squeeze %dma_wait3A_108 : memref<1x16xf32, #tpu.memory_space<hbm>> -> memref<16xf32, #tpu.memory_space<hbm>>
      tpu.wait_dma2 semaphore(%run_scoped3A_97 : memref<!tpu.dma_semaphore, #tpu.memory_space<semaphore_mem>>) src(%dma_wait3A_109 : memref<16xf32, #tpu.memory_space<hbm>>) dst(%arg14 : memref<16xf32, #tpu.memory_space<vmem>>)
      tpu.yield
    }) : () -> ()
    %get3A = arith.constant 0 : index
    %get3A_28 = tpu.vector_load %arg14[%get3A] {strides = array<i32>} : memref<16xf32, #tpu.memory_space<vmem>>, vector<16xf32>,
    %get3A_29 = vector.shape_cast %get3A_28 : vector<16xf32> to vector<16xf32>
    %dma_start3A = arith.constant 0 : i32
    %dma_start3A_30 = arith.constant 0 : i32
    %dma_start3A_31 = arith.constant 0 : i32
    %dma_start3A_32 = arith.constant 0 : i32
    %dma_start3A_33 = arith.constant 0 : i32
    %dma_start3A_34 = tpu.memref_slice %arg11[%dma_start3A_30, %dma_start3A_32, %dma_start3A_33] : memref<2x128x80xf32, #tpu.memory_space<vmem>> -> memref<1x128x80xf32, #tpu.memory_space<vmem>>
    %dma_start3A_35 = tpu.memref_squeeze %dma_start3A_34 : memref<1x128x80xf32, #tpu.memory_space<vmem>> -> memref<128x80xf32, #tpu.memory_space<vmem>>
    %dma_start3A_36 = arith.constant 0 : i32
    %dma_start3A_37 = tpu.memref_slice %arg9[%dma_start3A, %dma_start3A_36] : memref<81x128xi32, #tpu.memory_space<vmem>> -> memref<1x128xi32, #tpu.memory_space<vmem>>
    %dma_start3A_38 = tpu.memref_squeeze %dma_start3A_37 : memref<1x128xi32, #tpu.memory_space<vmem>> -> memref<128xi32, #tpu.memory_space<vmem>>
    %dma_start3A_39 = arith.constant 0 : i32
    %dma_start3A_40 = arith.constant 0 : i32
    %dma_start3A_41 = tpu.memref_slice %arg4[%dma_start3A_39, %dma_start3A_40] : memref<10240x80xf32, #tpu.memory_space<hbm>> -> memref<10240x80xf32, #tpu.memory_space<hbm>>
    %dma_start3A_42 = tpu.memref_slice %arg15[%dma_start3A_31] : memref<2x!tpu.dma_semaphore, #tpu.memory_space<semaphore_mem>> -> memref<1x!tpu.dma_semaphore, #tpu.memory_space<semaphore_mem>>
    %dma_start3A_43 = tpu.memref_squeeze %dma_start3A_42 : memref<1x!tpu.dma_semaphore, #tpu.memory_space<semaphore_mem>> -> memref<!tpu.dma_semaphore, #tpu.memory_space<semaphore_mem>>
    tpu.enqueue_indirect_dma source(%dma_start3A_41 : memref<10240x80xf32, #tpu.memory_space<hbm>>) target(%dma_start3A_35 : memref<128x80xf32, #tpu.memory_space<vmem>>) offsets(%dma_start3A_38 : memref<128xi32, #tpu.memory_space<vmem>>) semaphore(%dma_start3A_43 : memref<!tpu.dma_semaphore, #tpu.memory_space<semaphore_mem>>)
    %dma_start3A_44 = arith.constant 0 : i32
    %dma_start3A_45 = arith.constant 0 : i32
    %dma_start3A_46 = arith.constant 0 : i32
    %dma_start3A_47 = arith.constant 0 : i32
    %dma_start3A_48 = arith.constant 0 : i32
    %dma_start3A_49 = tpu.memref_slice %arg12[%dma_start3A_45, %dma_start3A_47, %dma_start3A_48] : memref<2x128x16xf32, #tpu.memory_space<vmem>> -> memref<1x128x16xf32, #tpu.memory_space<vmem>>
    %dma_start3A_50 = tpu.memref_squeeze %dma_start3A_49 : memref<1x128x16xf32, #tpu.memory_space<vmem>> -> memref<128x16xf32, #tpu.memory_space<vmem>>
    %dma_start3A_51 = arith.constant 0 : i32
    %dma_start3A_52 = tpu.memref_slice %arg10[%dma_start3A_44, %dma_start3A_51] : memref<81x128xi32, #tpu.memory_space<vmem>> -> memref<1x128xi32, #tpu.memory_space<vmem>>
    %dma_start3A_53 = tpu.memref_squeeze %dma_start3A_52 : memref<1x128xi32, #tpu.memory_space<vmem>> -> memref<128xi32, #tpu.memory_space<vmem>>
    %dma_start3A_54 = arith.constant 0 : i32
    %dma_start3A_55 = arith.constant 0 : i32
    %dma_start3A_56 = tpu.memref_slice %arg5[%dma_start3A_54, %dma_start3A_55] : memref<10240x16xf32, #tpu.memory_space<hbm>> -> memref<10240x16xf32, #tpu.memory_space<hbm>>
    %dma_start3A_57 = tpu.memref_slice %arg15[%dma_start3A_46] : memref<2x!tpu.dma_semaphore, #tpu.memory_space<semaphore_mem>> -> memref<1x!tpu.dma_semaphore, #tpu.memory_space<semaphore_mem>>
    %dma_start3A_58 = tpu.memref_squeeze %dma_start3A_57 : memref<1x!tpu.dma_semaphore, #tpu.memory_space<semaphore_mem>> -> memref<!tpu.dma_semaphore, #tpu.memory_space<semaphore_mem>>
    tpu.enqueue_indirect_dma source(%dma_start3A_56 : memref<10240x16xf32, #tpu.memory_space<hbm>>) target(%dma_start3A_50 : memref<128x16xf32, #tpu.memory_space<vmem>>) offsets(%dma_start3A_53 : memref<128xi32, #tpu.memory_space<vmem>>) semaphore(%dma_start3A_58 : memref<!tpu.dma_semaphore, #tpu.memory_space<semaphore_mem>>)
    %scan3A_59 = arith.constant 0 : i32
    %scan3A_60 = arith.constant 1 : i32
    %scan3A_61 = arith.constant 81 : i32
    %scan3A_62 = arith.addi %scan3A_60, %scan3A_61 : i32
    %scan3A_63 = arith.constant 1 : i32
    %scan3A_64 = scf.for %scan3A_97 = %scan3A_60 to %scan3A_62 step %scan3A_63 iter_args(%scan3A_98 = %scan3A_59) -> (i32)  : i32 {
      %rem3A_99 = arith.constant 2 : i32
      %rem3A_100 = arith.remsi %scan3A_97, %rem3A_99 : i32
      %lt3A = arith.constant 81 : i32
      %lt3A_101 = arith.cmpi slt, %scan3A_97, %lt3A : i32
      %convert_element_type3A = arith.extui %lt3A_101 : i1 to i32
      %cond3A = arith.constant 0 : i32
      %cond3A_102 = arith.cmpi ne, %convert_element_type3A, %cond3A : i32
      scf.if %cond3A_102 {
        %dma_start3A_158 = arith.constant 0 : i32
        %dma_start3A_159 = arith.constant 0 : i32
        %dma_start3A_160 = tpu.memref_slice %arg11[%rem3A_100, %dma_start3A_158, %dma_start3A_159] : memref<2x128x80xf32, #tpu.memory_space<vmem>> -> memref<1x128x80xf32, #tpu.memory_space<vmem>>
        %dma_start3A_161 = tpu.memref_squeeze %dma_start3A_160 : memref<1x128x80xf32, #tpu.memory_space<vmem>> -> memref<128x80xf32, #tpu.memory_space<vmem>>
        %dma_start3A_162 = arith.constant 0 : i32
        %dma_start3A_163 = tpu.memref_slice %arg9[%scan3A_97, %dma_start3A_162] : memref<81x128xi32, #tpu.memory_space<vmem>> -> memref<1x128xi32, #tpu.memory_space<vmem>>
        %dma_start3A_164 = tpu.memref_squeeze %dma_start3A_163 : memref<1x128xi32, #tpu.memory_space<vmem>> -> memref<128xi32, #tpu.memory_space<vmem>>
        %dma_start3A_165 = arith.constant 0 : i32
        %dma_start3A_166 = arith.constant 0 : i32
        %dma_start3A_167 = tpu.memref_slice %arg4[%dma_start3A_165, %dma_start3A_166] : memref<10240x80xf32, #tpu.memory_space<hbm>> -> memref<10240x80xf32, #tpu.memory_space<hbm>>
        %dma_start3A_168 = tpu.memref_slice %arg15[%rem3A_100] : memref<2x!tpu.dma_semaphore, #tpu.memory_space<semaphore_mem>> -> memref<1x!tpu.dma_semaphore, #tpu.memory_space<semaphore_mem>>
        %dma_start3A_169 = tpu.memref_squeeze %dma_start3A_168 : memref<1x!tpu.dma_semaphore, #tpu.memory_space<semaphore_mem>> -> memref<!tpu.dma_semaphore, #tpu.memory_space<semaphore_mem>>
        tpu.enqueue_indirect_dma source(%dma_start3A_167 : memref<10240x80xf32, #tpu.memory_space<hbm>>) target(%dma_start3A_161 : memref<128x80xf32, #tpu.memory_space<vmem>>) offsets(%dma_start3A_164 : memref<128xi32, #tpu.memory_space<vmem>>) semaphore(%dma_start3A_169 : memref<!tpu.dma_semaphore, #tpu.memory_space<semaphore_mem>>)
        %dma_start3A_170 = arith.constant 0 : i32
        %dma_start3A_171 = arith.constant 0 : i32
        %dma_start3A_172 = tpu.memref_slice %arg12[%rem3A_100, %dma_start3A_170, %dma_start3A_171] : memref<2x128x16xf32, #tpu.memory_space<vmem>> -> memref<1x128x16xf32, #tpu.memory_space<vmem>>
        %dma_start3A_173 = tpu.memref_squeeze %dma_start3A_172 : memref<1x128x16xf32, #tpu.memory_space<vmem>> -> memref<128x16xf32, #tpu.memory_space<vmem>>
        %dma_start3A_174 = arith.constant 0 : i32
        %dma_start3A_175 = tpu.memref_slice %arg10[%scan3A_97, %dma_start3A_174] : memref<81x128xi32, #tpu.memory_space<vmem>> -> memref<1x128xi32, #tpu.memory_space<vmem>>
        %dma_start3A_176 = tpu.memref_squeeze %dma_start3A_175 : memref<1x128xi32, #tpu.memory_space<vmem>> -> memref<128xi32, #tpu.memory_space<vmem>>
        %dma_start3A_177 = arith.constant 0 : i32
        %dma_start3A_178 = arith.constant 0 : i32
        %dma_start3A_179 = tpu.memref_slice %arg5[%dma_start3A_177, %dma_start3A_178] : memref<10240x16xf32, #tpu.memory_space<hbm>> -> memref<10240x16xf32, #tpu.memory_space<hbm>>
        %dma_start3A_180 = tpu.memref_slice %arg15[%rem3A_100] : memref<2x!tpu.dma_semaphore, #tpu.memory_space<semaphore_mem>> -> memref<1x!tpu.dma_semaphore, #tpu.memory_space<semaphore_mem>>
        %dma_start3A_181 = tpu.memref_squeeze %dma_start3A_180 : memref<1x!tpu.dma_semaphore, #tpu.memory_space<semaphore_mem>> -> memref<!tpu.dma_semaphore, #tpu.memory_space<semaphore_mem>>
        tpu.enqueue_indirect_dma source(%dma_start3A_179 : memref<10240x16xf32, #tpu.memory_space<hbm>>) target(%dma_start3A_173 : memref<128x16xf32, #tpu.memory_space<vmem>>) offsets(%dma_start3A_176 : memref<128xi32, #tpu.memory_space<vmem>>) semaphore(%dma_start3A_181 : memref<!tpu.dma_semaphore, #tpu.memory_space<semaphore_mem>>)
      } else {
      }
      %sub3A = arith.constant 1 : i32
      %sub3A_103 = arith.subi %scan3A_97, %sub3A : i32
      %rem3A_104 = arith.constant 2 : i32
      %rem3A_105 = arith.remsi %sub3A_103, %rem3A_104 : i32
      %dma_wait3A_106 = arith.constant 0 : i32
      %dma_wait3A_107 = arith.constant 0 : i32
      %dma_wait3A_108 = arith.constant 0 : i32
      %dma_wait3A_109 = tpu.memref_slice %arg11[%rem3A_105, %dma_wait3A_107, %dma_wait3A_108] : memref<2x128x80xf32, #tpu.memory_space<vmem>> -> memref<1x128x80xf32, #tpu.memory_space<vmem>>
      %dma_wait3A_110 = tpu.memref_squeeze %dma_wait3A_109 : memref<1x128x80xf32, #tpu.memory_space<vmem>> -> memref<128x80xf32, #tpu.memory_space<vmem>>
      %dma_wait3A_111 = arith.constant 0 : i32
      %dma_wait3A_112 = tpu.memref_slice %arg9[%dma_wait3A_106, %dma_wait3A_111] : memref<81x128xi32, #tpu.memory_space<vmem>> -> memref<1x128xi32, #tpu.memory_space<vmem>>
      %dma_wait3A_113 = tpu.memref_squeeze %dma_wait3A_112 : memref<1x128xi32, #tpu.memory_space<vmem>> -> memref<128xi32, #tpu.memory_space<vmem>>
      %dma_wait3A_114 = arith.constant 0 : i32
      %dma_wait3A_115 = arith.constant 0 : i32
      %dma_wait3A_116 = tpu.memref_slice %arg4[%dma_wait3A_114, %dma_wait3A_115] : memref<10240x80xf32, #tpu.memory_space<hbm>> -> memref<10240x80xf32, #tpu.memory_space<hbm>>
      %dma_wait3A_117 = tpu.memref_slice %arg15[%rem3A_105] : memref<2x!tpu.dma_semaphore, #tpu.memory_space<semaphore_mem>> -> memref<1x!tpu.dma_semaphore, #tpu.memory_space<semaphore_mem>>
      %dma_wait3A_118 = tpu.memref_squeeze %dma_wait3A_117 : memref<1x!tpu.dma_semaphore, #tpu.memory_space<semaphore_mem>> -> memref<!tpu.dma_semaphore, #tpu.memory_space<semaphore_mem>>
      tpu.wait_indirect_dma semaphore(%dma_wait3A_118 : memref<!tpu.dma_semaphore, #tpu.memory_space<semaphore_mem>>) src(%dma_wait3A_116 : memref<10240x80xf32, #tpu.memory_space<hbm>>) dst(%dma_wait3A_110 : memref<128x80xf32, #tpu.memory_space<vmem>>)
      %dma_wait3A_119 = arith.constant 0 : i32
      %dma_wait3A_120 = arith.constant 0 : i32
      %dma_wait3A_121 = arith.constant 0 : i32
      %dma_wait3A_122 = tpu.memref_slice %arg12[%rem3A_105, %dma_wait3A_120, %dma_wait3A_121] : memref<2x128x16xf32, #tpu.memory_space<vmem>> -> memref<1x128x16xf32, #tpu.memory_space<vmem>>
      %dma_wait3A_123 = tpu.memref_squeeze %dma_wait3A_122 : memref<1x128x16xf32, #tpu.memory_space<vmem>> -> memref<128x16xf32, #tpu.memory_space<vmem>>
      %dma_wait3A_124 = arith.constant 0 : i32
      %dma_wait3A_125 = tpu.memref_slice %arg10[%dma_wait3A_119, %dma_wait3A_124] : memref<81x128xi32, #tpu.memory_space<vmem>> -> memref<1x128xi32, #tpu.memory_space<vmem>>
      %dma_wait3A_126 = tpu.memref_squeeze %dma_wait3A_125 : memref<1x128xi32, #tpu.memory_space<vmem>> -> memref<128xi32, #tpu.memory_space<vmem>>
      %dma_wait3A_127 = arith.constant 0 : i32
      %dma_wait3A_128 = arith.constant 0 : i32
      %dma_wait3A_129 = tpu.memref_slice %arg5[%dma_wait3A_127, %dma_wait3A_128] : memref<10240x16xf32, #tpu.memory_space<hbm>> -> memref<10240x16xf32, #tpu.memory_space<hbm>>
      %dma_wait3A_130 = tpu.memref_slice %arg15[%rem3A_105] : memref<2x!tpu.dma_semaphore, #tpu.memory_space<semaphore_mem>> -> memref<1x!tpu.dma_semaphore, #tpu.memory_space<semaphore_mem>>
      %dma_wait3A_131 = tpu.memref_squeeze %dma_wait3A_130 : memref<1x!tpu.dma_semaphore, #tpu.memory_space<semaphore_mem>> -> memref<!tpu.dma_semaphore, #tpu.memory_space<semaphore_mem>>
      tpu.wait_indirect_dma semaphore(%dma_wait3A_131 : memref<!tpu.dma_semaphore, #tpu.memory_space<semaphore_mem>>) src(%dma_wait3A_129 : memref<10240x16xf32, #tpu.memory_space<hbm>>) dst(%dma_wait3A_123 : memref<128x16xf32, #tpu.memory_space<vmem>>)
      %ge3A = arith.constant 2 : i32
      %ge3A_132 = arith.cmpi sge, %sub3A_103, %ge3A : i32
      %convert_element_type3A_133 = arith.extui %ge3A_132 : i1 to i32
      %cond3A_134 = arith.constant 0 : i32
      %cond3A_135 = arith.cmpi ne, %convert_element_type3A_133, %cond3A_134 : i32
      scf.if %cond3A_135 {
        %dma_wait3A_158 = arith.constant 0 : i32
        %dma_wait3A_159 = arith.constant 0 : i32
        %dma_wait3A_160 = arith.constant 0 : i32
        %dma_wait3A_161 = tpu.memref_slice %arg13[%rem3A_105, %dma_wait3A_159, %dma_wait3A_160] : memref<2x128x80xf32, #tpu.memory_space<vmem>> -> memref<1x128x80xf32, #tpu.memory_space<vmem>>
        %dma_wait3A_162 = tpu.memref_squeeze %dma_wait3A_161 : memref<1x128x80xf32, #tpu.memory_space<vmem>> -> memref<128x80xf32, #tpu.memory_space<vmem>>
        %dma_wait3A_163 = arith.constant 0 : i32
        %dma_wait3A_164 = tpu.memref_slice %arg10[%dma_wait3A_158, %dma_wait3A_163] : memref<81x128xi32, #tpu.memory_space<vmem>> -> memref<1x128xi32, #tpu.memory_space<vmem>>
        %dma_wait3A_165 = tpu.memref_squeeze %dma_wait3A_164 : memref<1x128xi32, #tpu.memory_space<vmem>> -> memref<128xi32, #tpu.memory_space<vmem>>
        %dma_wait3A_166 = arith.constant 0 : i32
        %dma_wait3A_167 = arith.constant 0 : i32
        %dma_wait3A_168 = tpu.memref_slice %arg8[%dma_wait3A_166, %dma_wait3A_167] : memref<10240x80xf32, #tpu.memory_space<vmem_shared>> -> memref<10240x80xf32, #tpu.memory_space<vmem_shared>>
        %dma_wait3A_169 = tpu.memref_slice %arg16[%rem3A_105] : memref<2x!tpu.dma_semaphore, #tpu.memory_space<semaphore_mem>> -> memref<1x!tpu.dma_semaphore, #tpu.memory_space<semaphore_mem>>
        %dma_wait3A_170 = tpu.memref_squeeze %dma_wait3A_169 : memref<1x!tpu.dma_semaphore, #tpu.memory_space<semaphore_mem>> -> memref<!tpu.dma_semaphore, #tpu.memory_space<semaphore_mem>>
        tpu.wait_indirect_dma semaphore(%dma_wait3A_170 : memref<!tpu.dma_semaphore, #tpu.memory_space<semaphore_mem>>) src(%dma_wait3A_162 : memref<128x80xf32, #tpu.memory_space<vmem>>) dst(%dma_wait3A_168 : memref<10240x80xf32, #tpu.memory_space<vmem_shared>>)
      } else {
      }
      %eq3A = arith.constant 0 : i32
      %eq3A_136 = arith.cmpi eq, %rem3A_105, %eq3A : i32
      %convert_element_type3A_137 = arith.extui %eq3A_136 : i1 to i32
      %cond3A_138 = arith.constant 0 : i32
      %cond3A_139 = arith.cmpi ne, %convert_element_type3A_137, %cond3A_138 : i32
      scf.if %cond3A_139 {
        %parallel_loop3A = arith.constant 0 : i32
        %parallel_loop3A_158 = arith.constant 128 : i32
        %parallel_loop3A_159 = arith.constant 1 : i32
        scf.for %parallel_loop3A_160 = %parallel_loop3A to %parallel_loop3A_158 step %parallel_loop3A_159  : i32 {
          %parallel_loop3A_161 = arith.constant 0 : i32
          %parallel_loop3A_162 = arith.index_cast %parallel_loop3A_161 : i32 to index
          %parallel_loop3A_163 = arith.index_cast %parallel_loop3A_160 : i32 to index
          %parallel_loop3A_164 = arith.constant 64 : index
          %parallel_loop3A_165 = tpu.vector_load %arg11[%parallel_loop3A_162, %parallel_loop3A_163, %parallel_loop3A_164] {strides = array<i32>} : memref<2x128x80xf32, #tpu.memory_space<vmem>>, vector<1x1x16xf32>,
          %parallel_loop3A_166 = vector.shape_cast %parallel_loop3A_165 : vector<1x1x16xf32> to vector<16xf32>
          %parallel_loop3A_167 = arith.constant 0 : i32
          %parallel_loop3A_168 = arith.index_cast %parallel_loop3A_167 : i32 to index
          %parallel_loop3A_169 = arith.index_cast %parallel_loop3A_160 : i32 to index
          %parallel_loop3A_170 = arith.constant 0 : index
          %parallel_loop3A_171 = tpu.vector_load %arg12[%parallel_loop3A_168, %parallel_loop3A_169, %parallel_loop3A_170] {strides = array<i32>} : memref<2x128x16xf32, #tpu.memory_space<vmem>>, vector<1x1x16xf32>,
          %parallel_loop3A_172 = vector.shape_cast %parallel_loop3A_171 : vector<1x1x16xf32> to vector<16xf32>
          %parallel_loop3A_173 = arith.addf %parallel_loop3A_166, %parallel_loop3A_172 : vector<16xf32>
          %parallel_loop3A_174 = arith.constant 2.000000e-01 : f32
          %parallel_loop3A_175 = vector.broadcast %parallel_loop3A_174 : f32 to vector<16xf32>
          %parallel_loop3A_176 = arith.mulf %parallel_loop3A_175, %parallel_loop3A_173 : vector<16xf32>
          %parallel_loop3A_177 = arith.maximumf %parallel_loop3A_173, %parallel_loop3A_176 : vector<16xf32>
          %parallel_loop3A_178 = arith.addf %get3A_29, %parallel_loop3A_172 : vector<16xf32>
          %parallel_loop3A_179 = arith.constant 2.000000e-01 : f32
          %parallel_loop3A_180 = vector.broadcast %parallel_loop3A_179 : f32 to vector<16xf32>
          %parallel_loop3A_181 = arith.mulf %parallel_loop3A_180, %parallel_loop3A_178 : vector<16xf32>
          %parallel_loop3A_182 = arith.maximumf %parallel_loop3A_178, %parallel_loop3A_181 : vector<16xf32>
          %parallel_loop3A_183 = arith.subf %parallel_loop3A_177, %parallel_loop3A_182 : vector<16xf32>
          %parallel_loop3A_184 = math.exp %parallel_loop3A_183 : vector<16xf32>
          %parallel_loop3A_185 = arith.constant 0 : i32
          %parallel_loop3A_186 = arith.index_cast %parallel_loop3A_185 : i32 to index
          %parallel_loop3A_187 = arith.index_cast %parallel_loop3A_160 : i32 to index
          %parallel_loop3A_188 = arith.constant 64 : index
          %parallel_loop3A_189 = tpu.vector_load %arg13[%parallel_loop3A_186, %parallel_loop3A_187, %parallel_loop3A_188] {strides = array<i32>} : memref<2x128x80xf32, #tpu.memory_space<vmem>>, vector<1x1x16xf32>,
          %parallel_loop3A_190 = vector.shape_cast %parallel_loop3A_189 : vector<1x1x16xf32> to vector<16xf32>
          %parallel_loop3A_191 = vector.shape_cast %parallel_loop3A_184 : vector<16xf32> to vector<1x1x16xf32>
          tpu.vector_store %arg13[%parallel_loop3A_186, %parallel_loop3A_187, %parallel_loop3A_188], %parallel_loop3A_191 {strides = array<i32>} : memref<2x128x80xf32, #tpu.memory_space<vmem>>, vector<1x1x16xf32>,
          %parallel_loop3A_192 = arith.constant 0 : i32
          %parallel_loop3A_193 = arith.index_cast %parallel_loop3A_192 : i32 to index
          %parallel_loop3A_194 = arith.index_cast %parallel_loop3A_160 : i32 to index
          %parallel_loop3A_195 = arith.constant 0 : index
          %parallel_loop3A_196 = tpu.vector_load %arg11[%parallel_loop3A_193, %parallel_loop3A_194, %parallel_loop3A_195] {strides = array<i32>} : memref<2x128x80xf32, #tpu.memory_space<vmem>>, vector<1x1x16xf32>,
          %parallel_loop3A_197 = vector.shape_cast %parallel_loop3A_196 : vector<1x1x16xf32> to vector<16xf32>
          %parallel_loop3A_198 = arith.mulf %parallel_loop3A_197, %parallel_loop3A_184 : vector<16xf32>
          %parallel_loop3A_199 = arith.constant 0 : i32
          %parallel_loop3A_200 = arith.index_cast %parallel_loop3A_199 : i32 to index
          %parallel_loop3A_201 = arith.index_cast %parallel_loop3A_160 : i32 to index
          %parallel_loop3A_202 = arith.constant 0 : index
          %parallel_loop3A_203 = tpu.vector_load %arg13[%parallel_loop3A_200, %parallel_loop3A_201, %parallel_loop3A_202] {strides = array<i32>} : memref<2x128x80xf32, #tpu.memory_space<vmem>>, vector<1x1x16xf32>,
          %parallel_loop3A_204 = vector.shape_cast %parallel_loop3A_203 : vector<1x1x16xf32> to vector<16xf32>
          %parallel_loop3A_205 = vector.shape_cast %parallel_loop3A_198 : vector<16xf32> to vector<1x1x16xf32>
          tpu.vector_store %arg13[%parallel_loop3A_200, %parallel_loop3A_201, %parallel_loop3A_202], %parallel_loop3A_205 {strides = array<i32>} : memref<2x128x80xf32, #tpu.memory_space<vmem>>, vector<1x1x16xf32>,
          %parallel_loop3A_206 = arith.constant 0 : i32
          %parallel_loop3A_207 = arith.index_cast %parallel_loop3A_206 : i32 to index
          %parallel_loop3A_208 = arith.index_cast %parallel_loop3A_160 : i32 to index
          %parallel_loop3A_209 = arith.constant 16 : index
          %parallel_loop3A_210 = tpu.vector_load %arg11[%parallel_loop3A_207, %parallel_loop3A_208, %parallel_loop3A_209] {strides = array<i32>} : memref<2x128x80xf32, #tpu.memory_space<vmem>>, vector<1x1x16xf32>,
          %parallel_loop3A_211 = vector.shape_cast %parallel_loop3A_210 : vector<1x1x16xf32> to vector<16xf32>
          %parallel_loop3A_212 = arith.mulf %parallel_loop3A_211, %parallel_loop3A_184 : vector<16xf32>
          %parallel_loop3A_213 = arith.constant 0 : i32
          %parallel_loop3A_214 = arith.index_cast %parallel_loop3A_213 : i32 to index
          %parallel_loop3A_215 = arith.index_cast %parallel_loop3A_160 : i32 to index
          %parallel_loop3A_216 = arith.constant 16 : index
          %parallel_loop3A_217 = tpu.vector_load %arg13[%parallel_loop3A_214, %parallel_loop3A_215, %parallel_loop3A_216] {strides = array<i32>} : memref<2x128x80xf32, #tpu.memory_space<vmem>>, vector<1x1x16xf32>,
          %parallel_loop3A_218 = vector.shape_cast %parallel_loop3A_217 : vector<1x1x16xf32> to vector<16xf32>
          %parallel_loop3A_219 = vector.shape_cast %parallel_loop3A_212 : vector<16xf32> to vector<1x1x16xf32>
          tpu.vector_store %arg13[%parallel_loop3A_214, %parallel_loop3A_215, %parallel_loop3A_216], %parallel_loop3A_219 {strides = array<i32>} : memref<2x128x80xf32, #tpu.memory_space<vmem>>, vector<1x1x16xf32>,
          %parallel_loop3A_220 = arith.constant 0 : i32
          %parallel_loop3A_221 = arith.index_cast %parallel_loop3A_220 : i32 to index
          %parallel_loop3A_222 = arith.index_cast %parallel_loop3A_160 : i32 to index
          %parallel_loop3A_223 = arith.constant 32 : index
          %parallel_loop3A_224 = tpu.vector_load %arg11[%parallel_loop3A_221, %parallel_loop3A_222, %parallel_loop3A_223] {strides = array<i32>} : memref<2x128x80xf32, #tpu.memory_space<vmem>>, vector<1x1x16xf32>,
          %parallel_loop3A_225 = vector.shape_cast %parallel_loop3A_224 : vector<1x1x16xf32> to vector<16xf32>
          %parallel_loop3A_226 = arith.mulf %parallel_loop3A_225, %parallel_loop3A_184 : vector<16xf32>
          %parallel_loop3A_227 = arith.constant 0 : i32
          %parallel_loop3A_228 = arith.index_cast %parallel_loop3A_227 : i32 to index
          %parallel_loop3A_229 = arith.index_cast %parallel_loop3A_160 : i32 to index
          %parallel_loop3A_230 = arith.constant 32 : index
          %parallel_loop3A_231 = tpu.vector_load %arg13[%parallel_loop3A_228, %parallel_loop3A_229, %parallel_loop3A_230] {strides = array<i32>} : memref<2x128x80xf32, #tpu.memory_space<vmem>>, vector<1x1x16xf32>,
          %parallel_loop3A_232 = vector.shape_cast %parallel_loop3A_231 : vector<1x1x16xf32> to vector<16xf32>
          %parallel_loop3A_233 = vector.shape_cast %parallel_loop3A_226 : vector<16xf32> to vector<1x1x16xf32>
          tpu.vector_store %arg13[%parallel_loop3A_228, %parallel_loop3A_229, %parallel_loop3A_230], %parallel_loop3A_233 {strides = array<i32>} : memref<2x128x80xf32, #tpu.memory_space<vmem>>, vector<1x1x16xf32>,
          %parallel_loop3A_234 = arith.constant 0 : i32
          %parallel_loop3A_235 = arith.index_cast %parallel_loop3A_234 : i32 to index
          %parallel_loop3A_236 = arith.index_cast %parallel_loop3A_160 : i32 to index
          %parallel_loop3A_237 = arith.constant 48 : index
          %parallel_loop3A_238 = tpu.vector_load %arg11[%parallel_loop3A_235, %parallel_loop3A_236, %parallel_loop3A_237] {strides = array<i32>} : memref<2x128x80xf32, #tpu.memory_space<vmem>>, vector<1x1x16xf32>,
          %parallel_loop3A_239 = vector.shape_cast %parallel_loop3A_238 : vector<1x1x16xf32> to vector<16xf32>
          %parallel_loop3A_240 = arith.mulf %parallel_loop3A_239, %parallel_loop3A_184 : vector<16xf32>
          %parallel_loop3A_241 = arith.constant 0 : i32
          %parallel_loop3A_242 = arith.index_cast %parallel_loop3A_241 : i32 to index
          %parallel_loop3A_243 = arith.index_cast %parallel_loop3A_160 : i32 to index
          %parallel_loop3A_244 = arith.constant 48 : index
          %parallel_loop3A_245 = tpu.vector_load %arg13[%parallel_loop3A_242, %parallel_loop3A_243, %parallel_loop3A_244] {strides = array<i32>} : memref<2x128x80xf32, #tpu.memory_space<vmem>>, vector<1x1x16xf32>,
          %parallel_loop3A_246 = vector.shape_cast %parallel_loop3A_245 : vector<1x1x16xf32> to vector<16xf32>
          %parallel_loop3A_247 = vector.shape_cast %parallel_loop3A_240 : vector<16xf32> to vector<1x1x16xf32>
          tpu.vector_store %arg13[%parallel_loop3A_242, %parallel_loop3A_243, %parallel_loop3A_244], %parallel_loop3A_247 {strides = array<i32>} : memref<2x128x80xf32, #tpu.memory_space<vmem>>, vector<1x1x16xf32>,
        } {sc.loop_unroll_factor = 8 : i64, sc.parallel_access}
      } else {
      }
      %eq3A_140 = arith.constant 1 : i32
      %eq3A_141 = arith.cmpi eq, %rem3A_105, %eq3A_140 : i32
      %convert_element_type3A_142 = arith.extui %eq3A_141 : i1 to i32
      %cond3A_143 = arith.constant 0 : i32
      %cond3A_144 = arith.cmpi ne, %convert_element_type3A_142, %cond3A_143 : i32
      scf.if %cond3A_144 {
        %parallel_loop3A = arith.constant 0 : i32
        %parallel_loop3A_158 = arith.constant 128 : i32
        %parallel_loop3A_159 = arith.constant 1 : i32
        scf.for %parallel_loop3A_160 = %parallel_loop3A to %parallel_loop3A_158 step %parallel_loop3A_159  : i32 {
          %parallel_loop3A_161 = arith.constant 1 : i32
          %parallel_loop3A_162 = arith.index_cast %parallel_loop3A_161 : i32 to index
          %parallel_loop3A_163 = arith.index_cast %parallel_loop3A_160 : i32 to index
          %parallel_loop3A_164 = arith.constant 64 : index
          %parallel_loop3A_165 = tpu.vector_load %arg11[%parallel_loop3A_162, %parallel_loop3A_163, %parallel_loop3A_164] {strides = array<i32>} : memref<2x128x80xf32, #tpu.memory_space<vmem>>, vector<1x1x16xf32>,
          %parallel_loop3A_166 = vector.shape_cast %parallel_loop3A_165 : vector<1x1x16xf32> to vector<16xf32>
          %parallel_loop3A_167 = arith.constant 1 : i32
          %parallel_loop3A_168 = arith.index_cast %parallel_loop3A_167 : i32 to index
          %parallel_loop3A_169 = arith.index_cast %parallel_loop3A_160 : i32 to index
          %parallel_loop3A_170 = arith.constant 0 : index
          %parallel_loop3A_171 = tpu.vector_load %arg12[%parallel_loop3A_168, %parallel_loop3A_169, %parallel_loop3A_170] {strides = array<i32>} : memref<2x128x16xf32, #tpu.memory_space<vmem>>, vector<1x1x16xf32>,
          %parallel_loop3A_172 = vector.shape_cast %parallel_loop3A_171 : vector<1x1x16xf32> to vector<16xf32>
          %parallel_loop3A_173 = arith.addf %parallel_loop3A_166, %parallel_loop3A_172 : vector<16xf32>
          %parallel_loop3A_174 = arith.constant 2.000000e-01 : f32
          %parallel_loop3A_175 = vector.broadcast %parallel_loop3A_174 : f32 to vector<16xf32>
          %parallel_loop3A_176 = arith.mulf %parallel_loop3A_175, %parallel_loop3A_173 : vector<16xf32>
          %parallel_loop3A_177 = arith.maximumf %parallel_loop3A_173, %parallel_loop3A_176 : vector<16xf32>
          %parallel_loop3A_178 = arith.addf %get3A_29, %parallel_loop3A_172 : vector<16xf32>
          %parallel_loop3A_179 = arith.constant 2.000000e-01 : f32
          %parallel_loop3A_180 = vector.broadcast %parallel_loop3A_179 : f32 to vector<16xf32>
          %parallel_loop3A_181 = arith.mulf %parallel_loop3A_180, %parallel_loop3A_178 : vector<16xf32>
          %parallel_loop3A_182 = arith.maximumf %parallel_loop3A_178, %parallel_loop3A_181 : vector<16xf32>
          %parallel_loop3A_183 = arith.subf %parallel_loop3A_177, %parallel_loop3A_182 : vector<16xf32>
          %parallel_loop3A_184 = math.exp %parallel_loop3A_183 : vector<16xf32>
          %parallel_loop3A_185 = arith.constant 1 : i32
          %parallel_loop3A_186 = arith.index_cast %parallel_loop3A_185 : i32 to index
          %parallel_loop3A_187 = arith.index_cast %parallel_loop3A_160 : i32 to index
          %parallel_loop3A_188 = arith.constant 64 : index
          %parallel_loop3A_189 = tpu.vector_load %arg13[%parallel_loop3A_186, %parallel_loop3A_187, %parallel_loop3A_188] {strides = array<i32>} : memref<2x128x80xf32, #tpu.memory_space<vmem>>, vector<1x1x16xf32>,
          %parallel_loop3A_190 = vector.shape_cast %parallel_loop3A_189 : vector<1x1x16xf32> to vector<16xf32>
          %parallel_loop3A_191 = vector.shape_cast %parallel_loop3A_184 : vector<16xf32> to vector<1x1x16xf32>
          tpu.vector_store %arg13[%parallel_loop3A_186, %parallel_loop3A_187, %parallel_loop3A_188], %parallel_loop3A_191 {strides = array<i32>} : memref<2x128x80xf32, #tpu.memory_space<vmem>>, vector<1x1x16xf32>,
          %parallel_loop3A_192 = arith.constant 1 : i32
          %parallel_loop3A_193 = arith.index_cast %parallel_loop3A_192 : i32 to index
          %parallel_loop3A_194 = arith.index_cast %parallel_loop3A_160 : i32 to index
          %parallel_loop3A_195 = arith.constant 0 : index
          %parallel_loop3A_196 = tpu.vector_load %arg11[%parallel_loop3A_193, %parallel_loop3A_194, %parallel_loop3A_195] {strides = array<i32>} : memref<2x128x80xf32, #tpu.memory_space<vmem>>, vector<1x1x16xf32>,
          %parallel_loop3A_197 = vector.shape_cast %parallel_loop3A_196 : vector<1x1x16xf32> to vector<16xf32>
          %parallel_loop3A_198 = arith.mulf %parallel_loop3A_197, %parallel_loop3A_184 : vector<16xf32>
          %parallel_loop3A_199 = arith.constant 1 : i32
          %parallel_loop3A_200 = arith.index_cast %parallel_loop3A_199 : i32 to index
          %parallel_loop3A_201 = arith.index_cast %parallel_loop3A_160 : i32 to index
          %parallel_loop3A_202 = arith.constant 0 : index
          %parallel_loop3A_203 = tpu.vector_load %arg13[%parallel_loop3A_200, %parallel_loop3A_201, %parallel_loop3A_202] {strides = array<i32>} : memref<2x128x80xf32, #tpu.memory_space<vmem>>, vector<1x1x16xf32>,
          %parallel_loop3A_204 = vector.shape_cast %parallel_loop3A_203 : vector<1x1x16xf32> to vector<16xf32>
          %parallel_loop3A_205 = vector.shape_cast %parallel_loop3A_198 : vector<16xf32> to vector<1x1x16xf32>
          tpu.vector_store %arg13[%parallel_loop3A_200, %parallel_loop3A_201, %parallel_loop3A_202], %parallel_loop3A_205 {strides = array<i32>} : memref<2x128x80xf32, #tpu.memory_space<vmem>>, vector<1x1x16xf32>,
          %parallel_loop3A_206 = arith.constant 1 : i32
          %parallel_loop3A_207 = arith.index_cast %parallel_loop3A_206 : i32 to index
          %parallel_loop3A_208 = arith.index_cast %parallel_loop3A_160 : i32 to index
          %parallel_loop3A_209 = arith.constant 16 : index
          %parallel_loop3A_210 = tpu.vector_load %arg11[%parallel_loop3A_207, %parallel_loop3A_208, %parallel_loop3A_209] {strides = array<i32>} : memref<2x128x80xf32, #tpu.memory_space<vmem>>, vector<1x1x16xf32>,
          %parallel_loop3A_211 = vector.shape_cast %parallel_loop3A_210 : vector<1x1x16xf32> to vector<16xf32>
          %parallel_loop3A_212 = arith.mulf %parallel_loop3A_211, %parallel_loop3A_184 : vector<16xf32>
          %parallel_loop3A_213 = arith.constant 1 : i32
          %parallel_loop3A_214 = arith.index_cast %parallel_loop3A_213 : i32 to index
          %parallel_loop3A_215 = arith.index_cast %parallel_loop3A_160 : i32 to index
          %parallel_loop3A_216 = arith.constant 16 : index
          %parallel_loop3A_217 = tpu.vector_load %arg13[%parallel_loop3A_214, %parallel_loop3A_215, %parallel_loop3A_216] {strides = array<i32>} : memref<2x128x80xf32, #tpu.memory_space<vmem>>, vector<1x1x16xf32>,
          %parallel_loop3A_218 = vector.shape_cast %parallel_loop3A_217 : vector<1x1x16xf32> to vector<16xf32>
          %parallel_loop3A_219 = vector.shape_cast %parallel_loop3A_212 : vector<16xf32> to vector<1x1x16xf32>
          tpu.vector_store %arg13[%parallel_loop3A_214, %parallel_loop3A_215, %parallel_loop3A_216], %parallel_loop3A_219 {strides = array<i32>} : memref<2x128x80xf32, #tpu.memory_space<vmem>>, vector<1x1x16xf32>,
          %parallel_loop3A_220 = arith.constant 1 : i32
          %parallel_loop3A_221 = arith.index_cast %parallel_loop3A_220 : i32 to index
          %parallel_loop3A_222 = arith.index_cast %parallel_loop3A_160 : i32 to index
          %parallel_loop3A_223 = arith.constant 32 : index
          %parallel_loop3A_224 = tpu.vector_load %arg11[%parallel_loop3A_221, %parallel_loop3A_222, %parallel_loop3A_223] {strides = array<i32>} : memref<2x128x80xf32, #tpu.memory_space<vmem>>, vector<1x1x16xf32>,
          %parallel_loop3A_225 = vector.shape_cast %parallel_loop3A_224 : vector<1x1x16xf32> to vector<16xf32>
          %parallel_loop3A_226 = arith.mulf %parallel_loop3A_225, %parallel_loop3A_184 : vector<16xf32>
          %parallel_loop3A_227 = arith.constant 1 : i32
          %parallel_loop3A_228 = arith.index_cast %parallel_loop3A_227 : i32 to index
          %parallel_loop3A_229 = arith.index_cast %parallel_loop3A_160 : i32 to index
          %parallel_loop3A_230 = arith.constant 32 : index
          %parallel_loop3A_231 = tpu.vector_load %arg13[%parallel_loop3A_228, %parallel_loop3A_229, %parallel_loop3A_230] {strides = array<i32>} : memref<2x128x80xf32, #tpu.memory_space<vmem>>, vector<1x1x16xf32>,
          %parallel_loop3A_232 = vector.shape_cast %parallel_loop3A_231 : vector<1x1x16xf32> to vector<16xf32>
          %parallel_loop3A_233 = vector.shape_cast %parallel_loop3A_226 : vector<16xf32> to vector<1x1x16xf32>
          tpu.vector_store %arg13[%parallel_loop3A_228, %parallel_loop3A_229, %parallel_loop3A_230], %parallel_loop3A_233 {strides = array<i32>} : memref<2x128x80xf32, #tpu.memory_space<vmem>>, vector<1x1x16xf32>,
          %parallel_loop3A_234 = arith.constant 1 : i32
          %parallel_loop3A_235 = arith.index_cast %parallel_loop3A_234 : i32 to index
          %parallel_loop3A_236 = arith.index_cast %parallel_loop3A_160 : i32 to index
          %parallel_loop3A_237 = arith.constant 48 : index
          %parallel_loop3A_238 = tpu.vector_load %arg11[%parallel_loop3A_235, %parallel_loop3A_236, %parallel_loop3A_237] {strides = array<i32>} : memref<2x128x80xf32, #tpu.memory_space<vmem>>, vector<1x1x16xf32>,
          %parallel_loop3A_239 = vector.shape_cast %parallel_loop3A_238 : vector<1x1x16xf32> to vector<16xf32>
          %parallel_loop3A_240 = arith.mulf %parallel_loop3A_239, %parallel_loop3A_184 : vector<16xf32>
          %parallel_loop3A_241 = arith.constant 1 : i32
          %parallel_loop3A_242 = arith.index_cast %parallel_loop3A_241 : i32 to index
          %parallel_loop3A_243 = arith.index_cast %parallel_loop3A_160 : i32 to index
          %parallel_loop3A_244 = arith.constant 48 : index
          %parallel_loop3A_245 = tpu.vector_load %arg13[%parallel_loop3A_242, %parallel_loop3A_243, %parallel_loop3A_244] {strides = array<i32>} : memref<2x128x80xf32, #tpu.memory_space<vmem>>, vector<1x1x16xf32>,
          %parallel_loop3A_246 = vector.shape_cast %parallel_loop3A_245 : vector<1x1x16xf32> to vector<16xf32>
          %parallel_loop3A_247 = vector.shape_cast %parallel_loop3A_240 : vector<16xf32> to vector<1x1x16xf32>
          tpu.vector_store %arg13[%parallel_loop3A_242, %parallel_loop3A_243, %parallel_loop3A_244], %parallel_loop3A_247 {strides = array<i32>} : memref<2x128x80xf32, #tpu.memory_space<vmem>>, vector<1x1x16xf32>,
        } {sc.loop_unroll_factor = 8 : i64, sc.parallel_access}
      } else {
      }
      %dma_start3A_145 = arith.constant 0 : i32
      %dma_start3A_146 = arith.constant 0 : i32
      %dma_start3A_147 = tpu.memref_slice %arg13[%rem3A_105, %dma_start3A_145, %dma_start3A_146] : memref<2x128x80xf32, #tpu.memory_space<vmem>> -> memref<1x128x80xf32, #tpu.memory_space<vmem>>
      %dma_start3A_148 = tpu.memref_squeeze %dma_start3A_147 : memref<1x128x80xf32, #tpu.memory_space<vmem>> -> memref<128x80xf32, #tpu.memory_space<vmem>>
      %dma_start3A_149 = arith.constant 0 : i32
      %dma_start3A_150 = tpu.memref_slice %arg10[%sub3A_103, %dma_start3A_149] : memref<81x128xi32, #tpu.memory_space<vmem>> -> memref<1x128xi32, #tpu.memory_space<vmem>>
      %dma_start3A_151 = tpu.memref_squeeze %dma_start3A_150 : memref<1x128xi32, #tpu.memory_space<vmem>> -> memref<128xi32, #tpu.memory_space<vmem>>
      %dma_start3A_152 = arith.constant 0 : i32
      %dma_start3A_153 = arith.constant 0 : i32
      %dma_start3A_154 = tpu.memref_slice %arg8[%dma_start3A_152, %dma_start3A_153] : memref<10240x80xf32, #tpu.memory_space<vmem_shared>> -> memref<10240x80xf32, #tpu.memory_space<vmem_shared>>
      %dma_start3A_155 = tpu.memref_slice %arg16[%rem3A_105] : memref<2x!tpu.dma_semaphore, #tpu.memory_space<semaphore_mem>> -> memref<1x!tpu.dma_semaphore, #tpu.memory_space<semaphore_mem>>
      %dma_start3A_156 = tpu.memref_squeeze %dma_start3A_155 : memref<1x!tpu.dma_semaphore, #tpu.memory_space<semaphore_mem>> -> memref<!tpu.dma_semaphore, #tpu.memory_space<semaphore_mem>>
      tpu.enqueue_indirect_dma source(%dma_start3A_148 : memref<128x80xf32, #tpu.memory_space<vmem>>) target(%dma_start3A_154 : memref<10240x80xf32, #tpu.memory_space<vmem_shared>>) offsets(%dma_start3A_151 : memref<128xi32, #tpu.memory_space<vmem>>) semaphore(%dma_start3A_156 : memref<!tpu.dma_semaphore, #tpu.memory_space<semaphore_mem>>) {add = true}
      %scan3A_157 = arith.constant 0 : i32
      scf.yield %scan3A_157 : i32
    }
    %scan3A_65 = arith.constant 81 : i32
    %rem3A = arith.constant 79 : i32
    %rem3A_66 = arith.constant 2 : i32
    %rem3A_67 = arith.remsi %rem3A, %rem3A_66 : i32
    %dma_wait3A = arith.constant 0 : i32
    %dma_wait3A_68 = arith.constant 0 : i32
    %dma_wait3A_69 = arith.constant 0 : i32
    %dma_wait3A_70 = tpu.memref_slice %arg13[%rem3A_67, %dma_wait3A_68, %dma_wait3A_69] : memref<2x128x80xf32, #tpu.memory_space<vmem>> -> memref<1x128x80xf32, #tpu.memory_space<vmem>>
    %dma_wait3A_71 = tpu.memref_squeeze %dma_wait3A_70 : memref<1x128x80xf32, #tpu.memory_space<vmem>> -> memref<128x80xf32, #tpu.memory_space<vmem>>
    %dma_wait3A_72 = arith.constant 0 : i32
    %dma_wait3A_73 = tpu.memref_slice %arg10[%dma_wait3A, %dma_wait3A_72] : memref<81x128xi32, #tpu.memory_space<vmem>> -> memref<1x128xi32, #tpu.memory_space<vmem>>
    %dma_wait3A_74 = tpu.memref_squeeze %dma_wait3A_73 : memref<1x128xi32, #tpu.memory_space<vmem>> -> memref<128xi32, #tpu.memory_space<vmem>>
    %dma_wait3A_75 = arith.constant 0 : i32
    %dma_wait3A_76 = arith.constant 0 : i32
    %dma_wait3A_77 = tpu.memref_slice %arg8[%dma_wait3A_75, %dma_wait3A_76] : memref<10240x80xf32, #tpu.memory_space<vmem_shared>> -> memref<10240x80xf32, #tpu.memory_space<vmem_shared>>
    %dma_wait3A_78 = tpu.memref_slice %arg16[%rem3A_67] : memref<2x!tpu.dma_semaphore, #tpu.memory_space<semaphore_mem>> -> memref<1x!tpu.dma_semaphore, #tpu.memory_space<semaphore_mem>>
    %dma_wait3A_79 = tpu.memref_squeeze %dma_wait3A_78 : memref<1x!tpu.dma_semaphore, #tpu.memory_space<semaphore_mem>> -> memref<!tpu.dma_semaphore, #tpu.memory_space<semaphore_mem>>
    tpu.wait_indirect_dma semaphore(%dma_wait3A_79 : memref<!tpu.dma_semaphore, #tpu.memory_space<semaphore_mem>>) src(%dma_wait3A_71 : memref<128x80xf32, #tpu.memory_space<vmem>>) dst(%dma_wait3A_77 : memref<10240x80xf32, #tpu.memory_space<vmem_shared>>)
    %rem3A_80 = arith.constant 80 : i32
    %rem3A_81 = arith.constant 2 : i32
    %rem3A_82 = arith.remsi %rem3A_80, %rem3A_81 : i32
    %dma_wait3A_83 = arith.constant 0 : i32
    %dma_wait3A_84 = arith.constant 0 : i32
    %dma_wait3A_85 = arith.constant 0 : i32
    %dma_wait3A_86 = tpu.memref_slice %arg13[%rem3A_82, %dma_wait3A_84, %dma_wait3A_85] : memref<2x128x80xf32, #tpu.memory_space<vmem>> -> memref<1x128x80xf32, #tpu.memory_space<vmem>>
    %dma_wait3A_87 = tpu.memref_squeeze %dma_wait3A_86 : memref<1x128x80xf32, #tpu.memory_space<vmem>> -> memref<128x80xf32, #tpu.memory_space<vmem>>
    %dma_wait3A_88 = arith.constant 0 : i32
    %dma_wait3A_89 = tpu.memref_slice %arg10[%dma_wait3A_83, %dma_wait3A_88] : memref<81x128xi32, #tpu.memory_space<vmem>> -> memref<1x128xi32, #tpu.memory_space<vmem>>
    %dma_wait3A_90 = tpu.memref_squeeze %dma_wait3A_89 : memref<1x128xi32, #tpu.memory_space<vmem>> -> memref<128xi32, #tpu.memory_space<vmem>>
    %dma_wait3A_91 = arith.constant 0 : i32
    %dma_wait3A_92 = arith.constant 0 : i32
    %dma_wait3A_93 = tpu.memref_slice %arg8[%dma_wait3A_91, %dma_wait3A_92] : memref<10240x80xf32, #tpu.memory_space<vmem_shared>> -> memref<10240x80xf32, #tpu.memory_space<vmem_shared>>
    %dma_wait3A_94 = tpu.memref_slice %arg16[%rem3A_82] : memref<2x!tpu.dma_semaphore, #tpu.memory_space<semaphore_mem>> -> memref<1x!tpu.dma_semaphore, #tpu.memory_space<semaphore_mem>>
    %dma_wait3A_95 = tpu.memref_squeeze %dma_wait3A_94 : memref<1x!tpu.dma_semaphore, #tpu.memory_space<semaphore_mem>> -> memref<!tpu.dma_semaphore, #tpu.memory_space<semaphore_mem>>
    tpu.wait_indirect_dma semaphore(%dma_wait3A_95 : memref<!tpu.dma_semaphore, #tpu.memory_space<semaphore_mem>>) src(%dma_wait3A_87 : memref<128x80xf32, #tpu.memory_space<vmem>>) dst(%dma_wait3A_93 : memref<10240x80xf32, #tpu.memory_space<vmem_shared>>)
    %barrier3A_96 = arith.constant 0 : index
    tpu.barrier barrier_id(%barrier3A_96)
    "tpu.region"() ({
      %run_scoped3A_97 = tpu.sem_alloc : memref<!tpu.dma_semaphore, #tpu.memory_space<semaphore_mem>>
      %dma_start3A_98 = arith.constant 0 : i32
      %dma_start3A_99 = tpu.memref_slice %arg7[%arg0, %mul3A_2, %dma_start3A_98] : memref<2x10240x80xf32, #tpu.memory_space<hbm>> -> memref<1x640x80xf32, #tpu.memory_space<hbm>>
      %dma_start3A_100 = tpu.memref_squeeze %dma_start3A_99 : memref<1x640x80xf32, #tpu.memory_space<hbm>> -> memref<640x80xf32, #tpu.memory_space<hbm>>
      %dma_start3A_101 = arith.constant 0 : i32
      %dma_start3A_102 = tpu.memref_slice %arg8[%mul3A_2, %dma_start3A_101] : memref<10240x80xf32, #tpu.memory_space<vmem_shared>> -> memref<640x80xf32, #tpu.memory_space<vmem_shared>>
      tpu.enqueue_dma source(%dma_start3A_102 : memref<640x80xf32, #tpu.memory_space<vmem_shared>>) target(%dma_start3A_100 : memref<640x80xf32, #tpu.memory_space<hbm>>) target_semaphore(%run_scoped3A_97 : memref<!tpu.dma_semaphore, #tpu.memory_space<semaphore_mem>>)
      %dma_wait3A_103 = arith.constant 0 : i32
      %dma_wait3A_104 = tpu.memref_slice %arg7[%arg0, %mul3A_2, %dma_wait3A_103] : memref<2x10240x80xf32, #tpu.memory_space<hbm>> -> memref<1x640x80xf32, #tpu.memory_space<hbm>>
      %dma_wait3A_105 = tpu.memref_squeeze %dma_wait3A_104 : memref<1x640x80xf32, #tpu.memory_space<hbm>> -> memref<640x80xf32, #tpu.memory_space<hbm>>
      %dma_wait3A_106 = arith.constant 0 : i32
      %dma_wait3A_107 = tpu.memref_slice %arg8[%mul3A_2, %dma_wait3A_106] : memref<10240x80xf32, #tpu.memory_space<vmem_shared>> -> memref<640x80xf32, #tpu.memory_space<vmem_shared>>
      tpu.wait_dma2 semaphore(%run_scoped3A_97 : memref<!tpu.dma_semaphore, #tpu.memory_space<semaphore_mem>>) src(%dma_wait3A_107 : memref<640x80xf32, #tpu.memory_space<vmem_shared>>) dst(%dma_wait3A_105 : memref<640x80xf32, #tpu.memory_space<hbm>>)
      tpu.yield
    }) : () -> ()
    return
  }
}

#map = affine_map<(d0, d1) -> (0, 0)>
#map1 = affine_map<(d0, d1) -> (0, 0, 0)>
module attributes {stable_mosaic.version = 14 : i64} {
  func.func @_edge_body(%arg0: i32, %arg1: i32, %arg2: memref<2592x128xi32, #tpu.memory_space<hbm>>, %arg3: memref<2592x128xi32, #tpu.memory_space<hbm>>, %arg4: memref<10240x80xf32, #tpu.memory_space<hbm>>, %arg5: memref<10240x16xf32, #tpu.memory_space<hbm>>, %arg6: memref<8x16xf32, #tpu.memory_space<hbm>>, %arg7: memref<2x10240x80xf32, #tpu.memory_space<hbm>>, %arg8: memref<10240x80xf32, #tpu.memory_space<vmem_shared>>, %arg9: memref<81x128xi32, #tpu.memory_space<vmem>>, %arg10: memref<81x128xi32, #tpu.memory_space<vmem>>, %arg11: memref<2x128x80xf32, #tpu.memory_space<vmem>>, %arg12: memref<2x128x16xf32, #tpu.memory_space<vmem>>, %arg13: memref<2x128x80xf32, #tpu.memory_space<vmem>>, %arg14: memref<16xf32, #tpu.memory_space<vmem>>, %arg15: memref<2x!tpu.dma_semaphore, #tpu.memory_space<semaphore_mem>>, %arg16: memref<2x!tpu.dma_semaphore, #tpu.memory_space<semaphore_mem>>) attributes {dimension_semantics = [#tpu.dimension_semantics<core_parallel>, #tpu.dimension_semantics<subcore_parallel>], iteration_bounds = array<i64: 2, 16>, scalar_prefetch = 0 : i64, scratch_operands = 9 : i64, tpu.core_type = #tpu.core_type<sc_vector_subcore>, window_params = [{transform_indices = #map}, {transform_indices = #map}, {transform_indices = #map}, {transform_indices = #map}, {transform_indices = #map}, {transform_indices = #map1}]} {
    %mul3A = arith.constant 16 : i32
    %mul3A_0 = arith.muli %arg0, %mul3A : i32
    %add3A = arith.addi %mul3A_0, %arg1 : i32
    %mul3A_1 = arith.constant 640 : i32
    %mul3A_2 = arith.muli %arg1, %mul3A_1 : i32
    %mul3A_3 = arith.constant 81 : i32
    %mul3A_4 = arith.muli %add3A, %mul3A_3 : i32
    "tpu.region"() ({
      %run_scoped3A_97 = tpu.sem_alloc : memref<!tpu.dma_semaphore, #tpu.memory_space<semaphore_mem>>
      %dma_start3A_98 = arith.constant 0 : i32
      %dma_start3A_99 = tpu.memref_slice %arg2[%mul3A_4, %dma_start3A_98] : memref<2592x128xi32, #tpu.memory_space<hbm>> -> memref<81x128xi32, #tpu.memory_space<hbm>>
      %dma_start3A_100 = arith.constant 0 : i32
      %dma_start3A_101 = tpu.memref_slice %arg2[%mul3A_4, %dma_start3A_100] : memref<2592x128xi32, #tpu.memory_space<hbm>> -> memref<81x128xi32, #tpu.memory_space<hbm>>
      tpu.enqueue_dma source(%dma_start3A_101 : memref<81x128xi32, #tpu.memory_space<hbm>>) target(%arg9 : memref<81x128xi32, #tpu.memory_space<vmem>>) target_semaphore(%run_scoped3A_97 : memref<!tpu.dma_semaphore, #tpu.memory_space<semaphore_mem>>)
      %dma_wait3A_102 = arith.constant 0 : i32
      %dma_wait3A_103 = tpu.memref_slice %arg2[%mul3A_4, %dma_wait3A_102] : memref<2592x128xi32, #tpu.memory_space<hbm>> -> memref<81x128xi32, #tpu.memory_space<hbm>>
      %dma_wait3A_104 = arith.constant 0 : i32
      %dma_wait3A_105 = tpu.memref_slice %arg2[%mul3A_4, %dma_wait3A_104] : memref<2592x128xi32, #tpu.memory_space<hbm>> -> memref<81x128xi32, #tpu.memory_space<hbm>>
      tpu.wait_dma2 semaphore(%run_scoped3A_97 : memref<!tpu.dma_semaphore, #tpu.memory_space<semaphore_mem>>) src(%dma_wait3A_105 : memref<81x128xi32, #tpu.memory_space<hbm>>) dst(%arg9 : memref<81x128xi32, #tpu.memory_space<vmem>>)
      tpu.yield
    }) : () -> ()
    %mul3A_5 = arith.constant 81 : i32
    %mul3A_6 = arith.muli %add3A, %mul3A_5 : i32
    "tpu.region"() ({
      %run_scoped3A_97 = tpu.sem_alloc : memref<!tpu.dma_semaphore, #tpu.memory_space<semaphore_mem>>
      %dma_start3A_98 = arith.constant 0 : i32
      %dma_start3A_99 = tpu.memref_slice %arg3[%mul3A_6, %dma_start3A_98] : memref<2592x128xi32, #tpu.memory_space<hbm>> -> memref<81x128xi32, #tpu.memory_space<hbm>>
      %dma_start3A_100 = arith.constant 0 : i32
      %dma_start3A_101 = tpu.memref_slice %arg3[%mul3A_6, %dma_start3A_100] : memref<2592x128xi32, #tpu.memory_space<hbm>> -> memref<81x128xi32, #tpu.memory_space<hbm>>
      tpu.enqueue_dma source(%dma_start3A_101 : memref<81x128xi32, #tpu.memory_space<hbm>>) target(%arg10 : memref<81x128xi32, #tpu.memory_space<vmem>>) target_semaphore(%run_scoped3A_97 : memref<!tpu.dma_semaphore, #tpu.memory_space<semaphore_mem>>)
      %dma_wait3A_102 = arith.constant 0 : i32
      %dma_wait3A_103 = tpu.memref_slice %arg3[%mul3A_6, %dma_wait3A_102] : memref<2592x128xi32, #tpu.memory_space<hbm>> -> memref<81x128xi32, #tpu.memory_space<hbm>>
      %dma_wait3A_104 = arith.constant 0 : i32
      %dma_wait3A_105 = tpu.memref_slice %arg3[%mul3A_6, %dma_wait3A_104] : memref<2592x128xi32, #tpu.memory_space<hbm>> -> memref<81x128xi32, #tpu.memory_space<hbm>>
      tpu.wait_dma2 semaphore(%run_scoped3A_97 : memref<!tpu.dma_semaphore, #tpu.memory_space<semaphore_mem>>) src(%dma_wait3A_105 : memref<81x128xi32, #tpu.memory_space<hbm>>) dst(%arg10 : memref<81x128xi32, #tpu.memory_space<vmem>>)
      tpu.yield
    }) : () -> ()
    %scan3A = arith.constant 0 : i32
    %scan3A_7 = arith.constant 0 : i32
    %scan3A_8 = arith.constant 128 : i32
    %scan3A_9 = arith.addi %scan3A_7, %scan3A_8 : i32
    %scan3A_10 = arith.constant 1 : i32
    %scan3A_11 = scf.for %scan3A_97 = %scan3A_7 to %scan3A_9 step %scan3A_10 iter_args(%scan3A_98 = %scan3A) -> (i32)  : i32 {
      %broadcast_in_dim3A = arith.constant 0.000000e+00 : f32
      %broadcast_in_dim3A_99 = vector.broadcast %broadcast_in_dim3A : f32 to vector<16xf32>
      %swap3A = arith.constant 0 : i32
      %swap3A_100 = arith.index_cast %swap3A : i32 to index
      %swap3A_101 = arith.index_cast %scan3A_97 : i32 to index
      %swap3A_102 = arith.constant 0 : index
      %swap3A_103 = tpu.vector_load %arg13[%swap3A_100, %swap3A_101, %swap3A_102] {strides = array<i32>} : memref<2x128x80xf32, #tpu.memory_space<vmem>>, vector<1x1x16xf32>,
      %swap3A_104 = vector.shape_cast %swap3A_103 : vector<1x1x16xf32> to vector<16xf32>
      %swap3A_105 = vector.shape_cast %broadcast_in_dim3A_99 : vector<16xf32> to vector<1x1x16xf32>
      tpu.vector_store %arg13[%swap3A_100, %swap3A_101, %swap3A_102], %swap3A_105 {strides = array<i32>} : memref<2x128x80xf32, #tpu.memory_space<vmem>>, vector<1x1x16xf32>,
      %swap3A_106 = arith.constant 0 : i32
      %swap3A_107 = arith.index_cast %swap3A_106 : i32 to index
      %swap3A_108 = arith.index_cast %scan3A_97 : i32 to index
      %swap3A_109 = arith.constant 16 : index
      %swap3A_110 = tpu.vector_load %arg13[%swap3A_107, %swap3A_108, %swap3A_109] {strides = array<i32>} : memref<2x128x80xf32, #tpu.memory_space<vmem>>, vector<1x1x16xf32>,
      %swap3A_111 = vector.shape_cast %swap3A_110 : vector<1x1x16xf32> to vector<16xf32>
      %swap3A_112 = vector.shape_cast %broadcast_in_dim3A_99 : vector<16xf32> to vector<1x1x16xf32>
      tpu.vector_store %arg13[%swap3A_107, %swap3A_108, %swap3A_109], %swap3A_112 {strides = array<i32>} : memref<2x128x80xf32, #tpu.memory_space<vmem>>, vector<1x1x16xf32>,
      %swap3A_113 = arith.constant 0 : i32
      %swap3A_114 = arith.index_cast %swap3A_113 : i32 to index
      %swap3A_115 = arith.index_cast %scan3A_97 : i32 to index
      %swap3A_116 = arith.constant 32 : index
      %swap3A_117 = tpu.vector_load %arg13[%swap3A_114, %swap3A_115, %swap3A_116] {strides = array<i32>} : memref<2x128x80xf32, #tpu.memory_space<vmem>>, vector<1x1x16xf32>,
      %swap3A_118 = vector.shape_cast %swap3A_117 : vector<1x1x16xf32> to vector<16xf32>
      %swap3A_119 = vector.shape_cast %broadcast_in_dim3A_99 : vector<16xf32> to vector<1x1x16xf32>
      tpu.vector_store %arg13[%swap3A_114, %swap3A_115, %swap3A_116], %swap3A_119 {strides = array<i32>} : memref<2x128x80xf32, #tpu.memory_space<vmem>>, vector<1x1x16xf32>,
      %swap3A_120 = arith.constant 0 : i32
      %swap3A_121 = arith.index_cast %swap3A_120 : i32 to index
      %swap3A_122 = arith.index_cast %scan3A_97 : i32 to index
      %swap3A_123 = arith.constant 48 : index
      %swap3A_124 = tpu.vector_load %arg13[%swap3A_121, %swap3A_122, %swap3A_123] {strides = array<i32>} : memref<2x128x80xf32, #tpu.memory_space<vmem>>, vector<1x1x16xf32>,
      %swap3A_125 = vector.shape_cast %swap3A_124 : vector<1x1x16xf32> to vector<16xf32>
      %swap3A_126 = vector.shape_cast %broadcast_in_dim3A_99 : vector<16xf32> to vector<1x1x16xf32>
      tpu.vector_store %arg13[%swap3A_121, %swap3A_122, %swap3A_123], %swap3A_126 {strides = array<i32>} : memref<2x128x80xf32, #tpu.memory_space<vmem>>, vector<1x1x16xf32>,
      %swap3A_127 = arith.constant 0 : i32
      %swap3A_128 = arith.index_cast %swap3A_127 : i32 to index
      %swap3A_129 = arith.index_cast %scan3A_97 : i32 to index
      %swap3A_130 = arith.constant 64 : index
      %swap3A_131 = tpu.vector_load %arg13[%swap3A_128, %swap3A_129, %swap3A_130] {strides = array<i32>} : memref<2x128x80xf32, #tpu.memory_space<vmem>>, vector<1x1x16xf32>,
      %swap3A_132 = vector.shape_cast %swap3A_131 : vector<1x1x16xf32> to vector<16xf32>
      %swap3A_133 = vector.shape_cast %broadcast_in_dim3A_99 : vector<16xf32> to vector<1x1x16xf32>
      tpu.vector_store %arg13[%swap3A_128, %swap3A_129, %swap3A_130], %swap3A_133 {strides = array<i32>} : memref<2x128x80xf32, #tpu.memory_space<vmem>>, vector<1x1x16xf32>,
      %scan3A_134 = arith.constant 0 : i32
      scf.yield %scan3A_134 : i32
    }
    %scan3A_12 = arith.constant 128 : i32
    %add3A_13 = arith.constant 0 : i32
    %add3A_14 = arith.addi %mul3A_2, %add3A_13 : i32
    %run_scoped3A = arith.constant 0 : i32
    "tpu.region"() ({
      %run_scoped3A_97 = tpu.sem_alloc : memref<!tpu.dma_semaphore, #tpu.memory_space<semaphore_mem>>
      %dma_start3A_98 = arith.constant 0 : i32
      %dma_start3A_99 = arith.constant 0 : i32
      %dma_start3A_100 = tpu.memref_slice %arg13[%run_scoped3A, %dma_start3A_98, %dma_start3A_99] : memref<2x128x80xf32, #tpu.memory_space<vmem>> -> memref<1x128x80xf32, #tpu.memory_space<vmem>>
      %dma_start3A_101 = tpu.memref_squeeze %dma_start3A_100 : memref<1x128x80xf32, #tpu.memory_space<vmem>> -> memref<128x80xf32, #tpu.memory_space<vmem>>
      %dma_start3A_102 = arith.constant 0 : i32
      %dma_start3A_103 = tpu.memref_slice %arg8[%add3A_14, %dma_start3A_102] : memref<10240x80xf32, #tpu.memory_space<vmem_shared>> -> memref<128x80xf32, #tpu.memory_space<vmem_shared>>
      %dma_start3A_104 = arith.constant 0 : i32
      %dma_start3A_105 = tpu.memref_slice %arg8[%add3A_14, %dma_start3A_104] : memref<10240x80xf32, #tpu.memory_space<vmem_shared>> -> memref<128x80xf32, #tpu.memory_space<vmem_shared>>
      %dma_start3A_106 = arith.constant 0 : i32
      %dma_start3A_107 = arith.constant 0 : i32
      %dma_start3A_108 = tpu.memref_slice %arg13[%run_scoped3A, %dma_start3A_106, %dma_start3A_107] : memref<2x128x80xf32, #tpu.memory_space<vmem>> -> memref<1x128x80xf32, #tpu.memory_space<vmem>>
      %dma_start3A_109 = tpu.memref_squeeze %dma_start3A_108 : memref<1x128x80xf32, #tpu.memory_space<vmem>> -> memref<128x80xf32, #tpu.memory_space<vmem>>
      tpu.enqueue_dma source(%dma_start3A_109 : memref<128x80xf32, #tpu.memory_space<vmem>>) target(%dma_start3A_105 : memref<128x80xf32, #tpu.memory_space<vmem_shared>>) target_semaphore(%run_scoped3A_97 : memref<!tpu.dma_semaphore, #tpu.memory_space<semaphore_mem>>)
      %dma_wait3A_110 = arith.constant 0 : i32
      %dma_wait3A_111 = arith.constant 0 : i32
      %dma_wait3A_112 = tpu.memref_slice %arg13[%run_scoped3A, %dma_wait3A_110, %dma_wait3A_111] : memref<2x128x80xf32, #tpu.memory_space<vmem>> -> memref<1x128x80xf32, #tpu.memory_space<vmem>>
      %dma_wait3A_113 = tpu.memref_squeeze %dma_wait3A_112 : memref<1x128x80xf32, #tpu.memory_space<vmem>> -> memref<128x80xf32, #tpu.memory_space<vmem>>
      %dma_wait3A_114 = arith.constant 0 : i32
      %dma_wait3A_115 = tpu.memref_slice %arg8[%add3A_14, %dma_wait3A_114] : memref<10240x80xf32, #tpu.memory_space<vmem_shared>> -> memref<128x80xf32, #tpu.memory_space<vmem_shared>>
      %dma_wait3A_116 = arith.constant 0 : i32
      %dma_wait3A_117 = tpu.memref_slice %arg8[%add3A_14, %dma_wait3A_116] : memref<10240x80xf32, #tpu.memory_space<vmem_shared>> -> memref<128x80xf32, #tpu.memory_space<vmem_shared>>
      %dma_wait3A_118 = arith.constant 0 : i32
      %dma_wait3A_119 = arith.constant 0 : i32
      %dma_wait3A_120 = tpu.memref_slice %arg13[%run_scoped3A, %dma_wait3A_118, %dma_wait3A_119] : memref<2x128x80xf32, #tpu.memory_space<vmem>> -> memref<1x128x80xf32, #tpu.memory_space<vmem>>
      %dma_wait3A_121 = tpu.memref_squeeze %dma_wait3A_120 : memref<1x128x80xf32, #tpu.memory_space<vmem>> -> memref<128x80xf32, #tpu.memory_space<vmem>>
      tpu.wait_dma2 semaphore(%run_scoped3A_97 : memref<!tpu.dma_semaphore, #tpu.memory_space<semaphore_mem>>) src(%dma_wait3A_121 : memref<128x80xf32, #tpu.memory_space<vmem>>) dst(%dma_wait3A_117 : memref<128x80xf32, #tpu.memory_space<vmem_shared>>)
      tpu.yield
    }) : () -> ()
    %add3A_15 = arith.constant 128 : i32
    %add3A_16 = arith.addi %mul3A_2, %add3A_15 : i32
    %run_scoped3A_17 = arith.constant 0 : i32
    "tpu.region"() ({
      %run_scoped3A_97 = tpu.sem_alloc : memref<!tpu.dma_semaphore, #tpu.memory_space<semaphore_mem>>
      %dma_start3A_98 = arith.constant 0 : i32
      %dma_start3A_99 = arith.constant 0 : i32
      %dma_start3A_100 = tpu.memref_slice %arg13[%run_scoped3A_17, %dma_start3A_98, %dma_start3A_99] : memref<2x128x80xf32, #tpu.memory_space<vmem>> -> memref<1x128x80xf32, #tpu.memory_space<vmem>>
      %dma_start3A_101 = tpu.memref_squeeze %dma_start3A_100 : memref<1x128x80xf32, #tpu.memory_space<vmem>> -> memref<128x80xf32, #tpu.memory_space<vmem>>
      %dma_start3A_102 = arith.constant 0 : i32
      %dma_start3A_103 = tpu.memref_slice %arg8[%add3A_16, %dma_start3A_102] : memref<10240x80xf32, #tpu.memory_space<vmem_shared>> -> memref<128x80xf32, #tpu.memory_space<vmem_shared>>
      %dma_start3A_104 = arith.constant 0 : i32
      %dma_start3A_105 = tpu.memref_slice %arg8[%add3A_16, %dma_start3A_104] : memref<10240x80xf32, #tpu.memory_space<vmem_shared>> -> memref<128x80xf32, #tpu.memory_space<vmem_shared>>
      %dma_start3A_106 = arith.constant 0 : i32
      %dma_start3A_107 = arith.constant 0 : i32
      %dma_start3A_108 = tpu.memref_slice %arg13[%run_scoped3A_17, %dma_start3A_106, %dma_start3A_107] : memref<2x128x80xf32, #tpu.memory_space<vmem>> -> memref<1x128x80xf32, #tpu.memory_space<vmem>>
      %dma_start3A_109 = tpu.memref_squeeze %dma_start3A_108 : memref<1x128x80xf32, #tpu.memory_space<vmem>> -> memref<128x80xf32, #tpu.memory_space<vmem>>
      tpu.enqueue_dma source(%dma_start3A_109 : memref<128x80xf32, #tpu.memory_space<vmem>>) target(%dma_start3A_105 : memref<128x80xf32, #tpu.memory_space<vmem_shared>>) target_semaphore(%run_scoped3A_97 : memref<!tpu.dma_semaphore, #tpu.memory_space<semaphore_mem>>)
      %dma_wait3A_110 = arith.constant 0 : i32
      %dma_wait3A_111 = arith.constant 0 : i32
      %dma_wait3A_112 = tpu.memref_slice %arg13[%run_scoped3A_17, %dma_wait3A_110, %dma_wait3A_111] : memref<2x128x80xf32, #tpu.memory_space<vmem>> -> memref<1x128x80xf32, #tpu.memory_space<vmem>>
      %dma_wait3A_113 = tpu.memref_squeeze %dma_wait3A_112 : memref<1x128x80xf32, #tpu.memory_space<vmem>> -> memref<128x80xf32, #tpu.memory_space<vmem>>
      %dma_wait3A_114 = arith.constant 0 : i32
      %dma_wait3A_115 = tpu.memref_slice %arg8[%add3A_16, %dma_wait3A_114] : memref<10240x80xf32, #tpu.memory_space<vmem_shared>> -> memref<128x80xf32, #tpu.memory_space<vmem_shared>>
      %dma_wait3A_116 = arith.constant 0 : i32
      %dma_wait3A_117 = tpu.memref_slice %arg8[%add3A_16, %dma_wait3A_116] : memref<10240x80xf32, #tpu.memory_space<vmem_shared>> -> memref<128x80xf32, #tpu.memory_space<vmem_shared>>
      %dma_wait3A_118 = arith.constant 0 : i32
      %dma_wait3A_119 = arith.constant 0 : i32
      %dma_wait3A_120 = tpu.memref_slice %arg13[%run_scoped3A_17, %dma_wait3A_118, %dma_wait3A_119] : memref<2x128x80xf32, #tpu.memory_space<vmem>> -> memref<1x128x80xf32, #tpu.memory_space<vmem>>
      %dma_wait3A_121 = tpu.memref_squeeze %dma_wait3A_120 : memref<1x128x80xf32, #tpu.memory_space<vmem>> -> memref<128x80xf32, #tpu.memory_space<vmem>>
      tpu.wait_dma2 semaphore(%run_scoped3A_97 : memref<!tpu.dma_semaphore, #tpu.memory_space<semaphore_mem>>) src(%dma_wait3A_121 : memref<128x80xf32, #tpu.memory_space<vmem>>) dst(%dma_wait3A_117 : memref<128x80xf32, #tpu.memory_space<vmem_shared>>)
      tpu.yield
    }) : () -> ()
    %add3A_18 = arith.constant 256 : i32
    %add3A_19 = arith.addi %mul3A_2, %add3A_18 : i32
    %run_scoped3A_20 = arith.constant 0 : i32
    "tpu.region"() ({
      %run_scoped3A_97 = tpu.sem_alloc : memref<!tpu.dma_semaphore, #tpu.memory_space<semaphore_mem>>
      %dma_start3A_98 = arith.constant 0 : i32
      %dma_start3A_99 = arith.constant 0 : i32
      %dma_start3A_100 = tpu.memref_slice %arg13[%run_scoped3A_20, %dma_start3A_98, %dma_start3A_99] : memref<2x128x80xf32, #tpu.memory_space<vmem>> -> memref<1x128x80xf32, #tpu.memory_space<vmem>>
      %dma_start3A_101 = tpu.memref_squeeze %dma_start3A_100 : memref<1x128x80xf32, #tpu.memory_space<vmem>> -> memref<128x80xf32, #tpu.memory_space<vmem>>
      %dma_start3A_102 = arith.constant 0 : i32
      %dma_start3A_103 = tpu.memref_slice %arg8[%add3A_19, %dma_start3A_102] : memref<10240x80xf32, #tpu.memory_space<vmem_shared>> -> memref<128x80xf32, #tpu.memory_space<vmem_shared>>
      %dma_start3A_104 = arith.constant 0 : i32
      %dma_start3A_105 = tpu.memref_slice %arg8[%add3A_19, %dma_start3A_104] : memref<10240x80xf32, #tpu.memory_space<vmem_shared>> -> memref<128x80xf32, #tpu.memory_space<vmem_shared>>
      %dma_start3A_106 = arith.constant 0 : i32
      %dma_start3A_107 = arith.constant 0 : i32
      %dma_start3A_108 = tpu.memref_slice %arg13[%run_scoped3A_20, %dma_start3A_106, %dma_start3A_107] : memref<2x128x80xf32, #tpu.memory_space<vmem>> -> memref<1x128x80xf32, #tpu.memory_space<vmem>>
      %dma_start3A_109 = tpu.memref_squeeze %dma_start3A_108 : memref<1x128x80xf32, #tpu.memory_space<vmem>> -> memref<128x80xf32, #tpu.memory_space<vmem>>
      tpu.enqueue_dma source(%dma_start3A_109 : memref<128x80xf32, #tpu.memory_space<vmem>>) target(%dma_start3A_105 : memref<128x80xf32, #tpu.memory_space<vmem_shared>>) target_semaphore(%run_scoped3A_97 : memref<!tpu.dma_semaphore, #tpu.memory_space<semaphore_mem>>)
      %dma_wait3A_110 = arith.constant 0 : i32
      %dma_wait3A_111 = arith.constant 0 : i32
      %dma_wait3A_112 = tpu.memref_slice %arg13[%run_scoped3A_20, %dma_wait3A_110, %dma_wait3A_111] : memref<2x128x80xf32, #tpu.memory_space<vmem>> -> memref<1x128x80xf32, #tpu.memory_space<vmem>>
      %dma_wait3A_113 = tpu.memref_squeeze %dma_wait3A_112 : memref<1x128x80xf32, #tpu.memory_space<vmem>> -> memref<128x80xf32, #tpu.memory_space<vmem>>
      %dma_wait3A_114 = arith.constant 0 : i32
      %dma_wait3A_115 = tpu.memref_slice %arg8[%add3A_19, %dma_wait3A_114] : memref<10240x80xf32, #tpu.memory_space<vmem_shared>> -> memref<128x80xf32, #tpu.memory_space<vmem_shared>>
      %dma_wait3A_116 = arith.constant 0 : i32
      %dma_wait3A_117 = tpu.memref_slice %arg8[%add3A_19, %dma_wait3A_116] : memref<10240x80xf32, #tpu.memory_space<vmem_shared>> -> memref<128x80xf32, #tpu.memory_space<vmem_shared>>
      %dma_wait3A_118 = arith.constant 0 : i32
      %dma_wait3A_119 = arith.constant 0 : i32
      %dma_wait3A_120 = tpu.memref_slice %arg13[%run_scoped3A_20, %dma_wait3A_118, %dma_wait3A_119] : memref<2x128x80xf32, #tpu.memory_space<vmem>> -> memref<1x128x80xf32, #tpu.memory_space<vmem>>
      %dma_wait3A_121 = tpu.memref_squeeze %dma_wait3A_120 : memref<1x128x80xf32, #tpu.memory_space<vmem>> -> memref<128x80xf32, #tpu.memory_space<vmem>>
      tpu.wait_dma2 semaphore(%run_scoped3A_97 : memref<!tpu.dma_semaphore, #tpu.memory_space<semaphore_mem>>) src(%dma_wait3A_121 : memref<128x80xf32, #tpu.memory_space<vmem>>) dst(%dma_wait3A_117 : memref<128x80xf32, #tpu.memory_space<vmem_shared>>)
      tpu.yield
    }) : () -> ()
    %add3A_21 = arith.constant 384 : i32
    %add3A_22 = arith.addi %mul3A_2, %add3A_21 : i32
    %run_scoped3A_23 = arith.constant 0 : i32
    "tpu.region"() ({
      %run_scoped3A_97 = tpu.sem_alloc : memref<!tpu.dma_semaphore, #tpu.memory_space<semaphore_mem>>
      %dma_start3A_98 = arith.constant 0 : i32
      %dma_start3A_99 = arith.constant 0 : i32
      %dma_start3A_100 = tpu.memref_slice %arg13[%run_scoped3A_23, %dma_start3A_98, %dma_start3A_99] : memref<2x128x80xf32, #tpu.memory_space<vmem>> -> memref<1x128x80xf32, #tpu.memory_space<vmem>>
      %dma_start3A_101 = tpu.memref_squeeze %dma_start3A_100 : memref<1x128x80xf32, #tpu.memory_space<vmem>> -> memref<128x80xf32, #tpu.memory_space<vmem>>
      %dma_start3A_102 = arith.constant 0 : i32
      %dma_start3A_103 = tpu.memref_slice %arg8[%add3A_22, %dma_start3A_102] : memref<10240x80xf32, #tpu.memory_space<vmem_shared>> -> memref<128x80xf32, #tpu.memory_space<vmem_shared>>
      %dma_start3A_104 = arith.constant 0 : i32
      %dma_start3A_105 = tpu.memref_slice %arg8[%add3A_22, %dma_start3A_104] : memref<10240x80xf32, #tpu.memory_space<vmem_shared>> -> memref<128x80xf32, #tpu.memory_space<vmem_shared>>
      %dma_start3A_106 = arith.constant 0 : i32
      %dma_start3A_107 = arith.constant 0 : i32
      %dma_start3A_108 = tpu.memref_slice %arg13[%run_scoped3A_23, %dma_start3A_106, %dma_start3A_107] : memref<2x128x80xf32, #tpu.memory_space<vmem>> -> memref<1x128x80xf32, #tpu.memory_space<vmem>>
      %dma_start3A_109 = tpu.memref_squeeze %dma_start3A_108 : memref<1x128x80xf32, #tpu.memory_space<vmem>> -> memref<128x80xf32, #tpu.memory_space<vmem>>
      tpu.enqueue_dma source(%dma_start3A_109 : memref<128x80xf32, #tpu.memory_space<vmem>>) target(%dma_start3A_105 : memref<128x80xf32, #tpu.memory_space<vmem_shared>>) target_semaphore(%run_scoped3A_97 : memref<!tpu.dma_semaphore, #tpu.memory_space<semaphore_mem>>)
      %dma_wait3A_110 = arith.constant 0 : i32
      %dma_wait3A_111 = arith.constant 0 : i32
      %dma_wait3A_112 = tpu.memref_slice %arg13[%run_scoped3A_23, %dma_wait3A_110, %dma_wait3A_111] : memref<2x128x80xf32, #tpu.memory_space<vmem>> -> memref<1x128x80xf32, #tpu.memory_space<vmem>>
      %dma_wait3A_113 = tpu.memref_squeeze %dma_wait3A_112 : memref<1x128x80xf32, #tpu.memory_space<vmem>> -> memref<128x80xf32, #tpu.memory_space<vmem>>
      %dma_wait3A_114 = arith.constant 0 : i32
      %dma_wait3A_115 = tpu.memref_slice %arg8[%add3A_22, %dma_wait3A_114] : memref<10240x80xf32, #tpu.memory_space<vmem_shared>> -> memref<128x80xf32, #tpu.memory_space<vmem_shared>>
      %dma_wait3A_116 = arith.constant 0 : i32
      %dma_wait3A_117 = tpu.memref_slice %arg8[%add3A_22, %dma_wait3A_116] : memref<10240x80xf32, #tpu.memory_space<vmem_shared>> -> memref<128x80xf32, #tpu.memory_space<vmem_shared>>
      %dma_wait3A_118 = arith.constant 0 : i32
      %dma_wait3A_119 = arith.constant 0 : i32
      %dma_wait3A_120 = tpu.memref_slice %arg13[%run_scoped3A_23, %dma_wait3A_118, %dma_wait3A_119] : memref<2x128x80xf32, #tpu.memory_space<vmem>> -> memref<1x128x80xf32, #tpu.memory_space<vmem>>
      %dma_wait3A_121 = tpu.memref_squeeze %dma_wait3A_120 : memref<1x128x80xf32, #tpu.memory_space<vmem>> -> memref<128x80xf32, #tpu.memory_space<vmem>>
      tpu.wait_dma2 semaphore(%run_scoped3A_97 : memref<!tpu.dma_semaphore, #tpu.memory_space<semaphore_mem>>) src(%dma_wait3A_121 : memref<128x80xf32, #tpu.memory_space<vmem>>) dst(%dma_wait3A_117 : memref<128x80xf32, #tpu.memory_space<vmem_shared>>)
      tpu.yield
    }) : () -> ()
    %add3A_24 = arith.constant 512 : i32
    %add3A_25 = arith.addi %mul3A_2, %add3A_24 : i32
    %run_scoped3A_26 = arith.constant 0 : i32
    "tpu.region"() ({
      %run_scoped3A_97 = tpu.sem_alloc : memref<!tpu.dma_semaphore, #tpu.memory_space<semaphore_mem>>
      %dma_start3A_98 = arith.constant 0 : i32
      %dma_start3A_99 = arith.constant 0 : i32
      %dma_start3A_100 = tpu.memref_slice %arg13[%run_scoped3A_26, %dma_start3A_98, %dma_start3A_99] : memref<2x128x80xf32, #tpu.memory_space<vmem>> -> memref<1x128x80xf32, #tpu.memory_space<vmem>>
      %dma_start3A_101 = tpu.memref_squeeze %dma_start3A_100 : memref<1x128x80xf32, #tpu.memory_space<vmem>> -> memref<128x80xf32, #tpu.memory_space<vmem>>
      %dma_start3A_102 = arith.constant 0 : i32
      %dma_start3A_103 = tpu.memref_slice %arg8[%add3A_25, %dma_start3A_102] : memref<10240x80xf32, #tpu.memory_space<vmem_shared>> -> memref<128x80xf32, #tpu.memory_space<vmem_shared>>
      %dma_start3A_104 = arith.constant 0 : i32
      %dma_start3A_105 = tpu.memref_slice %arg8[%add3A_25, %dma_start3A_104] : memref<10240x80xf32, #tpu.memory_space<vmem_shared>> -> memref<128x80xf32, #tpu.memory_space<vmem_shared>>
      %dma_start3A_106 = arith.constant 0 : i32
      %dma_start3A_107 = arith.constant 0 : i32
      %dma_start3A_108 = tpu.memref_slice %arg13[%run_scoped3A_26, %dma_start3A_106, %dma_start3A_107] : memref<2x128x80xf32, #tpu.memory_space<vmem>> -> memref<1x128x80xf32, #tpu.memory_space<vmem>>
      %dma_start3A_109 = tpu.memref_squeeze %dma_start3A_108 : memref<1x128x80xf32, #tpu.memory_space<vmem>> -> memref<128x80xf32, #tpu.memory_space<vmem>>
      tpu.enqueue_dma source(%dma_start3A_109 : memref<128x80xf32, #tpu.memory_space<vmem>>) target(%dma_start3A_105 : memref<128x80xf32, #tpu.memory_space<vmem_shared>>) target_semaphore(%run_scoped3A_97 : memref<!tpu.dma_semaphore, #tpu.memory_space<semaphore_mem>>)
      %dma_wait3A_110 = arith.constant 0 : i32
      %dma_wait3A_111 = arith.constant 0 : i32
      %dma_wait3A_112 = tpu.memref_slice %arg13[%run_scoped3A_26, %dma_wait3A_110, %dma_wait3A_111] : memref<2x128x80xf32, #tpu.memory_space<vmem>> -> memref<1x128x80xf32, #tpu.memory_space<vmem>>
      %dma_wait3A_113 = tpu.memref_squeeze %dma_wait3A_112 : memref<1x128x80xf32, #tpu.memory_space<vmem>> -> memref<128x80xf32, #tpu.memory_space<vmem>>
      %dma_wait3A_114 = arith.constant 0 : i32
      %dma_wait3A_115 = tpu.memref_slice %arg8[%add3A_25, %dma_wait3A_114] : memref<10240x80xf32, #tpu.memory_space<vmem_shared>> -> memref<128x80xf32, #tpu.memory_space<vmem_shared>>
      %dma_wait3A_116 = arith.constant 0 : i32
      %dma_wait3A_117 = tpu.memref_slice %arg8[%add3A_25, %dma_wait3A_116] : memref<10240x80xf32, #tpu.memory_space<vmem_shared>> -> memref<128x80xf32, #tpu.memory_space<vmem_shared>>
      %dma_wait3A_118 = arith.constant 0 : i32
      %dma_wait3A_119 = arith.constant 0 : i32
      %dma_wait3A_120 = tpu.memref_slice %arg13[%run_scoped3A_26, %dma_wait3A_118, %dma_wait3A_119] : memref<2x128x80xf32, #tpu.memory_space<vmem>> -> memref<1x128x80xf32, #tpu.memory_space<vmem>>
      %dma_wait3A_121 = tpu.memref_squeeze %dma_wait3A_120 : memref<1x128x80xf32, #tpu.memory_space<vmem>> -> memref<128x80xf32, #tpu.memory_space<vmem>>
      tpu.wait_dma2 semaphore(%run_scoped3A_97 : memref<!tpu.dma_semaphore, #tpu.memory_space<semaphore_mem>>) src(%dma_wait3A_121 : memref<128x80xf32, #tpu.memory_space<vmem>>) dst(%dma_wait3A_117 : memref<128x80xf32, #tpu.memory_space<vmem_shared>>)
      tpu.yield
    }) : () -> ()
    %barrier3A = arith.constant 0 : index
    tpu.barrier barrier_id(%barrier3A)
    %run_scoped3A_27 = arith.constant 0 : i32
    "tpu.region"() ({
      %run_scoped3A_97 = tpu.sem_alloc : memref<!tpu.dma_semaphore, #tpu.memory_space<semaphore_mem>>
      %dma_start3A_98 = arith.constant 0 : i32
      %dma_start3A_99 = tpu.memref_slice %arg6[%run_scoped3A_27, %dma_start3A_98] : memref<8x16xf32, #tpu.memory_space<hbm>> -> memref<1x16xf32, #tpu.memory_space<hbm>>
      %dma_start3A_100 = tpu.memref_squeeze %dma_start3A_99 : memref<1x16xf32, #tpu.memory_space<hbm>> -> memref<16xf32, #tpu.memory_space<hbm>>
      %dma_start3A_101 = arith.constant 0 : i32
      %dma_start3A_102 = tpu.memref_slice %arg6[%run_scoped3A_27, %dma_start3A_101] : memref<8x16xf32, #tpu.memory_space<hbm>> -> memref<1x16xf32, #tpu.memory_space<hbm>>
      %dma_start3A_103 = tpu.memref_squeeze %dma_start3A_102 : memref<1x16xf32, #tpu.memory_space<hbm>> -> memref<16xf32, #tpu.memory_space<hbm>>
      tpu.enqueue_dma source(%dma_start3A_103 : memref<16xf32, #tpu.memory_space<hbm>>) target(%arg14 : memref<16xf32, #tpu.memory_space<vmem>>) target_semaphore(%run_scoped3A_97 : memref<!tpu.dma_semaphore, #tpu.memory_space<semaphore_mem>>)
      %dma_wait3A_104 = arith.constant 0 : i32
      %dma_wait3A_105 = tpu.memref_slice %arg6[%run_scoped3A_27, %dma_wait3A_104] : memref<8x16xf32, #tpu.memory_space<hbm>> -> memref<1x16xf32, #tpu.memory_space<hbm>>
      %dma_wait3A_106 = tpu.memref_squeeze %dma_wait3A_105 : memref<1x16xf32, #tpu.memory_space<hbm>> -> memref<16xf32, #tpu.memory_space<hbm>>
      %dma_wait3A_107 = arith.constant 0 : i32
      %dma_wait3A_108 = tpu.memref_slice %arg6[%run_scoped3A_27, %dma_wait3A_107] : memref<8x16xf32, #tpu.memory_space<hbm>> -> memref<1x16xf32, #tpu.memory_space<hbm>>
      %dma_wait3A_109 = tpu.memref_squeeze %dma_wait3A_108 : memref<1x16xf32, #tpu.memory_space<hbm>> -> memref<16xf32, #tpu.memory_space<hbm>>
      tpu.wait_dma2 semaphore(%run_scoped3A_97 : memref<!tpu.dma_semaphore, #tpu.memory_space<semaphore_mem>>) src(%dma_wait3A_109 : memref<16xf32, #tpu.memory_space<hbm>>) dst(%arg14 : memref<16xf32, #tpu.memory_space<vmem>>)
      tpu.yield
    }) : () -> ()
    %get3A = arith.constant 0 : index
    %get3A_28 = tpu.vector_load %arg14[%get3A] {strides = array<i32>} : memref<16xf32, #tpu.memory_space<vmem>>, vector<16xf32>,
    %get3A_29 = vector.shape_cast %get3A_28 : vector<16xf32> to vector<16xf32>
    %dma_start3A = arith.constant 0 : i32
    %dma_start3A_30 = arith.constant 0 : i32
    %dma_start3A_31 = arith.constant 0 : i32
    %dma_start3A_32 = arith.constant 0 : i32
    %dma_start3A_33 = arith.constant 0 : i32
    %dma_start3A_34 = tpu.memref_slice %arg11[%dma_start3A_30, %dma_start3A_32, %dma_start3A_33] : memref<2x128x80xf32, #tpu.memory_space<vmem>> -> memref<1x128x80xf32, #tpu.memory_space<vmem>>
    %dma_start3A_35 = tpu.memref_squeeze %dma_start3A_34 : memref<1x128x80xf32, #tpu.memory_space<vmem>> -> memref<128x80xf32, #tpu.memory_space<vmem>>
    %dma_start3A_36 = arith.constant 0 : i32
    %dma_start3A_37 = tpu.memref_slice %arg9[%dma_start3A, %dma_start3A_36] : memref<81x128xi32, #tpu.memory_space<vmem>> -> memref<1x128xi32, #tpu.memory_space<vmem>>
    %dma_start3A_38 = tpu.memref_squeeze %dma_start3A_37 : memref<1x128xi32, #tpu.memory_space<vmem>> -> memref<128xi32, #tpu.memory_space<vmem>>
    %dma_start3A_39 = arith.constant 0 : i32
    %dma_start3A_40 = arith.constant 0 : i32
    %dma_start3A_41 = tpu.memref_slice %arg4[%dma_start3A_39, %dma_start3A_40] : memref<10240x80xf32, #tpu.memory_space<hbm>> -> memref<10240x80xf32, #tpu.memory_space<hbm>>
    %dma_start3A_42 = tpu.memref_slice %arg15[%dma_start3A_31] : memref<2x!tpu.dma_semaphore, #tpu.memory_space<semaphore_mem>> -> memref<1x!tpu.dma_semaphore, #tpu.memory_space<semaphore_mem>>
    %dma_start3A_43 = tpu.memref_squeeze %dma_start3A_42 : memref<1x!tpu.dma_semaphore, #tpu.memory_space<semaphore_mem>> -> memref<!tpu.dma_semaphore, #tpu.memory_space<semaphore_mem>>
    tpu.enqueue_indirect_dma source(%dma_start3A_41 : memref<10240x80xf32, #tpu.memory_space<hbm>>) target(%dma_start3A_35 : memref<128x80xf32, #tpu.memory_space<vmem>>) offsets(%dma_start3A_38 : memref<128xi32, #tpu.memory_space<vmem>>) semaphore(%dma_start3A_43 : memref<!tpu.dma_semaphore, #tpu.memory_space<semaphore_mem>>)
    %dma_start3A_44 = arith.constant 0 : i32
    %dma_start3A_45 = arith.constant 0 : i32
    %dma_start3A_46 = arith.constant 0 : i32
    %dma_start3A_47 = arith.constant 0 : i32
    %dma_start3A_48 = arith.constant 0 : i32
    %dma_start3A_49 = tpu.memref_slice %arg12[%dma_start3A_45, %dma_start3A_47, %dma_start3A_48] : memref<2x128x16xf32, #tpu.memory_space<vmem>> -> memref<1x128x16xf32, #tpu.memory_space<vmem>>
    %dma_start3A_50 = tpu.memref_squeeze %dma_start3A_49 : memref<1x128x16xf32, #tpu.memory_space<vmem>> -> memref<128x16xf32, #tpu.memory_space<vmem>>
    %dma_start3A_51 = arith.constant 0 : i32
    %dma_start3A_52 = tpu.memref_slice %arg10[%dma_start3A_44, %dma_start3A_51] : memref<81x128xi32, #tpu.memory_space<vmem>> -> memref<1x128xi32, #tpu.memory_space<vmem>>
    %dma_start3A_53 = tpu.memref_squeeze %dma_start3A_52 : memref<1x128xi32, #tpu.memory_space<vmem>> -> memref<128xi32, #tpu.memory_space<vmem>>
    %dma_start3A_54 = arith.constant 0 : i32
    %dma_start3A_55 = arith.constant 0 : i32
    %dma_start3A_56 = tpu.memref_slice %arg5[%dma_start3A_54, %dma_start3A_55] : memref<10240x16xf32, #tpu.memory_space<hbm>> -> memref<10240x16xf32, #tpu.memory_space<hbm>>
    %dma_start3A_57 = tpu.memref_slice %arg15[%dma_start3A_46] : memref<2x!tpu.dma_semaphore, #tpu.memory_space<semaphore_mem>> -> memref<1x!tpu.dma_semaphore, #tpu.memory_space<semaphore_mem>>
    %dma_start3A_58 = tpu.memref_squeeze %dma_start3A_57 : memref<1x!tpu.dma_semaphore, #tpu.memory_space<semaphore_mem>> -> memref<!tpu.dma_semaphore, #tpu.memory_space<semaphore_mem>>
    tpu.enqueue_indirect_dma source(%dma_start3A_56 : memref<10240x16xf32, #tpu.memory_space<hbm>>) target(%dma_start3A_50 : memref<128x16xf32, #tpu.memory_space<vmem>>) offsets(%dma_start3A_53 : memref<128xi32, #tpu.memory_space<vmem>>) semaphore(%dma_start3A_58 : memref<!tpu.dma_semaphore, #tpu.memory_space<semaphore_mem>>)
    %scan3A_59 = arith.constant 0 : i32
    %scan3A_60 = arith.constant 1 : i32
    %scan3A_61 = arith.constant 81 : i32
    %scan3A_62 = arith.addi %scan3A_60, %scan3A_61 : i32
    %scan3A_63 = arith.constant 1 : i32
    %scan3A_64 = scf.for %scan3A_97 = %scan3A_60 to %scan3A_62 step %scan3A_63 iter_args(%scan3A_98 = %scan3A_59) -> (i32)  : i32 {
      %rem3A_99 = arith.constant 2 : i32
      %rem3A_100 = arith.remsi %scan3A_97, %rem3A_99 : i32
      %lt3A = arith.constant 81 : i32
      %lt3A_101 = arith.cmpi slt, %scan3A_97, %lt3A : i32
      %convert_element_type3A = arith.extui %lt3A_101 : i1 to i32
      %cond3A = arith.constant 0 : i32
      %cond3A_102 = arith.cmpi ne, %convert_element_type3A, %cond3A : i32
      scf.if %cond3A_102 {
        %dma_start3A_158 = arith.constant 0 : i32
        %dma_start3A_159 = arith.constant 0 : i32
        %dma_start3A_160 = tpu.memref_slice %arg11[%rem3A_100, %dma_start3A_158, %dma_start3A_159] : memref<2x128x80xf32, #tpu.memory_space<vmem>> -> memref<1x128x80xf32, #tpu.memory_space<vmem>>
        %dma_start3A_161 = tpu.memref_squeeze %dma_start3A_160 : memref<1x128x80xf32, #tpu.memory_space<vmem>> -> memref<128x80xf32, #tpu.memory_space<vmem>>
        %dma_start3A_162 = arith.constant 0 : i32
        %dma_start3A_163 = tpu.memref_slice %arg9[%scan3A_97, %dma_start3A_162] : memref<81x128xi32, #tpu.memory_space<vmem>> -> memref<1x128xi32, #tpu.memory_space<vmem>>
        %dma_start3A_164 = tpu.memref_squeeze %dma_start3A_163 : memref<1x128xi32, #tpu.memory_space<vmem>> -> memref<128xi32, #tpu.memory_space<vmem>>
        %dma_start3A_165 = arith.constant 0 : i32
        %dma_start3A_166 = arith.constant 0 : i32
        %dma_start3A_167 = tpu.memref_slice %arg4[%dma_start3A_165, %dma_start3A_166] : memref<10240x80xf32, #tpu.memory_space<hbm>> -> memref<10240x80xf32, #tpu.memory_space<hbm>>
        %dma_start3A_168 = tpu.memref_slice %arg15[%rem3A_100] : memref<2x!tpu.dma_semaphore, #tpu.memory_space<semaphore_mem>> -> memref<1x!tpu.dma_semaphore, #tpu.memory_space<semaphore_mem>>
        %dma_start3A_169 = tpu.memref_squeeze %dma_start3A_168 : memref<1x!tpu.dma_semaphore, #tpu.memory_space<semaphore_mem>> -> memref<!tpu.dma_semaphore, #tpu.memory_space<semaphore_mem>>
        tpu.enqueue_indirect_dma source(%dma_start3A_167 : memref<10240x80xf32, #tpu.memory_space<hbm>>) target(%dma_start3A_161 : memref<128x80xf32, #tpu.memory_space<vmem>>) offsets(%dma_start3A_164 : memref<128xi32, #tpu.memory_space<vmem>>) semaphore(%dma_start3A_169 : memref<!tpu.dma_semaphore, #tpu.memory_space<semaphore_mem>>)
        %dma_start3A_170 = arith.constant 0 : i32
        %dma_start3A_171 = arith.constant 0 : i32
        %dma_start3A_172 = tpu.memref_slice %arg12[%rem3A_100, %dma_start3A_170, %dma_start3A_171] : memref<2x128x16xf32, #tpu.memory_space<vmem>> -> memref<1x128x16xf32, #tpu.memory_space<vmem>>
        %dma_start3A_173 = tpu.memref_squeeze %dma_start3A_172 : memref<1x128x16xf32, #tpu.memory_space<vmem>> -> memref<128x16xf32, #tpu.memory_space<vmem>>
        %dma_start3A_174 = arith.constant 0 : i32
        %dma_start3A_175 = tpu.memref_slice %arg10[%scan3A_97, %dma_start3A_174] : memref<81x128xi32, #tpu.memory_space<vmem>> -> memref<1x128xi32, #tpu.memory_space<vmem>>
        %dma_start3A_176 = tpu.memref_squeeze %dma_start3A_175 : memref<1x128xi32, #tpu.memory_space<vmem>> -> memref<128xi32, #tpu.memory_space<vmem>>
        %dma_start3A_177 = arith.constant 0 : i32
        %dma_start3A_178 = arith.constant 0 : i32
        %dma_start3A_179 = tpu.memref_slice %arg5[%dma_start3A_177, %dma_start3A_178] : memref<10240x16xf32, #tpu.memory_space<hbm>> -> memref<10240x16xf32, #tpu.memory_space<hbm>>
        %dma_start3A_180 = tpu.memref_slice %arg15[%rem3A_100] : memref<2x!tpu.dma_semaphore, #tpu.memory_space<semaphore_mem>> -> memref<1x!tpu.dma_semaphore, #tpu.memory_space<semaphore_mem>>
        %dma_start3A_181 = tpu.memref_squeeze %dma_start3A_180 : memref<1x!tpu.dma_semaphore, #tpu.memory_space<semaphore_mem>> -> memref<!tpu.dma_semaphore, #tpu.memory_space<semaphore_mem>>
        tpu.enqueue_indirect_dma source(%dma_start3A_179 : memref<10240x16xf32, #tpu.memory_space<hbm>>) target(%dma_start3A_173 : memref<128x16xf32, #tpu.memory_space<vmem>>) offsets(%dma_start3A_176 : memref<128xi32, #tpu.memory_space<vmem>>) semaphore(%dma_start3A_181 : memref<!tpu.dma_semaphore, #tpu.memory_space<semaphore_mem>>)
      } else {
      }
      %sub3A = arith.constant 1 : i32
      %sub3A_103 = arith.subi %scan3A_97, %sub3A : i32
      %rem3A_104 = arith.constant 2 : i32
      %rem3A_105 = arith.remsi %sub3A_103, %rem3A_104 : i32
      %dma_wait3A_106 = arith.constant 0 : i32
      %dma_wait3A_107 = arith.constant 0 : i32
      %dma_wait3A_108 = arith.constant 0 : i32
      %dma_wait3A_109 = tpu.memref_slice %arg11[%rem3A_105, %dma_wait3A_107, %dma_wait3A_108] : memref<2x128x80xf32, #tpu.memory_space<vmem>> -> memref<1x128x80xf32, #tpu.memory_space<vmem>>
      %dma_wait3A_110 = tpu.memref_squeeze %dma_wait3A_109 : memref<1x128x80xf32, #tpu.memory_space<vmem>> -> memref<128x80xf32, #tpu.memory_space<vmem>>
      %dma_wait3A_111 = arith.constant 0 : i32
      %dma_wait3A_112 = tpu.memref_slice %arg9[%dma_wait3A_106, %dma_wait3A_111] : memref<81x128xi32, #tpu.memory_space<vmem>> -> memref<1x128xi32, #tpu.memory_space<vmem>>
      %dma_wait3A_113 = tpu.memref_squeeze %dma_wait3A_112 : memref<1x128xi32, #tpu.memory_space<vmem>> -> memref<128xi32, #tpu.memory_space<vmem>>
      %dma_wait3A_114 = arith.constant 0 : i32
      %dma_wait3A_115 = arith.constant 0 : i32
      %dma_wait3A_116 = tpu.memref_slice %arg4[%dma_wait3A_114, %dma_wait3A_115] : memref<10240x80xf32, #tpu.memory_space<hbm>> -> memref<10240x80xf32, #tpu.memory_space<hbm>>
      %dma_wait3A_117 = tpu.memref_slice %arg15[%rem3A_105] : memref<2x!tpu.dma_semaphore, #tpu.memory_space<semaphore_mem>> -> memref<1x!tpu.dma_semaphore, #tpu.memory_space<semaphore_mem>>
      %dma_wait3A_118 = tpu.memref_squeeze %dma_wait3A_117 : memref<1x!tpu.dma_semaphore, #tpu.memory_space<semaphore_mem>> -> memref<!tpu.dma_semaphore, #tpu.memory_space<semaphore_mem>>
      tpu.wait_indirect_dma semaphore(%dma_wait3A_118 : memref<!tpu.dma_semaphore, #tpu.memory_space<semaphore_mem>>) src(%dma_wait3A_116 : memref<10240x80xf32, #tpu.memory_space<hbm>>) dst(%dma_wait3A_110 : memref<128x80xf32, #tpu.memory_space<vmem>>)
      %dma_wait3A_119 = arith.constant 0 : i32
      %dma_wait3A_120 = arith.constant 0 : i32
      %dma_wait3A_121 = arith.constant 0 : i32
      %dma_wait3A_122 = tpu.memref_slice %arg12[%rem3A_105, %dma_wait3A_120, %dma_wait3A_121] : memref<2x128x16xf32, #tpu.memory_space<vmem>> -> memref<1x128x16xf32, #tpu.memory_space<vmem>>
      %dma_wait3A_123 = tpu.memref_squeeze %dma_wait3A_122 : memref<1x128x16xf32, #tpu.memory_space<vmem>> -> memref<128x16xf32, #tpu.memory_space<vmem>>
      %dma_wait3A_124 = arith.constant 0 : i32
      %dma_wait3A_125 = tpu.memref_slice %arg10[%dma_wait3A_119, %dma_wait3A_124] : memref<81x128xi32, #tpu.memory_space<vmem>> -> memref<1x128xi32, #tpu.memory_space<vmem>>
      %dma_wait3A_126 = tpu.memref_squeeze %dma_wait3A_125 : memref<1x128xi32, #tpu.memory_space<vmem>> -> memref<128xi32, #tpu.memory_space<vmem>>
      %dma_wait3A_127 = arith.constant 0 : i32
      %dma_wait3A_128 = arith.constant 0 : i32
      %dma_wait3A_129 = tpu.memref_slice %arg5[%dma_wait3A_127, %dma_wait3A_128] : memref<10240x16xf32, #tpu.memory_space<hbm>> -> memref<10240x16xf32, #tpu.memory_space<hbm>>
      %dma_wait3A_130 = tpu.memref_slice %arg15[%rem3A_105] : memref<2x!tpu.dma_semaphore, #tpu.memory_space<semaphore_mem>> -> memref<1x!tpu.dma_semaphore, #tpu.memory_space<semaphore_mem>>
      %dma_wait3A_131 = tpu.memref_squeeze %dma_wait3A_130 : memref<1x!tpu.dma_semaphore, #tpu.memory_space<semaphore_mem>> -> memref<!tpu.dma_semaphore, #tpu.memory_space<semaphore_mem>>
      tpu.wait_indirect_dma semaphore(%dma_wait3A_131 : memref<!tpu.dma_semaphore, #tpu.memory_space<semaphore_mem>>) src(%dma_wait3A_129 : memref<10240x16xf32, #tpu.memory_space<hbm>>) dst(%dma_wait3A_123 : memref<128x16xf32, #tpu.memory_space<vmem>>)
      %ge3A = arith.constant 2 : i32
      %ge3A_132 = arith.cmpi sge, %sub3A_103, %ge3A : i32
      %convert_element_type3A_133 = arith.extui %ge3A_132 : i1 to i32
      %cond3A_134 = arith.constant 0 : i32
      %cond3A_135 = arith.cmpi ne, %convert_element_type3A_133, %cond3A_134 : i32
      scf.if %cond3A_135 {
        %dma_wait3A_158 = arith.constant 0 : i32
        %dma_wait3A_159 = arith.constant 0 : i32
        %dma_wait3A_160 = arith.constant 0 : i32
        %dma_wait3A_161 = tpu.memref_slice %arg13[%rem3A_105, %dma_wait3A_159, %dma_wait3A_160] : memref<2x128x80xf32, #tpu.memory_space<vmem>> -> memref<1x128x80xf32, #tpu.memory_space<vmem>>
        %dma_wait3A_162 = tpu.memref_squeeze %dma_wait3A_161 : memref<1x128x80xf32, #tpu.memory_space<vmem>> -> memref<128x80xf32, #tpu.memory_space<vmem>>
        %dma_wait3A_163 = arith.constant 0 : i32
        %dma_wait3A_164 = tpu.memref_slice %arg10[%dma_wait3A_158, %dma_wait3A_163] : memref<81x128xi32, #tpu.memory_space<vmem>> -> memref<1x128xi32, #tpu.memory_space<vmem>>
        %dma_wait3A_165 = tpu.memref_squeeze %dma_wait3A_164 : memref<1x128xi32, #tpu.memory_space<vmem>> -> memref<128xi32, #tpu.memory_space<vmem>>
        %dma_wait3A_166 = arith.constant 0 : i32
        %dma_wait3A_167 = arith.constant 0 : i32
        %dma_wait3A_168 = tpu.memref_slice %arg8[%dma_wait3A_166, %dma_wait3A_167] : memref<10240x80xf32, #tpu.memory_space<vmem_shared>> -> memref<10240x80xf32, #tpu.memory_space<vmem_shared>>
        %dma_wait3A_169 = tpu.memref_slice %arg16[%rem3A_105] : memref<2x!tpu.dma_semaphore, #tpu.memory_space<semaphore_mem>> -> memref<1x!tpu.dma_semaphore, #tpu.memory_space<semaphore_mem>>
        %dma_wait3A_170 = tpu.memref_squeeze %dma_wait3A_169 : memref<1x!tpu.dma_semaphore, #tpu.memory_space<semaphore_mem>> -> memref<!tpu.dma_semaphore, #tpu.memory_space<semaphore_mem>>
        tpu.wait_indirect_dma semaphore(%dma_wait3A_170 : memref<!tpu.dma_semaphore, #tpu.memory_space<semaphore_mem>>) src(%dma_wait3A_162 : memref<128x80xf32, #tpu.memory_space<vmem>>) dst(%dma_wait3A_168 : memref<10240x80xf32, #tpu.memory_space<vmem_shared>>)
      } else {
      }
      %eq3A = arith.constant 0 : i32
      %eq3A_136 = arith.cmpi eq, %rem3A_105, %eq3A : i32
      %convert_element_type3A_137 = arith.extui %eq3A_136 : i1 to i32
      %cond3A_138 = arith.constant 0 : i32
      %cond3A_139 = arith.cmpi ne, %convert_element_type3A_137, %cond3A_138 : i32
      scf.if %cond3A_139 {
        %parallel_loop3A = arith.constant 0 : i32
        %parallel_loop3A_158 = arith.constant 128 : i32
        %parallel_loop3A_159 = arith.constant 1 : i32
        scf.for %parallel_loop3A_160 = %parallel_loop3A to %parallel_loop3A_158 step %parallel_loop3A_159  : i32 {
          %parallel_loop3A_161 = arith.constant 0 : i32
          %parallel_loop3A_162 = arith.index_cast %parallel_loop3A_161 : i32 to index
          %parallel_loop3A_163 = arith.index_cast %parallel_loop3A_160 : i32 to index
          %parallel_loop3A_164 = arith.constant 64 : index
          %parallel_loop3A_165 = tpu.vector_load %arg11[%parallel_loop3A_162, %parallel_loop3A_163, %parallel_loop3A_164] {strides = array<i32>} : memref<2x128x80xf32, #tpu.memory_space<vmem>>, vector<1x1x16xf32>,
          %parallel_loop3A_166 = vector.shape_cast %parallel_loop3A_165 : vector<1x1x16xf32> to vector<16xf32>
          %parallel_loop3A_167 = arith.constant 0 : i32
          %parallel_loop3A_168 = arith.index_cast %parallel_loop3A_167 : i32 to index
          %parallel_loop3A_169 = arith.index_cast %parallel_loop3A_160 : i32 to index
          %parallel_loop3A_170 = arith.constant 0 : index
          %parallel_loop3A_171 = tpu.vector_load %arg12[%parallel_loop3A_168, %parallel_loop3A_169, %parallel_loop3A_170] {strides = array<i32>} : memref<2x128x16xf32, #tpu.memory_space<vmem>>, vector<1x1x16xf32>,
          %parallel_loop3A_172 = vector.shape_cast %parallel_loop3A_171 : vector<1x1x16xf32> to vector<16xf32>
          %parallel_loop3A_173 = arith.addf %parallel_loop3A_166, %parallel_loop3A_172 : vector<16xf32>
          %parallel_loop3A_174 = arith.constant 2.000000e-01 : f32
          %parallel_loop3A_175 = vector.broadcast %parallel_loop3A_174 : f32 to vector<16xf32>
          %parallel_loop3A_176 = arith.mulf %parallel_loop3A_175, %parallel_loop3A_173 : vector<16xf32>
          %parallel_loop3A_177 = arith.maximumf %parallel_loop3A_173, %parallel_loop3A_176 : vector<16xf32>
          %parallel_loop3A_178 = arith.addf %get3A_29, %parallel_loop3A_172 : vector<16xf32>
          %parallel_loop3A_179 = arith.constant 2.000000e-01 : f32
          %parallel_loop3A_180 = vector.broadcast %parallel_loop3A_179 : f32 to vector<16xf32>
          %parallel_loop3A_181 = arith.mulf %parallel_loop3A_180, %parallel_loop3A_178 : vector<16xf32>
          %parallel_loop3A_182 = arith.maximumf %parallel_loop3A_178, %parallel_loop3A_181 : vector<16xf32>
          %parallel_loop3A_183 = arith.subf %parallel_loop3A_177, %parallel_loop3A_182 : vector<16xf32>
          %parallel_loop3A_184 = math.exp %parallel_loop3A_183 : vector<16xf32>
          %parallel_loop3A_185 = arith.constant 0 : i32
          %parallel_loop3A_186 = arith.index_cast %parallel_loop3A_185 : i32 to index
          %parallel_loop3A_187 = arith.index_cast %parallel_loop3A_160 : i32 to index
          %parallel_loop3A_188 = arith.constant 64 : index
          %parallel_loop3A_189 = tpu.vector_load %arg13[%parallel_loop3A_186, %parallel_loop3A_187, %parallel_loop3A_188] {strides = array<i32>} : memref<2x128x80xf32, #tpu.memory_space<vmem>>, vector<1x1x16xf32>,
          %parallel_loop3A_190 = vector.shape_cast %parallel_loop3A_189 : vector<1x1x16xf32> to vector<16xf32>
          %parallel_loop3A_191 = vector.shape_cast %parallel_loop3A_184 : vector<16xf32> to vector<1x1x16xf32>
          tpu.vector_store %arg13[%parallel_loop3A_186, %parallel_loop3A_187, %parallel_loop3A_188], %parallel_loop3A_191 {strides = array<i32>} : memref<2x128x80xf32, #tpu.memory_space<vmem>>, vector<1x1x16xf32>,
          %parallel_loop3A_192 = arith.constant 0 : i32
          %parallel_loop3A_193 = arith.index_cast %parallel_loop3A_192 : i32 to index
          %parallel_loop3A_194 = arith.index_cast %parallel_loop3A_160 : i32 to index
          %parallel_loop3A_195 = arith.constant 0 : index
          %parallel_loop3A_196 = tpu.vector_load %arg11[%parallel_loop3A_193, %parallel_loop3A_194, %parallel_loop3A_195] {strides = array<i32>} : memref<2x128x80xf32, #tpu.memory_space<vmem>>, vector<1x1x16xf32>,
          %parallel_loop3A_197 = vector.shape_cast %parallel_loop3A_196 : vector<1x1x16xf32> to vector<16xf32>
          %parallel_loop3A_198 = arith.mulf %parallel_loop3A_197, %parallel_loop3A_184 : vector<16xf32>
          %parallel_loop3A_199 = arith.constant 0 : i32
          %parallel_loop3A_200 = arith.index_cast %parallel_loop3A_199 : i32 to index
          %parallel_loop3A_201 = arith.index_cast %parallel_loop3A_160 : i32 to index
          %parallel_loop3A_202 = arith.constant 0 : index
          %parallel_loop3A_203 = tpu.vector_load %arg13[%parallel_loop3A_200, %parallel_loop3A_201, %parallel_loop3A_202] {strides = array<i32>} : memref<2x128x80xf32, #tpu.memory_space<vmem>>, vector<1x1x16xf32>,
          %parallel_loop3A_204 = vector.shape_cast %parallel_loop3A_203 : vector<1x1x16xf32> to vector<16xf32>
          %parallel_loop3A_205 = vector.shape_cast %parallel_loop3A_198 : vector<16xf32> to vector<1x1x16xf32>
          tpu.vector_store %arg13[%parallel_loop3A_200, %parallel_loop3A_201, %parallel_loop3A_202], %parallel_loop3A_205 {strides = array<i32>} : memref<2x128x80xf32, #tpu.memory_space<vmem>>, vector<1x1x16xf32>,
          %parallel_loop3A_206 = arith.constant 0 : i32
          %parallel_loop3A_207 = arith.index_cast %parallel_loop3A_206 : i32 to index
          %parallel_loop3A_208 = arith.index_cast %parallel_loop3A_160 : i32 to index
          %parallel_loop3A_209 = arith.constant 16 : index
          %parallel_loop3A_210 = tpu.vector_load %arg11[%parallel_loop3A_207, %parallel_loop3A_208, %parallel_loop3A_209] {strides = array<i32>} : memref<2x128x80xf32, #tpu.memory_space<vmem>>, vector<1x1x16xf32>,
          %parallel_loop3A_211 = vector.shape_cast %parallel_loop3A_210 : vector<1x1x16xf32> to vector<16xf32>
          %parallel_loop3A_212 = arith.mulf %parallel_loop3A_211, %parallel_loop3A_184 : vector<16xf32>
          %parallel_loop3A_213 = arith.constant 0 : i32
          %parallel_loop3A_214 = arith.index_cast %parallel_loop3A_213 : i32 to index
          %parallel_loop3A_215 = arith.index_cast %parallel_loop3A_160 : i32 to index
          %parallel_loop3A_216 = arith.constant 16 : index
          %parallel_loop3A_217 = tpu.vector_load %arg13[%parallel_loop3A_214, %parallel_loop3A_215, %parallel_loop3A_216] {strides = array<i32>} : memref<2x128x80xf32, #tpu.memory_space<vmem>>, vector<1x1x16xf32>,
          %parallel_loop3A_218 = vector.shape_cast %parallel_loop3A_217 : vector<1x1x16xf32> to vector<16xf32>
          %parallel_loop3A_219 = vector.shape_cast %parallel_loop3A_212 : vector<16xf32> to vector<1x1x16xf32>
          tpu.vector_store %arg13[%parallel_loop3A_214, %parallel_loop3A_215, %parallel_loop3A_216], %parallel_loop3A_219 {strides = array<i32>} : memref<2x128x80xf32, #tpu.memory_space<vmem>>, vector<1x1x16xf32>,
          %parallel_loop3A_220 = arith.constant 0 : i32
          %parallel_loop3A_221 = arith.index_cast %parallel_loop3A_220 : i32 to index
          %parallel_loop3A_222 = arith.index_cast %parallel_loop3A_160 : i32 to index
          %parallel_loop3A_223 = arith.constant 32 : index
          %parallel_loop3A_224 = tpu.vector_load %arg11[%parallel_loop3A_221, %parallel_loop3A_222, %parallel_loop3A_223] {strides = array<i32>} : memref<2x128x80xf32, #tpu.memory_space<vmem>>, vector<1x1x16xf32>,
          %parallel_loop3A_225 = vector.shape_cast %parallel_loop3A_224 : vector<1x1x16xf32> to vector<16xf32>
          %parallel_loop3A_226 = arith.mulf %parallel_loop3A_225, %parallel_loop3A_184 : vector<16xf32>
          %parallel_loop3A_227 = arith.constant 0 : i32
          %parallel_loop3A_228 = arith.index_cast %parallel_loop3A_227 : i32 to index
          %parallel_loop3A_229 = arith.index_cast %parallel_loop3A_160 : i32 to index
          %parallel_loop3A_230 = arith.constant 32 : index
          %parallel_loop3A_231 = tpu.vector_load %arg13[%parallel_loop3A_228, %parallel_loop3A_229, %parallel_loop3A_230] {strides = array<i32>} : memref<2x128x80xf32, #tpu.memory_space<vmem>>, vector<1x1x16xf32>,
          %parallel_loop3A_232 = vector.shape_cast %parallel_loop3A_231 : vector<1x1x16xf32> to vector<16xf32>
          %parallel_loop3A_233 = vector.shape_cast %parallel_loop3A_226 : vector<16xf32> to vector<1x1x16xf32>
          tpu.vector_store %arg13[%parallel_loop3A_228, %parallel_loop3A_229, %parallel_loop3A_230], %parallel_loop3A_233 {strides = array<i32>} : memref<2x128x80xf32, #tpu.memory_space<vmem>>, vector<1x1x16xf32>,
          %parallel_loop3A_234 = arith.constant 0 : i32
          %parallel_loop3A_235 = arith.index_cast %parallel_loop3A_234 : i32 to index
          %parallel_loop3A_236 = arith.index_cast %parallel_loop3A_160 : i32 to index
          %parallel_loop3A_237 = arith.constant 48 : index
          %parallel_loop3A_238 = tpu.vector_load %arg11[%parallel_loop3A_235, %parallel_loop3A_236, %parallel_loop3A_237] {strides = array<i32>} : memref<2x128x80xf32, #tpu.memory_space<vmem>>, vector<1x1x16xf32>,
          %parallel_loop3A_239 = vector.shape_cast %parallel_loop3A_238 : vector<1x1x16xf32> to vector<16xf32>
          %parallel_loop3A_240 = arith.mulf %parallel_loop3A_239, %parallel_loop3A_184 : vector<16xf32>
          %parallel_loop3A_241 = arith.constant 0 : i32
          %parallel_loop3A_242 = arith.index_cast %parallel_loop3A_241 : i32 to index
          %parallel_loop3A_243 = arith.index_cast %parallel_loop3A_160 : i32 to index
          %parallel_loop3A_244 = arith.constant 48 : index
          %parallel_loop3A_245 = tpu.vector_load %arg13[%parallel_loop3A_242, %parallel_loop3A_243, %parallel_loop3A_244] {strides = array<i32>} : memref<2x128x80xf32, #tpu.memory_space<vmem>>, vector<1x1x16xf32>,
          %parallel_loop3A_246 = vector.shape_cast %parallel_loop3A_245 : vector<1x1x16xf32> to vector<16xf32>
          %parallel_loop3A_247 = vector.shape_cast %parallel_loop3A_240 : vector<16xf32> to vector<1x1x16xf32>
          tpu.vector_store %arg13[%parallel_loop3A_242, %parallel_loop3A_243, %parallel_loop3A_244], %parallel_loop3A_247 {strides = array<i32>} : memref<2x128x80xf32, #tpu.memory_space<vmem>>, vector<1x1x16xf32>,
        } {sc.loop_unroll_factor = 8 : i64, sc.parallel_access}
      } else {
      }
      %eq3A_140 = arith.constant 1 : i32
      %eq3A_141 = arith.cmpi eq, %rem3A_105, %eq3A_140 : i32
      %convert_element_type3A_142 = arith.extui %eq3A_141 : i1 to i32
      %cond3A_143 = arith.constant 0 : i32
      %cond3A_144 = arith.cmpi ne, %convert_element_type3A_142, %cond3A_143 : i32
      scf.if %cond3A_144 {
        %parallel_loop3A = arith.constant 0 : i32
        %parallel_loop3A_158 = arith.constant 128 : i32
        %parallel_loop3A_159 = arith.constant 1 : i32
        scf.for %parallel_loop3A_160 = %parallel_loop3A to %parallel_loop3A_158 step %parallel_loop3A_159  : i32 {
          %parallel_loop3A_161 = arith.constant 1 : i32
          %parallel_loop3A_162 = arith.index_cast %parallel_loop3A_161 : i32 to index
          %parallel_loop3A_163 = arith.index_cast %parallel_loop3A_160 : i32 to index
          %parallel_loop3A_164 = arith.constant 64 : index
          %parallel_loop3A_165 = tpu.vector_load %arg11[%parallel_loop3A_162, %parallel_loop3A_163, %parallel_loop3A_164] {strides = array<i32>} : memref<2x128x80xf32, #tpu.memory_space<vmem>>, vector<1x1x16xf32>,
          %parallel_loop3A_166 = vector.shape_cast %parallel_loop3A_165 : vector<1x1x16xf32> to vector<16xf32>
          %parallel_loop3A_167 = arith.constant 1 : i32
          %parallel_loop3A_168 = arith.index_cast %parallel_loop3A_167 : i32 to index
          %parallel_loop3A_169 = arith.index_cast %parallel_loop3A_160 : i32 to index
          %parallel_loop3A_170 = arith.constant 0 : index
          %parallel_loop3A_171 = tpu.vector_load %arg12[%parallel_loop3A_168, %parallel_loop3A_169, %parallel_loop3A_170] {strides = array<i32>} : memref<2x128x16xf32, #tpu.memory_space<vmem>>, vector<1x1x16xf32>,
          %parallel_loop3A_172 = vector.shape_cast %parallel_loop3A_171 : vector<1x1x16xf32> to vector<16xf32>
          %parallel_loop3A_173 = arith.addf %parallel_loop3A_166, %parallel_loop3A_172 : vector<16xf32>
          %parallel_loop3A_174 = arith.constant 2.000000e-01 : f32
          %parallel_loop3A_175 = vector.broadcast %parallel_loop3A_174 : f32 to vector<16xf32>
          %parallel_loop3A_176 = arith.mulf %parallel_loop3A_175, %parallel_loop3A_173 : vector<16xf32>
          %parallel_loop3A_177 = arith.maximumf %parallel_loop3A_173, %parallel_loop3A_176 : vector<16xf32>
          %parallel_loop3A_178 = arith.addf %get3A_29, %parallel_loop3A_172 : vector<16xf32>
          %parallel_loop3A_179 = arith.constant 2.000000e-01 : f32
          %parallel_loop3A_180 = vector.broadcast %parallel_loop3A_179 : f32 to vector<16xf32>
          %parallel_loop3A_181 = arith.mulf %parallel_loop3A_180, %parallel_loop3A_178 : vector<16xf32>
          %parallel_loop3A_182 = arith.maximumf %parallel_loop3A_178, %parallel_loop3A_181 : vector<16xf32>
          %parallel_loop3A_183 = arith.subf %parallel_loop3A_177, %parallel_loop3A_182 : vector<16xf32>
          %parallel_loop3A_184 = math.exp %parallel_loop3A_183 : vector<16xf32>
          %parallel_loop3A_185 = arith.constant 1 : i32
          %parallel_loop3A_186 = arith.index_cast %parallel_loop3A_185 : i32 to index
          %parallel_loop3A_187 = arith.index_cast %parallel_loop3A_160 : i32 to index
          %parallel_loop3A_188 = arith.constant 64 : index
          %parallel_loop3A_189 = tpu.vector_load %arg13[%parallel_loop3A_186, %parallel_loop3A_187, %parallel_loop3A_188] {strides = array<i32>} : memref<2x128x80xf32, #tpu.memory_space<vmem>>, vector<1x1x16xf32>,
          %parallel_loop3A_190 = vector.shape_cast %parallel_loop3A_189 : vector<1x1x16xf32> to vector<16xf32>
          %parallel_loop3A_191 = vector.shape_cast %parallel_loop3A_184 : vector<16xf32> to vector<1x1x16xf32>
          tpu.vector_store %arg13[%parallel_loop3A_186, %parallel_loop3A_187, %parallel_loop3A_188], %parallel_loop3A_191 {strides = array<i32>} : memref<2x128x80xf32, #tpu.memory_space<vmem>>, vector<1x1x16xf32>,
          %parallel_loop3A_192 = arith.constant 1 : i32
          %parallel_loop3A_193 = arith.index_cast %parallel_loop3A_192 : i32 to index
          %parallel_loop3A_194 = arith.index_cast %parallel_loop3A_160 : i32 to index
          %parallel_loop3A_195 = arith.constant 0 : index
          %parallel_loop3A_196 = tpu.vector_load %arg11[%parallel_loop3A_193, %parallel_loop3A_194, %parallel_loop3A_195] {strides = array<i32>} : memref<2x128x80xf32, #tpu.memory_space<vmem>>, vector<1x1x16xf32>,
          %parallel_loop3A_197 = vector.shape_cast %parallel_loop3A_196 : vector<1x1x16xf32> to vector<16xf32>
          %parallel_loop3A_198 = arith.mulf %parallel_loop3A_197, %parallel_loop3A_184 : vector<16xf32>
          %parallel_loop3A_199 = arith.constant 1 : i32
          %parallel_loop3A_200 = arith.index_cast %parallel_loop3A_199 : i32 to index
          %parallel_loop3A_201 = arith.index_cast %parallel_loop3A_160 : i32 to index
          %parallel_loop3A_202 = arith.constant 0 : index
          %parallel_loop3A_203 = tpu.vector_load %arg13[%parallel_loop3A_200, %parallel_loop3A_201, %parallel_loop3A_202] {strides = array<i32>} : memref<2x128x80xf32, #tpu.memory_space<vmem>>, vector<1x1x16xf32>,
          %parallel_loop3A_204 = vector.shape_cast %parallel_loop3A_203 : vector<1x1x16xf32> to vector<16xf32>
          %parallel_loop3A_205 = vector.shape_cast %parallel_loop3A_198 : vector<16xf32> to vector<1x1x16xf32>
          tpu.vector_store %arg13[%parallel_loop3A_200, %parallel_loop3A_201, %parallel_loop3A_202], %parallel_loop3A_205 {strides = array<i32>} : memref<2x128x80xf32, #tpu.memory_space<vmem>>, vector<1x1x16xf32>,
          %parallel_loop3A_206 = arith.constant 1 : i32
          %parallel_loop3A_207 = arith.index_cast %parallel_loop3A_206 : i32 to index
          %parallel_loop3A_208 = arith.index_cast %parallel_loop3A_160 : i32 to index
          %parallel_loop3A_209 = arith.constant 16 : index
          %parallel_loop3A_210 = tpu.vector_load %arg11[%parallel_loop3A_207, %parallel_loop3A_208, %parallel_loop3A_209] {strides = array<i32>} : memref<2x128x80xf32, #tpu.memory_space<vmem>>, vector<1x1x16xf32>,
          %parallel_loop3A_211 = vector.shape_cast %parallel_loop3A_210 : vector<1x1x16xf32> to vector<16xf32>
          %parallel_loop3A_212 = arith.mulf %parallel_loop3A_211, %parallel_loop3A_184 : vector<16xf32>
          %parallel_loop3A_213 = arith.constant 1 : i32
          %parallel_loop3A_214 = arith.index_cast %parallel_loop3A_213 : i32 to index
          %parallel_loop3A_215 = arith.index_cast %parallel_loop3A_160 : i32 to index
          %parallel_loop3A_216 = arith.constant 16 : index
          %parallel_loop3A_217 = tpu.vector_load %arg13[%parallel_loop3A_214, %parallel_loop3A_215, %parallel_loop3A_216] {strides = array<i32>} : memref<2x128x80xf32, #tpu.memory_space<vmem>>, vector<1x1x16xf32>,
          %parallel_loop3A_218 = vector.shape_cast %parallel_loop3A_217 : vector<1x1x16xf32> to vector<16xf32>
          %parallel_loop3A_219 = vector.shape_cast %parallel_loop3A_212 : vector<16xf32> to vector<1x1x16xf32>
          tpu.vector_store %arg13[%parallel_loop3A_214, %parallel_loop3A_215, %parallel_loop3A_216], %parallel_loop3A_219 {strides = array<i32>} : memref<2x128x80xf32, #tpu.memory_space<vmem>>, vector<1x1x16xf32>,
          %parallel_loop3A_220 = arith.constant 1 : i32
          %parallel_loop3A_221 = arith.index_cast %parallel_loop3A_220 : i32 to index
          %parallel_loop3A_222 = arith.index_cast %parallel_loop3A_160 : i32 to index
          %parallel_loop3A_223 = arith.constant 32 : index
          %parallel_loop3A_224 = tpu.vector_load %arg11[%parallel_loop3A_221, %parallel_loop3A_222, %parallel_loop3A_223] {strides = array<i32>} : memref<2x128x80xf32, #tpu.memory_space<vmem>>, vector<1x1x16xf32>,
          %parallel_loop3A_225 = vector.shape_cast %parallel_loop3A_224 : vector<1x1x16xf32> to vector<16xf32>
          %parallel_loop3A_226 = arith.mulf %parallel_loop3A_225, %parallel_loop3A_184 : vector<16xf32>
          %parallel_loop3A_227 = arith.constant 1 : i32
          %parallel_loop3A_228 = arith.index_cast %parallel_loop3A_227 : i32 to index
          %parallel_loop3A_229 = arith.index_cast %parallel_loop3A_160 : i32 to index
          %parallel_loop3A_230 = arith.constant 32 : index
          %parallel_loop3A_231 = tpu.vector_load %arg13[%parallel_loop3A_228, %parallel_loop3A_229, %parallel_loop3A_230] {strides = array<i32>} : memref<2x128x80xf32, #tpu.memory_space<vmem>>, vector<1x1x16xf32>,
          %parallel_loop3A_232 = vector.shape_cast %parallel_loop3A_231 : vector<1x1x16xf32> to vector<16xf32>
          %parallel_loop3A_233 = vector.shape_cast %parallel_loop3A_226 : vector<16xf32> to vector<1x1x16xf32>
          tpu.vector_store %arg13[%parallel_loop3A_228, %parallel_loop3A_229, %parallel_loop3A_230], %parallel_loop3A_233 {strides = array<i32>} : memref<2x128x80xf32, #tpu.memory_space<vmem>>, vector<1x1x16xf32>,
          %parallel_loop3A_234 = arith.constant 1 : i32
          %parallel_loop3A_235 = arith.index_cast %parallel_loop3A_234 : i32 to index
          %parallel_loop3A_236 = arith.index_cast %parallel_loop3A_160 : i32 to index
          %parallel_loop3A_237 = arith.constant 48 : index
          %parallel_loop3A_238 = tpu.vector_load %arg11[%parallel_loop3A_235, %parallel_loop3A_236, %parallel_loop3A_237] {strides = array<i32>} : memref<2x128x80xf32, #tpu.memory_space<vmem>>, vector<1x1x16xf32>,
          %parallel_loop3A_239 = vector.shape_cast %parallel_loop3A_238 : vector<1x1x16xf32> to vector<16xf32>
          %parallel_loop3A_240 = arith.mulf %parallel_loop3A_239, %parallel_loop3A_184 : vector<16xf32>
          %parallel_loop3A_241 = arith.constant 1 : i32
          %parallel_loop3A_242 = arith.index_cast %parallel_loop3A_241 : i32 to index
          %parallel_loop3A_243 = arith.index_cast %parallel_loop3A_160 : i32 to index
          %parallel_loop3A_244 = arith.constant 48 : index
          %parallel_loop3A_245 = tpu.vector_load %arg13[%parallel_loop3A_242, %parallel_loop3A_243, %parallel_loop3A_244] {strides = array<i32>} : memref<2x128x80xf32, #tpu.memory_space<vmem>>, vector<1x1x16xf32>,
          %parallel_loop3A_246 = vector.shape_cast %parallel_loop3A_245 : vector<1x1x16xf32> to vector<16xf32>
          %parallel_loop3A_247 = vector.shape_cast %parallel_loop3A_240 : vector<16xf32> to vector<1x1x16xf32>
          tpu.vector_store %arg13[%parallel_loop3A_242, %parallel_loop3A_243, %parallel_loop3A_244], %parallel_loop3A_247 {strides = array<i32>} : memref<2x128x80xf32, #tpu.memory_space<vmem>>, vector<1x1x16xf32>,
        } {sc.loop_unroll_factor = 8 : i64, sc.parallel_access}
      } else {
      }
      %dma_start3A_145 = arith.constant 0 : i32
      %dma_start3A_146 = arith.constant 0 : i32
      %dma_start3A_147 = tpu.memref_slice %arg13[%rem3A_105, %dma_start3A_145, %dma_start3A_146] : memref<2x128x80xf32, #tpu.memory_space<vmem>> -> memref<1x128x80xf32, #tpu.memory_space<vmem>>
      %dma_start3A_148 = tpu.memref_squeeze %dma_start3A_147 : memref<1x128x80xf32, #tpu.memory_space<vmem>> -> memref<128x80xf32, #tpu.memory_space<vmem>>
      %dma_start3A_149 = arith.constant 0 : i32
      %dma_start3A_150 = tpu.memref_slice %arg10[%sub3A_103, %dma_start3A_149] : memref<81x128xi32, #tpu.memory_space<vmem>> -> memref<1x128xi32, #tpu.memory_space<vmem>>
      %dma_start3A_151 = tpu.memref_squeeze %dma_start3A_150 : memref<1x128xi32, #tpu.memory_space<vmem>> -> memref<128xi32, #tpu.memory_space<vmem>>
      %dma_start3A_152 = arith.constant 0 : i32
      %dma_start3A_153 = arith.constant 0 : i32
      %dma_start3A_154 = tpu.memref_slice %arg8[%dma_start3A_152, %dma_start3A_153] : memref<10240x80xf32, #tpu.memory_space<vmem_shared>> -> memref<10240x80xf32, #tpu.memory_space<vmem_shared>>
      %dma_start3A_155 = tpu.memref_slice %arg16[%rem3A_105] : memref<2x!tpu.dma_semaphore, #tpu.memory_space<semaphore_mem>> -> memref<1x!tpu.dma_semaphore, #tpu.memory_space<semaphore_mem>>
      %dma_start3A_156 = tpu.memref_squeeze %dma_start3A_155 : memref<1x!tpu.dma_semaphore, #tpu.memory_space<semaphore_mem>> -> memref<!tpu.dma_semaphore, #tpu.memory_space<semaphore_mem>>
      tpu.enqueue_indirect_dma source(%dma_start3A_148 : memref<128x80xf32, #tpu.memory_space<vmem>>) target(%dma_start3A_154 : memref<10240x80xf32, #tpu.memory_space<vmem_shared>>) offsets(%dma_start3A_151 : memref<128xi32, #tpu.memory_space<vmem>>) semaphore(%dma_start3A_156 : memref<!tpu.dma_semaphore, #tpu.memory_space<semaphore_mem>>) {add = true}
      %scan3A_157 = arith.constant 0 : i32
      scf.yield %scan3A_157 : i32
    }
    %scan3A_65 = arith.constant 81 : i32
    %rem3A = arith.constant 79 : i32
    %rem3A_66 = arith.constant 2 : i32
    %rem3A_67 = arith.remsi %rem3A, %rem3A_66 : i32
    %dma_wait3A = arith.constant 0 : i32
    %dma_wait3A_68 = arith.constant 0 : i32
    %dma_wait3A_69 = arith.constant 0 : i32
    %dma_wait3A_70 = tpu.memref_slice %arg13[%rem3A_67, %dma_wait3A_68, %dma_wait3A_69] : memref<2x128x80xf32, #tpu.memory_space<vmem>> -> memref<1x128x80xf32, #tpu.memory_space<vmem>>
    %dma_wait3A_71 = tpu.memref_squeeze %dma_wait3A_70 : memref<1x128x80xf32, #tpu.memory_space<vmem>> -> memref<128x80xf32, #tpu.memory_space<vmem>>
    %dma_wait3A_72 = arith.constant 0 : i32
    %dma_wait3A_73 = tpu.memref_slice %arg10[%dma_wait3A, %dma_wait3A_72] : memref<81x128xi32, #tpu.memory_space<vmem>> -> memref<1x128xi32, #tpu.memory_space<vmem>>
    %dma_wait3A_74 = tpu.memref_squeeze %dma_wait3A_73 : memref<1x128xi32, #tpu.memory_space<vmem>> -> memref<128xi32, #tpu.memory_space<vmem>>
    %dma_wait3A_75 = arith.constant 0 : i32
    %dma_wait3A_76 = arith.constant 0 : i32
    %dma_wait3A_77 = tpu.memref_slice %arg8[%dma_wait3A_75, %dma_wait3A_76] : memref<10240x80xf32, #tpu.memory_space<vmem_shared>> -> memref<10240x80xf32, #tpu.memory_space<vmem_shared>>
    %dma_wait3A_78 = tpu.memref_slice %arg16[%rem3A_67] : memref<2x!tpu.dma_semaphore, #tpu.memory_space<semaphore_mem>> -> memref<1x!tpu.dma_semaphore, #tpu.memory_space<semaphore_mem>>
    %dma_wait3A_79 = tpu.memref_squeeze %dma_wait3A_78 : memref<1x!tpu.dma_semaphore, #tpu.memory_space<semaphore_mem>> -> memref<!tpu.dma_semaphore, #tpu.memory_space<semaphore_mem>>
    tpu.wait_indirect_dma semaphore(%dma_wait3A_79 : memref<!tpu.dma_semaphore, #tpu.memory_space<semaphore_mem>>) src(%dma_wait3A_71 : memref<128x80xf32, #tpu.memory_space<vmem>>) dst(%dma_wait3A_77 : memref<10240x80xf32, #tpu.memory_space<vmem_shared>>)
    %rem3A_80 = arith.constant 80 : i32
    %rem3A_81 = arith.constant 2 : i32
    %rem3A_82 = arith.remsi %rem3A_80, %rem3A_81 : i32
    %dma_wait3A_83 = arith.constant 0 : i32
    %dma_wait3A_84 = arith.constant 0 : i32
    %dma_wait3A_85 = arith.constant 0 : i32
    %dma_wait3A_86 = tpu.memref_slice %arg13[%rem3A_82, %dma_wait3A_84, %dma_wait3A_85] : memref<2x128x80xf32, #tpu.memory_space<vmem>> -> memref<1x128x80xf32, #tpu.memory_space<vmem>>
    %dma_wait3A_87 = tpu.memref_squeeze %dma_wait3A_86 : memref<1x128x80xf32, #tpu.memory_space<vmem>> -> memref<128x80xf32, #tpu.memory_space<vmem>>
    %dma_wait3A_88 = arith.constant 0 : i32
    %dma_wait3A_89 = tpu.memref_slice %arg10[%dma_wait3A_83, %dma_wait3A_88] : memref<81x128xi32, #tpu.memory_space<vmem>> -> memref<1x128xi32, #tpu.memory_space<vmem>>
    %dma_wait3A_90 = tpu.memref_squeeze %dma_wait3A_89 : memref<1x128xi32, #tpu.memory_space<vmem>> -> memref<128xi32, #tpu.memory_space<vmem>>
    %dma_wait3A_91 = arith.constant 0 : i32
    %dma_wait3A_92 = arith.constant 0 : i32
    %dma_wait3A_93 = tpu.memref_slice %arg8[%dma_wait3A_91, %dma_wait3A_92] : memref<10240x80xf32, #tpu.memory_space<vmem_shared>> -> memref<10240x80xf32, #tpu.memory_space<vmem_shared>>
    %dma_wait3A_94 = tpu.memref_slice %arg16[%rem3A_82] : memref<2x!tpu.dma_semaphore, #tpu.memory_space<semaphore_mem>> -> memref<1x!tpu.dma_semaphore, #tpu.memory_space<semaphore_mem>>
    %dma_wait3A_95 = tpu.memref_squeeze %dma_wait3A_94 : memref<1x!tpu.dma_semaphore, #tpu.memory_space<semaphore_mem>> -> memref<!tpu.dma_semaphore, #tpu.memory_space<semaphore_mem>>
    tpu.wait_indirect_dma semaphore(%dma_wait3A_95 : memref<!tpu.dma_semaphore, #tpu.memory_space<semaphore_mem>>) src(%dma_wait3A_87 : memref<128x80xf32, #tpu.memory_space<vmem>>) dst(%dma_wait3A_93 : memref<10240x80xf32, #tpu.memory_space<vmem_shared>>)
    %barrier3A_96 = arith.constant 0 : index
    tpu.barrier barrier_id(%barrier3A_96)
    "tpu.region"() ({
      %run_scoped3A_97 = tpu.sem_alloc : memref<!tpu.dma_semaphore, #tpu.memory_space<semaphore_mem>>
      %dma_start3A_98 = arith.constant 0 : i32
      %dma_start3A_99 = tpu.memref_slice %arg7[%arg0, %mul3A_2, %dma_start3A_98] : memref<2x10240x80xf32, #tpu.memory_space<hbm>> -> memref<1x640x80xf32, #tpu.memory_space<hbm>>
      %dma_start3A_100 = tpu.memref_squeeze %dma_start3A_99 : memref<1x640x80xf32, #tpu.memory_space<hbm>> -> memref<640x80xf32, #tpu.memory_space<hbm>>
      %dma_start3A_101 = arith.constant 0 : i32
      %dma_start3A_102 = tpu.memref_slice %arg8[%mul3A_2, %dma_start3A_101] : memref<10240x80xf32, #tpu.memory_space<vmem_shared>> -> memref<640x80xf32, #tpu.memory_space<vmem_shared>>
      tpu.enqueue_dma source(%dma_start3A_102 : memref<640x80xf32, #tpu.memory_space<vmem_shared>>) target(%dma_start3A_100 : memref<640x80xf32, #tpu.memory_space<hbm>>) target_semaphore(%run_scoped3A_97 : memref<!tpu.dma_semaphore, #tpu.memory_space<semaphore_mem>>)
      %dma_wait3A_103 = arith.constant 0 : i32
      %dma_wait3A_104 = tpu.memref_slice %arg7[%arg0, %mul3A_2, %dma_wait3A_103] : memref<2x10240x80xf32, #tpu.memory_space<hbm>> -> memref<1x640x80xf32, #tpu.memory_space<hbm>>
      %dma_wait3A_105 = tpu.memref_squeeze %dma_wait3A_104 : memref<1x640x80xf32, #tpu.memory_space<hbm>> -> memref<640x80xf32, #tpu.memory_space<hbm>>
      %dma_wait3A_106 = arith.constant 0 : i32
      %dma_wait3A_107 = tpu.memref_slice %arg8[%mul3A_2, %dma_wait3A_106] : memref<10240x80xf32, #tpu.memory_space<vmem_shared>> -> memref<640x80xf32, #tpu.memory_space<vmem_shared>>
      tpu.wait_dma2 semaphore(%run_scoped3A_97 : memref<!tpu.dma_semaphore, #tpu.memory_space<semaphore_mem>>) src(%dma_wait3A_107 : memref<640x80xf32, #tpu.memory_space<vmem_shared>>) dst(%dma_wait3A_105 : memref<640x80xf32, #tpu.memory_space<hbm>>)
      tpu.yield
    }) : () -> ()
    return
  }
}

module attributes {stable_mosaic.version = 14 : i64} {
  func.func @_dense1_body(%arg0: i32, %arg1: memref<1024x128xf32, #tpu.memory_space<vmem>>, %arg2: memref<128x64xf32, #tpu.memory_space<vmem>>, %arg3: memref<1x64xf32, #tpu.memory_space<vmem>>, %arg4: memref<1x64xf32, #tpu.memory_space<vmem>>, %arg5: memref<64x16xf32, #tpu.memory_space<vmem>>, %arg6: memref<1024x80xf32, #tpu.memory_space<vmem>>, %arg7: memref<1024x16xf32, #tpu.memory_space<vmem>>, %arg8: memref<8x16xf32, #tpu.memory_space<vmem>>, %arg9: memref<8x16xf32, #tpu.memory_space<vmem>>) attributes {dimension_semantics = [#tpu.dimension_semantics<arbitrary>], iteration_bounds = array<i64: 10>, scalar_prefetch = 0 : i64, scratch_operands = 1 : i64, tpu.core_type = #tpu.core_type<tc>, window_params = [{transform_indices = @transform_0, window_bounds = array<i64: 1024, 128>}, {pipeline_mode = #tpu.pipeline_mode<synchronous>, transform_indices = @transform_1, window_bounds = array<i64: 128, 64>}, {pipeline_mode = #tpu.pipeline_mode<synchronous>, transform_indices = @transform_2, window_bounds = array<i64: 1, 64>}, {pipeline_mode = #tpu.pipeline_mode<synchronous>, transform_indices = @transform_3, window_bounds = array<i64: 1, 64>}, {pipeline_mode = #tpu.pipeline_mode<synchronous>, transform_indices = @transform_4, window_bounds = array<i64: 64, 16>}, {transform_indices = @transform_5, window_bounds = array<i64: 1024, 80>}, {transform_indices = @transform_6, window_bounds = array<i64: 1024, 16>}, {pipeline_mode = #tpu.pipeline_mode<synchronous>, transform_indices = @transform_7, window_bounds = array<i64: 8, 16>}]} {
    %get3A = arith.constant 0 : index
    %get3A_0 = arith.constant 0 : index
    %get3A_1 = vector.load %arg1[%get3A, %get3A_0] : memref<1024x128xf32, #tpu.memory_space<vmem>>, vector<1024x128xf32>
    %get3A_2 = arith.constant 0 : index
    %get3A_3 = arith.constant 0 : index
    %get3A_4 = vector.load %arg2[%get3A_2, %get3A_3] : memref<128x64xf32, #tpu.memory_space<vmem>>, vector<128x64xf32>
    %dot_general3A = arith.constant dense<0.000000e+00> : vector<1024x64xf32>
    %dot_general3A_5 = tpu.matmul %get3A_1, %get3A_4, %dot_general3A {dimension_numbers = #tpu.dot_dimension_numbers<[1], [0], [0], [1], [0, 0, 1, 1], [], []>, transpose_lhs_hint = false} : vector<1024x128xf32>, vector<128x64xf32>, vector<1024x64xf32> -> vector<1024x64xf32>
    %get3A_6 = arith.constant 0 : index
    %get3A_7 = arith.constant 0 : index
    %get3A_8 = vector.load %arg3[%get3A_6, %get3A_7] : memref<1x64xf32, #tpu.memory_space<vmem>>, vector<1x64xf32>
    %mul3A = vector.broadcast %get3A_8 : vector<1x64xf32> to vector<1024x64xf32>
    %mul3A_9 = arith.mulf %dot_general3A_5, %mul3A : vector<1024x64xf32>
    %get3A_10 = arith.constant 0 : index
    %get3A_11 = arith.constant 0 : index
    %get3A_12 = vector.load %arg5[%get3A_10, %get3A_11] : memref<64x16xf32, #tpu.memory_space<vmem>>, vector<64x16xf32>
    %dot_general3A_13 = arith.constant dense<0.000000e+00> : vector<1024x16xf32>
    %dot_general3A_14 = tpu.matmul %mul3A_9, %get3A_12, %dot_general3A_13 {dimension_numbers = #tpu.dot_dimension_numbers<[1], [0], [0], [1], [0, 0, 1, 1], [], []>, transpose_lhs_hint = false} : vector<1024x64xf32>, vector<64x16xf32>, vector<1024x16xf32> -> vector<1024x16xf32>
    %get3A_15 = arith.constant 0 : index
    %get3A_16 = arith.constant 0 : index
    %get3A_17 = vector.load %arg4[%get3A_15, %get3A_16] : memref<1x64xf32, #tpu.memory_space<vmem>>, vector<1x64xf32>
    %mul3A_18 = vector.broadcast %get3A_17 : vector<1x64xf32> to vector<1024x64xf32>
    %mul3A_19 = arith.mulf %dot_general3A_5, %mul3A_18 : vector<1024x64xf32>
    %get3A_20 = arith.constant 0 : index
    %get3A_21 = arith.constant 0 : index
    %get3A_22 = vector.load %arg5[%get3A_20, %get3A_21] : memref<64x16xf32, #tpu.memory_space<vmem>>, vector<64x16xf32>
    %dot_general3A_23 = arith.constant dense<0.000000e+00> : vector<1024x16xf32>
    %dot_general3A_24 = tpu.matmul %mul3A_19, %get3A_22, %dot_general3A_23 {dimension_numbers = #tpu.dot_dimension_numbers<[1], [0], [0], [1], [0, 0, 1, 1], [], []>, transpose_lhs_hint = false} : vector<1024x64xf32>, vector<64x16xf32>, vector<1024x16xf32> -> vector<1024x16xf32>
    %concatenate3A = tpu.concatenate %dot_general3A_5, %dot_general3A_14 in 1 : vector<1024x64xf32>, vector<1024x16xf32> -> vector<1024x80xf32>
    %swap3A = arith.constant 0 : index
    %swap3A_25 = arith.constant 0 : index
    %swap3A_26 = vector.load %arg6[%swap3A, %swap3A_25] : memref<1024x80xf32, #tpu.memory_space<vmem>>, vector<1024x80xf32>
    tpu.vector_store %arg6[%swap3A, %swap3A_25], %concatenate3A {strides = array<i32>} : memref<1024x80xf32, #tpu.memory_space<vmem>>, vector<1024x80xf32>,
    %swap3A_27 = arith.constant 0 : index
    %swap3A_28 = arith.constant 0 : index
    %swap3A_29 = vector.load %arg7[%swap3A_27, %swap3A_28] : memref<1024x16xf32, #tpu.memory_space<vmem>>, vector<1024x16xf32>
    tpu.vector_store %arg7[%swap3A_27, %swap3A_28], %dot_general3A_24 {strides = array<i32>} : memref<1024x16xf32, #tpu.memory_space<vmem>>, vector<1024x16xf32>,
    %reduce_max3A = arith.constant dense<0xFF800000> : vector<16xf32>
    %reduce_max3A_30 = vector.multi_reduction <maximumf>, %dot_general3A_14, %reduce_max3A [0] : vector<1024x16xf32> to vector<16xf32>
    %broadcast_in_dim3A = vector.shape_cast %reduce_max3A_30 : vector<16xf32> to vector<1x16xf32>
    %eq3A = arith.constant 0 : i32
    %eq3A_31 = arith.cmpi eq, %arg0, %eq3A : i32
    %convert_element_type3A = arith.extui %eq3A_31 : i1 to i32
    %cond3A = arith.constant 0 : i32
    %cond3A_32 = arith.cmpi ne, %convert_element_type3A, %cond3A : i32
    scf.if %cond3A_32 {
      %broadcast_in_dim3A_44 = arith.constant -1.000000e+30 : f32
      %broadcast_in_dim3A_45 = vector.broadcast %broadcast_in_dim3A_44 : f32 to vector<8x16xf32>
      %swap3A_46 = arith.constant 0 : index
      %swap3A_47 = arith.constant 0 : index
      %swap3A_48 = vector.load %arg9[%swap3A_46, %swap3A_47] : memref<8x16xf32, #tpu.memory_space<vmem>>, vector<8x16xf32>
      tpu.vector_store %arg9[%swap3A_46, %swap3A_47], %broadcast_in_dim3A_45 {strides = array<i32>} : memref<8x16xf32, #tpu.memory_space<vmem>>, vector<8x16xf32>,
    } else {
    }
    %get3A_33 = arith.constant 0 : index
    %get3A_34 = arith.constant 0 : index
    %get3A_35 = vector.load %arg9[%get3A_33, %get3A_34] : memref<8x16xf32, #tpu.memory_space<vmem>>, vector<8x16xf32>
    %broadcast_in_dim3A_36 = vector.shape_cast %broadcast_in_dim3A : vector<1x16xf32> to vector<1x16xf32>
    %broadcast_in_dim3A_37 = vector.broadcast %broadcast_in_dim3A_36 : vector<1x16xf32> to vector<8x16xf32>
    %max3A = arith.maximumf %get3A_35, %broadcast_in_dim3A_37 : vector<8x16xf32>
    %swap3A_38 = arith.constant 0 : index
    %swap3A_39 = arith.constant 0 : index
    %swap3A_40 = vector.load %arg9[%swap3A_38, %swap3A_39] : memref<8x16xf32, #tpu.memory_space<vmem>>, vector<8x16xf32>
    tpu.vector_store %arg9[%swap3A_38, %swap3A_39], %max3A {strides = array<i32>} : memref<8x16xf32, #tpu.memory_space<vmem>>, vector<8x16xf32>,
    %swap3A_41 = arith.constant 0 : index
    %swap3A_42 = arith.constant 0 : index
    %swap3A_43 = vector.load %arg8[%swap3A_41, %swap3A_42] : memref<8x16xf32, #tpu.memory_space<vmem>>, vector<8x16xf32>
    tpu.vector_store %arg8[%swap3A_41, %swap3A_42], %max3A {strides = array<i32>} : memref<8x16xf32, #tpu.memory_space<vmem>>, vector<8x16xf32>,
    return
  }
  func.func @transform_0(%arg0: i32) -> (i32, i32) {
    %c0_i32 = arith.constant 0 : i32
    %c0_i32_0 = arith.constant 0 : i32
    return %arg0, %c0_i32 : i32, i32
  }
  func.func @transform_1(%arg0: i32) -> (i32, i32) {
    %c0_i32 = arith.constant 0 : i32
    %c0_i32_0 = arith.constant 0 : i32
    %c0_i32_1 = arith.constant 0 : i32
    return %c0_i32, %c0_i32_0 : i32, i32
  }
  func.func @transform_2(%arg0: i32) -> (i32, i32) {
    %c0_i32 = arith.constant 0 : i32
    %c0_i32_0 = arith.constant 0 : i32
    %c0_i32_1 = arith.constant 0 : i32
    return %c0_i32, %c0_i32_0 : i32, i32
  }
  func.func @transform_3(%arg0: i32) -> (i32, i32) {
    %c0_i32 = arith.constant 0 : i32
    %c0_i32_0 = arith.constant 0 : i32
    %c0_i32_1 = arith.constant 0 : i32
    return %c0_i32, %c0_i32_0 : i32, i32
  }
  func.func @transform_4(%arg0: i32) -> (i32, i32) {
    %c0_i32 = arith.constant 0 : i32
    %c0_i32_0 = arith.constant 0 : i32
    %c0_i32_1 = arith.constant 0 : i32
    return %c0_i32, %c0_i32_0 : i32, i32
  }
  func.func @transform_5(%arg0: i32) -> (i32, i32) {
    %c0_i32 = arith.constant 0 : i32
    %c0_i32_0 = arith.constant 0 : i32
    return %arg0, %c0_i32 : i32, i32
  }
  func.func @transform_6(%arg0: i32) -> (i32, i32) {
    %c0_i32 = arith.constant 0 : i32
    %c0_i32_0 = arith.constant 0 : i32
    return %arg0, %c0_i32 : i32, i32
  }
  func.func @transform_7(%arg0: i32) -> (i32, i32) {
    %c0_i32 = arith.constant 0 : i32
    %c0_i32_0 = arith.constant 0 : i32
    %c0_i32_1 = arith.constant 0 : i32
    return %c0_i32, %c0_i32_0 : i32, i32
  }
}

module attributes {stable_mosaic.version = 14 : i64} {
  func.func @_mid_body(%arg0: i32, %arg1: memref<2x1024x80xf32, #tpu.memory_space<vmem>>, %arg2: memref<8x64xf32, #tpu.memory_space<vmem>>, %arg3: memref<1x64xf32, #tpu.memory_space<vmem>>, %arg4: memref<64x64xf32, #tpu.memory_space<vmem>>, %arg5: memref<1x64xf32, #tpu.memory_space<vmem>>, %arg6: memref<1x64xf32, #tpu.memory_space<vmem>>, %arg7: memref<64x16xf32, #tpu.memory_space<vmem>>, %arg8: memref<1024x80xf32, #tpu.memory_space<vmem>>, %arg9: memref<1024x16xf32, #tpu.memory_space<vmem>>, %arg10: memref<8x16xf32, #tpu.memory_space<vmem>>, %arg11: memref<8x16xf32, #tpu.memory_space<vmem>>) attributes {dimension_semantics = [#tpu.dimension_semantics<arbitrary>], iteration_bounds = array<i64: 10>, scalar_prefetch = 0 : i64, scratch_operands = 1 : i64, tpu.core_type = #tpu.core_type<tc>, window_params = [{transform_indices = @transform_0, window_bounds = array<i64: 2, 1024, 80>}, {pipeline_mode = #tpu.pipeline_mode<synchronous>, transform_indices = @transform_1, window_bounds = array<i64: 8, 64>}, {pipeline_mode = #tpu.pipeline_mode<synchronous>, transform_indices = @transform_2, window_bounds = array<i64: 1, 64>}, {pipeline_mode = #tpu.pipeline_mode<synchronous>, transform_indices = @transform_3, window_bounds = array<i64: 64, 64>}, {pipeline_mode = #tpu.pipeline_mode<synchronous>, transform_indices = @transform_4, window_bounds = array<i64: 1, 64>}, {pipeline_mode = #tpu.pipeline_mode<synchronous>, transform_indices = @transform_5, window_bounds = array<i64: 1, 64>}, {pipeline_mode = #tpu.pipeline_mode<synchronous>, transform_indices = @transform_6, window_bounds = array<i64: 64, 16>}, {transform_indices = @transform_7, window_bounds = array<i64: 1024, 80>}, {transform_indices = @transform_8, window_bounds = array<i64: 1024, 16>}, {pipeline_mode = #tpu.pipeline_mode<synchronous>, transform_indices = @transform_9, window_bounds = array<i64: 8, 16>}]} {
    %get3A = arith.constant 0 : index
    %get3A_0 = arith.constant 0 : index
    %get3A_1 = arith.constant 0 : index
    %get3A_2 = vector.load %arg1[%get3A, %get3A_0, %get3A_1] : memref<2x1024x80xf32, #tpu.memory_space<vmem>>, vector<2x1024x80xf32>
    %slice3A = vector.extract_strided_slice %get3A_2 {offsets = [0, 0, 0], sizes = [1, 1024, 64], strides = [1, 1, 1]} : vector<2x1024x80xf32> to vector<1x1024x64xf32>
    %squeeze3A = vector.shape_cast %slice3A : vector<1x1024x64xf32> to vector<1024x64xf32>
    %slice3A_3 = vector.extract_strided_slice %get3A_2 {offsets = [1, 0, 0], sizes = [1, 1024, 64], strides = [1, 1, 1]} : vector<2x1024x80xf32> to vector<1x1024x64xf32>
    %squeeze3A_4 = vector.shape_cast %slice3A_3 : vector<1x1024x64xf32> to vector<1024x64xf32>
    %add3A = arith.addf %squeeze3A, %squeeze3A_4 : vector<1024x64xf32>
    %slice3A_5 = vector.extract_strided_slice %get3A_2 {offsets = [0, 0, 64], sizes = [1, 1024, 8], strides = [1, 1, 1]} : vector<2x1024x80xf32> to vector<1x1024x8xf32>
    %squeeze3A_6 = vector.shape_cast %slice3A_5 : vector<1x1024x8xf32> to vector<1024x8xf32>
    %slice3A_7 = vector.extract_strided_slice %get3A_2 {offsets = [1, 0, 64], sizes = [1, 1024, 8], strides = [1, 1, 1]} : vector<2x1024x80xf32> to vector<1x1024x8xf32>
    %squeeze3A_8 = vector.shape_cast %slice3A_7 : vector<1x1024x8xf32> to vector<1024x8xf32>
    %add3A_9 = arith.addf %squeeze3A_6, %squeeze3A_8 : vector<1024x8xf32>
    %max3A = arith.constant 1.000000e-30 : f32
    %max3A_10 = vector.broadcast %max3A : f32 to vector<1024x8xf32>
    %max3A_11 = arith.maximumf %add3A_9, %max3A_10 : vector<1024x8xf32>
    %get3A_12 = arith.constant 0 : index
    %get3A_13 = arith.constant 0 : index
    %get3A_14 = vector.load %arg2[%get3A_12, %get3A_13] : memref<8x64xf32, #tpu.memory_space<vmem>>, vector<8x64xf32>
    %dot_general3A = arith.constant dense<0.000000e+00> : vector<1024x64xf32>
    %dot_general3A_15 = tpu.matmul %max3A_11, %get3A_14, %dot_general3A {dimension_numbers = #tpu.dot_dimension_numbers<[1], [0], [0], [1], [0, 0, 1, 1], [], []>, transpose_lhs_hint = false} : vector<1024x8xf32>, vector<8x64xf32>, vector<1024x64xf32> -> vector<1024x64xf32>
    %div3A = arith.divf %add3A, %dot_general3A_15 : vector<1024x64xf32>
    %get3A_16 = arith.constant 0 : index
    %get3A_17 = arith.constant 0 : index
    %get3A_18 = vector.load %arg3[%get3A_16, %get3A_17] : memref<1x64xf32, #tpu.memory_space<vmem>>, vector<1x64xf32>
    %add3A_19 = vector.broadcast %get3A_18 : vector<1x64xf32> to vector<1024x64xf32>
    %add3A_20 = arith.addf %div3A, %add3A_19 : vector<1024x64xf32>
    %max3A_21 = arith.constant 0.000000e+00 : f32
    %max3A_22 = vector.broadcast %max3A_21 : f32 to vector<1024x64xf32>
    %max3A_23 = arith.maximumf %add3A_20, %max3A_22 : vector<1024x64xf32>
    %get3A_24 = arith.constant 0 : index
    %get3A_25 = arith.constant 0 : index
    %get3A_26 = vector.load %arg4[%get3A_24, %get3A_25] : memref<64x64xf32, #tpu.memory_space<vmem>>, vector<64x64xf32>
    %dot_general3A_27 = arith.constant dense<0.000000e+00> : vector<1024x64xf32>
    %dot_general3A_28 = tpu.matmul %max3A_23, %get3A_26, %dot_general3A_27 {dimension_numbers = #tpu.dot_dimension_numbers<[1], [0], [0], [1], [0, 0, 1, 1], [], []>, transpose_lhs_hint = false} : vector<1024x64xf32>, vector<64x64xf32>, vector<1024x64xf32> -> vector<1024x64xf32>
    %get3A_29 = arith.constant 0 : index
    %get3A_30 = arith.constant 0 : index
    %get3A_31 = vector.load %arg5[%get3A_29, %get3A_30] : memref<1x64xf32, #tpu.memory_space<vmem>>, vector<1x64xf32>
    %mul3A = vector.broadcast %get3A_31 : vector<1x64xf32> to vector<1024x64xf32>
    %mul3A_32 = arith.mulf %dot_general3A_28, %mul3A : vector<1024x64xf32>
    %get3A_33 = arith.constant 0 : index
    %get3A_34 = arith.constant 0 : index
    %get3A_35 = vector.load %arg7[%get3A_33, %get3A_34] : memref<64x16xf32, #tpu.memory_space<vmem>>, vector<64x16xf32>
    %dot_general3A_36 = arith.constant dense<0.000000e+00> : vector<1024x16xf32>
    %dot_general3A_37 = tpu.matmul %mul3A_32, %get3A_35, %dot_general3A_36 {dimension_numbers = #tpu.dot_dimension_numbers<[1], [0], [0], [1], [0, 0, 1, 1], [], []>, transpose_lhs_hint = false} : vector<1024x64xf32>, vector<64x16xf32>, vector<1024x16xf32> -> vector<1024x16xf32>
    %get3A_38 = arith.constant 0 : index
    %get3A_39 = arith.constant 0 : index
    %get3A_40 = vector.load %arg6[%get3A_38, %get3A_39] : memref<1x64xf32, #tpu.memory_space<vmem>>, vector<1x64xf32>
    %mul3A_41 = vector.broadcast %get3A_40 : vector<1x64xf32> to vector<1024x64xf32>
    %mul3A_42 = arith.mulf %dot_general3A_28, %mul3A_41 : vector<1024x64xf32>
    %get3A_43 = arith.constant 0 : index
    %get3A_44 = arith.constant 0 : index
    %get3A_45 = vector.load %arg7[%get3A_43, %get3A_44] : memref<64x16xf32, #tpu.memory_space<vmem>>, vector<64x16xf32>
    %dot_general3A_46 = arith.constant dense<0.000000e+00> : vector<1024x16xf32>
    %dot_general3A_47 = tpu.matmul %mul3A_42, %get3A_45, %dot_general3A_46 {dimension_numbers = #tpu.dot_dimension_numbers<[1], [0], [0], [1], [0, 0, 1, 1], [], []>, transpose_lhs_hint = false} : vector<1024x64xf32>, vector<64x16xf32>, vector<1024x16xf32> -> vector<1024x16xf32>
    %concatenate3A = tpu.concatenate %dot_general3A_28, %dot_general3A_37 in 1 : vector<1024x64xf32>, vector<1024x16xf32> -> vector<1024x80xf32>
    %swap3A = arith.constant 0 : index
    %swap3A_48 = arith.constant 0 : index
    %swap3A_49 = vector.load %arg8[%swap3A, %swap3A_48] : memref<1024x80xf32, #tpu.memory_space<vmem>>, vector<1024x80xf32>
    tpu.vector_store %arg8[%swap3A, %swap3A_48], %concatenate3A {strides = array<i32>} : memref<1024x80xf32, #tpu.memory_space<vmem>>, vector<1024x80xf32>,
    %swap3A_50 = arith.constant 0 : index
    %swap3A_51 = arith.constant 0 : index
    %swap3A_52 = vector.load %arg9[%swap3A_50, %swap3A_51] : memref<1024x16xf32, #tpu.memory_space<vmem>>, vector<1024x16xf32>
    tpu.vector_store %arg9[%swap3A_50, %swap3A_51], %dot_general3A_47 {strides = array<i32>} : memref<1024x16xf32, #tpu.memory_space<vmem>>, vector<1024x16xf32>,
    %reduce_max3A = arith.constant dense<0xFF800000> : vector<16xf32>
    %reduce_max3A_53 = vector.multi_reduction <maximumf>, %dot_general3A_37, %reduce_max3A [0] : vector<1024x16xf32> to vector<16xf32>
    %broadcast_in_dim3A = vector.shape_cast %reduce_max3A_53 : vector<16xf32> to vector<1x16xf32>
    %eq3A = arith.constant 0 : i32
    %eq3A_54 = arith.cmpi eq, %arg0, %eq3A : i32
    %convert_element_type3A = arith.extui %eq3A_54 : i1 to i32
    %cond3A = arith.constant 0 : i32
    %cond3A_55 = arith.cmpi ne, %convert_element_type3A, %cond3A : i32
    scf.if %cond3A_55 {
      %broadcast_in_dim3A_68 = arith.constant -1.000000e+30 : f32
      %broadcast_in_dim3A_69 = vector.broadcast %broadcast_in_dim3A_68 : f32 to vector<8x16xf32>
      %swap3A_70 = arith.constant 0 : index
      %swap3A_71 = arith.constant 0 : index
      %swap3A_72 = vector.load %arg11[%swap3A_70, %swap3A_71] : memref<8x16xf32, #tpu.memory_space<vmem>>, vector<8x16xf32>
      tpu.vector_store %arg11[%swap3A_70, %swap3A_71], %broadcast_in_dim3A_69 {strides = array<i32>} : memref<8x16xf32, #tpu.memory_space<vmem>>, vector<8x16xf32>,
    } else {
    }
    %get3A_56 = arith.constant 0 : index
    %get3A_57 = arith.constant 0 : index
    %get3A_58 = vector.load %arg11[%get3A_56, %get3A_57] : memref<8x16xf32, #tpu.memory_space<vmem>>, vector<8x16xf32>
    %broadcast_in_dim3A_59 = vector.shape_cast %broadcast_in_dim3A : vector<1x16xf32> to vector<1x16xf32>
    %broadcast_in_dim3A_60 = vector.broadcast %broadcast_in_dim3A_59 : vector<1x16xf32> to vector<8x16xf32>
    %max3A_61 = arith.maximumf %get3A_58, %broadcast_in_dim3A_60 : vector<8x16xf32>
    %swap3A_62 = arith.constant 0 : index
    %swap3A_63 = arith.constant 0 : index
    %swap3A_64 = vector.load %arg11[%swap3A_62, %swap3A_63] : memref<8x16xf32, #tpu.memory_space<vmem>>, vector<8x16xf32>
    tpu.vector_store %arg11[%swap3A_62, %swap3A_63], %max3A_61 {strides = array<i32>} : memref<8x16xf32, #tpu.memory_space<vmem>>, vector<8x16xf32>,
    %swap3A_65 = arith.constant 0 : index
    %swap3A_66 = arith.constant 0 : index
    %swap3A_67 = vector.load %arg10[%swap3A_65, %swap3A_66] : memref<8x16xf32, #tpu.memory_space<vmem>>, vector<8x16xf32>
    tpu.vector_store %arg10[%swap3A_65, %swap3A_66], %max3A_61 {strides = array<i32>} : memref<8x16xf32, #tpu.memory_space<vmem>>, vector<8x16xf32>,
    return
  }
  func.func @transform_0(%arg0: i32) -> (i32, i32, i32) {
    %c0_i32 = arith.constant 0 : i32
    %c0_i32_0 = arith.constant 0 : i32
    %c0_i32_1 = arith.constant 0 : i32
    return %c0_i32, %arg0, %c0_i32_0 : i32, i32, i32
  }
  func.func @transform_1(%arg0: i32) -> (i32, i32) {
    %c0_i32 = arith.constant 0 : i32
    %c0_i32_0 = arith.constant 0 : i32
    %c0_i32_1 = arith.constant 0 : i32
    return %c0_i32, %c0_i32_0 : i32, i32
  }
  func.func @transform_2(%arg0: i32) -> (i32, i32) {
    %c0_i32 = arith.constant 0 : i32
    %c0_i32_0 = arith.constant 0 : i32
    %c0_i32_1 = arith.constant 0 : i32
    return %c0_i32, %c0_i32_0 : i32, i32
  }
  func.func @transform_3(%arg0: i32) -> (i32, i32) {
    %c0_i32 = arith.constant 0 : i32
    %c0_i32_0 = arith.constant 0 : i32
    %c0_i32_1 = arith.constant 0 : i32
    return %c0_i32, %c0_i32_0 : i32, i32
  }
  func.func @transform_4(%arg0: i32) -> (i32, i32) {
    %c0_i32 = arith.constant 0 : i32
    %c0_i32_0 = arith.constant 0 : i32
    %c0_i32_1 = arith.constant 0 : i32
    return %c0_i32, %c0_i32_0 : i32, i32
  }
  func.func @transform_5(%arg0: i32) -> (i32, i32) {
    %c0_i32 = arith.constant 0 : i32
    %c0_i32_0 = arith.constant 0 : i32
    %c0_i32_1 = arith.constant 0 : i32
    return %c0_i32, %c0_i32_0 : i32, i32
  }
  func.func @transform_6(%arg0: i32) -> (i32, i32) {
    %c0_i32 = arith.constant 0 : i32
    %c0_i32_0 = arith.constant 0 : i32
    %c0_i32_1 = arith.constant 0 : i32
    return %c0_i32, %c0_i32_0 : i32, i32
  }
  func.func @transform_7(%arg0: i32) -> (i32, i32) {
    %c0_i32 = arith.constant 0 : i32
    %c0_i32_0 = arith.constant 0 : i32
    return %arg0, %c0_i32 : i32, i32
  }
  func.func @transform_8(%arg0: i32) -> (i32, i32) {
    %c0_i32 = arith.constant 0 : i32
    %c0_i32_0 = arith.constant 0 : i32
    return %arg0, %c0_i32 : i32, i32
  }
  func.func @transform_9(%arg0: i32) -> (i32, i32) {
    %c0_i32 = arith.constant 0 : i32
    %c0_i32_0 = arith.constant 0 : i32
    %c0_i32_1 = arith.constant 0 : i32
    return %c0_i32, %c0_i32_0 : i32, i32
  }
}

module attributes {stable_mosaic.version = 14 : i64} {
  func.func @_post_body(%arg0: i32, %arg1: memref<2x1000x80xf32, #tpu.memory_space<vmem>>, %arg2: memref<8x64xf32, #tpu.memory_space<vmem>>, %arg3: memref<1x64xf32, #tpu.memory_space<vmem>>, %arg4: memref<64x64xf32, #tpu.memory_space<vmem>>, %arg5: memref<1000x64xf32, #tpu.memory_space<vmem>>, %arg6: memref<1000x64xf32, #tpu.memory_space<vmem>>) attributes {dimension_semantics = [#tpu.dimension_semantics<arbitrary>], iteration_bounds = array<i64: 10>, scalar_prefetch = 0 : i64, scratch_operands = 0 : i64, tpu.core_type = #tpu.core_type<tc>, window_params = [{transform_indices = @transform_0, window_bounds = array<i64: 2, 1000, 80>}, {pipeline_mode = #tpu.pipeline_mode<synchronous>, transform_indices = @transform_1, window_bounds = array<i64: 8, 64>}, {pipeline_mode = #tpu.pipeline_mode<synchronous>, transform_indices = @transform_2, window_bounds = array<i64: 1, 64>}, {pipeline_mode = #tpu.pipeline_mode<synchronous>, transform_indices = @transform_3, window_bounds = array<i64: 64, 64>}, {transform_indices = @transform_4, window_bounds = array<i64: 1000, 64>}, {transform_indices = @transform_5, window_bounds = array<i64: 1000, 64>}]} {
    %get3A = arith.constant 0 : index
    %get3A_0 = arith.constant 0 : index
    %get3A_1 = arith.constant 0 : index
    %get3A_2 = vector.load %arg1[%get3A, %get3A_0, %get3A_1] : memref<2x1000x80xf32, #tpu.memory_space<vmem>>, vector<2x1000x80xf32>
    %slice3A = vector.extract_strided_slice %get3A_2 {offsets = [0, 0, 0], sizes = [1, 1000, 64], strides = [1, 1, 1]} : vector<2x1000x80xf32> to vector<1x1000x64xf32>
    %squeeze3A = vector.shape_cast %slice3A : vector<1x1000x64xf32> to vector<1000x64xf32>
    %slice3A_3 = vector.extract_strided_slice %get3A_2 {offsets = [1, 0, 0], sizes = [1, 1000, 64], strides = [1, 1, 1]} : vector<2x1000x80xf32> to vector<1x1000x64xf32>
    %squeeze3A_4 = vector.shape_cast %slice3A_3 : vector<1x1000x64xf32> to vector<1000x64xf32>
    %add3A = arith.addf %squeeze3A, %squeeze3A_4 : vector<1000x64xf32>
    %slice3A_5 = vector.extract_strided_slice %get3A_2 {offsets = [0, 0, 64], sizes = [1, 1000, 8], strides = [1, 1, 1]} : vector<2x1000x80xf32> to vector<1x1000x8xf32>
    %squeeze3A_6 = vector.shape_cast %slice3A_5 : vector<1x1000x8xf32> to vector<1000x8xf32>
    %slice3A_7 = vector.extract_strided_slice %get3A_2 {offsets = [1, 0, 64], sizes = [1, 1000, 8], strides = [1, 1, 1]} : vector<2x1000x80xf32> to vector<1x1000x8xf32>
    %squeeze3A_8 = vector.shape_cast %slice3A_7 : vector<1x1000x8xf32> to vector<1000x8xf32>
    %add3A_9 = arith.addf %squeeze3A_6, %squeeze3A_8 : vector<1000x8xf32>
    %max3A = arith.constant 1.000000e-30 : f32
    %max3A_10 = vector.broadcast %max3A : f32 to vector<1000x8xf32>
    %max3A_11 = arith.maximumf %add3A_9, %max3A_10 : vector<1000x8xf32>
    %get3A_12 = arith.constant 0 : index
    %get3A_13 = arith.constant 0 : index
    %get3A_14 = vector.load %arg2[%get3A_12, %get3A_13] : memref<8x64xf32, #tpu.memory_space<vmem>>, vector<8x64xf32>
    %dot_general3A = arith.constant dense<0.000000e+00> : vector<1000x64xf32>
    %dot_general3A_15 = tpu.matmul %max3A_11, %get3A_14, %dot_general3A {dimension_numbers = #tpu.dot_dimension_numbers<[1], [0], [0], [1], [0, 0, 1, 1], [], []>, transpose_lhs_hint = false} : vector<1000x8xf32>, vector<8x64xf32>, vector<1000x64xf32> -> vector<1000x64xf32>
    %div3A = arith.divf %add3A, %dot_general3A_15 : vector<1000x64xf32>
    %get3A_16 = arith.constant 0 : index
    %get3A_17 = arith.constant 0 : index
    %get3A_18 = vector.load %arg3[%get3A_16, %get3A_17] : memref<1x64xf32, #tpu.memory_space<vmem>>, vector<1x64xf32>
    %add3A_19 = vector.broadcast %get3A_18 : vector<1x64xf32> to vector<1000x64xf32>
    %add3A_20 = arith.addf %div3A, %add3A_19 : vector<1000x64xf32>
    %get3A_21 = arith.constant 0 : index
    %get3A_22 = arith.constant 0 : index
    %get3A_23 = vector.load %arg4[%get3A_21, %get3A_22] : memref<64x64xf32, #tpu.memory_space<vmem>>, vector<64x64xf32>
    %dot_general3A_24 = arith.constant dense<0.000000e+00> : vector<1000x64xf32>
    %dot_general3A_25 = tpu.matmul %add3A_20, %get3A_23, %dot_general3A_24 {dimension_numbers = #tpu.dot_dimension_numbers<[1], [0], [0], [1], [0, 0, 1, 1], [], []>, transpose_lhs_hint = false} : vector<1000x64xf32>, vector<64x64xf32>, vector<1000x64xf32> -> vector<1000x64xf32>
    %swap3A = arith.constant 0 : index
    %swap3A_26 = arith.constant 0 : index
    %swap3A_27 = vector.load %arg5[%swap3A, %swap3A_26] : memref<1000x64xf32, #tpu.memory_space<vmem>>, vector<1000x64xf32>
    tpu.vector_store %arg5[%swap3A, %swap3A_26], %dot_general3A_25 {strides = array<i32>} : memref<1000x64xf32, #tpu.memory_space<vmem>>, vector<1000x64xf32>,
    %reduce_max3A = arith.constant dense<0xFF800000> : vector<1000xf32>
    %reduce_max3A_28 = vector.multi_reduction <maximumf>, %dot_general3A_25, %reduce_max3A [1] : vector<1000x64xf32> to vector<1000xf32>
    %broadcast_in_dim3A = vector.shape_cast %reduce_max3A_28 : vector<1000xf32> to vector<1000x1xf32>
    %sub3A = vector.broadcast %broadcast_in_dim3A : vector<1000x1xf32> to vector<1000x64xf32>
    %sub3A_29 = arith.subf %dot_general3A_25, %sub3A : vector<1000x64xf32>
    %exp3A = math.exp %sub3A_29 : vector<1000x64xf32>
    %reduce_sum3A = arith.constant dense<0.000000e+00> : vector<1000xf32>
    %reduce_sum3A_30 = vector.multi_reduction <add>, %exp3A, %reduce_sum3A [1] : vector<1000x64xf32> to vector<1000xf32>
    %broadcast_in_dim3A_31 = vector.shape_cast %reduce_sum3A_30 : vector<1000xf32> to vector<1000x1xf32>
    %div3A_32 = vector.broadcast %broadcast_in_dim3A_31 : vector<1000x1xf32> to vector<1000x64xf32>
    %div3A_33 = arith.divf %exp3A, %div3A_32 : vector<1000x64xf32>
    %swap3A_34 = arith.constant 0 : index
    %swap3A_35 = arith.constant 0 : index
    %swap3A_36 = vector.load %arg6[%swap3A_34, %swap3A_35] : memref<1000x64xf32, #tpu.memory_space<vmem>>, vector<1000x64xf32>
    tpu.vector_store %arg6[%swap3A_34, %swap3A_35], %div3A_33 {strides = array<i32>} : memref<1000x64xf32, #tpu.memory_space<vmem>>, vector<1000x64xf32>,
    return
  }
  func.func @transform_0(%arg0: i32) -> (i32, i32, i32) {
    %c0_i32 = arith.constant 0 : i32
    %c0_i32_0 = arith.constant 0 : i32
    %c0_i32_1 = arith.constant 0 : i32
    return %c0_i32, %arg0, %c0_i32_0 : i32, i32, i32
  }
  func.func @transform_1(%arg0: i32) -> (i32, i32) {
    %c0_i32 = arith.constant 0 : i32
    %c0_i32_0 = arith.constant 0 : i32
    %c0_i32_1 = arith.constant 0 : i32
    return %c0_i32, %c0_i32_0 : i32, i32
  }
  func.func @transform_2(%arg0: i32) -> (i32, i32) {
    %c0_i32 = arith.constant 0 : i32
    %c0_i32_0 = arith.constant 0 : i32
    %c0_i32_1 = arith.constant 0 : i32
    return %c0_i32, %c0_i32_0 : i32, i32
  }
  func.func @transform_3(%arg0: i32) -> (i32, i32) {
    %c0_i32 = arith.constant 0 : i32
    %c0_i32_0 = arith.constant 0 : i32
    %c0_i32_1 = arith.constant 0 : i32
    return %c0_i32, %c0_i32_0 : i32, i32
  }
  func.func @transform_4(%arg0: i32) -> (i32, i32) {
    %c0_i32 = arith.constant 0 : i32
    %c0_i32_0 = arith.constant 0 : i32
    return %arg0, %c0_i32 : i32, i32
  }
  func.func @transform_5(%arg0: i32) -> (i32, i32) {
    %c0_i32 = arith.constant 0 : i32
    %c0_i32_0 = arith.constant 0 : i32
    return %arg0, %c0_i32 : i32, i32
  }
}

</mosaic_0001>

<sc_bundles>
// kernel: kernel.10.cloned.1.call-start
scs
__scs_entry_jumppad:
0x0: {  	(pc) =	sbr.rel $0x88, $3  }
0x1: {  	(tag) =	ssettag $0x0;
	lr =	simm.s32 $0x1  }
0x2: {  	[smem:$0x3F97] =	sst lr;
	_ =	strace $0xD0000000  }
0x3: {  	_ = 	snop  }
0x4: {  	_ = 	snop  }
0x5: {  	_ = 	snop  }
0x6: {  	_ = 	snop  }
0x7: {  	_ = 	snop  }
__scs_overlays_trampoline_lowered:
0x8: {  	[smem:$0x3FA6] =	sst s0  }
0x9: {  	[smem:$0x3FA7] =	sst s1  }
0xa: {  	[smem:$0x3FA8] =	sst s2  }
0xb: {  	[smem:$0x3FA9] =	sst s3  }
0xc: {  	[smem:$0x3FAA] =	sst s4  }
0xd: {  	[smem:$0x3FAB] =	sst s5  }
0xe: {  	[smem:$0x3FAC] =	sst s6  }
0xf: {  	[smem:$0x3FAD] =	sst s7  }
0x10: {  	[smem:$0x3FAE] =	sst s8  }
0x11: {  	[smem:$0x3FAF] =	sst s9;
	s0 =	simm.s32 @!p0 $0x0  }
0x12: {  	s1 =	sld [smem:$0x3F95];
	s0 =	simm.s32 @p0 $0x1  }
0x13: {  	[smem:$0x3FB0] =	sst s0;
	s0 =	simm.s32 @!p1 $0x0  }
0x14: {  	s2 =	sld [smem:$0x3F94];
	s0 =	simm.s32 @p1 $0x1  }
0x15: {  	[smem:$0x3FB1] =	sst s0;
	s0 =	simm.s32 @!p2 $0x0  }
0x16: {  	s3 =	sld [smem:$0x3FDB];
	s0 =	simm.s32 @p2 $0x1  }
0x17: {  	s4 =	simm.s32 $0x1BF5;
	[smem:$0x3FB3] =	sst s0  }
0x18: {  	s0 =	sld [smem:$0x3F96];
	_ =	swait.ge [sflag:s4], $0x0  }
0x19: {  	s7 =	sld [smem:$0x3F97]  }
0x1a: {  	s8 =	sadd.s32 $0xFFFFE003, lr  }
0x1b: {  	s9 =	sadd.s32 $0xFFFFFEF7, lr;
	s5 =	simm.s32 $0xFFFFFFFF;
	p2 =	slt.u32 s8, $0xFFFFF086  }
0x1c: {  	p1 =	slt.u32 s9, $0xF7A;
	s5 =	simm.s32 @!p2 $0x0  }
0x1d: {  	s5 =	simm.s32 @p1 $0x1;
	p0 =	seq.s32 s7, s2  }
0x1e: {  	s7 =	smul.u32 @!p0 $0xF7A, s2;
	p2 =	seq.s32 @!p0 s5, $0x0  }
0x1f: {  	s9 =	smul.u32 $0xF7A, s1;
	s8 =	simm.s32 @!p0 $0x1BF5;
	p2 =	por !p2, p0  }
0x20: {  	[sflag:s8] =	ssyncset.s32 @!p0 $0xFFFFF086;
	s6 =	sadd.s32 @!p0 s3, s7;
	s7 =	simm.s32 @!p0 $0x108  }
0x21: {  	s3 =	sadd.s32 s3, s9;
	s6 =	sadd.s32 @!p0 $0x88, s6;
	s7 =	simm.s32 @p2 $0x1082  }
0x22: {  	[simem:s7], [sflag:s8] =	dma.local @!p0 [hbm:s6], $0xF7A  }
0x23: {  	s9 =	sor.u32 $0xD0000000, s2;
	s6 =	simm.s32 $0x108;
	_ =	swait.ge @!p0 [sflag:s8], $0x0  }
0x24: {  	s3 =	sadd.s32 $0x88, s3;
	s6 =	simm.s32 @!p1 $0x1082;
	[sflag:s4] =	ssyncset.s32 $0xFFFFF086  }
0x25: {  	[simem:s6], [sflag:s4] =	dma.local [hbm:s3], $0xF7A  }
0x26: {  	[smem:$0x3F97] =	sst s1;
	(tag) =	ssettag s2;
	_ =	strace s9  }
0x27: {  	s1 =	sld [smem:$0x3FA7]  }
0x28: {  	s2 =	sld [smem:$0x3FA8]  }
0x29: {  	s4 =	sld [smem:$0x3FAA]  }
0x2a: {  	p0 =	seq.s32 s5, $0x0;
	s5 =	sld [smem:$0x3FAB]  }
0x2b: {  	s6 =	sld [smem:$0x3FAC]  }
0x2c: {  	s7 =	sld [smem:$0x3FAD]  }
0x2d: {  	s3 =	simm.s32 $0x108;
	s8 =	sld [smem:$0x3FAE]  }
0x2e: {  	s3 =	simm.s32 @!p0 $0x1082;
	s9 =	sld [smem:$0x3FAF]  }
0x2f: {  	lr =	sadd.s32 s0, s3;
	s0 =	sld [smem:$0x3FA6]  }
0x30: {  	s3 =	sld [smem:$0x3FA9]  }
0x31: {  	[smem:$0x3FB2] =	sst s10  }
0x32: {  	s10 =	sld [smem:$0x3FB0];
	_ =	sdelay $0x3  }
0x33: {  	p0 =	seq.s32 s10, $0x1;
	s10 =	sld [smem:$0x3FB2];
	_ =	sdelay $0x3  }
0x34: {  	[smem:$0x3FB2] =	sst s10  }
0x35: {  	s10 =	sld [smem:$0x3FB1];
	_ =	sdelay $0x3  }
0x36: {  	p1 =	seq.s32 s10, $0x1;
	s10 =	sld [smem:$0x3FB2];
	_ =	sdelay $0x3  }
0x37: {  	[smem:$0x3FB2] =	sst s10  }
0x38: {  	s10 =	sld [smem:$0x3FB3]  }
0x39: {  	_ = 	snop;
	(pc) =	sbr.ind lr, $3  }
0x3a: {  	_ = 	snop  }
0x3b: {  	_ = 	snop  }
0x3c: {  	p2 =	seq.s32 s10, $0x1;
	s10 =	sld [smem:$0x3FB2]  }
0x3d: {  	_ =	shalt  }
0x3e: {  	_ =	shalt  }
0x3f: {  	_ =	shalt  }
0x40: {  	_ =	shalt  }
0x41: {  	_ =	shalt  }
0x42: {  	_ =	shalt  }
0x43: {  	_ =	shalt  }
0x44: {  	_ =	shalt  }
0x45: {  	_ =	shalt  }
0x46: {  	_ =	shalt  }
0x47: {  	_ =	shalt  }
0x48: {  	_ =	shalt  }
0x49: {  	_ =	shalt  }
0x4a: {  	_ =	shalt  }
0x4b: {  	_ =	shalt  }
0x4c: {  	_ =	shalt  }
0x4d: {  	_ =	shalt  }
0x4e: {  	_ =	shalt  }
0x4f: {  	_ =	shalt  }
0x50: {  	_ =	shalt  }
0x51: {  	_ =	shalt  }
0x52: {  	_ =	shalt  }
0x53: {  	_ =	shalt  }
0x54: {  	_ =	shalt  }
0x55: {  	_ =	shalt  }
0x56: {  	_ =	shalt  }
0x57: {  	_ =	shalt  }
0x58: {  	_ =	shalt  }
0x59: {  	_ =	shalt  }
0x5a: {  	_ =	shalt  }
0x5b: {  	_ =	shalt  }
0x5c: {  	_ =	shalt  }
0x5d: {  	_ =	shalt  }
0x5e: {  	_ =	shalt  }
0x5f: {  	_ =	shalt  }
0x60: {  	_ =	shalt  }
0x61: {  	_ =	shalt  }
0x62: {  	_ =	shalt  }
0x63: {  	_ =	shalt  }
0x64: {  	_ =	shalt  }
0x65: {  	_ =	shalt  }
0x66: {  	_ =	shalt  }
0x67: {  	_ =	shalt  }
0x68: {  	_ =	shalt  }
0x69: {  	_ =	shalt  }
0x6a: {  	_ =	shalt  }
0x6b: {  	_ =	shalt  }
0x6c: {  	_ =	shalt  }
0x6d: {  	_ =	shalt  }
0x6e: {  	_ =	shalt  }
0x6f: {  	_ =	shalt  }
0x70: {  	_ =	shalt  }
0x71: {  	_ =	shalt  }
0x72: {  	_ =	shalt  }
0x73: {  	_ =	shalt  }
0x74: {  	_ =	shalt  }
0x75: {  	_ =	shalt  }
0x76: {  	_ =	shalt  }
0x77: {  	_ =	shalt  }
0x78: {  	_ =	shalt  }
0x79: {  	_ =	shalt  }
0x7a: {  	_ =	shalt  }
0x7b: {  	_ =	shalt  }
0x7c: {  	_ =	shalt  }
0x7d: {  	_ =	shalt  }
0x7e: {  	_ =	shalt  }
0x7f: {  	_ =	shalt  }
0x80: {  	_ =	shalt  }
0x81: {  	_ =	shalt  }
0x82: {  	_ =	shalt  }
0x83: {  	_ =	shalt  }
0x84: {  	_ =	shalt  }
0x85: {  	_ =	shalt  }
0x86: {  	_ =	shalt  }
0x87: {  	_ =	shalt  }
.Lfunc_end0:
.L_simem_size_0:
called_computation.1_lowered:
.L_overlay_start_0:
0x88: {  	s2 =	sld [smem:$0x3FD9]  }
0x89: {  	s3 =	sld [smem:$0x3FFE];
	_ =	sdelay $0x1  }
0x8a: {  	s1 =	srdreg.scid  }
0x8b: {  	s0 =	sand.u32 $0x1, s1  }
0x8c: {  	s14 =	sshll.u32 s0, $0xA;
	s2 =	sadd.s32 s3, s2  }
0x8d: {  	s2 =	sadd.s32 s2, s14  }
0x8e: {  	[smem:$0x3FBE] =	sst s2  }
0x8f: {  	_ = 	snop  }
0x90: {  	s2 =	sld [smem:$0x3FD0];
	_ =	sdelay $0x2  }
0x91: {  	s15 =	simm.s32 $0xA;
	s4 =	simm.s32 $0x10  }
0x92: {  	[smem:s4], [sflag:s15] =	dma.local [hbm:s2], $0x1  }
0x93: {  	_ =	swait.eq [sflag:s15], $0x1  }
0x94: {  	[sflag:s15] =	ssyncset.done $0x0  }
0x95: {  	s16 =	sld [smem:$0x10];
	[sflag:s15] =	ssyncadd.s32 $0xFFFFFFFF  }
0x96: {  	s17 =	sld [smem:$0x11];
	(tm) =	ssettm $0x1  }
0x97: {  	s18 =	sld [smem:$0x3FFB];
	_ =	sdelay $0x3  }
0x98: {  	_ =	strace s18  }
0x99: {  	s4 =	sld [smem:$0x3FFC];
	_ =	sdelay $0x3  }
0x9a: {  	_ =	strace s4  }
0x9b: {  	s4 =	sld [smem:$0x3FFD];
	_ =	sdelay $0x3  }
0x9c: {  	_ =	strace s4  }
0x9d: {  	_ =	strace $0x8FFFFFFF  }
0x9e: {  	s19 =	sld [smem:$0x3FDB];
	_ =	sdelay $0x1  }
0x9f: {  	s5 =	simm.s32 $_scs_section_size  }
0xa0: {  	s6 =	simm.s32 $_size__tile_overlayer_lowered;
	s7 =	simm.s32 $_tile_overlayer_lowered  }
0xa1: {  	s22 =	simm.s32 $0x1BFF;
	s21 =	sshll.u32 s7, $0x1;
	s4 =	sadd.s32 s5, s19  }
0xa2: {  	s8 =	simm.s32 $0x0;
	s20 =	sshll.u32 s6, $0x1;
	s6 =	sadd.s32 s21, s4  }
0xa3: {  	[timem:s8], [sflag:s22] =	dma.local [hbm:s6], s20  }
0xa4: {  	_ =	swait.ge [sflag:s22], s20  }
0xa5: {  	s5 =	ssub.s32 $0x0, s20;
	[sflag:s22] =	ssyncset.done $0x0  }
0xa6: {  	[sflag:s22] =	ssyncadd.s32 s5;
	_ =	sdelay $0x1  }
0xa7: {  	s23 =	simm.s32 $0x1B8B  }
0xa8: {  	_ =	swait.ge [sflag:s23], $0x1  }
0xa9: {  	[sflag:s23] =	ssyncset.done $0x0  }
0xaa: {  	s25 =	simm.s32 $0x1B8E;
	s24 =	sld [smem:$0x3FFE];
	[sflag:s23] =	ssyncadd.s32 $0xFFFFFFFF  }
0xab: {  	s26 =	simm.s32 $execute0_lowered;
	[smem:$0x3FD2] =	sst s25  }
0xac: {  	s6 =	sshll.u32 s26, $0x1;
	_ =	strace $0x80000049;
	[dreg:$0x1] =	wrdreg $0xFFFFFFFF  }
0xad: {  	s28 =	simm.s32 $_size_execute0_lowered;
	s4 =	sadd.s32 s4, s6;
	[dreg:$0x0] =	wrdreg $0x0  }
0xae: {  	s6 =	sshll.u32 s28, $0x1;
	[dreg:$0x2] =	wrdreg s4  }
0xaf: {  	[dreg:$0x3] =	wrdreg s6  }
0xb0: {  	[dreg:$0x4] =	wrdreg $0xC0  }
0xb1: {  	_ =	task [dreg:s8], $0x5FFFF  }
0xb2: {  	[dreg:$0x1] =	wrdreg $0xFFFFFFFF  }
0xb3: {  	[dreg:$0x0] =	wrdreg $0x60  }
0xb4: {  	[dreg:$0x2] =	wrdreg s17  }
0xb5: {  	[dreg:$0x3] =	wrdreg s16  }
0xb6: {  	[dreg:$0x4] =	wrdreg s24  }
0xb7: {  	[dreg:$0x5] =	wrdreg $0x0  }
0xb8: {  	[dreg:$0x6] =	wrdreg $0x9  }
0xb9: {  	_ =	task.clear_ibuf [dreg:s8], $0x7FFFF;
	_ =	strace $0x90000049  }
0xba: {  	s29 =	simm.s32 $0x9;
	_ =	strace $0x8000004B  }
0xbb: {  	_ =	swait.ge [sflag:s29], $0x1  }
0xbc: {  	[sflag:s29] =	ssyncadd.s32 $0xFFFFFFFF  }
0xbd: {  	_ =	strace $0x9000004B  }
0xbe: {  	_ =	sfence  }
0xbf: {  	s30 =	sld [smem:$0x0];
	_ =	sdelay $0x2  }
0xc0: {  	s31 =	sshll.u32 s1, $0xD;
	s1 =	sshrl.u32 s1, $0x2  }
0xc1: {  	s3 =	sand.u32 $0x4000, s31;
	s1 =	sadd.s32 s1, s30  }
0xc2: {  	s0 =	sor.u32 s3, s0;
	s1 =	sshll.u32 s1, $0x11  }
0xc3: {  	s0 =	sor.u32 s1, s0  }
0xc4: {  	s0 =	sadd.s32 $0x8F2B, s0  }
0xc5: {  	[sflag:s0] =	ssyncadd.remote.s32 $0x1  }
0xc6: {  	_ =	sfence.sel $0xFFFF  }
0xc7: {  	[dreg:$0x0] =	wrdreg $0xFFFFFFFF;
	(pc) =	sbr.abs _section_cstart, $3  }
0xc8: {  	[dreg:$0x1] =	wrdreg $0xFFFFFFFF  }
0xc9: {  	_ =	task.clear_ibuf [dreg:s8], $0x2FFFF;
	_ =	strace $0x9FFFFFFF  }
0xca: {  	(tm) =	ssettm $0x7FFFFFFF  }
0xcb: {  	_ =	shalt  }
tec
execute0_lowered:
.L_overlay_start_1:
0x0: {  	(tag) =	ssettag $0x1  }
0x1: {  	s0 =	rddreg [dreg:$0x0]  }
0x2: {  	s1 =	rddreg [dreg:$0x1]  }
0x3: {  	s6 =	rddreg [dreg:$0x2]  }
0x4: {  	s2 =	rddreg [dreg:$0x3];
	s4 =	srdreg.scid  }
0x5: {  	s11 =	stileid.u32;
	s3 =	simm.s32 $0x0;
	s17 =	simm.s32 $0x5  }
0x6: {  	s16 =	simm.s32 $0xF080;
	s19 =	simm.s32 $0x17900;
	s21 =	simm.s32 $0x80  }
0x7: {  	s24 =	simm.s32 $0x4;
	s25 =	simm.s32 $0x3;
	s26 =	simm.s32 $0x0  }
0x8: {  	s7 =	sand.u32 $0x1, s4;
	s9 =	smul.u32 $0xC800, s11;
	[smem:$0x7FF] =	sst s3  }
0x9: {  	s4 =	sadd.s32 $0x1400, s6;
	s5 =	sadd.s32 $0x1A400, s6;
	s10 =	sadd.s32 $0x1F400, s6  }
0xa: {  	s8 =	smul.u32 $0xC8000, s7;
	_ =	strace $0x8000004A;
	s30 =	sshll.u32 s7, $0x4  }
0xb: {  	[dreg:$0x5] =	wrdreg s10;
	s7 =	ssub.s32 $0x2, s7;
	s10 =	sor.u32 s11, s30  }
0xc: {  	s11 =	smul.u32 $0x32000, s11;
	s12 =	sshrl.u32 s7, $0x1;
	s8 =	sadd.s32 s9, s8  }
0xd: {  	s10 =	smul.u32 $0x510, s10;
	s7 =	ssub.s32 s7, s12;
	s9 =	sadd.s32 s9, s2  }
.Ltmp0:
0xe: {  	s8 =	sshrl.u32 s8, $0x3;
	s11 =	sshrl.u32 s11, $0x2;
	(pc) =	sbr.rel .LBB2_1-.Ltmp0, $4  }
0xf: {  	s15 =	smax.u32 s7, $0x1;
	s7 =	simm.s32 $0xC800;
	s6 =	sadd.s32 s8, s6  }
0x10: {  	s0 =	sadd.s32 s0, s10;
	s8 =	sadd.s32 s1, s10;
	s31 =	sadd.s32 s11, s2  }
0x11: {  	[dreg:$0x6] =	wrdreg s0;
	s10 =	sadd.s32 $0x2800, s31;
	s11 =	sadd.s32 $0x5000, s31  }
0x12: {  	v0 =	vimm.f32 $0.0e+00;
	s12 =	sadd.s32 $0x7800, s31;
	s13 =	sadd.s32 $0xA000, s31;
	s14 =	sadd.s32 $0x1F600, s6  }
.LBB2_13:
0x13: {  	_ =	swait.ge [sflag:s24], $0x2800  }
0x14: {  	[sflag:s24] =	ssyncset.done $0x0  }
0x15: {  	[sflag:s24] =	ssyncadd.s32 $0xFFFFD800  }
0x16: {  	s0 =	stileid.u32;
	_ =	swait.ge [sflag:s25], $0x2800  }
0x17: {  	s1 =	sshrl.u32 s9, $0x3;
	s26 =	sadd.s32 $0x1, s26;
	[sflag:s25] =	ssyncset.done $0x0  }
0x18: {  	s0 =	sshll.u32 s0, $0x6;
	p0 =	sne.s32 s26, s15;
	[sflag:s25] =	ssyncadd.s32 $0xFFFFD800  }
.Ltmp1:
0x19: {  	s0 =	sor.u32 $0x1C05, s0;
	[bflag:$0x0] =	sbarrier.arrive $0xFFFF;
	(pc) =	sbr.rel @!p0 .LBB2_14-.Ltmp1, $4  }
0x1a: {  	[hbm:s14], [sflag:s0] =	dma.local [spmem:s1], $0x1900  }
0x1b: {  	_ =	swait.ge [sflag:s17], $0x1900  }
0x1c: {  	[sflag:s17] =	ssyncset.done $0x0  }
0x1d: {  	s7 =	simm.s32 $0xC800;
	s16 =	simm.s32 $0xF080;
	[sflag:s17] =	ssyncadd.s32 $0xFFFFE700  }
.LBB2_1:
0x1e: {  	s0 =	rddreg [dreg:$0x6]  }
0x1f: {  	[tilespmem:s7], [sflag:$0x5] =	stream.linear.gather [hbm4b:s0+s3], $0x2880, $0x38;
	[tilespmem:$0x1C910] =	vst v63  }
0x20: {  	_ =	swait.ge [sflag:s17], $0x2880  }
0x21: {  	[sflag:s17] =	ssyncset.done $0x0  }
0x22: {  	[sflag:s17] =	ssyncadd.s32 $0xFFFFD780  }
0x23: {  	[tilespmem:s16], [sflag:$0x5] =	stream.linear.gather [hbm4b:s8+s3], $0x2880, $0x38;
	[tilespmem:$0x1C910] =	vst v63  }
0x24: {  	_ =	swait.ge [sflag:s17], $0x2880  }
0x25: {  	[sflag:s17] =	ssyncset.done $0x0  }
0x26: {  	s1 =	simm.s32 $0x140;
	s0 =	simm.s32 $0x0;
	[sflag:s17] =	ssyncadd.s32 $0xFFFFD780  }
.LBB2_2:
0x27: {  	p0 =	sne.s32 s1, $0x9EC0;
	[tilespmem:s0+$0x17940] =	vst v0;
	s6 =	smov.u32 s1;
	s1 =	sadd.s32 $0x140, s1  }
.Ltmp2:
0x28: {  	[tilespmem:s0+$0x17930] =	vst v0;
	(pc) =	sbr.rel @p0 .LBB2_2-.Ltmp2, $4  }
0x29: {  	[tilespmem:s0+$0x17920] =	vst v0  }
0x2a: {  	[tilespmem:s0+$0x17900] =	vst v0  }
0x2b: {  	[tilespmem:s0+$0x17910] =	vst v0  }
0x2c: {  	s0 =	sshra.s32 s6, $0x2  }
0x2d: {  	[tilespmem:s0+$0x17940] =	vst v0  }
0x2e: {  	[tilespmem:s0+$0x17930] =	vst v0  }
0x2f: {  	[tilespmem:s0+$0x17920] =	vst v0  }
0x30: {  	[tilespmem:s0+$0x17900] =	vst v0  }
0x31: {  	[tilespmem:s0+$0x17910] =	vst v0  }
0x32: {  	[spmem:s9] =	stream.linear.scatter [tilespmem:s19], [sflag:$0x5], $0x2800, $0x38;
	[tilespmem:$0x1C910] =	vst v63  }
0x33: {  	_ =	swait.ge [sflag:s17], $0x2800  }
0x34: {  	[sflag:s17] =	ssyncset.done $0x0  }
0x35: {  	[sflag:s17] =	ssyncadd.s32 $0xFFFFD800  }
0x36: {  	[spmem:s10] =	stream.linear.scatter [tilespmem:s19], [sflag:$0x5], $0x2800, $0x38;
	[tilespmem:$0x1C910] =	vst v63  }
0x37: {  	_ =	swait.ge [sflag:s17], $0x2800  }
0x38: {  	[sflag:s17] =	ssyncset.done $0x0  }
0x39: {  	[sflag:s17] =	ssyncadd.s32 $0xFFFFD800  }
0x3a: {  	[spmem:s11] =	stream.linear.scatter [tilespmem:s19], [sflag:$0x5], $0x2800, $0x38;
	[tilespmem:$0x1C910] =	vst v63  }
0x3b: {  	_ =	swait.ge [sflag:s17], $0x2800  }
0x3c: {  	[sflag:s17] =	ssyncset.done $0x0  }
0x3d: {  	[sflag:s17] =	ssyncadd.s32 $0xFFFFD800  }
0x3e: {  	[spmem:s12] =	stream.linear.scatter [tilespmem:s19], [sflag:$0x5], $0x2800, $0x38;
	[tilespmem:$0x1C910] =	vst v63  }
0x3f: {  	_ =	swait.ge [sflag:s17], $0x2800  }
0x40: {  	[sflag:s17] =	ssyncset.done $0x0  }
0x41: {  	[sflag:s17] =	ssyncadd.s32 $0xFFFFD800  }
0x42: {  	[spmem:s13] =	stream.linear.scatter [tilespmem:s19], [sflag:$0x5], $0x2800, $0x38;
	[tilespmem:$0x1C910] =	vst v63  }
0x43: {  	_ =	swait.ge [sflag:s17], $0x2800  }
0x44: {  	[sflag:s17] =	ssyncset.done $0x0  }
0x45: {  	[sflag:s17] =	ssyncadd.s32 $0xFFFFD800  }
0x46: {  	[bflag:$0x0] =	sbarrier.arrive $0xFFFF  }
0x47: {  	s1 =	simm.s32 $0x1C900;
	s29 =	rddreg [dreg:$0x5]  }
0x48: {  	[tilespmem:s1], [sflag:$0x5] =	stream.linear.gather [hbm4b:s29+s3], $0x10, $0x38;
	[tilespmem:$0x1C910] =	vst v63  }
0x49: {  	_ =	swait.ge [sflag:s17], $0x10  }
.Ltmp3:
0x4a: {  	[sflag:s17] =	ssyncset.done $0x0;
	(pc) =	sbr.rel .LBB2_4-.Ltmp3, $4  }
0x4b: {  	s30 =	simm.s32 $0x11900;
	[sflag:s17] =	ssyncadd.s32 $0xFFFFFFF0  }
0x4c: {  	v1 =	vld [tilespmem:$0x1C900];
	[tilespmem:s30], [sflag:$0x1] =	stream.indirect.gather [hbm4b:s4+s21], $0x50, s7, s21, $0xb8  }
0x4d: {  	s31 =	simm.s32 $0x16900;
	s28 =	simm.s32 $0x1  }
0x4e: {  	[tilespmem:s31], [sflag:$0x1] =	stream.indirect.gather [hbm4b:s5+s21], $0x10, s16, s21, $0xb8;
	[tilespmem:$0x1C910] =	vst v63  }
.LBB2_12:
0x4f: {  	s28 =	sadd.s32 $0x1, s28  }
0x50: {  	s0 =	smul.u32 $0xA000, s30;
	p0 =	sne.s32 s28, $0x52  }
.Ltmp4:
0x51: {  	_ = 	snop;
	(pc) =	sbr.rel @!p0 .LBB2_13-.Ltmp4, $4  }
0x52: {  	s1 =	sshll.u32 s29, $0x9  }
0x53: {  	s1 =	sshra.s32 s1, $0x2;
	s0 =	sshra.s32 s0, $0x2  }
0x54: {  	s6 =	sadd.s32 $0x3, s30;
	s1 =	sadd.s32 $0xF080, s1;
	s0 =	sadd.s32 $0x17900, s0  }
0x55: {  	[spmem:s2] =	stream.indirect.scatter.add.f32 [tilespmem:s0], [sflag:s6], $0x50, s1, s21, $0xb8;
	[tilespmem:$0x1C910] =	vst v63  }
.LBB2_4:
0x56: {  	p0 =	seq.s32 s28, $0x51  }
0x57: {  	s0 =	sand.u32 @!p0 $0x1, s28  }
0x58: {  	s1 =	smul.u32 @!p0 $0xA000, s0  }
0x59: {  	s29 =	sadd.s32 $0xFFFFFFFF, s28;
	s6 =	sshll.u32 @!p0 s28, $0x7  }
0x5a: {  	s18 =	simm.s32 @!p0 $0x80;
	s7 =	sadd.s32 @!p0 $0xC800, s6;
	s1 =	sshrl.u32 @!p0 s1, $0x2  }
0x5b: {  	s16 =	sadd.s32 @!p0 $0x1, s0;
	s0 =	sshll.u32 @!p0 s0, $0xB;
	s1 =	sadd.s32 @!p0 $0x11900, s1  }
0x5c: {  	[tilespmem:s1], [sflag:s16] =	stream.indirect.gather @!p0 [hbm4b:s4+s18], $0x50, s7, s18, $0xb8;
	[tilespmem:$0x1C910] =	vst v63  }
0x5d: {  	s23 =	sand.u32 $0x80, s29;
	s0 =	sadd.s32 @!p0 $0x16900, s0;
	s1 =	sadd.s32 @!p0 $0xF080, s6  }
0x5e: {  	[tilespmem:s0], [sflag:s16] =	stream.indirect.gather @!p0 [hbm4b:s5+s18], $0x10, s1, s18, $0xb8;
	[tilespmem:$0x1C910] =	vst v63  }
0x5f: {  	s0 =	sshrl.u32 s23, $0x7  }
0x60: {  	s0 =	sadd.s32 s0, s29  }
0x61: {  	s0 =	sand.u32 $0xFFFFFFFE, s0  }
0x62: {  	s0 =	ssub.s32 s29, s0  }
0x63: {  	s31 =	sshll.u32 s0, $0x18  }
0x64: {  	s30 =	sshra.s32 s31, $0x18  }
0x65: {  	s1 =	sadd.s32 $0x1, s30  }
0x66: {  	_ =	swait.ge [sflag:s1], $0x2800  }
0x67: {  	[sflag:s1] =	ssyncset.done $0x0  }
0x68: {  	s0 =	sand.u32 $0xFF, s0;
	[sflag:s1] =	ssyncadd.s32 $0xFFFFD800  }
0x69: {  	p1 =	seq.s32 s0, $0x1;
	_ =	swait.ge [sflag:s1], $0x800  }
.Ltmp5:
0x6a: {  	p0 =	slt.u32 s28, $0x3;
	[sflag:s1] =	ssyncset.done $0x0;
	(pc) =	sbr.rel @p1 .LBB2_5-.Ltmp5, $4  }
0x6b: {  	[sflag:s1] =	ssyncadd.s32 $0xFFFFF800;
	s1 =	sadd.s32 @!p0 $0x3, s30  }
0x6c: {  	_ =	swait.ge @!p0 [sflag:s1], $0x2800  }
0x6d: {  	[sflag:s1] =	ssyncset.done @!p0 $0x0  }
0x6e: {  	[sflag:s1] =	ssyncadd.s32 @!p0 $0xFFFFD800  }
0x6f: {  	p0 =	sne.s32 s0, $0x0  }
.Ltmp6:
0x70: {  	_ = 	snop;
	(pc) =	sbr.rel @p0 .LBB2_12-.Ltmp6, $1  }
0x71: {  	_ =	sdelay $0x3  }
0x72: {  	s1 =	simm.s32 $0x11A40  }
0x73: {  	s0 =	simm.s32 $0x16940;
	v2 =	vld [tilespmem:s1+$0x130]  }
0x74: {  	v3 =	vld [tilespmem:s0+$0x30];
	_ =	sdelay $0x4  }
0x75: {  	v2 =	vadd.f32 v3, v2;
	v3 =	vadd.f32 v3, v1;
	_ =	sdelay $0x1  }
0x76: {  	v6 =	vld [tilespmem:s1+$0xFFFFFFA0];
	v4 =	vmul.f32 $2.000000030e-01, v2;
	v5 =	vmul.f32 $2.000000030e-01, v3  }
0x77: {  	v7 =	vld [tilespmem:s0+$0xFFFFFFE0]  }
0x78: {  	v10 =	vld [tilespmem:s1+$0xFFFFFF00];
	v2 =	vmax.f32 v2, v4;
	v3 =	vmax.f32 v3, v5  }
0x79: {  	v11 =	vld [tilespmem:s1+$0x40];
	v2 =	vsub.f32 v2, v3  }
0x7a: {  	v13 =	vld [tilespmem:s0+$0x0]  }
0x7b: {  	v4 =	vld [tilespmem:s0+$0xFFFFFFC0];
	v2 =	vmul.f32 $1.442695020e+00, v2  }
0x7c: {  	v5 =	vld [tilespmem:s0+$0xFFFFFFD0]  }
0x7d: {  	v3 =	vld [tilespmem:s1+$0xFFFFFF50];
	(erf) = vpow2.f32 v2;
	_ =	sdelay $0x1  }
0x7e: {  	v15 =	vadd.f32 v7, v6;
	v7 =	vadd.f32 v7, v1  }
0x7f: {  	v8 =	vld [tilespmem:s0+$0xFFFFFFF0];
	v11 =	vadd.f32 v13, v11;
	v13 =	vadd.f32 v13, v1  }
0x80: {  	v2 =	vld [tilespmem:s1+$0xFFFFFFF0];
	v9 =	vadd.f32 v4, v1;
	v4 =	vadd.f32 v4, v10  }
0x81: {  	v16 =	vmul.f32 $2.000000030e-01, v15;
	v10 =	vmul.f32 $2.000000030e-01, v7;
	v3 =	vadd.f32 v5, v3  }
0x82: {  	s6 =	simm.s32 $0x169C0;
	v5 =	vadd.f32 v5, v1;
	v12 =	vmul.f32 $2.000000030e-01, v9;
	v17 =	vmul.f32 $2.000000030e-01, v4  }
0x83: {  	v25 =	vld [tilespmem:s6+$0x0];
	v18 =	vmul.f32 $2.000000030e-01, v11;
	v7 =	vmax.f32 v7, v10;
	v14 =	vmul.f32 $2.000000030e-01, v3  }
0x84: {  	v29 =	vld [tilespmem:s6+$0x10];
	v9 =	vmax.f32 v9, v12;
	v12 =	vmul.f32 $2.000000030e-01, v5;
	v4 =	vmax.f32 v4, v17  }
0x85: {  	s31 =	simm.s32 $0x17A40;
	s22 =	simm.s32 $0x11F40;
	v34 =	vld [tilespmem:s6+$0x20];
	v2 =	vadd.f32 v8, v2;
	v8 =	vadd.f32 v8, v1;
	v3 =	vmax.f32 v3, v14;
	v6 =	vpop (erf)  }
0x86: {  	v37 =	vld [tilespmem:s22+$0x130];
	v4 =	vsub.f32 v4, v9;
	v5 =	vmax.f32 v5, v12;
	v12 =	vmax.f32 v15, v16;
	[tilespmem:s31+$0x130] =	vst v6  }
0x87: {  	s23 =	simm.s32 $0x16A40;
	v14 =	vmul.f32 $2.000000030e-01, v2;
	v15 =	vmul.f32 $2.000000030e-01, v8;
	v3 =	vsub.f32 v3, v5;
	v16 =	vld [tilespmem:s1+$0xF0]  }
0x88: {  	v52 =	vld [tilespmem:s23+$0xFFFFFFE0];
	v10 =	vmul.f32 $2.000000030e-01, v13;
	v7 =	vsub.f32 v12, v7;
	v4 =	vmul.f32 $1.442695020e+00, v4  }
0x89: {  	v39 =	vld [tilespmem:s22+$0xFFFFFFF0];
	v2 =	vmax.f32 v2, v14;
	v8 =	vmax.f32 v8, v15;
	v3 =	vmul.f32 $1.442695020e+00, v3  }
0x8a: {  	v40 =	vld [tilespmem:s23+$0xFFFFFFF0];
	v9 =	vmax.f32 v11, v18;
	(erf) = vpow2.f32 v4;
	v2 =	vsub.f32 v2, v8  }
0x8b: {  	v53 =	vld [tilespmem:s22+$0x40];
	v5 =	vmax.f32 v13, v10;
	v7 =	vmul.f32 $1.442695020e+00, v7;
	(erf) = vpow2.f32 v3  }
0x8c: {  	v5 =	vsub.f32 v9, v5;
	v4 =	vld [tilespmem:s1+$0x90];
	v2 =	vmul.f32 $1.442695020e+00, v2;
	v8 =	vmul.f32 v6, v16  }
0x8d: {  	(erf) = vpow2.f32 v7;
	v7 =	vld [tilespmem:s0+$0x10]  }
0x8e: {  	v3 =	vmul.f32 $1.442695020e+00, v5;
	(erf) = vpow2.f32 v2;
	v2 =	vld [tilespmem:s1+$0xE0];
	[tilespmem:s31+$0xF0] =	vst v8  }
0x8f: {  	v5 =	vld [tilespmem:s1+$0x100]  }
0x90: {  	(erf) = vpow2.f32 v3;
	v3 =	vld [tilespmem:s0+$0x20]  }
0x91: {  	v11 =	vld [tilespmem:s6+$0x30];
	s0 =	simm.s32 $0x11CC0  }
0x92: {  	v10 =	vld [tilespmem:s0+$0x130]  }
0x93: {  	v54 =	vld [tilespmem:s23+$0x0]  }
0x94: {  	v41 =	vld [tilespmem:s22+$0x90];
	v4 =	vadd.f32 v7, v4;
	v9 =	vpop (erf);
	v5 =	vmul.f32 v6, v5  }
0x95: {  	v42 =	vld [tilespmem:s23+$0x10];
	[tilespmem:s31+$0xFFFFFF00] =	vst v9;
	v2 =	vadd.f32 v3, v2  }
0x96: {  	v23 =	vld [tilespmem:s0+$0xFFFFFF00];
	v12 =	vmul.f32 $2.000000030e-01, v4;
	v8 =	vpop (erf);
	v3 =	vadd.f32 v3, v1;
	[tilespmem:s31+$0x100] =	vst v5;
	v5 =	vadd.f32 v7, v1  }
0x97: {  	v13 =	vld [tilespmem:s1+$0xFFFFFEC0];
	v16 =	vpop (erf);
	[tilespmem:s31+$0xFFFFFF50] =	vst v8;
	v10 =	vadd.f32 v11, v10;
	v11 =	vadd.f32 v11, v1;
	v19 =	vmul.f32 $2.000000030e-01, v2  }
0x98: {  	v15 =	vld [tilespmem:s1+$0xFFFFFF10];
	[tilespmem:s31+$0xFFFFFFA0] =	vst v16;
	v20 =	vmul.f32 $2.000000030e-01, v3;
	v14 =	vmul.f32 $2.000000030e-01, v5  }
0x99: {  	v4 =	vmax.f32 v4, v12;
	v12 =	vld [tilespmem:s1+$0xFFFFFF60];
	v21 =	vmul.f32 $2.000000030e-01, v10;
	v22 =	vmul.f32 $2.000000030e-01, v11  }
0x9a: {  	v2 =	vmax.f32 v2, v19;
	v3 =	vmax.f32 v3, v20;
	v19 =	vld [tilespmem:s0+$0xFFFFFF50];
	v5 =	vmax.f32 v5, v14  }
0x9b: {  	v2 =	vsub.f32 v2, v3;
	v3 =	vld [tilespmem:s6+$0xFFFFFFC0];
	v4 =	vsub.f32 v4, v5  }
0x9c: {  	v10 =	vmax.f32 v10, v21;
	v11 =	vmax.f32 v11, v22;
	v22 =	vld [tilespmem:s0+$0x40]  }
0x9d: {  	v10 =	vsub.f32 v10, v11;
	v11 =	vld [tilespmem:s6+$0xFFFFFFD0];
	v4 =	vmul.f32 $1.442695020e+00, v4  }
0x9e: {  	v17 =	vpop (erf);
	v13 =	vmul.f32 v9, v13;
	v7 =	vld [tilespmem:s1+$0x110];
	v2 =	vmul.f32 $1.442695020e+00, v2  }
0x9f: {  	v44 =	vld [tilespmem:s22+$0xE0];
	v18 =	vpop (erf);
	v10 =	vmul.f32 $1.442695020e+00, v10;
	(erf) = vpow2.f32 v4  }
0xa0: {  	v15 =	vmul.f32 v8, v15;
	v4 =	vld [tilespmem:s0+$0xFFFFFFA0];
	(erf) = vpow2.f32 v2  }
0xa1: {  	v21 =	vadd.f32 v3, v1;
	v3 =	vadd.f32 v3, v23;
	v2 =	vld [tilespmem:s6+$0xFFFFFFE0];
	(erf) = vpow2.f32 v10  }
0xa2: {  	v20 =	vld [tilespmem:s0+$0xFFFFFFF0];
	v12 =	vmul.f32 v16, v12;
	v22 =	vadd.f32 v25, v22;
	v19 =	vadd.f32 v11, v19  }
0xa3: {  	v11 =	vadd.f32 v11, v1;
	v7 =	vmul.f32 v6, v7;
	v24 =	vmul.f32 $2.000000030e-01, v21;
	v10 =	vld [tilespmem:s6+$0xFFFFFFF0]  }
0xa4: {  	v45 =	vld [tilespmem:s23+$0x20];
	[tilespmem:s31+$0xFFFFFFF0] =	vst v17;
	v23 =	vadd.f32 v25, v1;
	v35 =	vmul.f32 $2.000000030e-01, v3;
	v36 =	vmul.f32 $2.000000030e-01, v22  }
0xa5: {  	[tilespmem:s31+$0x40] =	vst v18;
	v14 =	vld [tilespmem:s1+$0xFFFFFFB0];
	v26 =	vmul.f32 $2.000000030e-01, v19;
	v24 =	vmax.f32 v21, v24;
	v21 =	vmul.f32 $2.000000030e-01, v11  }
0xa6: {  	v5 =	vld [tilespmem:s1+$0x0];
	v3 =	vmax.f32 v3, v35;
	v4 =	vadd.f32 v2, v4;
	v2 =	vadd.f32 v2, v1  }
0xa7: {  	v27 =	vld [tilespmem:s0+$0x90];
	[tilespmem:s31+$0xFFFFFEC0] =	vst v13;
	v19 =	vmax.f32 v19, v26;
	v3 =	vsub.f32 v3, v24;
	v11 =	vmax.f32 v11, v21  }
0xa8: {  	[tilespmem:s31+$0xFFFFFF10] =	vst v15;
	v26 =	vld [tilespmem:s0+$0xE0];
	v28 =	vadd.f32 v10, v20;
	v30 =	vmul.f32 $2.000000030e-01, v4;
	v32 =	vmul.f32 $2.000000030e-01, v2;
	v20 =	vpop (erf)  }
0xa9: {  	v15 =	vld [tilespmem:s1+$0xFFFFFED0];
	v62 =	vmul.f32 $2.000000030e-01, v23;
	v11 =	vsub.f32 v19, v11;
	v31 =	vadd.f32 v10, v1;
	v10 =	vpop (erf);
	[tilespmem:s31+$0x90] =	vst v20  }
0xaa: {  	s20 =	simm.s32 $0x17CC0;
	[tilespmem:s31+$0xFFFFFF60] =	vst v12;
	v3 =	vmul.f32 $1.442695020e+00, v3;
	v4 =	vmax.f32 v4, v30;
	v2 =	vmax.f32 v2, v32;
	v25 =	vld [tilespmem:s1+$0x50];
	v21 =	vpop (erf)  }
0xab: {  	v14 =	vmul.f32 v17, v14;
	v5 =	vmul.f32 v18, v5;
	v2 =	vsub.f32 v4, v2;
	v4 =	vld [tilespmem:s1+$0xFFFFFF20];
	[tilespmem:s20+$0x130] =	vst v21  }
0xac: {  	v11 =	vmul.f32 $1.442695020e+00, v11;
	(erf) = vpow2.f32 v3;
	[tilespmem:s31+$0xE0] =	vst v10;
	v61 =	vld [tilespmem:s0+$0xF0]  }
0xad: {  	[tilespmem:s31+$0x110] =	vst v7;
	v26 =	vadd.f32 v34, v26;
	v33 =	vmul.f32 $2.000000030e-01, v28;
	v30 =	vmul.f32 $2.000000030e-01, v31;
	v13 =	vld [tilespmem:s1+$0xA0]  }
0xae: {  	v7 =	vld [tilespmem:s1+$0x120];
	[tilespmem:s31+$0xFFFFFFB0] =	vst v14;
	(erf) = vpow2.f32 v11;
	v11 =	vmul.f32 v9, v15  }
0xaf: {  	[tilespmem:s31+$0x0] =	vst v5;
	v5 =	vld [tilespmem:s1+$0xFFFFFFC0];
	v47 =	vmul.f32 $2.000000030e-01, v26;
	v28 =	vmax.f32 v28, v33;
	v19 =	vmax.f32 v31, v30  }
0xb0: {  	v22 =	vmax.f32 v22, v36;
	v14 =	vld [tilespmem:s1+$0xFFFFFF70];
	v12 =	vsub.f32 v28, v19;
	v19 =	vmul.f32 v20, v25  }
0xb1: {  	[tilespmem:s31+$0xFFFFFED0] =	vst v11;
	v26 =	vmax.f32 v26, v47;
	v47 =	vld [tilespmem:s22+$0xFFFFFF00];
	v2 =	vmul.f32 $1.442695020e+00, v2;
	v24 =	vmul.f32 v21, v61  }
0xb2: {  	v25 =	vld [tilespmem:s1+$0x10];
	v4 =	vmul.f32 v8, v4;
	v3 =	vmul.f32 v10, v13;
	v13 =	vmax.f32 v23, v62;
	[tilespmem:s31+$0x50] =	vst v19  }
0xb3: {  	v12 =	vmul.f32 $1.442695020e+00, v12;
	v13 =	vsub.f32 v22, v13;
	v19 =	vld [tilespmem:s1+$0x60];
	[tilespmem:s20+$0xF0] =	vst v24  }
0xb4: {  	(erf) = vpow2.f32 v2;
	[tilespmem:s31+$0xFFFFFF20] =	vst v4;
	v4 =	vmul.f32 v17, v5;
	v22 =	vadd.f32 v29, v27;
	v2 =	vld [tilespmem:s0+$0x100]  }
0xb5: {  	[tilespmem:s31+$0xA0] =	vst v3;
	v3 =	vmul.f32 v16, v14;
	v5 =	vld [tilespmem:s1+$0xFFFFFF30];
	v11 =	vmul.f32 $1.442695020e+00, v13  }
0xb6: {  	(erf) = vpow2.f32 v12;
	v23 =	vld [tilespmem:s1+$0xB0];
	v30 =	vmul.f32 $2.000000030e-01, v22  }
0xb7: {  	v24 =	vld [tilespmem:s1+$0xFFFFFEE0];
	[tilespmem:s31+$0xFFFFFF70] =	vst v3;
	v3 =	vmul.f32 v18, v25;
	(erf) = vpow2.f32 v11  }
0xb8: {  	[tilespmem:s31+$0xFFFFFFC0] =	vst v4;
	v22 =	vmax.f32 v22, v30;
	v30 =	vld [tilespmem:s23+$0x30]  }
0xb9: {  	v25 =	vld [tilespmem:s1+$0xFFFFFF80];
	[tilespmem:s31+$0x10] =	vst v3;
	v11 =	vpop (erf);
	v2 =	vmul.f32 v21, v2  }
0xba: {  	v31 =	vadd.f32 v34, v1;
	v4 =	vmul.f32 v20, v19;
	v19 =	vld [tilespmem:s1+$0xFFFFFFD0];
	[tilespmem:s20+$0xFFFFFF00] =	vst v11  }
0xbb: {  	v28 =	vadd.f32 v29, v1;
	v3 =	vld [tilespmem:s1+$0x20];
	[tilespmem:s20+$0x100] =	vst v2  }
0xbc: {  	v36 =	vadd.f32 v52, v1;
	v49 =	vmul.f32 $2.000000030e-01, v31;
	v14 =	vpop (erf);
	[tilespmem:s31+$0x60] =	vst v4;
	v4 =	vld [tilespmem:s0+$0x110]  }
0xbd: {  	v46 =	vmul.f32 $2.000000030e-01, v28;
	v12 =	vpop (erf);
	v27 =	vld [tilespmem:s0+$0xFFFFFEC0];
	[tilespmem:s20+$0xFFFFFF50] =	vst v14;
	v51 =	vadd.f32 v30, v37;
	v30 =	vadd.f32 v30, v1  }
0xbe: {  	v57 =	vmul.f32 $2.000000030e-01, v36;
	v31 =	vmax.f32 v31, v49;
	v5 =	vmul.f32 v8, v5;
	v29 =	vld [tilespmem:s0+$0xFFFFFF10];
	[tilespmem:s20+$0xFFFFFFA0] =	vst v12  }
0xbf: {  	v28 =	vmax.f32 v28, v46;
	v13 =	vpop (erf);
	v63 =	vld [tilespmem:s0+$0xFFFFFF60];
	v37 =	vmul.f32 $2.000000030e-01, v51;
	v38 =	vmul.f32 $2.000000030e-01, v30  }
0xc0: {  	v28 =	vsub.f32 v22, v28;
	v24 =	vmul.f32 v9, v24;
	v25 =	vmul.f32 v16, v25;
	v2 =	vld [tilespmem:s1+$0x70];
	[tilespmem:s20+$0xFFFFFFF0] =	vst v13;
	v15 =	vpop (erf)  }
0xc1: {  	v48 =	vld [tilespmem:s0+$0xFFFFFFB0];
	v34 =	vmax.f32 v51, v37;
	v30 =	vmax.f32 v30, v38;
	[tilespmem:s20+$0x40] =	vst v15;
	v4 =	vmul.f32 v21, v4  }
0xc2: {  	v27 =	vmul.f32 v11, v27;
	v37 =	vadd.f32 v54, v53;
	v30 =	vsub.f32 v34, v30;
	v50 =	vld [tilespmem:s0+$0x0]  }
0xc3: {  	v34 =	vmul.f32 v17, v19;
	[tilespmem:s20+$0x110] =	vst v4;
	v4 =	vsub.f32 v26, v31;
	v26 =	vmul.f32 $1.442695020e+00, v28;
	v28 =	vld [tilespmem:s23+$0xFFFFFFC0]  }
0xc4: {  	v29 =	vmul.f32 v14, v29;
	v32 =	vmul.f32 v12, v63;
	v31 =	vld [tilespmem:s22+$0xFFFFFF50]  }
0xc5: {  	[tilespmem:s20+$0xFFFFFEC0] =	vst v27;
	v60 =	vmul.f32 $2.000000030e-01, v37;
	(erf) = vpow2.f32 v26;
	v26 =	vld [tilespmem:s23+$0xFFFFFFD0]  }
0xc6: {  	v19 =	vmul.f32 $1.442695020e+00, v30;
	[tilespmem:s20+$0xFFFFFF10] =	vst v29;
	v56 =	vld [tilespmem:s0+$0xFFFFFED0];
	v4 =	vmul.f32 $1.442695020e+00, v4  }
0xc7: {  	v39 =	vadd.f32 v40, v39;
	v30 =	vmul.f32 v20, v2;
	v35 =	vmul.f32 v13, v48;
	v51 =	vld [tilespmem:s0+$0xFFFFFF20]  }
0xc8: {  	s16 =	simm.s32 $0x121C0;
	[tilespmem:s20+$0xFFFFFF60] =	vst v32;
	v32 =	vmax.f32 v36, v57;
	v57 =	vadd.f32 v45, v44;
	(erf) = vpow2.f32 v4;
	v4 =	vld [tilespmem:s22+$0xFFFFFFA0]  }
0xc9: {  	v44 =	vld [tilespmem:s16+$0xFFFFFFF0];
	v33 =	vmul.f32 v15, v50;
	v43 =	vadd.f32 v28, v1;
	v28 =	vadd.f32 v28, v47  }
0xca: {  	[tilespmem:s31+$0xFFFFFFD0] =	vst v34;
	v59 =	vld [tilespmem:s0+$0xFFFFFF70];
	(erf) = vpow2.f32 v19;
	v31 =	vadd.f32 v26, v31;
	v26 =	vadd.f32 v26, v1  }
0xcb: {  	v58 =	vadd.f32 v54, v1;
	[tilespmem:s20+$0xFFFFFFB0] =	vst v35;
	v22 =	vld [tilespmem:s0+$0x120];
	v46 =	vmul.f32 $2.000000030e-01, v43;
	v62 =	vmul.f32 $2.000000030e-01, v28  }
0xcc: {  	v40 =	vadd.f32 v40, v1;
	[tilespmem:s31+$0x70] =	vst v30;
	v61 =	vld [tilespmem:s0+$0xFFFFFFC0];
	v48 =	vmul.f32 $2.000000030e-01, v31;
	v55 =	vmul.f32 $2.000000030e-01, v26  }
0xcd: {  	v34 =	vld [tilespmem:s1+$0x80];
	[tilespmem:s20+$0x0] =	vst v33;
	v4 =	vadd.f32 v52, v4;
	v27 =	vmax.f32 v43, v46;
	v52 =	vmul.f32 $2.000000030e-01, v58  }
0xce: {  	[tilespmem:s31+$0xFFFFFEE0] =	vst v24;
	v63 =	vld [tilespmem:s0+$0x10];
	v28 =	vmax.f32 v28, v62;
	v31 =	vmax.f32 v31, v48;
	v26 =	vmax.f32 v26, v55  }
0xcf: {  	v23 =	vmul.f32 v10, v23;
	[tilespmem:s31+$0xFFFFFF30] =	vst v5;
	v27 =	vsub.f32 v28, v27;
	v5 =	vsub.f32 v31, v26;
	v26 =	vld [tilespmem:s1+$0xFFFFFEF0]  }
0xd0: {  	v3 =	vmul.f32 v18, v3;
	[tilespmem:s31+$0xFFFFFF80] =	vst v25;
	v24 =	vmax.f32 v37, v60;
	v19 =	vpop (erf);
	v25 =	vmax.f32 v58, v52;
	v31 =	vld [tilespmem:s1+$0xFFFFFF40]  }
0xd1: {  	v29 =	vmul.f32 $2.000000030e-01, v4;
	[tilespmem:s20+$0x90] =	vst v19;
	v24 =	vsub.f32 v24, v25;
	v25 =	vmul.f32 $1.442695020e+00, v27;
	v27 =	vld [tilespmem:s1+$0xFFFFFF90]  }
0xd2: {  	v49 =	vld [tilespmem:s0+$0x50]  }
0xd3: {  	[tilespmem:s31+$0x20] =	vst v3;
	v2 =	vpop (erf);
	v4 =	vmax.f32 v4, v29;
	v29 =	vmul.f32 $2.000000030e-01, v40;
	v3 =	vmul.f32 $1.442695020e+00, v24;
	v24 =	vld [tilespmem:s1+$0xFFFFFFE0]  }
0xd4: {  	[tilespmem:s20+$0xE0] =	vst v2;
	v5 =	vmul.f32 $1.442695020e+00, v5;
	(erf) = vpow2.f32 v25;
	v25 =	vld [tilespmem:s1+$0x30]  }
0xd5: {  	[tilespmem:s31+$0xB0] =	vst v23;
	s23 =	simm.s32 $0x17F40;
	v23 =	vpop (erf);
	v46 =	vld [tilespmem:s0+$0xA0]  }
0xd6: {  	v29 =	vmax.f32 v40, v29;
	v40 =	vld [tilespmem:s1+$0xC0];
	[tilespmem:s23+$0x130] =	vst v23;
	(erf) = vpow2.f32 v5;
	v5 =	vmul.f32 v11, v56  }
0xd7: {  	v50 =	vmul.f32 $2.000000030e-01, v39;
	v4 =	vsub.f32 v4, v32;
	v54 =	vld [tilespmem:s22+$0xF0];
	v56 =	vmul.f32 v14, v51  }
0xd8: {  	v31 =	vmul.f32 v31, v8;
	v8 =	vld [tilespmem:s16+$0x130];
	[tilespmem:s20+$0xFFFFFED0] =	vst v5  }
0xd9: {  	v39 =	vmax.f32 v39, v50;
	v4 =	vmul.f32 $1.442695020e+00, v4;
	v28 =	vmul.f32 v19, v49;
	[tilespmem:s20+$0xFFFFFF20] =	vst v56;
	v36 =	vld [tilespmem:s0+$0xFFFFFEE0]  }
0xda: {  	s6 =	simm.s32 $0x16AC0;
	v29 =	vsub.f32 v39, v29;
	v5 =	vmul.f32 v12, v59;
	v60 =	vld [tilespmem:s0+$0xFFFFFF30]  }
0xdb: {  	(erf) = vpow2.f32 v4;
	v18 =	vmul.f32 v25, v18;
	v25 =	vld [tilespmem:s6+$0xFFFFFFC0];
	[tilespmem:s20+$0x50] =	vst v28  }
0xdc: {  	v28 =	vmul.f32 $1.442695020e+00, v29;
	v30 =	vmul.f32 v2, v46;
	[tilespmem:s20+$0xFFFFFF70] =	vst v5;
	v29 =	vld [tilespmem:s0+$0x60]  }
0xdd: {  	v5 =	vmul.f32 v15, v63;
	v55 =	vmul.f32 v23, v54;
	v62 =	vld [tilespmem:s0+$0xFFFFFF80]  }
0xde: {  	v54 =	vmul.f32 v22, v21;
	v22 =	vmul.f32 v27, v16;
	v27 =	vld [tilespmem:s6+$0x30]  }
0xdf: {  	v41 =	vadd.f32 v42, v41;
	v16 =	vmul.f32 v34, v20;
	v20 =	vld [tilespmem:s16+$0xFFFFFF50];
	(erf) = vpow2.f32 v28;
	[tilespmem:s23+$0xF0] =	vst v55  }
0xe0: {  	[tilespmem:s20+$0xA0] =	vst v30;
	v30 =	vadd.f32 v42, v1;
	(erf) = vpow2.f32 v3;
	v3 =	vmul.f32 v13, v61;
	v4 =	vld [tilespmem:s22+$0x100]  }
0xe1: {  	v53 =	vmul.f32 $2.000000030e-01, v41;
	v52 =	vmul.f32 v7, v6;
	[tilespmem:s20+$0x10] =	vst v5;
	v28 =	vld [tilespmem:s0+$0xB0]  }
0xe2: {  	v58 =	vadd.f32 v45, v1;
	v21 =	vmul.f32 v24, v17;
	v48 =	vld [tilespmem:s0+$0x20];
	v59 =	vmul.f32 $2.000000030e-01, v30;
	[tilespmem:s20+$0xFFFFFFC0] =	vst v3  }
0xe3: {  	[tilespmem:s31+$0x120] =	vst v52;
	v32 =	vmul.f32 v11, v36;
	v36 =	vmul.f32 v14, v60;
	v63 =	vld [tilespmem:s0+$0xFFFFFFD0]  }
0xe4: {  	[tilespmem:s31+$0xFFFFFF40] =	vst v31;
	v3 =	vmul.f32 v19, v29;
	v29 =	vmul.f32 $2.000000030e-01, v58;
	v30 =	vmax.f32 v30, v59;
	v59 =	vld [tilespmem:s16+$0xFFFFFFA0]  }
0xe5: {  	v5 =	vmax.f32 v41, v53;
	v24 =	vmul.f32 v12, v62;
	v62 =	vld [tilespmem:s6+$0xFFFFFFE0];
	[tilespmem:s20+$0xFFFFFF30] =	vst v36;
	v4 =	vmul.f32 v23, v4  }
0xe6: {  	[tilespmem:s20+$0x120] =	vst v54;
	v5 =	vsub.f32 v5, v30;
	v31 =	vld [tilespmem:s0+$0xFFFFFF40]  }
0xe7: {  	[tilespmem:s20+$0x60] =	vst v3;
	v29 =	vmax.f32 v58, v29;
	v28 =	vmul.f32 v2, v28;
	v58 =	vld [tilespmem:s6+$0xFFFFFFD0]  }
0xe8: {  	v61 =	vmul.f32 $2.000000030e-01, v57;
	v60 =	vadd.f32 v27, v8;
	v27 =	vadd.f32 v27, v1;
	v30 =	vld [tilespmem:s0+$0x70];
	v3 =	vpop (erf);
	[tilespmem:s23+$0x100] =	vst v4  }
0xe9: {  	[tilespmem:s20+$0xB0] =	vst v28;
	v49 =	vld [tilespmem:s22+$0x110];
	v4 =	vpop (erf)  }
0xea: {  	v35 =	vmax.f32 v57, v61;
	v52 =	vmul.f32 $2.000000030e-01, v27;
	v50 =	vmul.f32 $1.442695020e+00, v5;
	v28 =	vld [tilespmem:s16+$0xFFFFFF00];
	v5 =	vpop (erf);
	[tilespmem:s23+$0xFFFFFF50] =	vst v4  }
0xeb: {  	v29 =	vsub.f32 v35, v29;
	[tilespmem:s23+$0xFFFFFF00] =	vst v3;
	v38 =	vmul.f32 v13, v63;
	v63 =	vmul.f32 $2.000000030e-01, v60;
	v6 =	vpop (erf);
	v53 =	vld [tilespmem:s22+$0xFFFFFF10]  }
0xec: {  	v26 =	vmul.f32 v26, v9;
	v54 =	vadd.f32 v25, v1;
	v27 =	vmax.f32 v27, v52;
	v51 =	vld [tilespmem:s22+$0xFFFFFEC0];
	[tilespmem:s23+$0xFFFFFFA0] =	vst v5;
	v7 =	vpop (erf)  }
0xed: {  	v29 =	vmul.f32 $1.442695020e+00, v29;
	(erf) = vpow2.f32 v50;
	v43 =	vmax.f32 v60, v63;
	v55 =	vld [tilespmem:s22+$0xFFFFFF60];
	[tilespmem:s23+$0x40] =	vst v7  }
0xee: {  	v30 =	vmul.f32 v19, v30;
	v27 =	vsub.f32 v43, v27;
	[tilespmem:s23+$0xFFFFFFF0] =	vst v6;
	v9 =	vmul.f32 v23, v49;
	v57 =	vld [tilespmem:s22+$0x0]  }
0xef: {  	(erf) = vpow2.f32 v29;
	v29 =	vmul.f32 v10, v40;
	v25 =	vadd.f32 v25, v28;
	v56 =	vld [tilespmem:s22+$0xFFFFFFB0]  }
0xf0: {  	v41 =	vadd.f32 v62, v1;
	v27 =	vmul.f32 $1.442695020e+00, v27;
	[tilespmem:s23+$0x110] =	vst v9;
	v61 =	vmul.f32 v4, v53;
	v53 =	vld [tilespmem:s6+$0xFFFFFFF0]  }
0xf1: {  	[tilespmem:s31+$0xFFFFFEF0] =	vst v26;
	v20 =	vadd.f32 v58, v20;
	v37 =	vmul.f32 v3, v51;
	v50 =	vmul.f32 $2.000000030e-01, v25;
	v17 =	vld [tilespmem:s22+$0x120]  }
0xf2: {  	[tilespmem:s31+$0x30] =	vst v18;
	v34 =	vadd.f32 v58, v1;
	v58 =	vld [tilespmem:s16+$0x90];
	(erf) = vpow2.f32 v27;
	v27 =	vmul.f32 $2.000000030e-01, v41  }
0xf3: {  	[tilespmem:s31+$0xFFFFFF90] =	vst v22;
	v60 =	vld [tilespmem:s6+$0x10];
	v35 =	vmul.f32 v5, v55;
	v45 =	vmul.f32 v7, v57;
	v57 =	vadd.f32 v62, v59  }
0xf4: {  	[tilespmem:s31+$0x80] =	vst v16;
	v63 =	vld [tilespmem:s16+$0xE0];
	v25 =	vmax.f32 v25, v50;
	v40 =	vmul.f32 v6, v56;
	v56 =	vmul.f32 $2.000000030e-01, v54  }
0xf5: {  	[tilespmem:s23+$0xFFFFFEC0] =	vst v37;
	v62 =	vmul.f32 $2.000000030e-01, v57;
	v44 =	vadd.f32 v53, v44;
	v52 =	vadd.f32 v53, v1;
	v53 =	vld [tilespmem:s6+$0x20]  }
0xf6: {  	v27 =	vmax.f32 v41, v27;
	v41 =	vld [tilespmem:s22+$0xFFFFFED0];
	v9 =	vpop (erf);
	[tilespmem:s23+$0xFFFFFF10] =	vst v61;
	v61 =	vmul.f32 $2.000000030e-01, v34;
	v17 =	vmul.f32 v17, v23  }
0xf7: {  	v55 =	vld [tilespmem:s16+$0x40];
	[tilespmem:s23+$0x90] =	vst v9;
	v59 =	vmul.f32 $2.000000030e-01, v20;
	v37 =	vmax.f32 v54, v56;
	v39 =	vmax.f32 v57, v62  }
0xf8: {  	v56 =	vld [tilespmem:s22+$0x50];
	[tilespmem:s23+$0x120] =	vst v17;
	v17 =	vmul.f32 $2.000000030e-01, v52;
	v57 =	vadd.f32 v60, v58;
	v58 =	vadd.f32 v60, v1  }
0xf9: {  	[tilespmem:s20+$0x70] =	vst v30;
	v34 =	vmax.f32 v34, v61;
	v61 =	vld [tilespmem:s22+$0xFFFFFF20];
	v20 =	vmax.f32 v20, v59;
	v25 =	vsub.f32 v25, v37  }
0xfa: {  	[tilespmem:s23+$0xFFFFFF60] =	vst v35;
	v8 =	vpop (erf);
	v23 =	vld [tilespmem:s6+$0x0];
	v60 =	vadd.f32 v53, v63;
	v63 =	vmax.f32 v52, v17;
	v17 =	vmul.f32 $2.000000030e-01, v58  }
0xfb: {  	v28 =	vld [tilespmem:s22+$0xFFFFFF70];
	[tilespmem:s23+$0xE0] =	vst v8;
	v20 =	vsub.f32 v20, v34  }
0xfc: {  	v33 =	vmul.f32 v15, v48;
	[tilespmem:s23+$0xFFFFFFB0] =	vst v40;
	v47 =	vld [tilespmem:s22+$0xA0];
	v25 =	vmul.f32 $1.442695020e+00, v25;
	v48 =	vadd.f32 v53, v1  }
0xfd: {  	[tilespmem:s23+$0x0] =	vst v45;
	v49 =	vld [tilespmem:s22+$0xFFFFFFC0];
	v27 =	vsub.f32 v39, v27;
	v20 =	vmul.f32 $1.442695020e+00, v20;
	v62 =	vmul.f32 $2.000000030e-01, v57  }
0xfe: {  	s18 =	simm.s32 $0x181C0;
	[tilespmem:s31+$0xC0] =	vst v29;
	v51 =	vld [tilespmem:s22+$0x10];
	(erf) = vpow2.f32 v25;
	v29 =	vmul.f32 $2.000000030e-01, v48;
	v52 =	vmax.f32 v58, v17;
	v17 =	vpop (erf)  }
0xff: {  	v25 =	vld [tilespmem:s0+$0x80];
	v54 =	vadd.f32 v23, v55;
	v55 =	vmul.f32 $2.000000030e-01, v44;
	v23 =	vadd.f32 v23, v1;
	[tilespmem:s18+$0x130] =	vst v17  }
0x100: {  	[tilespmem:s20+$0xFFFFFEE0] =	vst v32;
	(erf) = vpow2.f32 v20;
	v30 =	vmul.f32 $2.000000030e-01, v60;
	v26 =	vmax.f32 v48, v29;
	v29 =	vld [tilespmem:s16+$0xF0]  }
0x101: {  	[tilespmem:s20+$0xFFFFFF80] =	vst v24;
	v53 =	vld [tilespmem:s0+$0xC0];
	v20 =	vmul.f32 v3, v41;
	v36 =	vmax.f32 v57, v62;
	v16 =	vmul.f32 v8, v47  }
0x102: {  	[tilespmem:s20+$0x20] =	vst v33;
	v57 =	vld [tilespmem:s0+$0xFFFFFF90];
	v46 =	vmul.f32 $2.000000030e-01, v54;
	v24 =	vmax.f32 v44, v55;
	v30 =	vmax.f32 v60, v30  }
0x103: {  	v59 =	vmul.f32 $2.000000030e-01, v23;
	v55 =	vmul.f32 v9, v56;
	v58 =	vld [tilespmem:s0+$0x30];
	[tilespmem:s23+$0xFFFFFED0] =	vst v20;
	v26 =	vsub.f32 v30, v26  }
0x104: {  	v24 =	vsub.f32 v24, v63;
	[tilespmem:s23+$0xA0] =	vst v16;
	v16 =	vmul.f32 v5, v28;
	v28 =	vld [tilespmem:s22+$0xFFFFFEE0];
	v35 =	vmax.f32 v54, v46  }
0x105: {  	[tilespmem:s31+$0xFFFFFFE0] =	vst v21;
	v23 =	vmax.f32 v23, v59;
	v54 =	vld [tilespmem:s0+$0xFFFFFEF0];
	v18 =	vmul.f32 $1.442695020e+00, v26;
	v26 =	vmul.f32 v17, v29  }
0x106: {  	v22 =	vmul.f32 $1.442695020e+00, v27;
	[tilespmem:s23+$0x50] =	vst v55;
	v59 =	vld [tilespmem:s1+$0xD0];
	v23 =	vsub.f32 v35, v23  }
0x107: {  	v20 =	vmul.f32 v6, v49;
	v56 =	vsub.f32 v36, v52;
	v24 =	vmul.f32 $1.442695020e+00, v24;
	v27 =	vld [tilespmem:s22+$0x60];
	[tilespmem:s18+$0xF0] =	vst v26  }
0x108: {  	[tilespmem:s20+$0xFFFFFFD0] =	vst v38;
	(erf) = vpow2.f32 v22;
	v21 =	vmul.f32 $1.442695020e+00, v23;
	v22 =	vld [tilespmem:s16+$0x100]  }
0x109: {  	[tilespmem:s23+$0xFFFFFFC0] =	vst v20;
	v30 =	vld [tilespmem:s0+$0xFFFFFFE0];
	v23 =	vmul.f32 $1.442695020e+00, v56;
	(erf) = vpow2.f32 v24  }
0x10a: {  	v60 =	vld [tilespmem:s22+$0xFFFFFFD0];
	(erf) = vpow2.f32 v21;
	v26 =	vmul.f32 v4, v61  }
0x10b: {  	[tilespmem:s23+$0xFFFFFF70] =	vst v16;
	v16 =	vmul.f32 v7, v51;
	v24 =	vld [tilespmem:s22+$0xB0];
	(erf) = vpow2.f32 v23  }
0x10c: {  	v21 =	vmul.f32 v9, v27;
	(erf) = vpow2.f32 v18;
	v29 =	vld [tilespmem:s22+$0xFFFFFF80];
	[tilespmem:s23+$0xFFFFFF20] =	vst v26  }
0x10d: {  	[tilespmem:s23+$0x10] =	vst v16;
	v23 =	vld [tilespmem:s22+$0xFFFFFF30];
	v22 =	vmul.f32 v17, v22  }
0x10e: {  	v25 =	vmul.f32 v25, v19;
	v20 =	vmul.f32 v2, v53;
	[tilespmem:s23+$0x60] =	vst v21;
	v61 =	vld [tilespmem:s22+$0x20]  }
0x10f: {  	v19 =	vmul.f32 v59, v10;
	v18 =	vmul.f32 v54, v11;
	v11 =	vpop (erf);
	v62 =	vld [tilespmem:s22+$0x70];
	[tilespmem:s18+$0x100] =	vst v22  }
0x110: {  	v27 =	vmul.f32 v3, v28;
	v21 =	vmul.f32 v31, v14;
	v14 =	vpop (erf);
	[tilespmem:s18+$0xFFFFFF00] =	vst v11;
	v63 =	vld [tilespmem:s16+$0x110]  }
0x111: {  	v33 =	vld [tilespmem:s16+$0xFFFFFEC0];
	[tilespmem:s18+$0xFFFFFF50] =	vst v14;
	v26 =	vmul.f32 v8, v24;
	v22 =	vmul.f32 v57, v12;
	v12 =	vpop (erf)  }
0x112: {  	v34 =	vld [tilespmem:s16+$0xFFFFFF10];
	v28 =	vmul.f32 v4, v23;
	v23 =	vmul.f32 v30, v13;
	v13 =	vpop (erf);
	[tilespmem:s18+$0xFFFFFFA0] =	vst v12  }
0x113: {  	v24 =	vmul.f32 v58, v15;
	v29 =	vmul.f32 v5, v29;
	v15 =	vpop (erf);
	v35 =	vld [tilespmem:s16+$0xFFFFFF60];
	[tilespmem:s18+$0xFFFFFFF0] =	vst v13  }
0x114: {  	v31 =	vmul.f32 v7, v61;
	v32 =	vmul.f32 v9, v62;
	v16 =	vpop (erf);
	v36 =	vld [tilespmem:s16+$0xFFFFFFB0];
	[tilespmem:s18+$0x40] =	vst v15  }
0x115: {  	s7 =	simm.s32 $0x12440;
	s1 =	simm.s32 $0x18;
	v30 =	vmul.f32 v6, v60;
	v10 =	vpop (erf);
	v37 =	vld [tilespmem:s16+$0x0];
	[tilespmem:s18+$0x90] =	vst v16;
	v38 =	vmul.f32 v17, v63  }
.LBB2_10:
0x116: {  	v39 =	vld [tilespmem:s7+$0x130];
	v33 =	vmul.f32 v11, v33;
	[tilespmem:s18+$0xE0] =	vst v10;
	s6 =	sadd.s32 $0x80, s6  }
0x117: {  	s1 =	sadd.s32 $0x8, s1;
	v40 =	vld [tilespmem:s6+$0x30];
	v34 =	vmul.f32 v14, v34;
	[tilespmem:s18+$0x110] =	vst v38  }
0x118: {  	p0 =	slt.u32 s1, $0x78;
	[tilespmem:s18+$0xFFFFFEC0] =	vst v33;
	v33 =	vmul.f32 v12, v35;
	v35 =	vld [tilespmem:s16+$0x120]  }
0x119: {  	v38 =	vld [tilespmem:s6+$0xFFFFFFC0];
	[tilespmem:s18+$0xFFFFFF10] =	vst v34;
	v34 =	vmul.f32 v13, v36  }
0x11a: {  	v36 =	vld [tilespmem:s7+$0xFFFFFF50];
	[tilespmem:s18+$0xFFFFFF60] =	vst v33;
	v33 =	vmul.f32 v15, v37  }
0x11b: {  	v37 =	vld [tilespmem:s6+$0xFFFFFFD0];
	[tilespmem:s18+$0xFFFFFFB0] =	vst v34  }
0x11c: {  	v34 =	vld [tilespmem:s7+$0xFFFFFFA0];
	v39 =	vadd.f32 v40, v39;
	v40 =	vadd.f32 v40, v1;
	[tilespmem:s18+$0x0] =	vst v33  }
0x11d: {  	v33 =	vld [tilespmem:s6+$0xFFFFFFE0];
	v17 =	vmul.f32 v35, v17;
	[tilespmem:s23+$0xB0] =	vst v26  }
0x11e: {  	v26 =	vadd.f32 v38, v1;
	v35 =	vld [tilespmem:s7+$0xFFFFFFF0];
	v41 =	vmul.f32 $2.000000030e-01, v39;
	v42 =	vmul.f32 $2.000000030e-01, v40;
	[tilespmem:s23+$0xFFFFFEE0] =	vst v27  }
0x11f: {  	v27 =	vld [tilespmem:s6+$0xFFFFFFF0];
	[tilespmem:s18+$0x120] =	vst v17  }
0x120: {  	v17 =	vadd.f32 v37, v36;
	v36 =	vld [tilespmem:s7+$0x40];
	v39 =	vmax.f32 v39, v41;
	v40 =	vmax.f32 v40, v42;
	[tilespmem:s23+$0xFFFFFF30] =	vst v28  }
0x121: {  	v28 =	vmul.f32 $2.000000030e-01, v26;
	v37 =	vadd.f32 v37, v1;
	v41 =	vld [tilespmem:s6+$0x0];
	v39 =	vsub.f32 v39, v40;
	[tilespmem:s23+$0xFFFFFF80] =	vst v29  }
0x122: {  	v29 =	vmul.f32 $2.000000030e-01, v17;
	v34 =	vadd.f32 v33, v34;
	v33 =	vadd.f32 v33, v1;
	v40 =	vld [tilespmem:s7+$0x90];
	[tilespmem:s23+$0xFFFFFFD0] =	vst v30  }
0x123: {  	v26 =	vmax.f32 v26, v28;
	v28 =	vmul.f32 $2.000000030e-01, v37;
	v30 =	vld [tilespmem:s6+$0x10];
	v39 =	vmul.f32 $1.442695020e+00, v39;
	[tilespmem:s23+$0x20] =	vst v31  }
0x124: {  	v31 =	vmul.f32 $2.000000030e-01, v34;
	v35 =	vadd.f32 v27, v35;
	v27 =	vadd.f32 v27, v1;
	v42 =	vld [tilespmem:s7+$0xE0];
	[tilespmem:s23+$0x70] =	vst v32  }
0x125: {  	v29 =	vmax.f32 v17, v29;
	v17 =	vmul.f32 $2.000000030e-01, v33;
	v32 =	vld [tilespmem:s6+$0x20];
	(erf) = vpow2.f32 v39;
	[tilespmem:s20+$0xC0] =	vst v20  }
0x126: {  	v20 =	vld [tilespmem:s7+$0xFFFFFF00];
	v39 =	vmul.f32 $2.000000030e-01, v35;
	v36 =	vadd.f32 v41, v36;
	v41 =	vadd.f32 v41, v1;
	[tilespmem:s20+$0xFFFFFEF0] =	vst v18  }
0x127: {  	v18 =	vmax.f32 v37, v28;
	v28 =	vmax.f32 v34, v31;
	v31 =	vmul.f32 $2.000000030e-01, v27;
	v34 =	vld [tilespmem:s16+$0x50];
	[tilespmem:s20+$0xFFFFFF40] =	vst v21  }
0x128: {  	v21 =	vmul.f32 $2.000000030e-01, v36;
	v37 =	vadd.f32 v30, v40;
	v30 =	vadd.f32 v30, v1;
	v40 =	vld [tilespmem:s16+$0xA0];
	[tilespmem:s20+$0xFFFFFF90] =	vst v22  }
0x129: {  	v22 =	vmax.f32 v33, v17;
	v33 =	vmax.f32 v35, v39;
	v17 =	vmul.f32 $2.000000030e-01, v41;
	v35 =	vld [tilespmem:s16+$0xFFFFFED0];
	[tilespmem:s20+$0xFFFFFFE0] =	vst v23  }
0x12a: {  	v23 =	vmul.f32 $2.000000030e-01, v37;
	v39 =	vadd.f32 v32, v42;
	v32 =	vadd.f32 v32, v1;
	v42 =	vld [tilespmem:s16+$0xFFFFFF20];
	[tilespmem:s20+$0x30] =	vst v24  }
0x12b: {  	v24 =	vmax.f32 v27, v31;
	v27 =	vmul.f32 $2.000000030e-01, v30;
	v20 =	vadd.f32 v38, v20;
	v31 =	vld [tilespmem:s16+$0xFFFFFF70];
	[tilespmem:s20+$0x80] =	vst v25  }
0x12c: {  	v21 =	vmax.f32 v36, v21;
	v25 =	vmul.f32 $2.000000030e-01, v39;
	v36 =	vmul.f32 $2.000000030e-01, v32;
	v38 =	vld [tilespmem:s16+$0xFFFFFFC0];
	[tilespmem:s31+$0xD0] =	vst v19;
	s31 =	smov.u32 s20;
	s20 =	smov.u32 s23;
	s23 =	smov.u32 s18  }
0x12d: {  	v41 =	vmax.f32 v41, v17;
	v23 =	vmax.f32 v37, v23;
	v19 =	vmul.f32 $2.000000030e-01, v20;
	v37 =	vld [tilespmem:s16+$0x10]  }
0x12e: {  	v27 =	vmax.f32 v30, v27;
	s18 =	sadd.s32 $0x280, s18;
	v25 =	vmax.f32 v39, v25;
	v30 =	vmax.f32 v32, v36;
	v17 =	vpop (erf);
	v32 =	vld [tilespmem:s22+$0xC0]  }
0x12f: {  	v18 =	vsub.f32 v29, v18;
	v19 =	vmax.f32 v20, v19;
	v20 =	vsub.f32 v28, v22;
	[tilespmem:s18+$0x130] =	vst v17;
	v22 =	vld [tilespmem:s22+$0xFFFFFEF0]  }
0x130: {  	v24 =	vsub.f32 v33, v24;
	v28 =	vmul.f32 v16, v34;
	v19 =	vsub.f32 v19, v26;
	v26 =	vld [tilespmem:s7+$0xF0]  }
0x131: {  	v18 =	vmul.f32 $1.442695020e+00, v18;
	v21 =	vsub.f32 v21, v41;
	v23 =	vsub.f32 v23, v27;
	v27 =	vld [tilespmem:s22+$0xFFFFFF40]  }
0x132: {  	v25 =	vsub.f32 v25, v30;
	v20 =	vmul.f32 $1.442695020e+00, v20;
	v19 =	vmul.f32 $1.442695020e+00, v19;
	[tilespmem:s23+$0x50] =	vst v28;
	v28 =	vld [tilespmem:s22+$0xFFFFFF90]  }
0x133: {  	v24 =	vmul.f32 $1.442695020e+00, v24;
	v21 =	vmul.f32 $1.442695020e+00, v21;
	v29 =	vld [tilespmem:s16+$0x60]  }
0x134: {  	v23 =	vmul.f32 $1.442695020e+00, v23;
	v25 =	vmul.f32 $1.442695020e+00, v25;
	v30 =	vld [tilespmem:s22+$0xFFFFFFE0]  }
0x135: {  	v26 =	vmul.f32 v17, v26;
	(erf) = vpow2.f32 v19;
	v19 =	vld [tilespmem:s22+$0x30]  }
0x136: {  	(erf) = vpow2.f32 v18;
	v18 =	vmul.f32 v10, v40;
	v36 =	vld [tilespmem:s22+$0x80]  }
0x137: {  	[tilespmem:s18+$0xF0] =	vst v26;
	(erf) = vpow2.f32 v20;
	v20 =	vmul.f32 v11, v35;
	v39 =	vld [tilespmem:s0+$0xD0];
	s0 =	smov.u32 s22;
	s22 =	smov.u32 s16;
	s16 =	smov.u32 s7  }
0x138: {  	v26 =	vld [tilespmem:s7+$0x100];
	(erf) = vpow2.f32 v24;
	v24 =	vmul.f32 v14, v42;
	[tilespmem:s23+$0xA0] =	vst v18  }
0x139: {  	v18 =	vmul.f32 v12, v31;
	(erf) = vpow2.f32 v21;
	[tilespmem:s23+$0xFFFFFED0] =	vst v20;
	v21 =	vld [tilespmem:s22+$0xB0]  }
0x13a: {  	v20 =	vmul.f32 v13, v38;
	(erf) = vpow2.f32 v23;
	v23 =	vld [tilespmem:s22+$0xFFFFFEE0];
	[tilespmem:s23+$0xFFFFFF20] =	vst v24  }
0x13b: {  	(erf) = vpow2.f32 v25;
	v24 =	vld [tilespmem:s22+$0xFFFFFF30];
	[tilespmem:s23+$0xFFFFFF70] =	vst v18;
	v18 =	vmul.f32 v15, v37  }
0x13c: {  	v29 =	vmul.f32 v16, v29;
	v25 =	vld [tilespmem:s22+$0xFFFFFF80];
	[tilespmem:s23+$0xFFFFFFC0] =	vst v20;
	v20 =	vmul.f32 v8, v32  }
0x13d: {  	v31 =	vmul.f32 v17, v26;
	v32 =	vld [tilespmem:s22+$0xFFFFFFD0];
	[tilespmem:s23+$0x10] =	vst v18;
	v18 =	vmul.f32 v22, v3;
	v3 =	vmov v11  }
0x13e: {  	v11 =	vpop (erf);
	v37 =	vld [tilespmem:s22+$0x20];
	[tilespmem:s23+$0x60] =	vst v29;
	v26 =	vmul.f32 v10, v21;
	v21 =	vmul.f32 v27, v4;
	v4 =	vmov v14  }
0x13f: {  	v22 =	vmul.f32 v28, v5;
	v5 =	vmov v12;
	[tilespmem:s18+$0x100] =	vst v31;
	v14 =	vpop (erf);
	v27 =	vmul.f32 v3, v23;
	v38 =	vld [tilespmem:s22+$0x70]  }
0x140: {  	v23 =	vmul.f32 v30, v6;
	v6 =	vmov v13;
	[tilespmem:s18+$0xFFFFFF00] =	vst v11;
	v40 =	vld [tilespmem:s7+$0x110];
	v12 =	vpop (erf);
	v28 =	vmul.f32 v4, v24  }
.Ltmp7:
0x141: {  	v24 =	vmul.f32 v19, v7;
	v7 =	vmov v15;
	v33 =	vld [tilespmem:s7+$0xFFFFFEC0];
	[tilespmem:s18+$0xFFFFFF50] =	vst v14;
	v13 =	vpop (erf);
	v29 =	vmul.f32 v5, v25;
	(pc) =	sbr.rel @p0 .LBB2_10-.Ltmp7, $4  }
0x142: {  	v25 =	vmul.f32 v36, v9;
	v9 =	vmov v16;
	v34 =	vld [tilespmem:s7+$0xFFFFFF10];
	[tilespmem:s18+$0xFFFFFFA0] =	vst v12;
	v15 =	vpop (erf);
	v30 =	vmul.f32 v6, v32  }
0x143: {  	v19 =	vmul.f32 v39, v2;
	v2 =	vmov v8;
	v35 =	vld [tilespmem:s7+$0xFFFFFF60];
	[tilespmem:s18+$0xFFFFFFF0] =	vst v13;
	v16 =	vpop (erf);
	v31 =	vmul.f32 v7, v37  }
0x144: {  	v8 =	vmov v10;
	v36 =	vld [tilespmem:s7+$0xFFFFFFB0];
	[tilespmem:s18+$0x40] =	vst v15;
	v32 =	vmul.f32 v9, v38;
	v10 =	vpop (erf)  }
0x145: {  	s7 =	sadd.s32 $0x280, s7;
	v37 =	vld [tilespmem:s16+$0x0];
	[tilespmem:s18+$0x90] =	vst v16;
	v38 =	vmul.f32 v17, v40  }
0x146: {  	[tilespmem:s18+$0xE0] =	vst v10  }
0x147: {  	[tilespmem:s23+$0xB0] =	vst v26  }
0x148: {  	[tilespmem:s23+$0xFFFFFEE0] =	vst v27  }
0x149: {  	[tilespmem:s23+$0xFFFFFF30] =	vst v28  }
0x14a: {  	[tilespmem:s23+$0xFFFFFF80] =	vst v29  }
0x14b: {  	[tilespmem:s23+$0xFFFFFFD0] =	vst v30  }
0x14c: {  	[tilespmem:s23+$0x20] =	vst v31  }
0x14d: {  	[tilespmem:s23+$0x70] =	vst v32  }
0x14e: {  	[tilespmem:s20+$0xC0] =	vst v20  }
0x14f: {  	[tilespmem:s20+$0xFFFFFEF0] =	vst v18  }
0x150: {  	[tilespmem:s20+$0xFFFFFF40] =	vst v21  }
0x151: {  	[tilespmem:s20+$0xFFFFFF90] =	vst v22  }
0x152: {  	[tilespmem:s20+$0xFFFFFFE0] =	vst v23  }
0x153: {  	[tilespmem:s20+$0x30] =	vst v24  }
0x154: {  	[tilespmem:s20+$0x80] =	vst v25  }
0x155: {  	v33 =	vmul.f32 v11, v33;
	[tilespmem:s31+$0xD0] =	vst v19;
	v29 =	vld [tilespmem:s16+$0xA0]  }
0x156: {  	v34 =	vmul.f32 v14, v34;
	[tilespmem:s18+$0x110] =	vst v38;
	v47 =	vld [tilespmem:s22+$0xC0]  }
0x157: {  	v48 =	vld [tilespmem:s22+$0xFFFFFEF0];
	[tilespmem:s18+$0xFFFFFEC0] =	vst v33;
	v60 =	vmul.f32 v12, v35  }
0x158: {  	v49 =	vld [tilespmem:s22+$0xFFFFFF40];
	[tilespmem:s18+$0xFFFFFF10] =	vst v34;
	v62 =	vmul.f32 v13, v36  }
0x159: {  	v61 =	vld [tilespmem:s16+$0x120];
	[tilespmem:s18+$0xFFFFFF60] =	vst v60;
	v63 =	vmul.f32 v15, v37  }
0x15a: {  	v50 =	vld [tilespmem:s22+$0xFFFFFF90];
	[tilespmem:s18+$0xFFFFFFB0] =	vst v62;
	v35 =	vmul.f32 v10, v29  }
0x15b: {  	v28 =	vld [tilespmem:s16+$0x50];
	[tilespmem:s18+$0x0] =	vst v63;
	v22 =	vmul.f32 v8, v47  }
0x15c: {  	v51 =	vld [tilespmem:s22+$0xFFFFFFE0];
	v3 =	vmul.f32 v48, v3;
	[tilespmem:s18+$0xA0] =	vst v35  }
0x15d: {  	v52 =	vld [tilespmem:s22+$0x30];
	v4 =	vmul.f32 v49, v4;
	[tilespmem:s23+$0xC0] =	vst v22  }
0x15e: {  	v30 =	vld [tilespmem:s16+$0xFFFFFED0];
	v17 =	vmul.f32 v61, v17;
	[tilespmem:s23+$0xFFFFFEF0] =	vst v3  }
0x15f: {  	v31 =	vld [tilespmem:s16+$0xFFFFFF20];
	v5 =	vmul.f32 v50, v5;
	[tilespmem:s23+$0xFFFFFF40] =	vst v4  }
0x160: {  	v32 =	vld [tilespmem:s16+$0xFFFFFF70];
	[tilespmem:s18+$0x120] =	vst v17;
	v17 =	vmul.f32 v16, v28  }
0x161: {  	v33 =	vld [tilespmem:s16+$0xFFFFFFC0];
	v6 =	vmul.f32 v51, v6;
	[tilespmem:s23+$0xFFFFFF90] =	vst v5  }
0x162: {  	v7 =	vmul.f32 v52, v7;
	v34 =	vld [tilespmem:s16+$0x10];
	[tilespmem:s18+$0x50] =	vst v17  }
0x163: {  	v20 =	vmul.f32 v11, v30;
	[tilespmem:s23+$0xFFFFFFE0] =	vst v6;
	v36 =	vld [tilespmem:s16+$0x60]  }
0x164: {  	v53 =	vld [tilespmem:s22+$0x80];
	[tilespmem:s23+$0x30] =	vst v7;
	v21 =	vmul.f32 v14, v31  }
0x165: {  	v38 =	vld [tilespmem:s16+$0xB0];
	[tilespmem:s18+$0xFFFFFED0] =	vst v20;
	v37 =	vmul.f32 v12, v32  }
0x166: {  	v39 =	vld [tilespmem:s16+$0xFFFFFEE0];
	[tilespmem:s18+$0xFFFFFF20] =	vst v21;
	v40 =	vmul.f32 v13, v33  }
0x167: {  	v41 =	vld [tilespmem:s16+$0xFFFFFF30];
	[tilespmem:s18+$0xFFFFFF70] =	vst v37;
	v42 =	vmul.f32 v15, v34  }
0x168: {  	v43 =	vld [tilespmem:s16+$0xFFFFFF80];
	[tilespmem:s18+$0xFFFFFFC0] =	vst v40;
	v18 =	vmul.f32 v16, v36  }
0x169: {  	v9 =	vmul.f32 v53, v9;
	v21 =	vld [tilespmem:s16+$0xFFFFFFD0];
	[tilespmem:s18+$0x10] =	vst v42  }
0x16a: {  	v44 =	vmul.f32 v10, v38;
	v17 =	vld [tilespmem:s16+$0x20];
	[tilespmem:s18+$0x60] =	vst v18  }
0x16b: {  	[tilespmem:s23+$0x80] =	vst v9;
	v45 =	vmul.f32 v11, v39;
	v46 =	vld [tilespmem:s16+$0x70]  }
0x16c: {  	v54 =	vld [tilespmem:s0+$0xD0];
	[tilespmem:s18+$0xB0] =	vst v44;
	v23 =	vmul.f32 v14, v41  }
0x16d: {  	v3 =	vld [tilespmem:s16+$0xC0];
	v24 =	vmul.f32 v12, v43;
	[tilespmem:s18+$0xFFFFFEE0] =	vst v45  }
0x16e: {  	v21 =	vmul.f32 v13, v21;
	[tilespmem:s18+$0xFFFFFF30] =	vst v23;
	v55 =	vld [tilespmem:s16+$0xFFFFFEF0]  }
0x16f: {  	v17 =	vmul.f32 v15, v17;
	[tilespmem:s18+$0xFFFFFF80] =	vst v24;
	v56 =	vld [tilespmem:s16+$0xFFFFFF40]  }
0x170: {  	[tilespmem:s18+$0xFFFFFFD0] =	vst v21;
	v57 =	vld [tilespmem:s16+$0xFFFFFF90];
	v20 =	vmul.f32 v16, v46  }
0x171: {  	v2 =	vmul.f32 v54, v2;
	[tilespmem:s18+$0x20] =	vst v17;
	v58 =	vld [tilespmem:s16+$0xFFFFFFE0]  }
0x172: {  	v3 =	vmul.f32 v10, v3;
	v59 =	vld [tilespmem:s16+$0x30];
	[tilespmem:s18+$0x70] =	vst v20  }
0x173: {  	[tilespmem:s20+$0xD0] =	vst v2;
	v4 =	vmul.f32 v55, v11;
	v2 =	vld [tilespmem:s16+$0x80]  }
0x174: {  	v60 =	vld [tilespmem:s22+$0xD0];
	[tilespmem:s18+$0xC0] =	vst v3;
	v5 =	vmul.f32 v56, v14  }
0x175: {  	v61 =	vld [tilespmem:s16+$0xD0];
	v3 =	vmul.f32 v57, v12;
	[tilespmem:s18+$0xFFFFFEF0] =	vst v4  }
0x176: {  	v62 =	vmul.f32 v58, v13;
	[tilespmem:s18+$0xFFFFFF40] =	vst v5  }
0x177: {  	v63 =	vmul.f32 v59, v15;
	[tilespmem:s18+$0xFFFFFF90] =	vst v3  }
.Ltmp8:
0x178: {  	[tilespmem:s18+$0xFFFFFFE0] =	vst v62;
	v2 =	vmul.f32 v2, v16;
	(pc) =	sbr.rel .LBB2_12-.Ltmp8, $4  }
0x179: {  	v3 =	vmul.f32 v60, v8;
	[tilespmem:s18+$0x30] =	vst v63  }
0x17a: {  	[tilespmem:s18+$0x80] =	vst v2;
	v2 =	vmul.f32 v61, v10  }
0x17b: {  	[tilespmem:s23+$0xD0] =	vst v3  }
0x17c: {  	[tilespmem:s18+$0xD0] =	vst v2  }
.LBB2_5:
0x17d: {  	s1 =	simm.s32 $0x14370  }
0x17e: {  	s0 =	simm.s32 $0x17170;
	v2 =	vld [tilespmem:s1+$0x0]  }
0x17f: {  	v3 =	vld [tilespmem:s0+$0x0];
	_ =	sdelay $0x4  }
0x180: {  	v2 =	vadd.f32 v3, v2;
	v3 =	vadd.f32 v3, v1;
	_ =	sdelay $0x1  }
0x181: {  	v6 =	vld [tilespmem:s1+$0xFFFFFE70];
	v4 =	vmul.f32 $2.000000030e-01, v2;
	v5 =	vmul.f32 $2.000000030e-01, v3  }
0x182: {  	v7 =	vld [tilespmem:s0+$0xFFFFFFB0]  }
0x183: {  	v10 =	vld [tilespmem:s1+$0xFFFFFDD0];
	v2 =	vmax.f32 v2, v4;
	v3 =	vmax.f32 v3, v5  }
0x184: {  	v11 =	vld [tilespmem:s1+$0xFFFFFF10];
	v2 =	vsub.f32 v2, v3  }
0x185: {  	v13 =	vld [tilespmem:s0+$0xFFFFFFD0]  }
0x186: {  	v4 =	vld [tilespmem:s0+$0xFFFFFF90];
	v2 =	vmul.f32 $1.442695020e+00, v2  }
0x187: {  	v5 =	vld [tilespmem:s0+$0xFFFFFFA0]  }
0x188: {  	v3 =	vld [tilespmem:s1+$0xFFFFFE20];
	(erf) = vpow2.f32 v2;
	_ =	sdelay $0x1  }
0x189: {  	v15 =	vadd.f32 v7, v6;
	v7 =	vadd.f32 v7, v1  }
0x18a: {  	v8 =	vld [tilespmem:s0+$0xFFFFFFC0];
	v11 =	vadd.f32 v13, v11;
	v13 =	vadd.f32 v13, v1  }
0x18b: {  	v2 =	vld [tilespmem:s1+$0xFFFFFEC0];
	v9 =	vadd.f32 v4, v1;
	v4 =	vadd.f32 v4, v10  }
0x18c: {  	v16 =	vmul.f32 $2.000000030e-01, v15;
	v10 =	vmul.f32 $2.000000030e-01, v7;
	v3 =	vadd.f32 v5, v3  }
0x18d: {  	s6 =	simm.s32 $0x171F0;
	v5 =	vadd.f32 v5, v1;
	v12 =	vmul.f32 $2.000000030e-01, v9;
	v17 =	vmul.f32 $2.000000030e-01, v4  }
0x18e: {  	v25 =	vld [tilespmem:s6+$0xFFFFFFD0];
	v18 =	vmul.f32 $2.000000030e-01, v11;
	v7 =	vmax.f32 v7, v10;
	v14 =	vmul.f32 $2.000000030e-01, v3  }
0x18f: {  	v29 =	vld [tilespmem:s6+$0xFFFFFFE0];
	v9 =	vmax.f32 v9, v12;
	v12 =	vmul.f32 $2.000000030e-01, v5;
	v4 =	vmax.f32 v4, v17  }
0x190: {  	s31 =	simm.s32 $0x1A370;
	s22 =	simm.s32 $0x14870;
	v34 =	vld [tilespmem:s6+$0xFFFFFFF0];
	v2 =	vadd.f32 v8, v2;
	v8 =	vadd.f32 v8, v1;
	v3 =	vmax.f32 v3, v14;
	v6 =	vpop (erf)  }
0x191: {  	v37 =	vld [tilespmem:s22+$0x0];
	v4 =	vsub.f32 v4, v9;
	v5 =	vmax.f32 v5, v12;
	v12 =	vmax.f32 v15, v16;
	[tilespmem:s31+$0x0] =	vst v6  }
0x192: {  	s23 =	simm.s32 $0x17270;
	v14 =	vmul.f32 $2.000000030e-01, v2;
	v15 =	vmul.f32 $2.000000030e-01, v8;
	v3 =	vsub.f32 v3, v5;
	v16 =	vld [tilespmem:s1+$0xFFFFFFC0]  }
0x193: {  	v52 =	vld [tilespmem:s23+$0xFFFFFFB0];
	v10 =	vmul.f32 $2.000000030e-01, v13;
	v7 =	vsub.f32 v12, v7;
	v4 =	vmul.f32 $1.442695020e+00, v4  }
0x194: {  	v39 =	vld [tilespmem:s22+$0xFFFFFEC0];
	v2 =	vmax.f32 v2, v14;
	v8 =	vmax.f32 v8, v15;
	v3 =	vmul.f32 $1.442695020e+00, v3  }
0x195: {  	v40 =	vld [tilespmem:s23+$0xFFFFFFC0];
	v9 =	vmax.f32 v11, v18;
	(erf) = vpow2.f32 v4;
	v2 =	vsub.f32 v2, v8  }
0x196: {  	v53 =	vld [tilespmem:s22+$0xFFFFFF10];
	v5 =	vmax.f32 v13, v10;
	v7 =	vmul.f32 $1.442695020e+00, v7;
	(erf) = vpow2.f32 v3  }
0x197: {  	v5 =	vsub.f32 v9, v5;
	v4 =	vld [tilespmem:s1+$0xFFFFFF60];
	v2 =	vmul.f32 $1.442695020e+00, v2;
	v8 =	vmul.f32 v6, v16  }
0x198: {  	(erf) = vpow2.f32 v7;
	v7 =	vld [tilespmem:s0+$0xFFFFFFE0]  }
0x199: {  	v3 =	vmul.f32 $1.442695020e+00, v5;
	(erf) = vpow2.f32 v2;
	v2 =	vld [tilespmem:s1+$0xFFFFFFB0];
	[tilespmem:s31+$0xFFFFFFC0] =	vst v8  }
0x19a: {  	v5 =	vld [tilespmem:s1+$0xFFFFFFD0]  }
0x19b: {  	(erf) = vpow2.f32 v3;
	v3 =	vld [tilespmem:s0+$0xFFFFFFF0]  }
0x19c: {  	v11 =	vld [tilespmem:s6+$0x0];
	s0 =	simm.s32 $0x145F0  }
0x19d: {  	v10 =	vld [tilespmem:s0+$0x0]  }
0x19e: {  	v54 =	vld [tilespmem:s23+$0xFFFFFFD0]  }
0x19f: {  	v41 =	vld [tilespmem:s22+$0xFFFFFF60];
	v4 =	vadd.f32 v7, v4;
	v9 =	vpop (erf);
	v5 =	vmul.f32 v6, v5  }
0x1a0: {  	v42 =	vld [tilespmem:s23+$0xFFFFFFE0];
	[tilespmem:s31+$0xFFFFFDD0] =	vst v9;
	v2 =	vadd.f32 v3, v2  }
0x1a1: {  	v23 =	vld [tilespmem:s0+$0xFFFFFDD0];
	v12 =	vmul.f32 $2.000000030e-01, v4;
	v8 =	vpop (erf);
	v3 =	vadd.f32 v3, v1;
	[tilespmem:s31+$0xFFFFFFD0] =	vst v5;
	v5 =	vadd.f32 v7, v1  }
0x1a2: {  	v13 =	vld [tilespmem:s1+$0xFFFFFD90];
	v16 =	vpop (erf);
	[tilespmem:s31+$0xFFFFFE20] =	vst v8;
	v10 =	vadd.f32 v11, v10;
	v11 =	vadd.f32 v11, v1;
	v19 =	vmul.f32 $2.000000030e-01, v2  }
0x1a3: {  	v15 =	vld [tilespmem:s1+$0xFFFFFDE0];
	[tilespmem:s31+$0xFFFFFE70] =	vst v16;
	v20 =	vmul.f32 $2.000000030e-01, v3;
	v14 =	vmul.f32 $2.000000030e-01, v5  }
0x1a4: {  	v4 =	vmax.f32 v4, v12;
	v12 =	vld [tilespmem:s1+$0xFFFFFE30];
	v21 =	vmul.f32 $2.000000030e-01, v10;
	v22 =	vmul.f32 $2.000000030e-01, v11  }
0x1a5: {  	v2 =	vmax.f32 v2, v19;
	v3 =	vmax.f32 v3, v20;
	v19 =	vld [tilespmem:s0+$0xFFFFFE20];
	v5 =	vmax.f32 v5, v14  }
0x1a6: {  	v2 =	vsub.f32 v2, v3;
	v3 =	vld [tilespmem:s6+$0xFFFFFF90];
	v4 =	vsub.f32 v4, v5  }
0x1a7: {  	v10 =	vmax.f32 v10, v21;
	v11 =	vmax.f32 v11, v22;
	v22 =	vld [tilespmem:s0+$0xFFFFFF10]  }
0x1a8: {  	v10 =	vsub.f32 v10, v11;
	v11 =	vld [tilespmem:s6+$0xFFFFFFA0];
	v4 =	vmul.f32 $1.442695020e+00, v4  }
0x1a9: {  	v17 =	vpop (erf);
	v13 =	vmul.f32 v9, v13;
	v7 =	vld [tilespmem:s1+$0xFFFFFFE0];
	v2 =	vmul.f32 $1.442695020e+00, v2  }
0x1aa: {  	v44 =	vld [tilespmem:s22+$0xFFFFFFB0];
	v18 =	vpop (erf);
	v10 =	vmul.f32 $1.442695020e+00, v10;
	(erf) = vpow2.f32 v4  }
0x1ab: {  	v15 =	vmul.f32 v8, v15;
	v4 =	vld [tilespmem:s0+$0xFFFFFE70];
	(erf) = vpow2.f32 v2  }
0x1ac: {  	v21 =	vadd.f32 v3, v1;
	v3 =	vadd.f32 v3, v23;
	v2 =	vld [tilespmem:s6+$0xFFFFFFB0];
	(erf) = vpow2.f32 v10  }
0x1ad: {  	v20 =	vld [tilespmem:s0+$0xFFFFFEC0];
	v12 =	vmul.f32 v16, v12;
	v22 =	vadd.f32 v25, v22;
	v19 =	vadd.f32 v11, v19  }
0x1ae: {  	v11 =	vadd.f32 v11, v1;
	v7 =	vmul.f32 v6, v7;
	v24 =	vmul.f32 $2.000000030e-01, v21;
	v10 =	vld [tilespmem:s6+$0xFFFFFFC0]  }
0x1af: {  	v45 =	vld [tilespmem:s23+$0xFFFFFFF0];
	[tilespmem:s31+$0xFFFFFEC0] =	vst v17;
	v23 =	vadd.f32 v25, v1;
	v35 =	vmul.f32 $2.000000030e-01, v3;
	v36 =	vmul.f32 $2.000000030e-01, v22  }
0x1b0: {  	[tilespmem:s31+$0xFFFFFF10] =	vst v18;
	v14 =	vld [tilespmem:s1+$0xFFFFFE80];
	v26 =	vmul.f32 $2.000000030e-01, v19;
	v24 =	vmax.f32 v21, v24;
	v21 =	vmul.f32 $2.000000030e-01, v11  }
0x1b1: {  	v5 =	vld [tilespmem:s1+$0xFFFFFED0];
	v3 =	vmax.f32 v3, v35;
	v4 =	vadd.f32 v2, v4;
	v2 =	vadd.f32 v2, v1  }
0x1b2: {  	v27 =	vld [tilespmem:s0+$0xFFFFFF60];
	[tilespmem:s31+$0xFFFFFD90] =	vst v13;
	v19 =	vmax.f32 v19, v26;
	v3 =	vsub.f32 v3, v24;
	v11 =	vmax.f32 v11, v21  }
0x1b3: {  	[tilespmem:s31+$0xFFFFFDE0] =	vst v15;
	v26 =	vld [tilespmem:s0+$0xFFFFFFB0];
	v28 =	vadd.f32 v10, v20;
	v30 =	vmul.f32 $2.000000030e-01, v4;
	v32 =	vmul.f32 $2.000000030e-01, v2;
	v20 =	vpop (erf)  }
0x1b4: {  	v15 =	vld [tilespmem:s1+$0xFFFFFDA0];
	v62 =	vmul.f32 $2.000000030e-01, v23;
	v11 =	vsub.f32 v19, v11;
	v31 =	vadd.f32 v10, v1;
	v10 =	vpop (erf);
	[tilespmem:s31+$0xFFFFFF60] =	vst v20  }
0x1b5: {  	s20 =	simm.s32 $0x1A5F0;
	[tilespmem:s31+$0xFFFFFE30] =	vst v12;
	v3 =	vmul.f32 $1.442695020e+00, v3;
	v4 =	vmax.f32 v4, v30;
	v2 =	vmax.f32 v2, v32;
	v25 =	vld [tilespmem:s1+$0xFFFFFF20];
	v21 =	vpop (erf)  }
0x1b6: {  	v14 =	vmul.f32 v17, v14;
	v5 =	vmul.f32 v18, v5;
	v2 =	vsub.f32 v4, v2;
	v4 =	vld [tilespmem:s1+$0xFFFFFDF0];
	[tilespmem:s20+$0x0] =	vst v21  }
0x1b7: {  	v11 =	vmul.f32 $1.442695020e+00, v11;
	(erf) = vpow2.f32 v3;
	[tilespmem:s31+$0xFFFFFFB0] =	vst v10;
	v61 =	vld [tilespmem:s0+$0xFFFFFFC0]  }
0x1b8: {  	[tilespmem:s31+$0xFFFFFFE0] =	vst v7;
	v26 =	vadd.f32 v34, v26;
	v33 =	vmul.f32 $2.000000030e-01, v28;
	v30 =	vmul.f32 $2.000000030e-01, v31;
	v13 =	vld [tilespmem:s1+$0xFFFFFF70]  }
0x1b9: {  	v7 =	vld [tilespmem:s1+$0xFFFFFFF0];
	[tilespmem:s31+$0xFFFFFE80] =	vst v14;
	(erf) = vpow2.f32 v11;
	v11 =	vmul.f32 v9, v15  }
0x1ba: {  	[tilespmem:s31+$0xFFFFFED0] =	vst v5;
	v5 =	vld [tilespmem:s1+$0xFFFFFE90];
	v47 =	vmul.f32 $2.000000030e-01, v26;
	v28 =	vmax.f32 v28, v33;
	v19 =	vmax.f32 v31, v30  }
0x1bb: {  	v22 =	vmax.f32 v22, v36;
	v14 =	vld [tilespmem:s1+$0xFFFFFE40];
	v12 =	vsub.f32 v28, v19;
	v19 =	vmul.f32 v20, v25  }
0x1bc: {  	[tilespmem:s31+$0xFFFFFDA0] =	vst v11;
	v26 =	vmax.f32 v26, v47;
	v47 =	vld [tilespmem:s22+$0xFFFFFDD0];
	v2 =	vmul.f32 $1.442695020e+00, v2;
	v24 =	vmul.f32 v21, v61  }
0x1bd: {  	v25 =	vld [tilespmem:s1+$0xFFFFFEE0];
	v4 =	vmul.f32 v8, v4;
	v3 =	vmul.f32 v10, v13;
	v13 =	vmax.f32 v23, v62;
	[tilespmem:s31+$0xFFFFFF20] =	vst v19  }
0x1be: {  	v12 =	vmul.f32 $1.442695020e+00, v12;
	v13 =	vsub.f32 v22, v13;
	v19 =	vld [tilespmem:s1+$0xFFFFFF30];
	[tilespmem:s20+$0xFFFFFFC0] =	vst v24  }
0x1bf: {  	(erf) = vpow2.f32 v2;
	[tilespmem:s31+$0xFFFFFDF0] =	vst v4;
	v4 =	vmul.f32 v17, v5;
	v22 =	vadd.f32 v29, v27;
	v2 =	vld [tilespmem:s0+$0xFFFFFFD0]  }
0x1c0: {  	[tilespmem:s31+$0xFFFFFF70] =	vst v3;
	v3 =	vmul.f32 v16, v14;
	v5 =	vld [tilespmem:s1+$0xFFFFFE00];
	v11 =	vmul.f32 $1.442695020e+00, v13  }
0x1c1: {  	(erf) = vpow2.f32 v12;
	v23 =	vld [tilespmem:s1+$0xFFFFFF80];
	v30 =	vmul.f32 $2.000000030e-01, v22  }
0x1c2: {  	v24 =	vld [tilespmem:s1+$0xFFFFFDB0];
	[tilespmem:s31+$0xFFFFFE40] =	vst v3;
	v3 =	vmul.f32 v18, v25;
	(erf) = vpow2.f32 v11  }
0x1c3: {  	[tilespmem:s31+$0xFFFFFE90] =	vst v4;
	v22 =	vmax.f32 v22, v30;
	v30 =	vld [tilespmem:s23+$0x0]  }
0x1c4: {  	v25 =	vld [tilespmem:s1+$0xFFFFFE50];
	[tilespmem:s31+$0xFFFFFEE0] =	vst v3;
	v11 =	vpop (erf);
	v2 =	vmul.f32 v21, v2  }
0x1c5: {  	v31 =	vadd.f32 v34, v1;
	v4 =	vmul.f32 v20, v19;
	v19 =	vld [tilespmem:s1+$0xFFFFFEA0];
	[tilespmem:s20+$0xFFFFFDD0] =	vst v11  }
0x1c6: {  	v28 =	vadd.f32 v29, v1;
	v3 =	vld [tilespmem:s1+$0xFFFFFEF0];
	[tilespmem:s20+$0xFFFFFFD0] =	vst v2  }
0x1c7: {  	v36 =	vadd.f32 v52, v1;
	v49 =	vmul.f32 $2.000000030e-01, v31;
	v14 =	vpop (erf);
	[tilespmem:s31+$0xFFFFFF30] =	vst v4;
	v4 =	vld [tilespmem:s0+$0xFFFFFFE0]  }
0x1c8: {  	v46 =	vmul.f32 $2.000000030e-01, v28;
	v12 =	vpop (erf);
	v27 =	vld [tilespmem:s0+$0xFFFFFD90];
	[tilespmem:s20+$0xFFFFFE20] =	vst v14;
	v51 =	vadd.f32 v30, v37;
	v30 =	vadd.f32 v30, v1  }
0x1c9: {  	v57 =	vmul.f32 $2.000000030e-01, v36;
	v31 =	vmax.f32 v31, v49;
	v5 =	vmul.f32 v8, v5;
	v29 =	vld [tilespmem:s0+$0xFFFFFDE0];
	[tilespmem:s20+$0xFFFFFE70] =	vst v12  }
0x1ca: {  	v28 =	vmax.f32 v28, v46;
	v13 =	vpop (erf);
	v63 =	vld [tilespmem:s0+$0xFFFFFE30];
	v37 =	vmul.f32 $2.000000030e-01, v51;
	v38 =	vmul.f32 $2.000000030e-01, v30  }
0x1cb: {  	v28 =	vsub.f32 v22, v28;
	v24 =	vmul.f32 v9, v24;
	v25 =	vmul.f32 v16, v25;
	v2 =	vld [tilespmem:s1+$0xFFFFFF40];
	[tilespmem:s20+$0xFFFFFEC0] =	vst v13;
	v15 =	vpop (erf)  }
0x1cc: {  	v48 =	vld [tilespmem:s0+$0xFFFFFE80];
	v34 =	vmax.f32 v51, v37;
	v30 =	vmax.f32 v30, v38;
	[tilespmem:s20+$0xFFFFFF10] =	vst v15;
	v4 =	vmul.f32 v21, v4  }
0x1cd: {  	v27 =	vmul.f32 v11, v27;
	v37 =	vadd.f32 v54, v53;
	v30 =	vsub.f32 v34, v30;
	v50 =	vld [tilespmem:s0+$0xFFFFFED0]  }
0x1ce: {  	v34 =	vmul.f32 v17, v19;
	[tilespmem:s20+$0xFFFFFFE0] =	vst v4;
	v4 =	vsub.f32 v26, v31;
	v26 =	vmul.f32 $1.442695020e+00, v28;
	v28 =	vld [tilespmem:s23+$0xFFFFFF90]  }
0x1cf: {  	v29 =	vmul.f32 v14, v29;
	v32 =	vmul.f32 v12, v63;
	v31 =	vld [tilespmem:s22+$0xFFFFFE20]  }
0x1d0: {  	[tilespmem:s20+$0xFFFFFD90] =	vst v27;
	v60 =	vmul.f32 $2.000000030e-01, v37;
	(erf) = vpow2.f32 v26;
	v26 =	vld [tilespmem:s23+$0xFFFFFFA0]  }
0x1d1: {  	v19 =	vmul.f32 $1.442695020e+00, v30;
	[tilespmem:s20+$0xFFFFFDE0] =	vst v29;
	v56 =	vld [tilespmem:s0+$0xFFFFFDA0];
	v4 =	vmul.f32 $1.442695020e+00, v4  }
0x1d2: {  	v39 =	vadd.f32 v40, v39;
	v30 =	vmul.f32 v20, v2;
	v35 =	vmul.f32 v13, v48;
	v51 =	vld [tilespmem:s0+$0xFFFFFDF0]  }
0x1d3: {  	s16 =	simm.s32 $0x14AF0;
	[tilespmem:s20+$0xFFFFFE30] =	vst v32;
	v32 =	vmax.f32 v36, v57;
	v57 =	vadd.f32 v45, v44;
	(erf) = vpow2.f32 v4;
	v4 =	vld [tilespmem:s22+$0xFFFFFE70]  }
0x1d4: {  	v44 =	vld [tilespmem:s16+$0xFFFFFEC0];
	v33 =	vmul.f32 v15, v50;
	v43 =	vadd.f32 v28, v1;
	v28 =	vadd.f32 v28, v47  }
0x1d5: {  	[tilespmem:s31+$0xFFFFFEA0] =	vst v34;
	v59 =	vld [tilespmem:s0+$0xFFFFFE40];
	(erf) = vpow2.f32 v19;
	v31 =	vadd.f32 v26, v31;
	v26 =	vadd.f32 v26, v1  }
0x1d6: {  	v58 =	vadd.f32 v54, v1;
	[tilespmem:s20+$0xFFFFFE80] =	vst v35;
	v22 =	vld [tilespmem:s0+$0xFFFFFFF0];
	v46 =	vmul.f32 $2.000000030e-01, v43;
	v62 =	vmul.f32 $2.000000030e-01, v28  }
0x1d7: {  	v40 =	vadd.f32 v40, v1;
	[tilespmem:s31+$0xFFFFFF40] =	vst v30;
	v61 =	vld [tilespmem:s0+$0xFFFFFE90];
	v48 =	vmul.f32 $2.000000030e-01, v31;
	v55 =	vmul.f32 $2.000000030e-01, v26  }
0x1d8: {  	v34 =	vld [tilespmem:s1+$0xFFFFFF50];
	[tilespmem:s20+$0xFFFFFED0] =	vst v33;
	v4 =	vadd.f32 v52, v4;
	v27 =	vmax.f32 v43, v46;
	v52 =	vmul.f32 $2.000000030e-01, v58  }
0x1d9: {  	[tilespmem:s31+$0xFFFFFDB0] =	vst v24;
	v63 =	vld [tilespmem:s0+$0xFFFFFEE0];
	v28 =	vmax.f32 v28, v62;
	v31 =	vmax.f32 v31, v48;
	v26 =	vmax.f32 v26, v55  }
0x1da: {  	v23 =	vmul.f32 v10, v23;
	[tilespmem:s31+$0xFFFFFE00] =	vst v5;
	v27 =	vsub.f32 v28, v27;
	v5 =	vsub.f32 v31, v26;
	v26 =	vld [tilespmem:s1+$0xFFFFFDC0]  }
0x1db: {  	v3 =	vmul.f32 v18, v3;
	[tilespmem:s31+$0xFFFFFE50] =	vst v25;
	v24 =	vmax.f32 v37, v60;
	v19 =	vpop (erf);
	v25 =	vmax.f32 v58, v52;
	v31 =	vld [tilespmem:s1+$0xFFFFFE10]  }
0x1dc: {  	v29 =	vmul.f32 $2.000000030e-01, v4;
	[tilespmem:s20+$0xFFFFFF60] =	vst v19;
	v24 =	vsub.f32 v24, v25;
	v25 =	vmul.f32 $1.442695020e+00, v27;
	v27 =	vld [tilespmem:s1+$0xFFFFFE60]  }
0x1dd: {  	v49 =	vld [tilespmem:s0+$0xFFFFFF20]  }
0x1de: {  	[tilespmem:s31+$0xFFFFFEF0] =	vst v3;
	v2 =	vpop (erf);
	v4 =	vmax.f32 v4, v29;
	v29 =	vmul.f32 $2.000000030e-01, v40;
	v3 =	vmul.f32 $1.442695020e+00, v24;
	v24 =	vld [tilespmem:s1+$0xFFFFFEB0]  }
0x1df: {  	[tilespmem:s20+$0xFFFFFFB0] =	vst v2;
	v5 =	vmul.f32 $1.442695020e+00, v5;
	(erf) = vpow2.f32 v25;
	v25 =	vld [tilespmem:s1+$0xFFFFFF00]  }
0x1e0: {  	[tilespmem:s31+$0xFFFFFF80] =	vst v23;
	s23 =	simm.s32 $0x1A870;
	v23 =	vpop (erf);
	v46 =	vld [tilespmem:s0+$0xFFFFFF70]  }
0x1e1: {  	v29 =	vmax.f32 v40, v29;
	v40 =	vld [tilespmem:s1+$0xFFFFFF90];
	[tilespmem:s23+$0x0] =	vst v23;
	(erf) = vpow2.f32 v5;
	v5 =	vmul.f32 v11, v56  }
0x1e2: {  	v50 =	vmul.f32 $2.000000030e-01, v39;
	v4 =	vsub.f32 v4, v32;
	v54 =	vld [tilespmem:s22+$0xFFFFFFC0];
	v56 =	vmul.f32 v14, v51  }
0x1e3: {  	v31 =	vmul.f32 v31, v8;
	v8 =	vld [tilespmem:s16+$0x0];
	[tilespmem:s20+$0xFFFFFDA0] =	vst v5  }
0x1e4: {  	v39 =	vmax.f32 v39, v50;
	v4 =	vmul.f32 $1.442695020e+00, v4;
	v28 =	vmul.f32 v19, v49;
	[tilespmem:s20+$0xFFFFFDF0] =	vst v56;
	v36 =	vld [tilespmem:s0+$0xFFFFFDB0]  }
0x1e5: {  	s6 =	simm.s32 $0x172F0;
	v29 =	vsub.f32 v39, v29;
	v5 =	vmul.f32 v12, v59;
	v60 =	vld [tilespmem:s0+$0xFFFFFE00]  }
0x1e6: {  	(erf) = vpow2.f32 v4;
	v18 =	vmul.f32 v25, v18;
	v25 =	vld [tilespmem:s6+$0xFFFFFF90];
	[tilespmem:s20+$0xFFFFFF20] =	vst v28  }
0x1e7: {  	v28 =	vmul.f32 $1.442695020e+00, v29;
	v30 =	vmul.f32 v2, v46;
	[tilespmem:s20+$0xFFFFFE40] =	vst v5;
	v29 =	vld [tilespmem:s0+$0xFFFFFF30]  }
0x1e8: {  	v5 =	vmul.f32 v15, v63;
	v55 =	vmul.f32 v23, v54;
	v62 =	vld [tilespmem:s0+$0xFFFFFE50]  }
0x1e9: {  	v54 =	vmul.f32 v22, v21;
	v22 =	vmul.f32 v27, v16;
	v27 =	vld [tilespmem:s6+$0x0]  }
0x1ea: {  	v41 =	vadd.f32 v42, v41;
	v16 =	vmul.f32 v34, v20;
	v20 =	vld [tilespmem:s16+$0xFFFFFE20];
	(erf) = vpow2.f32 v28;
	[tilespmem:s23+$0xFFFFFFC0] =	vst v55  }
0x1eb: {  	[tilespmem:s20+$0xFFFFFF70] =	vst v30;
	v30 =	vadd.f32 v42, v1;
	(erf) = vpow2.f32 v3;
	v3 =	vmul.f32 v13, v61;
	v4 =	vld [tilespmem:s22+$0xFFFFFFD0]  }
0x1ec: {  	v53 =	vmul.f32 $2.000000030e-01, v41;
	v52 =	vmul.f32 v7, v6;
	[tilespmem:s20+$0xFFFFFEE0] =	vst v5;
	v28 =	vld [tilespmem:s0+$0xFFFFFF80]  }
0x1ed: {  	v58 =	vadd.f32 v45, v1;
	v21 =	vmul.f32 v24, v17;
	v48 =	vld [tilespmem:s0+$0xFFFFFEF0];
	v59 =	vmul.f32 $2.000000030e-01, v30;
	[tilespmem:s20+$0xFFFFFE90] =	vst v3  }
0x1ee: {  	[tilespmem:s31+$0xFFFFFFF0] =	vst v52;
	v32 =	vmul.f32 v11, v36;
	v36 =	vmul.f32 v14, v60;
	v63 =	vld [tilespmem:s0+$0xFFFFFEA0]  }
0x1ef: {  	[tilespmem:s31+$0xFFFFFE10] =	vst v31;
	v3 =	vmul.f32 v19, v29;
	v29 =	vmul.f32 $2.000000030e-01, v58;
	v30 =	vmax.f32 v30, v59;
	v59 =	vld [tilespmem:s16+$0xFFFFFE70]  }
0x1f0: {  	v5 =	vmax.f32 v41, v53;
	v24 =	vmul.f32 v12, v62;
	v62 =	vld [tilespmem:s6+$0xFFFFFFB0];
	[tilespmem:s20+$0xFFFFFE00] =	vst v36;
	v4 =	vmul.f32 v23, v4  }
0x1f1: {  	[tilespmem:s20+$0xFFFFFFF0] =	vst v54;
	v5 =	vsub.f32 v5, v30;
	v31 =	vld [tilespmem:s0+$0xFFFFFE10]  }
0x1f2: {  	[tilespmem:s20+$0xFFFFFF30] =	vst v3;
	v29 =	vmax.f32 v58, v29;
	v28 =	vmul.f32 v2, v28;
	v58 =	vld [tilespmem:s6+$0xFFFFFFA0]  }
0x1f3: {  	v61 =	vmul.f32 $2.000000030e-01, v57;
	v60 =	vadd.f32 v27, v8;
	v27 =	vadd.f32 v27, v1;
	v30 =	vld [tilespmem:s0+$0xFFFFFF40];
	v3 =	vpop (erf);
	[tilespmem:s23+$0xFFFFFFD0] =	vst v4  }
0x1f4: {  	[tilespmem:s20+$0xFFFFFF80] =	vst v28;
	v49 =	vld [tilespmem:s22+$0xFFFFFFE0];
	v4 =	vpop (erf)  }
0x1f5: {  	v35 =	vmax.f32 v57, v61;
	v52 =	vmul.f32 $2.000000030e-01, v27;
	v50 =	vmul.f32 $1.442695020e+00, v5;
	v28 =	vld [tilespmem:s16+$0xFFFFFDD0];
	v5 =	vpop (erf);
	[tilespmem:s23+$0xFFFFFE20] =	vst v4  }
0x1f6: {  	v29 =	vsub.f32 v35, v29;
	[tilespmem:s23+$0xFFFFFDD0] =	vst v3;
	v38 =	vmul.f32 v13, v63;
	v63 =	vmul.f32 $2.000000030e-01, v60;
	v6 =	vpop (erf);
	v53 =	vld [tilespmem:s22+$0xFFFFFDE0]  }
0x1f7: {  	v26 =	vmul.f32 v26, v9;
	v54 =	vadd.f32 v25, v1;
	v27 =	vmax.f32 v27, v52;
	v51 =	vld [tilespmem:s22+$0xFFFFFD90];
	[tilespmem:s23+$0xFFFFFE70] =	vst v5;
	v7 =	vpop (erf)  }
0x1f8: {  	v29 =	vmul.f32 $1.442695020e+00, v29;
	(erf) = vpow2.f32 v50;
	v43 =	vmax.f32 v60, v63;
	v55 =	vld [tilespmem:s22+$0xFFFFFE30];
	[tilespmem:s23+$0xFFFFFF10] =	vst v7  }
0x1f9: {  	v30 =	vmul.f32 v19, v30;
	v27 =	vsub.f32 v43, v27;
	[tilespmem:s23+$0xFFFFFEC0] =	vst v6;
	v9 =	vmul.f32 v23, v49;
	v57 =	vld [tilespmem:s22+$0xFFFFFED0]  }
0x1fa: {  	(erf) = vpow2.f32 v29;
	v29 =	vmul.f32 v10, v40;
	v25 =	vadd.f32 v25, v28;
	v56 =	vld [tilespmem:s22+$0xFFFFFE80]  }
0x1fb: {  	v41 =	vadd.f32 v62, v1;
	v27 =	vmul.f32 $1.442695020e+00, v27;
	[tilespmem:s23+$0xFFFFFFE0] =	vst v9;
	v61 =	vmul.f32 v4, v53;
	v53 =	vld [tilespmem:s6+$0xFFFFFFC0]  }
0x1fc: {  	[tilespmem:s31+$0xFFFFFDC0] =	vst v26;
	v20 =	vadd.f32 v58, v20;
	v37 =	vmul.f32 v3, v51;
	v50 =	vmul.f32 $2.000000030e-01, v25;
	v17 =	vld [tilespmem:s22+$0xFFFFFFF0]  }
0x1fd: {  	[tilespmem:s31+$0xFFFFFF00] =	vst v18;
	v34 =	vadd.f32 v58, v1;
	v58 =	vld [tilespmem:s16+$0xFFFFFF60];
	(erf) = vpow2.f32 v27;
	v27 =	vmul.f32 $2.000000030e-01, v41  }
0x1fe: {  	[tilespmem:s31+$0xFFFFFE60] =	vst v22;
	v60 =	vld [tilespmem:s6+$0xFFFFFFE0];
	v35 =	vmul.f32 v5, v55;
	v45 =	vmul.f32 v7, v57;
	v57 =	vadd.f32 v62, v59  }
0x1ff: {  	[tilespmem:s31+$0xFFFFFF50] =	vst v16;
	v63 =	vld [tilespmem:s16+$0xFFFFFFB0];
	v25 =	vmax.f32 v25, v50;
	v40 =	vmul.f32 v6, v56;
	v56 =	vmul.f32 $2.000000030e-01, v54  }
0x200: {  	[tilespmem:s23+$0xFFFFFD90] =	vst v37;
	v62 =	vmul.f32 $2.000000030e-01, v57;
	v44 =	vadd.f32 v53, v44;
	v52 =	vadd.f32 v53, v1;
	v53 =	vld [tilespmem:s6+$0xFFFFFFF0]  }
0x201: {  	v27 =	vmax.f32 v41, v27;
	v41 =	vld [tilespmem:s22+$0xFFFFFDA0];
	v9 =	vpop (erf);
	[tilespmem:s23+$0xFFFFFDE0] =	vst v61;
	v61 =	vmul.f32 $2.000000030e-01, v34;
	v17 =	vmul.f32 v17, v23  }
0x202: {  	v55 =	vld [tilespmem:s16+$0xFFFFFF10];
	[tilespmem:s23+$0xFFFFFF60] =	vst v9;
	v59 =	vmul.f32 $2.000000030e-01, v20;
	v37 =	vmax.f32 v54, v56;
	v39 =	vmax.f32 v57, v62  }
0x203: {  	v56 =	vld [tilespmem:s22+$0xFFFFFF20];
	[tilespmem:s23+$0xFFFFFFF0] =	vst v17;
	v17 =	vmul.f32 $2.000000030e-01, v52;
	v57 =	vadd.f32 v60, v58;
	v58 =	vadd.f32 v60, v1  }
0x204: {  	[tilespmem:s20+$0xFFFFFF40] =	vst v30;
	v34 =	vmax.f32 v34, v61;
	v61 =	vld [tilespmem:s22+$0xFFFFFDF0];
	v20 =	vmax.f32 v20, v59;
	v25 =	vsub.f32 v25, v37  }
0x205: {  	[tilespmem:s23+$0xFFFFFE30] =	vst v35;
	v8 =	vpop (erf);
	v23 =	vld [tilespmem:s6+$0xFFFFFFD0];
	v60 =	vadd.f32 v53, v63;
	v63 =	vmax.f32 v52, v17;
	v17 =	vmul.f32 $2.000000030e-01, v58  }
0x206: {  	v28 =	vld [tilespmem:s22+$0xFFFFFE40];
	[tilespmem:s23+$0xFFFFFFB0] =	vst v8;
	v20 =	vsub.f32 v20, v34  }
0x207: {  	v33 =	vmul.f32 v15, v48;
	[tilespmem:s23+$0xFFFFFE80] =	vst v40;
	v47 =	vld [tilespmem:s22+$0xFFFFFF70];
	v25 =	vmul.f32 $1.442695020e+00, v25;
	v48 =	vadd.f32 v53, v1  }
0x208: {  	[tilespmem:s23+$0xFFFFFED0] =	vst v45;
	v49 =	vld [tilespmem:s22+$0xFFFFFE90];
	v27 =	vsub.f32 v39, v27;
	v20 =	vmul.f32 $1.442695020e+00, v20;
	v62 =	vmul.f32 $2.000000030e-01, v57  }
0x209: {  	s18 =	simm.s32 $0x1AAF0;
	[tilespmem:s31+$0xFFFFFF90] =	vst v29;
	v51 =	vld [tilespmem:s22+$0xFFFFFEE0];
	(erf) = vpow2.f32 v25;
	v29 =	vmul.f32 $2.000000030e-01, v48;
	v52 =	vmax.f32 v58, v17;
	v17 =	vpop (erf)  }
0x20a: {  	v25 =	vld [tilespmem:s0+$0xFFFFFF50];
	v54 =	vadd.f32 v23, v55;
	v55 =	vmul.f32 $2.000000030e-01, v44;
	v23 =	vadd.f32 v23, v1;
	[tilespmem:s18+$0x0] =	vst v17  }
0x20b: {  	[tilespmem:s20+$0xFFFFFDB0] =	vst v32;
	(erf) = vpow2.f32 v20;
	v30 =	vmul.f32 $2.000000030e-01, v60;
	v26 =	vmax.f32 v48, v29;
	v29 =	vld [tilespmem:s16+$0xFFFFFFC0]  }
0x20c: {  	[tilespmem:s20+$0xFFFFFE50] =	vst v24;
	v53 =	vld [tilespmem:s0+$0xFFFFFF90];
	v20 =	vmul.f32 v3, v41;
	v36 =	vmax.f32 v57, v62;
	v16 =	vmul.f32 v8, v47  }
0x20d: {  	[tilespmem:s20+$0xFFFFFEF0] =	vst v33;
	v57 =	vld [tilespmem:s0+$0xFFFFFE60];
	v46 =	vmul.f32 $2.000000030e-01, v54;
	v24 =	vmax.f32 v44, v55;
	v30 =	vmax.f32 v60, v30  }
0x20e: {  	v59 =	vmul.f32 $2.000000030e-01, v23;
	v55 =	vmul.f32 v9, v56;
	v58 =	vld [tilespmem:s0+$0xFFFFFF00];
	[tilespmem:s23+$0xFFFFFDA0] =	vst v20;
	v26 =	vsub.f32 v30, v26  }
0x20f: {  	v24 =	vsub.f32 v24, v63;
	[tilespmem:s23+$0xFFFFFF70] =	vst v16;
	v16 =	vmul.f32 v5, v28;
	v28 =	vld [tilespmem:s22+$0xFFFFFDB0];
	v35 =	vmax.f32 v54, v46  }
0x210: {  	[tilespmem:s31+$0xFFFFFEB0] =	vst v21;
	v23 =	vmax.f32 v23, v59;
	v54 =	vld [tilespmem:s0+$0xFFFFFDC0];
	v18 =	vmul.f32 $1.442695020e+00, v26;
	v26 =	vmul.f32 v17, v29  }
0x211: {  	v22 =	vmul.f32 $1.442695020e+00, v27;
	[tilespmem:s23+$0xFFFFFF20] =	vst v55;
	v59 =	vld [tilespmem:s1+$0xFFFFFFA0];
	v23 =	vsub.f32 v35, v23  }
0x212: {  	v20 =	vmul.f32 v6, v49;
	v56 =	vsub.f32 v36, v52;
	v24 =	vmul.f32 $1.442695020e+00, v24;
	v27 =	vld [tilespmem:s22+$0xFFFFFF30];
	[tilespmem:s18+$0xFFFFFFC0] =	vst v26  }
0x213: {  	[tilespmem:s20+$0xFFFFFEA0] =	vst v38;
	(erf) = vpow2.f32 v22;
	v21 =	vmul.f32 $1.442695020e+00, v23;
	v22 =	vld [tilespmem:s16+$0xFFFFFFD0]  }
0x214: {  	[tilespmem:s23+$0xFFFFFE90] =	vst v20;
	v30 =	vld [tilespmem:s0+$0xFFFFFEB0];
	v23 =	vmul.f32 $1.442695020e+00, v56;
	(erf) = vpow2.f32 v24  }
0x215: {  	v60 =	vld [tilespmem:s22+$0xFFFFFEA0];
	(erf) = vpow2.f32 v21;
	v26 =	vmul.f32 v4, v61  }
0x216: {  	[tilespmem:s23+$0xFFFFFE40] =	vst v16;
	v16 =	vmul.f32 v7, v51;
	v24 =	vld [tilespmem:s22+$0xFFFFFF80];
	(erf) = vpow2.f32 v23  }
0x217: {  	v21 =	vmul.f32 v9, v27;
	(erf) = vpow2.f32 v18;
	v29 =	vld [tilespmem:s22+$0xFFFFFE50];
	[tilespmem:s23+$0xFFFFFDF0] =	vst v26  }
0x218: {  	[tilespmem:s23+$0xFFFFFEE0] =	vst v16;
	v23 =	vld [tilespmem:s22+$0xFFFFFE00];
	v22 =	vmul.f32 v17, v22  }
0x219: {  	v25 =	vmul.f32 v25, v19;
	v20 =	vmul.f32 v2, v53;
	[tilespmem:s23+$0xFFFFFF30] =	vst v21;
	v61 =	vld [tilespmem:s22+$0xFFFFFEF0]  }
0x21a: {  	v19 =	vmul.f32 v59, v10;
	v18 =	vmul.f32 v54, v11;
	v11 =	vpop (erf);
	v62 =	vld [tilespmem:s22+$0xFFFFFF40];
	[tilespmem:s18+$0xFFFFFFD0] =	vst v22  }
0x21b: {  	v27 =	vmul.f32 v3, v28;
	v21 =	vmul.f32 v31, v14;
	v14 =	vpop (erf);
	[tilespmem:s18+$0xFFFFFDD0] =	vst v11;
	v63 =	vld [tilespmem:s16+$0xFFFFFFE0]  }
0x21c: {  	v33 =	vld [tilespmem:s16+$0xFFFFFD90];
	[tilespmem:s18+$0xFFFFFE20] =	vst v14;
	v26 =	vmul.f32 v8, v24;
	v22 =	vmul.f32 v57, v12;
	v12 =	vpop (erf)  }
0x21d: {  	v34 =	vld [tilespmem:s16+$0xFFFFFDE0];
	v28 =	vmul.f32 v4, v23;
	v23 =	vmul.f32 v30, v13;
	v13 =	vpop (erf);
	[tilespmem:s18+$0xFFFFFE70] =	vst v12  }
0x21e: {  	v24 =	vmul.f32 v58, v15;
	v29 =	vmul.f32 v5, v29;
	v15 =	vpop (erf);
	v35 =	vld [tilespmem:s16+$0xFFFFFE30];
	[tilespmem:s18+$0xFFFFFEC0] =	vst v13  }
0x21f: {  	v31 =	vmul.f32 v7, v61;
	v32 =	vmul.f32 v9, v62;
	v16 =	vpop (erf);
	v36 =	vld [tilespmem:s16+$0xFFFFFE80];
	[tilespmem:s18+$0xFFFFFF10] =	vst v15  }
0x220: {  	s7 =	simm.s32 $0x14D70;
	s1 =	simm.s32 $0x18;
	v30 =	vmul.f32 v6, v60;
	v10 =	vpop (erf);
	v37 =	vld [tilespmem:s16+$0xFFFFFED0];
	[tilespmem:s18+$0xFFFFFF60] =	vst v16;
	v38 =	vmul.f32 v17, v63  }
.LBB2_6:
0x221: {  	v39 =	vld [tilespmem:s7+$0x0];
	v33 =	vmul.f32 v11, v33;
	[tilespmem:s18+$0xFFFFFFB0] =	vst v10;
	s6 =	sadd.s32 $0x80, s6  }
0x222: {  	s1 =	sadd.s32 $0x8, s1;
	v40 =	vld [tilespmem:s6+$0x0];
	v34 =	vmul.f32 v14, v34;
	[tilespmem:s18+$0xFFFFFFE0] =	vst v38  }
0x223: {  	p0 =	slt.u32 s1, $0x78;
	[tilespmem:s18+$0xFFFFFD90] =	vst v33;
	v33 =	vmul.f32 v12, v35;
	v35 =	vld [tilespmem:s16+$0xFFFFFFF0]  }
0x224: {  	v38 =	vld [tilespmem:s6+$0xFFFFFF90];
	[tilespmem:s18+$0xFFFFFDE0] =	vst v34;
	v34 =	vmul.f32 v13, v36  }
0x225: {  	v36 =	vld [tilespmem:s7+$0xFFFFFE20];
	[tilespmem:s18+$0xFFFFFE30] =	vst v33;
	v33 =	vmul.f32 v15, v37  }
0x226: {  	v37 =	vld [tilespmem:s6+$0xFFFFFFA0];
	[tilespmem:s18+$0xFFFFFE80] =	vst v34  }
0x227: {  	v34 =	vld [tilespmem:s7+$0xFFFFFE70];
	v39 =	vadd.f32 v40, v39;
	v40 =	vadd.f32 v40, v1;
	[tilespmem:s18+$0xFFFFFED0] =	vst v33  }
0x228: {  	v33 =	vld [tilespmem:s6+$0xFFFFFFB0];
	v17 =	vmul.f32 v35, v17;
	[tilespmem:s23+$0xFFFFFF80] =	vst v26  }
0x229: {  	v26 =	vadd.f32 v38, v1;
	v35 =	vld [tilespmem:s7+$0xFFFFFEC0];
	v41 =	vmul.f32 $2.000000030e-01, v39;
	v42 =	vmul.f32 $2.000000030e-01, v40;
	[tilespmem:s23+$0xFFFFFDB0] =	vst v27  }
0x22a: {  	v27 =	vld [tilespmem:s6+$0xFFFFFFC0];
	[tilespmem:s18+$0xFFFFFFF0] =	vst v17  }
0x22b: {  	v17 =	vadd.f32 v37, v36;
	v36 =	vld [tilespmem:s7+$0xFFFFFF10];
	v39 =	vmax.f32 v39, v41;
	v40 =	vmax.f32 v40, v42;
	[tilespmem:s23+$0xFFFFFE00] =	vst v28  }
0x22c: {  	v28 =	vmul.f32 $2.000000030e-01, v26;
	v37 =	vadd.f32 v37, v1;
	v41 =	vld [tilespmem:s6+$0xFFFFFFD0];
	v39 =	vsub.f32 v39, v40;
	[tilespmem:s23+$0xFFFFFE50] =	vst v29  }
0x22d: {  	v29 =	vmul.f32 $2.000000030e-01, v17;
	v34 =	vadd.f32 v33, v34;
	v33 =	vadd.f32 v33, v1;
	v40 =	vld [tilespmem:s7+$0xFFFFFF60];
	[tilespmem:s23+$0xFFFFFEA0] =	vst v30  }
0x22e: {  	v26 =	vmax.f32 v26, v28;
	v28 =	vmul.f32 $2.000000030e-01, v37;
	v30 =	vld [tilespmem:s6+$0xFFFFFFE0];
	v39 =	vmul.f32 $1.442695020e+00, v39;
	[tilespmem:s23+$0xFFFFFEF0] =	vst v31  }
0x22f: {  	v31 =	vmul.f32 $2.000000030e-01, v34;
	v35 =	vadd.f32 v27, v35;
	v27 =	vadd.f32 v27, v1;
	v42 =	vld [tilespmem:s7+$0xFFFFFFB0];
	[tilespmem:s23+$0xFFFFFF40] =	vst v32  }
0x230: {  	v29 =	vmax.f32 v17, v29;
	v17 =	vmul.f32 $2.000000030e-01, v33;
	v32 =	vld [tilespmem:s6+$0xFFFFFFF0];
	(erf) = vpow2.f32 v39;
	[tilespmem:s20+$0xFFFFFF90] =	vst v20  }
0x231: {  	v20 =	vld [tilespmem:s7+$0xFFFFFDD0];
	v39 =	vmul.f32 $2.000000030e-01, v35;
	v36 =	vadd.f32 v41, v36;
	v41 =	vadd.f32 v41, v1;
	[tilespmem:s20+$0xFFFFFDC0] =	vst v18  }
0x232: {  	v18 =	vmax.f32 v37, v28;
	v28 =	vmax.f32 v34, v31;
	v31 =	vmul.f32 $2.000000030e-01, v27;
	v34 =	vld [tilespmem:s16+$0xFFFFFF20];
	[tilespmem:s20+$0xFFFFFE10] =	vst v21  }
0x233: {  	v21 =	vmul.f32 $2.000000030e-01, v36;
	v37 =	vadd.f32 v30, v40;
	v30 =	vadd.f32 v30, v1;
	v40 =	vld [tilespmem:s16+$0xFFFFFF70];
	[tilespmem:s20+$0xFFFFFE60] =	vst v22  }
0x234: {  	v22 =	vmax.f32 v33, v17;
	v33 =	vmax.f32 v35, v39;
	v17 =	vmul.f32 $2.000000030e-01, v41;
	v35 =	vld [tilespmem:s16+$0xFFFFFDA0];
	[tilespmem:s20+$0xFFFFFEB0] =	vst v23  }
0x235: {  	v23 =	vmul.f32 $2.000000030e-01, v37;
	v39 =	vadd.f32 v32, v42;
	v32 =	vadd.f32 v32, v1;
	v42 =	vld [tilespmem:s16+$0xFFFFFDF0];
	[tilespmem:s20+$0xFFFFFF00] =	vst v24  }
0x236: {  	v24 =	vmax.f32 v27, v31;
	v27 =	vmul.f32 $2.000000030e-01, v30;
	v20 =	vadd.f32 v38, v20;
	v31 =	vld [tilespmem:s16+$0xFFFFFE40];
	[tilespmem:s20+$0xFFFFFF50] =	vst v25  }
0x237: {  	v21 =	vmax.f32 v36, v21;
	v25 =	vmul.f32 $2.000000030e-01, v39;
	v36 =	vmul.f32 $2.000000030e-01, v32;
	v38 =	vld [tilespmem:s16+$0xFFFFFE90];
	[tilespmem:s31+$0xFFFFFFA0] =	vst v19;
	s31 =	smov.u32 s20;
	s20 =	smov.u32 s23;
	s23 =	smov.u32 s18  }
0x238: {  	v41 =	vmax.f32 v41, v17;
	v23 =	vmax.f32 v37, v23;
	v19 =	vmul.f32 $2.000000030e-01, v20;
	v37 =	vld [tilespmem:s16+$0xFFFFFEE0]  }
0x239: {  	v27 =	vmax.f32 v30, v27;
	s18 =	sadd.s32 $0x280, s18;
	v25 =	vmax.f32 v39, v25;
	v30 =	vmax.f32 v32, v36;
	v17 =	vpop (erf);
	v32 =	vld [tilespmem:s22+$0xFFFFFF90]  }
0x23a: {  	v18 =	vsub.f32 v29, v18;
	v19 =	vmax.f32 v20, v19;
	v20 =	vsub.f32 v28, v22;
	[tilespmem:s18+$0x0] =	vst v17;
	v22 =	vld [tilespmem:s22+$0xFFFFFDC0]  }
0x23b: {  	v24 =	vsub.f32 v33, v24;
	v28 =	vmul.f32 v16, v34;
	v19 =	vsub.f32 v19, v26;
	v26 =	vld [tilespmem:s7+$0xFFFFFFC0]  }
0x23c: {  	v18 =	vmul.f32 $1.442695020e+00, v18;
	v21 =	vsub.f32 v21, v41;
	v23 =	vsub.f32 v23, v27;
	v27 =	vld [tilespmem:s22+$0xFFFFFE10]  }
0x23d: {  	v25 =	vsub.f32 v25, v30;
	v20 =	vmul.f32 $1.442695020e+00, v20;
	v19 =	vmul.f32 $1.442695020e+00, v19;
	[tilespmem:s23+$0xFFFFFF20] =	vst v28;
	v28 =	vld [tilespmem:s22+$0xFFFFFE60]  }
0x23e: {  	v24 =	vmul.f32 $1.442695020e+00, v24;
	v21 =	vmul.f32 $1.442695020e+00, v21;
	v29 =	vld [tilespmem:s16+$0xFFFFFF30]  }
0x23f: {  	v23 =	vmul.f32 $1.442695020e+00, v23;
	v25 =	vmul.f32 $1.442695020e+00, v25;
	v30 =	vld [tilespmem:s22+$0xFFFFFEB0]  }
0x240: {  	v26 =	vmul.f32 v17, v26;
	(erf) = vpow2.f32 v19;
	v19 =	vld [tilespmem:s22+$0xFFFFFF00]  }
0x241: {  	(erf) = vpow2.f32 v18;
	v18 =	vmul.f32 v10, v40;
	v36 =	vld [tilespmem:s22+$0xFFFFFF50]  }
0x242: {  	[tilespmem:s18+$0xFFFFFFC0] =	vst v26;
	(erf) = vpow2.f32 v20;
	v20 =	vmul.f32 v11, v35;
	v39 =	vld [tilespmem:s0+$0xFFFFFFA0];
	s0 =	smov.u32 s22;
	s22 =	smov.u32 s16;
	s16 =	smov.u32 s7  }
0x243: {  	v26 =	vld [tilespmem:s7+$0xFFFFFFD0];
	(erf) = vpow2.f32 v24;
	v24 =	vmul.f32 v14, v42;
	[tilespmem:s23+$0xFFFFFF70] =	vst v18  }
0x244: {  	v18 =	vmul.f32 v12, v31;
	(erf) = vpow2.f32 v21;
	[tilespmem:s23+$0xFFFFFDA0] =	vst v20;
	v21 =	vld [tilespmem:s22+$0xFFFFFF80]  }
0x245: {  	v20 =	vmul.f32 v13, v38;
	(erf) = vpow2.f32 v23;
	v23 =	vld [tilespmem:s22+$0xFFFFFDB0];
	[tilespmem:s23+$0xFFFFFDF0] =	vst v24  }
0x246: {  	(erf) = vpow2.f32 v25;
	v24 =	vld [tilespmem:s22+$0xFFFFFE00];
	[tilespmem:s23+$0xFFFFFE40] =	vst v18;
	v18 =	vmul.f32 v15, v37  }
0x247: {  	v29 =	vmul.f32 v16, v29;
	v25 =	vld [tilespmem:s22+$0xFFFFFE50];
	[tilespmem:s23+$0xFFFFFE90] =	vst v20;
	v20 =	vmul.f32 v8, v32  }
0x248: {  	v31 =	vmul.f32 v17, v26;
	v32 =	vld [tilespmem:s22+$0xFFFFFEA0];
	[tilespmem:s23+$0xFFFFFEE0] =	vst v18;
	v18 =	vmul.f32 v22, v3;
	v3 =	vmov v11  }
0x249: {  	v11 =	vpop (erf);
	v37 =	vld [tilespmem:s22+$0xFFFFFEF0];
	[tilespmem:s23+$0xFFFFFF30] =	vst v29;
	v26 =	vmul.f32 v10, v21;
	v21 =	vmul.f32 v27, v4;
	v4 =	vmov v14  }
0x24a: {  	v22 =	vmul.f32 v28, v5;
	v5 =	vmov v12;
	[tilespmem:s18+$0xFFFFFFD0] =	vst v31;
	v14 =	vpop (erf);
	v27 =	vmul.f32 v3, v23;
	v38 =	vld [tilespmem:s22+$0xFFFFFF40]  }
0x24b: {  	v23 =	vmul.f32 v30, v6;
	v6 =	vmov v13;
	[tilespmem:s18+$0xFFFFFDD0] =	vst v11;
	v40 =	vld [tilespmem:s7+$0xFFFFFFE0];
	v12 =	vpop (erf);
	v28 =	vmul.f32 v4, v24  }
.Ltmp9:
0x24c: {  	v24 =	vmul.f32 v19, v7;
	v7 =	vmov v15;
	v33 =	vld [tilespmem:s7+$0xFFFFFD90];
	[tilespmem:s18+$0xFFFFFE20] =	vst v14;
	v13 =	vpop (erf);
	v29 =	vmul.f32 v5, v25;
	(pc) =	sbr.rel @p0 .LBB2_6-.Ltmp9, $4  }
0x24d: {  	v25 =	vmul.f32 v36, v9;
	v9 =	vmov v16;
	v34 =	vld [tilespmem:s7+$0xFFFFFDE0];
	[tilespmem:s18+$0xFFFFFE70] =	vst v12;
	v15 =	vpop (erf);
	v30 =	vmul.f32 v6, v32  }
0x24e: {  	v19 =	vmul.f32 v39, v2;
	v2 =	vmov v8;
	v35 =	vld [tilespmem:s7+$0xFFFFFE30];
	[tilespmem:s18+$0xFFFFFEC0] =	vst v13;
	v16 =	vpop (erf);
	v31 =	vmul.f32 v7, v37  }
0x24f: {  	v8 =	vmov v10;
	v36 =	vld [tilespmem:s7+$0xFFFFFE80];
	[tilespmem:s18+$0xFFFFFF10] =	vst v15;
	v32 =	vmul.f32 v9, v38;
	v10 =	vpop (erf)  }
0x250: {  	s7 =	sadd.s32 $0x280, s7;
	v37 =	vld [tilespmem:s16+$0xFFFFFED0];
	[tilespmem:s18+$0xFFFFFF60] =	vst v16;
	v38 =	vmul.f32 v17, v40  }
0x251: {  	[tilespmem:s18+$0xFFFFFFB0] =	vst v10  }
0x252: {  	[tilespmem:s23+$0xFFFFFF80] =	vst v26  }
0x253: {  	[tilespmem:s23+$0xFFFFFDB0] =	vst v27  }
0x254: {  	[tilespmem:s23+$0xFFFFFE00] =	vst v28  }
0x255: {  	[tilespmem:s23+$0xFFFFFE50] =	vst v29  }
0x256: {  	[tilespmem:s23+$0xFFFFFEA0] =	vst v30  }
0x257: {  	[tilespmem:s23+$0xFFFFFEF0] =	vst v31  }
0x258: {  	[tilespmem:s23+$0xFFFFFF40] =	vst v32  }
0x259: {  	[tilespmem:s20+$0xFFFFFF90] =	vst v20  }
0x25a: {  	[tilespmem:s20+$0xFFFFFDC0] =	vst v18  }
0x25b: {  	[tilespmem:s20+$0xFFFFFE10] =	vst v21  }
0x25c: {  	[tilespmem:s20+$0xFFFFFE60] =	vst v22  }
0x25d: {  	[tilespmem:s20+$0xFFFFFEB0] =	vst v23  }
0x25e: {  	[tilespmem:s20+$0xFFFFFF00] =	vst v24  }
0x25f: {  	[tilespmem:s20+$0xFFFFFF50] =	vst v25  }
0x260: {  	v33 =	vmul.f32 v11, v33;
	[tilespmem:s31+$0xFFFFFFA0] =	vst v19;
	v29 =	vld [tilespmem:s16+$0xFFFFFF70]  }
0x261: {  	v34 =	vmul.f32 v14, v34;
	[tilespmem:s18+$0xFFFFFFE0] =	vst v38;
	v47 =	vld [tilespmem:s22+$0xFFFFFF90]  }
0x262: {  	v48 =	vld [tilespmem:s22+$0xFFFFFDC0];
	[tilespmem:s18+$0xFFFFFD90] =	vst v33;
	v60 =	vmul.f32 v12, v35  }
0x263: {  	v49 =	vld [tilespmem:s22+$0xFFFFFE10];
	[tilespmem:s18+$0xFFFFFDE0] =	vst v34;
	v62 =	vmul.f32 v13, v36  }
0x264: {  	v61 =	vld [tilespmem:s16+$0xFFFFFFF0];
	[tilespmem:s18+$0xFFFFFE30] =	vst v60;
	v63 =	vmul.f32 v15, v37  }
0x265: {  	v50 =	vld [tilespmem:s22+$0xFFFFFE60];
	[tilespmem:s18+$0xFFFFFE80] =	vst v62;
	v35 =	vmul.f32 v10, v29  }
0x266: {  	v28 =	vld [tilespmem:s16+$0xFFFFFF20];
	[tilespmem:s18+$0xFFFFFED0] =	vst v63;
	v22 =	vmul.f32 v8, v47  }
0x267: {  	v51 =	vld [tilespmem:s22+$0xFFFFFEB0];
	v3 =	vmul.f32 v48, v3;
	[tilespmem:s18+$0xFFFFFF70] =	vst v35  }
0x268: {  	v52 =	vld [tilespmem:s22+$0xFFFFFF00];
	v4 =	vmul.f32 v49, v4;
	[tilespmem:s23+$0xFFFFFF90] =	vst v22  }
0x269: {  	v30 =	vld [tilespmem:s16+$0xFFFFFDA0];
	v17 =	vmul.f32 v61, v17;
	[tilespmem:s23+$0xFFFFFDC0] =	vst v3  }
0x26a: {  	v31 =	vld [tilespmem:s16+$0xFFFFFDF0];
	v5 =	vmul.f32 v50, v5;
	[tilespmem:s23+$0xFFFFFE10] =	vst v4  }
0x26b: {  	v32 =	vld [tilespmem:s16+$0xFFFFFE40];
	[tilespmem:s18+$0xFFFFFFF0] =	vst v17;
	v17 =	vmul.f32 v16, v28  }
0x26c: {  	v33 =	vld [tilespmem:s16+$0xFFFFFE90];
	v6 =	vmul.f32 v51, v6;
	[tilespmem:s23+$0xFFFFFE60] =	vst v5  }
0x26d: {  	v7 =	vmul.f32 v52, v7;
	v34 =	vld [tilespmem:s16+$0xFFFFFEE0];
	[tilespmem:s18+$0xFFFFFF20] =	vst v17  }
0x26e: {  	v20 =	vmul.f32 v11, v30;
	[tilespmem:s23+$0xFFFFFEB0] =	vst v6;
	v36 =	vld [tilespmem:s16+$0xFFFFFF30]  }
0x26f: {  	v53 =	vld [tilespmem:s22+$0xFFFFFF50];
	[tilespmem:s23+$0xFFFFFF00] =	vst v7;
	v21 =	vmul.f32 v14, v31  }
0x270: {  	v38 =	vld [tilespmem:s16+$0xFFFFFF80];
	[tilespmem:s18+$0xFFFFFDA0] =	vst v20;
	v37 =	vmul.f32 v12, v32  }
0x271: {  	v39 =	vld [tilespmem:s16+$0xFFFFFDB0];
	[tilespmem:s18+$0xFFFFFDF0] =	vst v21;
	v40 =	vmul.f32 v13, v33  }
0x272: {  	v41 =	vld [tilespmem:s16+$0xFFFFFE00];
	[tilespmem:s18+$0xFFFFFE40] =	vst v37;
	v42 =	vmul.f32 v15, v34  }
0x273: {  	v43 =	vld [tilespmem:s16+$0xFFFFFE50];
	[tilespmem:s18+$0xFFFFFE90] =	vst v40;
	v18 =	vmul.f32 v16, v36  }
0x274: {  	v9 =	vmul.f32 v53, v9;
	v21 =	vld [tilespmem:s16+$0xFFFFFEA0];
	[tilespmem:s18+$0xFFFFFEE0] =	vst v42  }
0x275: {  	v44 =	vmul.f32 v10, v38;
	v17 =	vld [tilespmem:s16+$0xFFFFFEF0];
	[tilespmem:s18+$0xFFFFFF30] =	vst v18  }
0x276: {  	[tilespmem:s23+$0xFFFFFF50] =	vst v9;
	v45 =	vmul.f32 v11, v39;
	v46 =	vld [tilespmem:s16+$0xFFFFFF40]  }
0x277: {  	v54 =	vld [tilespmem:s0+$0xFFFFFFA0];
	[tilespmem:s18+$0xFFFFFF80] =	vst v44;
	v23 =	vmul.f32 v14, v41  }
0x278: {  	v3 =	vld [tilespmem:s16+$0xFFFFFF90];
	v24 =	vmul.f32 v12, v43;
	[tilespmem:s18+$0xFFFFFDB0] =	vst v45  }
0x279: {  	v21 =	vmul.f32 v13, v21;
	[tilespmem:s18+$0xFFFFFE00] =	vst v23;
	v55 =	vld [tilespmem:s16+$0xFFFFFDC0]  }
0x27a: {  	v17 =	vmul.f32 v15, v17;
	[tilespmem:s18+$0xFFFFFE50] =	vst v24;
	v56 =	vld [tilespmem:s16+$0xFFFFFE10]  }
0x27b: {  	[tilespmem:s18+$0xFFFFFEA0] =	vst v21;
	v57 =	vld [tilespmem:s16+$0xFFFFFE60];
	v20 =	vmul.f32 v16, v46  }
0x27c: {  	v2 =	vmul.f32 v54, v2;
	[tilespmem:s18+$0xFFFFFEF0] =	vst v17;
	v58 =	vld [tilespmem:s16+$0xFFFFFEB0]  }
0x27d: {  	v3 =	vmul.f32 v10, v3;
	v59 =	vld [tilespmem:s16+$0xFFFFFF00];
	[tilespmem:s18+$0xFFFFFF40] =	vst v20  }
0x27e: {  	[tilespmem:s20+$0xFFFFFFA0] =	vst v2;
	v4 =	vmul.f32 v55, v11;
	v2 =	vld [tilespmem:s16+$0xFFFFFF50]  }
0x27f: {  	v60 =	vld [tilespmem:s22+$0xFFFFFFA0];
	[tilespmem:s18+$0xFFFFFF90] =	vst v3;
	v5 =	vmul.f32 v56, v14  }
0x280: {  	v61 =	vld [tilespmem:s16+$0xFFFFFFA0];
	v3 =	vmul.f32 v57, v12;
	[tilespmem:s18+$0xFFFFFDC0] =	vst v4  }
0x281: {  	v62 =	vmul.f32 v58, v13;
	[tilespmem:s18+$0xFFFFFE10] =	vst v5  }
0x282: {  	v63 =	vmul.f32 v59, v15;
	[tilespmem:s18+$0xFFFFFE60] =	vst v3  }
.Ltmp10:
0x283: {  	[tilespmem:s18+$0xFFFFFEB0] =	vst v62;
	v2 =	vmul.f32 v2, v16;
	(pc) =	sbr.rel .LBB2_12-.Ltmp10, $4  }
0x284: {  	v3 =	vmul.f32 v60, v8;
	[tilespmem:s18+$0xFFFFFF00] =	vst v63  }
0x285: {  	[tilespmem:s18+$0xFFFFFF50] =	vst v2;
	v2 =	vmul.f32 v61, v10  }
0x286: {  	[tilespmem:s23+$0xFFFFFFA0] =	vst v3  }
0x287: {  	[tilespmem:s18+$0xFFFFFFA0] =	vst v2  }
.LBB2_14:
0x288: {  	_ =	sfence.sel $0x180000  }
0x289: {  	[bflag:$0x0] =	sbarrier.arrive $0xFFFF  }
0x28a: {  	_ =	strace $0x9000004A  }
0x28b: {  	s0 =	stileid.u32;
	[bflag:$0x2] =	sbarrier.arrive $0xFFFF  }
0x28c: {  	p0 =	sne.s32 s0, $0x0;
	s0 =	rddreg [dreg:$0x4]  }
0x28d: {  	s0 =	sadd.s32 @!p0 $0x100000, s0  }
0x28e: {  	[sflag:s0] =	ssyncadd.tile.s32 @!p0 $0x1;
	_ =	shalt  }
.Lfunc_end2:
_tile_overlayer_lowered:
.L_overlay_start_2:
0x28f: {  	(tag) =	ssettag $0x2  }
0x290: {  	s0 =	rddreg [dreg:$0x0];
	s2 =	stileid.u32  }
0x291: {  	s1 =	rddreg [dreg:$0x1];
	p0 =	sne.s32 s2, $0x0  }
0x292: {  	s3 =	rddreg [dreg:$0x2];
	[bflag:$0x3] =	sbarrier.arrive $0xFFFF;
	s2 =	simm.s32 @!p0 $0x1C05  }
0x293: {  	[timem:s3], [sflag:s2] =	dma.local @!p0 [hbm:s0], s1  }
0x294: {  	s0 =	simm.s32 @!p0 $0x5  }
0x295: {  	_ =	swait.ge @!p0 [sflag:s0], s1  }
0x296: {  	s1 =	ssub.s32 @!p0 $0x0, s1;
	[sflag:s0] =	ssyncset.done @!p0 $0x0  }
0x297: {  	[sflag:s0] =	ssyncadd.s32 @!p0 s1  }
0x298: {  	[bflag:$0x3] =	sbarrier.arrive $0xFFFF  }
0x299: {  	_ =	shalt  }

// kernel: kernel.7.cloned.1.call-start
scs
__scs_entry_jumppad:
0x0: {  	(pc) =	sbr.rel $0x88, $3  }
0x1: {  	(tag) =	ssettag $0x0;
	lr =	simm.s32 $0x1  }
0x2: {  	[smem:$0x3F97] =	sst lr;
	_ =	strace $0xD0000000  }
0x3: {  	_ = 	snop  }
0x4: {  	_ = 	snop  }
0x5: {  	_ = 	snop  }
0x6: {  	_ = 	snop  }
0x7: {  	_ = 	snop  }
__scs_overlays_trampoline_lowered:
0x8: {  	[smem:$0x3FA6] =	sst s0  }
0x9: {  	[smem:$0x3FA7] =	sst s1  }
0xa: {  	[smem:$0x3FA8] =	sst s2  }
0xb: {  	[smem:$0x3FA9] =	sst s3  }
0xc: {  	[smem:$0x3FAA] =	sst s4  }
0xd: {  	[smem:$0x3FAB] =	sst s5  }
0xe: {  	[smem:$0x3FAC] =	sst s6  }
0xf: {  	[smem:$0x3FAD] =	sst s7  }
0x10: {  	[smem:$0x3FAE] =	sst s8  }
0x11: {  	[smem:$0x3FAF] =	sst s9;
	s0 =	simm.s32 @!p0 $0x0  }
0x12: {  	s1 =	sld [smem:$0x3F95];
	s0 =	simm.s32 @p0 $0x1  }
0x13: {  	[smem:$0x3FB0] =	sst s0;
	s0 =	simm.s32 @!p1 $0x0  }
0x14: {  	s2 =	sld [smem:$0x3F94];
	s0 =	simm.s32 @p1 $0x1  }
0x15: {  	[smem:$0x3FB1] =	sst s0;
	s0 =	simm.s32 @!p2 $0x0  }
0x16: {  	s3 =	sld [smem:$0x3FDB];
	s0 =	simm.s32 @p2 $0x1  }
0x17: {  	s4 =	simm.s32 $0x1BF5;
	[smem:$0x3FB3] =	sst s0  }
0x18: {  	s0 =	sld [smem:$0x3F96];
	_ =	swait.ge [sflag:s4], $0x0  }
0x19: {  	s7 =	sld [smem:$0x3F97]  }
0x1a: {  	s8 =	sadd.s32 $0xFFFFE003, lr  }
0x1b: {  	s9 =	sadd.s32 $0xFFFFFEF7, lr;
	s5 =	simm.s32 $0xFFFFFFFF;
	p2 =	slt.u32 s8, $0xFFFFF086  }
0x1c: {  	p1 =	slt.u32 s9, $0xF7A;
	s5 =	simm.s32 @!p2 $0x0  }
0x1d: {  	s5 =	simm.s32 @p1 $0x1;
	p0 =	seq.s32 s7, s2  }
0x1e: {  	s7 =	smul.u32 @!p0 $0xF7A, s2;
	p2 =	seq.s32 @!p0 s5, $0x0  }
0x1f: {  	s9 =	smul.u32 $0xF7A, s1;
	s8 =	simm.s32 @!p0 $0x1BF5;
	p2 =	por !p2, p0  }
0x20: {  	[sflag:s8] =	ssyncset.s32 @!p0 $0xFFFFF086;
	s6 =	sadd.s32 @!p0 s3, s7;
	s7 =	simm.s32 @!p0 $0x108  }
0x21: {  	s3 =	sadd.s32 s3, s9;
	s6 =	sadd.s32 @!p0 $0x88, s6;
	s7 =	simm.s32 @p2 $0x1082  }
0x22: {  	[simem:s7], [sflag:s8] =	dma.local @!p0 [hbm:s6], $0xF7A  }
0x23: {  	s9 =	sor.u32 $0xD0000000, s2;
	s6 =	simm.s32 $0x108;
	_ =	swait.ge @!p0 [sflag:s8], $0x0  }
0x24: {  	s3 =	sadd.s32 $0x88, s3;
	s6 =	simm.s32 @!p1 $0x1082;
	[sflag:s4] =	ssyncset.s32 $0xFFFFF086  }
0x25: {  	[simem:s6], [sflag:s4] =	dma.local [hbm:s3], $0xF7A  }
0x26: {  	[smem:$0x3F97] =	sst s1;
	(tag) =	ssettag s2;
	_ =	strace s9  }
0x27: {  	s1 =	sld [smem:$0x3FA7]  }
0x28: {  	s2 =	sld [smem:$0x3FA8]  }
0x29: {  	s4 =	sld [smem:$0x3FAA]  }
0x2a: {  	p0 =	seq.s32 s5, $0x0;
	s5 =	sld [smem:$0x3FAB]  }
0x2b: {  	s6 =	sld [smem:$0x3FAC]  }
0x2c: {  	s7 =	sld [smem:$0x3FAD]  }
0x2d: {  	s3 =	simm.s32 $0x108;
	s8 =	sld [smem:$0x3FAE]  }
0x2e: {  	s3 =	simm.s32 @!p0 $0x1082;
	s9 =	sld [smem:$0x3FAF]  }
0x2f: {  	lr =	sadd.s32 s0, s3;
	s0 =	sld [smem:$0x3FA6]  }
0x30: {  	s3 =	sld [smem:$0x3FA9]  }
0x31: {  	[smem:$0x3FB2] =	sst s10  }
0x32: {  	s10 =	sld [smem:$0x3FB0];
	_ =	sdelay $0x3  }
0x33: {  	p0 =	seq.s32 s10, $0x1;
	s10 =	sld [smem:$0x3FB2];
	_ =	sdelay $0x3  }
0x34: {  	[smem:$0x3FB2] =	sst s10  }
0x35: {  	s10 =	sld [smem:$0x3FB1];
	_ =	sdelay $0x3  }
0x36: {  	p1 =	seq.s32 s10, $0x1;
	s10 =	sld [smem:$0x3FB2];
	_ =	sdelay $0x3  }
0x37: {  	[smem:$0x3FB2] =	sst s10  }
0x38: {  	s10 =	sld [smem:$0x3FB3]  }
0x39: {  	_ = 	snop;
	(pc) =	sbr.ind lr, $3  }
0x3a: {  	_ = 	snop  }
0x3b: {  	_ = 	snop  }
0x3c: {  	p2 =	seq.s32 s10, $0x1;
	s10 =	sld [smem:$0x3FB2]  }
0x3d: {  	_ =	shalt  }
0x3e: {  	_ =	shalt  }
0x3f: {  	_ =	shalt  }
0x40: {  	_ =	shalt  }
0x41: {  	_ =	shalt  }
0x42: {  	_ =	shalt  }
0x43: {  	_ =	shalt  }
0x44: {  	_ =	shalt  }
0x45: {  	_ =	shalt  }
0x46: {  	_ =	shalt  }
0x47: {  	_ =	shalt  }
0x48: {  	_ =	shalt  }
0x49: {  	_ =	shalt  }
0x4a: {  	_ =	shalt  }
0x4b: {  	_ =	shalt  }
0x4c: {  	_ =	shalt  }
0x4d: {  	_ =	shalt  }
0x4e: {  	_ =	shalt  }
0x4f: {  	_ =	shalt  }
0x50: {  	_ =	shalt  }
0x51: {  	_ =	shalt  }
0x52: {  	_ =	shalt  }
0x53: {  	_ =	shalt  }
0x54: {  	_ =	shalt  }
0x55: {  	_ =	shalt  }
0x56: {  	_ =	shalt  }
0x57: {  	_ =	shalt  }
0x58: {  	_ =	shalt  }
0x59: {  	_ =	shalt  }
0x5a: {  	_ =	shalt  }
0x5b: {  	_ =	shalt  }
0x5c: {  	_ =	shalt  }
0x5d: {  	_ =	shalt  }
0x5e: {  	_ =	shalt  }
0x5f: {  	_ =	shalt  }
0x60: {  	_ =	shalt  }
0x61: {  	_ =	shalt  }
0x62: {  	_ =	shalt  }
0x63: {  	_ =	shalt  }
0x64: {  	_ =	shalt  }
0x65: {  	_ =	shalt  }
0x66: {  	_ =	shalt  }
0x67: {  	_ =	shalt  }
0x68: {  	_ =	shalt  }
0x69: {  	_ =	shalt  }
0x6a: {  	_ =	shalt  }
0x6b: {  	_ =	shalt  }
0x6c: {  	_ =	shalt  }
0x6d: {  	_ =	shalt  }
0x6e: {  	_ =	shalt  }
0x6f: {  	_ =	shalt  }
0x70: {  	_ =	shalt  }
0x71: {  	_ =	shalt  }
0x72: {  	_ =	shalt  }
0x73: {  	_ =	shalt  }
0x74: {  	_ =	shalt  }
0x75: {  	_ =	shalt  }
0x76: {  	_ =	shalt  }
0x77: {  	_ =	shalt  }
0x78: {  	_ =	shalt  }
0x79: {  	_ =	shalt  }
0x7a: {  	_ =	shalt  }
0x7b: {  	_ =	shalt  }
0x7c: {  	_ =	shalt  }
0x7d: {  	_ =	shalt  }
0x7e: {  	_ =	shalt  }
0x7f: {  	_ =	shalt  }
0x80: {  	_ =	shalt  }
0x81: {  	_ =	shalt  }
0x82: {  	_ =	shalt  }
0x83: {  	_ =	shalt  }
0x84: {  	_ =	shalt  }
0x85: {  	_ =	shalt  }
0x86: {  	_ =	shalt  }
0x87: {  	_ =	shalt  }
.Lfunc_end0:
.L_simem_size_0:
called_computation_lowered:
.L_overlay_start_0:
0x88: {  	s2 =	sld [smem:$0x3FD9]  }
0x89: {  	s3 =	sld [smem:$0x3FFE];
	_ =	sdelay $0x1  }
0x8a: {  	s1 =	srdreg.scid  }
0x8b: {  	s0 =	sand.u32 $0x1, s1  }
0x8c: {  	s14 =	sshll.u32 s0, $0xA;
	s2 =	sadd.s32 s3, s2  }
0x8d: {  	s2 =	sadd.s32 s2, s14  }
0x8e: {  	[smem:$0x3FBE] =	sst s2  }
0x8f: {  	_ = 	snop  }
0x90: {  	s2 =	sld [smem:$0x3FD0];
	_ =	sdelay $0x2  }
0x91: {  	s15 =	simm.s32 $0xA;
	s4 =	simm.s32 $0x10  }
0x92: {  	[smem:s4], [sflag:s15] =	dma.local [hbm:s2], $0x1  }
0x93: {  	_ =	swait.eq [sflag:s15], $0x1  }
0x94: {  	[sflag:s15] =	ssyncset.done $0x0  }
0x95: {  	s16 =	sld [smem:$0x10];
	[sflag:s15] =	ssyncadd.s32 $0xFFFFFFFF  }
0x96: {  	s17 =	sld [smem:$0x11];
	(tm) =	ssettm $0x1  }
0x97: {  	s18 =	sld [smem:$0x3FFB];
	_ =	sdelay $0x3  }
0x98: {  	_ =	strace s18  }
0x99: {  	s4 =	sld [smem:$0x3FFC];
	_ =	sdelay $0x3  }
0x9a: {  	_ =	strace s4  }
0x9b: {  	s4 =	sld [smem:$0x3FFD];
	_ =	sdelay $0x3  }
0x9c: {  	_ =	strace s4  }
0x9d: {  	_ =	strace $0x8FFFFFFF  }
0x9e: {  	s19 =	sld [smem:$0x3FDB];
	_ =	sdelay $0x1  }
0x9f: {  	s5 =	simm.s32 $_scs_section_size  }
0xa0: {  	s6 =	simm.s32 $_size__tile_overlayer_lowered;
	s7 =	simm.s32 $_tile_overlayer_lowered  }
0xa1: {  	s22 =	simm.s32 $0x1BFF;
	s21 =	sshll.u32 s7, $0x1;
	s4 =	sadd.s32 s5, s19  }
0xa2: {  	s8 =	simm.s32 $0x0;
	s20 =	sshll.u32 s6, $0x1;
	s6 =	sadd.s32 s21, s4  }
0xa3: {  	[timem:s8], [sflag:s22] =	dma.local [hbm:s6], s20  }
0xa4: {  	_ =	swait.ge [sflag:s22], s20  }
0xa5: {  	s5 =	ssub.s32 $0x0, s20;
	[sflag:s22] =	ssyncset.done $0x0  }
0xa6: {  	[sflag:s22] =	ssyncadd.s32 s5;
	_ =	sdelay $0x1  }
0xa7: {  	s23 =	simm.s32 $0x1B8B  }
0xa8: {  	_ =	swait.ge [sflag:s23], $0x1  }
0xa9: {  	[sflag:s23] =	ssyncset.done $0x0  }
0xaa: {  	s25 =	simm.s32 $0x1B8E;
	s24 =	sld [smem:$0x3FFE];
	[sflag:s23] =	ssyncadd.s32 $0xFFFFFFFF  }
0xab: {  	s26 =	simm.s32 $execute0_lowered;
	[smem:$0x3FD2] =	sst s25  }
0xac: {  	s6 =	sshll.u32 s26, $0x1;
	_ =	strace $0x80000046;
	[dreg:$0x1] =	wrdreg $0xFFFFFFFF  }
0xad: {  	s28 =	simm.s32 $_size_execute0_lowered;
	s4 =	sadd.s32 s4, s6;
	[dreg:$0x0] =	wrdreg $0x0  }
0xae: {  	s6 =	sshll.u32 s28, $0x1;
	[dreg:$0x2] =	wrdreg s4  }
0xaf: {  	[dreg:$0x3] =	wrdreg s6  }
0xb0: {  	[dreg:$0x4] =	wrdreg $0xC0  }
0xb1: {  	_ =	task [dreg:s8], $0x5FFFF  }
0xb2: {  	[dreg:$0x1] =	wrdreg $0xFFFFFFFF  }
0xb3: {  	[dreg:$0x0] =	wrdreg $0x60  }
0xb4: {  	[dreg:$0x2] =	wrdreg s17  }
0xb5: {  	[dreg:$0x3] =	wrdreg s16  }
0xb6: {  	[dreg:$0x4] =	wrdreg s24  }
0xb7: {  	[dreg:$0x5] =	wrdreg $0x0  }
0xb8: {  	[dreg:$0x6] =	wrdreg $0x9  }
0xb9: {  	_ =	task.clear_ibuf [dreg:s8], $0x7FFFF;
	_ =	strace $0x90000046  }
0xba: {  	s29 =	simm.s32 $0x9;
	_ =	strace $0x80000048  }
0xbb: {  	_ =	swait.ge [sflag:s29], $0x1  }
0xbc: {  	[sflag:s29] =	ssyncadd.s32 $0xFFFFFFFF  }
0xbd: {  	_ =	strace $0x90000048  }
0xbe: {  	_ =	sfence  }
0xbf: {  	s30 =	sld [smem:$0x0];
	_ =	sdelay $0x2  }
0xc0: {  	s31 =	sshll.u32 s1, $0xD;
	s1 =	sshrl.u32 s1, $0x2  }
0xc1: {  	s3 =	sand.u32 $0x4000, s31;
	s1 =	sadd.s32 s1, s30  }
0xc2: {  	s0 =	sor.u32 s3, s0;
	s1 =	sshll.u32 s1, $0x11  }
0xc3: {  	s0 =	sor.u32 s1, s0  }
0xc4: {  	s0 =	sadd.s32 $0x8F2B, s0  }
0xc5: {  	[sflag:s0] =	ssyncadd.remote.s32 $0x1  }
0xc6: {  	_ =	sfence.sel $0xFFFF  }
0xc7: {  	[dreg:$0x0] =	wrdreg $0xFFFFFFFF;
	(pc) =	sbr.abs _section_cstart, $3  }
0xc8: {  	[dreg:$0x1] =	wrdreg $0xFFFFFFFF  }
0xc9: {  	_ =	task.clear_ibuf [dreg:s8], $0x2FFFF;
	_ =	strace $0x9FFFFFFF  }
0xca: {  	(tm) =	ssettm $0x7FFFFFFF  }
0xcb: {  	_ =	shalt  }
tec
execute0_lowered:
.L_overlay_start_1:
0x0: {  	(tag) =	ssettag $0x1  }
0x1: {  	s0 =	rddreg [dreg:$0x0]  }
0x2: {  	s1 =	rddreg [dreg:$0x1]  }
0x3: {  	s6 =	rddreg [dreg:$0x2]  }
0x4: {  	s2 =	rddreg [dreg:$0x3];
	s4 =	srdreg.scid  }
0x5: {  	s11 =	stileid.u32;
	s3 =	simm.s32 $0x0;
	s17 =	simm.s32 $0x5  }
0x6: {  	s16 =	simm.s32 $0xF080;
	s19 =	simm.s32 $0x17900;
	s21 =	simm.s32 $0x80  }
0x7: {  	s24 =	simm.s32 $0x4;
	s25 =	simm.s32 $0x3;
	s26 =	simm.s32 $0x0  }
0x8: {  	s7 =	sand.u32 $0x1, s4;
	s9 =	smul.u32 $0xC800, s11;
	[smem:$0x7FF] =	sst s3  }
0x9: {  	s4 =	sadd.s32 $0x1400, s6;
	s5 =	sadd.s32 $0x1A400, s6;
	s10 =	sadd.s32 $0x1F400, s6  }
0xa: {  	s8 =	smul.u32 $0xC8000, s7;
	_ =	strace $0x80000047;
	s30 =	sshll.u32 s7, $0x4  }
0xb: {  	[dreg:$0x5] =	wrdreg s10;
	s7 =	ssub.s32 $0x2, s7;
	s10 =	sor.u32 s11, s30  }
0xc: {  	s11 =	smul.u32 $0x32000, s11;
	s12 =	sshrl.u32 s7, $0x1;
	s8 =	sadd.s32 s9, s8  }
0xd: {  	s10 =	smul.u32 $0x510, s10;
	s7 =	ssub.s32 s7, s12;
	s9 =	sadd.s32 s9, s2  }
.Ltmp0:
0xe: {  	s8 =	sshrl.u32 s8, $0x3;
	s11 =	sshrl.u32 s11, $0x2;
	(pc) =	sbr.rel .LBB2_1-.Ltmp0, $4  }
0xf: {  	s15 =	smax.u32 s7, $0x1;
	s7 =	simm.s32 $0xC800;
	s6 =	sadd.s32 s8, s6  }
0x10: {  	s0 =	sadd.s32 s0, s10;
	s8 =	sadd.s32 s1, s10;
	s31 =	sadd.s32 s11, s2  }
0x11: {  	[dreg:$0x6] =	wrdreg s0;
	s10 =	sadd.s32 $0x2800, s31;
	s11 =	sadd.s32 $0x5000, s31  }
0x12: {  	v0 =	vimm.f32 $0.0e+00;
	s12 =	sadd.s32 $0x7800, s31;
	s13 =	sadd.s32 $0xA000, s31;
	s14 =	sadd.s32 $0x1F600, s6  }
.LBB2_13:
0x13: {  	_ =	swait.ge [sflag:s24], $0x2800  }
0x14: {  	[sflag:s24] =	ssyncset.done $0x0  }
0x15: {  	[sflag:s24] =	ssyncadd.s32 $0xFFFFD800  }
0x16: {  	s0 =	stileid.u32;
	_ =	swait.ge [sflag:s25], $0x2800  }
0x17: {  	s1 =	sshrl.u32 s9, $0x3;
	s26 =	sadd.s32 $0x1, s26;
	[sflag:s25] =	ssyncset.done $0x0  }
0x18: {  	s0 =	sshll.u32 s0, $0x6;
	p0 =	sne.s32 s26, s15;
	[sflag:s25] =	ssyncadd.s32 $0xFFFFD800  }
.Ltmp1:
0x19: {  	s0 =	sor.u32 $0x1C05, s0;
	[bflag:$0x0] =	sbarrier.arrive $0xFFFF;
	(pc) =	sbr.rel @!p0 .LBB2_14-.Ltmp1, $4  }
0x1a: {  	[hbm:s14], [sflag:s0] =	dma.local [spmem:s1], $0x1900  }
0x1b: {  	_ =	swait.ge [sflag:s17], $0x1900  }
0x1c: {  	[sflag:s17] =	ssyncset.done $0x0  }
0x1d: {  	s7 =	simm.s32 $0xC800;
	s16 =	simm.s32 $0xF080;
	[sflag:s17] =	ssyncadd.s32 $0xFFFFE700  }
.LBB2_1:
0x1e: {  	s0 =	rddreg [dreg:$0x6]  }
0x1f: {  	[tilespmem:s7], [sflag:$0x5] =	stream.linear.gather [hbm4b:s0+s3], $0x2880, $0x38;
	[tilespmem:$0x1C910] =	vst v63  }
0x20: {  	_ =	swait.ge [sflag:s17], $0x2880  }
0x21: {  	[sflag:s17] =	ssyncset.done $0x0  }
0x22: {  	[sflag:s17] =	ssyncadd.s32 $0xFFFFD780  }
0x23: {  	[tilespmem:s16], [sflag:$0x5] =	stream.linear.gather [hbm4b:s8+s3], $0x2880, $0x38;
	[tilespmem:$0x1C910] =	vst v63  }
0x24: {  	_ =	swait.ge [sflag:s17], $0x2880  }
0x25: {  	[sflag:s17] =	ssyncset.done $0x0  }
0x26: {  	s1 =	simm.s32 $0x140;
	s0 =	simm.s32 $0x0;
	[sflag:s17] =	ssyncadd.s32 $0xFFFFD780  }
.LBB2_2:
0x27: {  	p0 =	sne.s32 s1, $0x9EC0;
	[tilespmem:s0+$0x17940] =	vst v0;
	s6 =	smov.u32 s1;
	s1 =	sadd.s32 $0x140, s1  }
.Ltmp2:
0x28: {  	[tilespmem:s0+$0x17930] =	vst v0;
	(pc) =	sbr.rel @p0 .LBB2_2-.Ltmp2, $4  }
0x29: {  	[tilespmem:s0+$0x17920] =	vst v0  }
0x2a: {  	[tilespmem:s0+$0x17900] =	vst v0  }
0x2b: {  	[tilespmem:s0+$0x17910] =	vst v0  }
0x2c: {  	s0 =	sshra.s32 s6, $0x2  }
0x2d: {  	[tilespmem:s0+$0x17940] =	vst v0  }
0x2e: {  	[tilespmem:s0+$0x17930] =	vst v0  }
0x2f: {  	[tilespmem:s0+$0x17920] =	vst v0  }
0x30: {  	[tilespmem:s0+$0x17900] =	vst v0  }
0x31: {  	[tilespmem:s0+$0x17910] =	vst v0  }
0x32: {  	[spmem:s9] =	stream.linear.scatter [tilespmem:s19], [sflag:$0x5], $0x2800, $0x38;
	[tilespmem:$0x1C910] =	vst v63  }
0x33: {  	_ =	swait.ge [sflag:s17], $0x2800  }
0x34: {  	[sflag:s17] =	ssyncset.done $0x0  }
0x35: {  	[sflag:s17] =	ssyncadd.s32 $0xFFFFD800  }
0x36: {  	[spmem:s10] =	stream.linear.scatter [tilespmem:s19], [sflag:$0x5], $0x2800, $0x38;
	[tilespmem:$0x1C910] =	vst v63  }
0x37: {  	_ =	swait.ge [sflag:s17], $0x2800  }
0x38: {  	[sflag:s17] =	ssyncset.done $0x0  }
0x39: {  	[sflag:s17] =	ssyncadd.s32 $0xFFFFD800  }
0x3a: {  	[spmem:s11] =	stream.linear.scatter [tilespmem:s19], [sflag:$0x5], $0x2800, $0x38;
	[tilespmem:$0x1C910] =	vst v63  }
0x3b: {  	_ =	swait.ge [sflag:s17], $0x2800  }
0x3c: {  	[sflag:s17] =	ssyncset.done $0x0  }
0x3d: {  	[sflag:s17] =	ssyncadd.s32 $0xFFFFD800  }
0x3e: {  	[spmem:s12] =	stream.linear.scatter [tilespmem:s19], [sflag:$0x5], $0x2800, $0x38;
	[tilespmem:$0x1C910] =	vst v63  }
0x3f: {  	_ =	swait.ge [sflag:s17], $0x2800  }
0x40: {  	[sflag:s17] =	ssyncset.done $0x0  }
0x41: {  	[sflag:s17] =	ssyncadd.s32 $0xFFFFD800  }
0x42: {  	[spmem:s13] =	stream.linear.scatter [tilespmem:s19], [sflag:$0x5], $0x2800, $0x38;
	[tilespmem:$0x1C910] =	vst v63  }
0x43: {  	_ =	swait.ge [sflag:s17], $0x2800  }
0x44: {  	[sflag:s17] =	ssyncset.done $0x0  }
0x45: {  	[sflag:s17] =	ssyncadd.s32 $0xFFFFD800  }
0x46: {  	[bflag:$0x0] =	sbarrier.arrive $0xFFFF  }
0x47: {  	s1 =	simm.s32 $0x1C900;
	s29 =	rddreg [dreg:$0x5]  }
0x48: {  	[tilespmem:s1], [sflag:$0x5] =	stream.linear.gather [hbm4b:s29+s3], $0x10, $0x38;
	[tilespmem:$0x1C910] =	vst v63  }
0x49: {  	_ =	swait.ge [sflag:s17], $0x10  }
.Ltmp3:
0x4a: {  	[sflag:s17] =	ssyncset.done $0x0;
	(pc) =	sbr.rel .LBB2_4-.Ltmp3, $4  }
0x4b: {  	s30 =	simm.s32 $0x11900;
	[sflag:s17] =	ssyncadd.s32 $0xFFFFFFF0  }
0x4c: {  	v1 =	vld [tilespmem:$0x1C900];
	[tilespmem:s30], [sflag:$0x1] =	stream.indirect.gather [hbm4b:s4+s21], $0x50, s7, s21, $0xb8  }
0x4d: {  	s31 =	simm.s32 $0x16900;
	s28 =	simm.s32 $0x1  }
0x4e: {  	[tilespmem:s31], [sflag:$0x1] =	stream.indirect.gather [hbm4b:s5+s21], $0x10, s16, s21, $0xb8;
	[tilespmem:$0x1C910] =	vst v63  }
.LBB2_12:
0x4f: {  	s28 =	sadd.s32 $0x1, s28  }
0x50: {  	s0 =	smul.u32 $0xA000, s30;
	p0 =	sne.s32 s28, $0x52  }
.Ltmp4:
0x51: {  	_ = 	snop;
	(pc) =	sbr.rel @!p0 .LBB2_13-.Ltmp4, $4  }
0x52: {  	s1 =	sshll.u32 s29, $0x9  }
0x53: {  	s1 =	sshra.s32 s1, $0x2;
	s0 =	sshra.s32 s0, $0x2  }
0x54: {  	s6 =	sadd.s32 $0x3, s30;
	s1 =	sadd.s32 $0xF080, s1;
	s0 =	sadd.s32 $0x17900, s0  }
0x55: {  	[spmem:s2] =	stream.indirect.scatter.add.f32 [tilespmem:s0], [sflag:s6], $0x50, s1, s21, $0xb8;
	[tilespmem:$0x1C910] =	vst v63  }
.LBB2_4:
0x56: {  	p0 =	seq.s32 s28, $0x51  }
0x57: {  	s0 =	sand.u32 @!p0 $0x1, s28  }
0x58: {  	s1 =	smul.u32 @!p0 $0xA000, s0  }
0x59: {  	s29 =	sadd.s32 $0xFFFFFFFF, s28;
	s6 =	sshll.u32 @!p0 s28, $0x7  }
0x5a: {  	s18 =	simm.s32 @!p0 $0x80;
	s7 =	sadd.s32 @!p0 $0xC800, s6;
	s1 =	sshrl.u32 @!p0 s1, $0x2  }
0x5b: {  	s16 =	sadd.s32 @!p0 $0x1, s0;
	s0 =	sshll.u32 @!p0 s0, $0xB;
	s1 =	sadd.s32 @!p0 $0x11900, s1  }
0x5c: {  	[tilespmem:s1], [sflag:s16] =	stream.indirect.gather @!p0 [hbm4b:s4+s18], $0x50, s7, s18, $0xb8;
	[tilespmem:$0x1C910] =	vst v63  }
0x5d: {  	s23 =	sand.u32 $0x80, s29;
	s0 =	sadd.s32 @!p0 $0x16900, s0;
	s1 =	sadd.s32 @!p0 $0xF080, s6  }
0x5e: {  	[tilespmem:s0], [sflag:s16] =	stream.indirect.gather @!p0 [hbm4b:s5+s18], $0x10, s1, s18, $0xb8;
	[tilespmem:$0x1C910] =	vst v63  }
0x5f: {  	s0 =	sshrl.u32 s23, $0x7  }
0x60: {  	s0 =	sadd.s32 s0, s29  }
0x61: {  	s0 =	sand.u32 $0xFFFFFFFE, s0  }
0x62: {  	s0 =	ssub.s32 s29, s0  }
0x63: {  	s31 =	sshll.u32 s0, $0x18  }
0x64: {  	s30 =	sshra.s32 s31, $0x18  }
0x65: {  	s1 =	sadd.s32 $0x1, s30  }
0x66: {  	_ =	swait.ge [sflag:s1], $0x2800  }
0x67: {  	[sflag:s1] =	ssyncset.done $0x0  }
0x68: {  	s0 =	sand.u32 $0xFF, s0;
	[sflag:s1] =	ssyncadd.s32 $0xFFFFD800  }
0x69: {  	p1 =	seq.s32 s0, $0x1;
	_ =	swait.ge [sflag:s1], $0x800  }
.Ltmp5:
0x6a: {  	p0 =	slt.u32 s28, $0x3;
	[sflag:s1] =	ssyncset.done $0x0;
	(pc) =	sbr.rel @p1 .LBB2_5-.Ltmp5, $4  }
0x6b: {  	[sflag:s1] =	ssyncadd.s32 $0xFFFFF800;
	s1 =	sadd.s32 @!p0 $0x3, s30  }
0x6c: {  	_ =	swait.ge @!p0 [sflag:s1], $0x2800  }
0x6d: {  	[sflag:s1] =	ssyncset.done @!p0 $0x0  }
0x6e: {  	[sflag:s1] =	ssyncadd.s32 @!p0 $0xFFFFD800  }
0x6f: {  	p0 =	sne.s32 s0, $0x0  }
.Ltmp6:
0x70: {  	_ = 	snop;
	(pc) =	sbr.rel @p0 .LBB2_12-.Ltmp6, $1  }
0x71: {  	_ =	sdelay $0x3  }
0x72: {  	s1 =	simm.s32 $0x11A40  }
0x73: {  	s0 =	simm.s32 $0x16940;
	v2 =	vld [tilespmem:s1+$0x130]  }
0x74: {  	v3 =	vld [tilespmem:s0+$0x30];
	_ =	sdelay $0x4  }
0x75: {  	v2 =	vadd.f32 v3, v2;
	v3 =	vadd.f32 v3, v1;
	_ =	sdelay $0x1  }
0x76: {  	v6 =	vld [tilespmem:s1+$0xFFFFFFA0];
	v4 =	vmul.f32 $2.000000030e-01, v2;
	v5 =	vmul.f32 $2.000000030e-01, v3  }
0x77: {  	v7 =	vld [tilespmem:s0+$0xFFFFFFE0]  }
0x78: {  	v10 =	vld [tilespmem:s1+$0xFFFFFF00];
	v2 =	vmax.f32 v2, v4;
	v3 =	vmax.f32 v3, v5  }
0x79: {  	v11 =	vld [tilespmem:s1+$0x40];
	v2 =	vsub.f32 v2, v3  }
0x7a: {  	v13 =	vld [tilespmem:s0+$0x0]  }
0x7b: {  	v4 =	vld [tilespmem:s0+$0xFFFFFFC0];
	v2 =	vmul.f32 $1.442695020e+00, v2  }
0x7c: {  	v5 =	vld [tilespmem:s0+$0xFFFFFFD0]  }
0x7d: {  	v3 =	vld [tilespmem:s1+$0xFFFFFF50];
	(erf) = vpow2.f32 v2;
	_ =	sdelay $0x1  }
0x7e: {  	v15 =	vadd.f32 v7, v6;
	v7 =	vadd.f32 v7, v1  }
0x7f: {  	v8 =	vld [tilespmem:s0+$0xFFFFFFF0];
	v11 =	vadd.f32 v13, v11;
	v13 =	vadd.f32 v13, v1  }
0x80: {  	v2 =	vld [tilespmem:s1+$0xFFFFFFF0];
	v9 =	vadd.f32 v4, v1;
	v4 =	vadd.f32 v4, v10  }
0x81: {  	v16 =	vmul.f32 $2.000000030e-01, v15;
	v10 =	vmul.f32 $2.000000030e-01, v7;
	v3 =	vadd.f32 v5, v3  }
0x82: {  	s6 =	simm.s32 $0x169C0;
	v5 =	vadd.f32 v5, v1;
	v12 =	vmul.f32 $2.000000030e-01, v9;
	v17 =	vmul.f32 $2.000000030e-01, v4  }
0x83: {  	v25 =	vld [tilespmem:s6+$0x0];
	v18 =	vmul.f32 $2.000000030e-01, v11;
	v7 =	vmax.f32 v7, v10;
	v14 =	vmul.f32 $2.000000030e-01, v3  }
0x84: {  	v29 =	vld [tilespmem:s6+$0x10];
	v9 =	vmax.f32 v9, v12;
	v12 =	vmul.f32 $2.000000030e-01, v5;
	v4 =	vmax.f32 v4, v17  }
0x85: {  	s31 =	simm.s32 $0x17A40;
	s22 =	simm.s32 $0x11F40;
	v34 =	vld [tilespmem:s6+$0x20];
	v2 =	vadd.f32 v8, v2;
	v8 =	vadd.f32 v8, v1;
	v3 =	vmax.f32 v3, v14;
	v6 =	vpop (erf)  }
0x86: {  	v37 =	vld [tilespmem:s22+$0x130];
	v4 =	vsub.f32 v4, v9;
	v5 =	vmax.f32 v5, v12;
	v12 =	vmax.f32 v15, v16;
	[tilespmem:s31+$0x130] =	vst v6  }
0x87: {  	s23 =	simm.s32 $0x16A40;
	v14 =	vmul.f32 $2.000000030e-01, v2;
	v15 =	vmul.f32 $2.000000030e-01, v8;
	v3 =	vsub.f32 v3, v5;
	v16 =	vld [tilespmem:s1+$0xF0]  }
0x88: {  	v52 =	vld [tilespmem:s23+$0xFFFFFFE0];
	v10 =	vmul.f32 $2.000000030e-01, v13;
	v7 =	vsub.f32 v12, v7;
	v4 =	vmul.f32 $1.442695020e+00, v4  }
0x89: {  	v39 =	vld [tilespmem:s22+$0xFFFFFFF0];
	v2 =	vmax.f32 v2, v14;
	v8 =	vmax.f32 v8, v15;
	v3 =	vmul.f32 $1.442695020e+00, v3  }
0x8a: {  	v40 =	vld [tilespmem:s23+$0xFFFFFFF0];
	v9 =	vmax.f32 v11, v18;
	(erf) = vpow2.f32 v4;
	v2 =	vsub.f32 v2, v8  }
0x8b: {  	v53 =	vld [tilespmem:s22+$0x40];
	v5 =	vmax.f32 v13, v10;
	v7 =	vmul.f32 $1.442695020e+00, v7;
	(erf) = vpow2.f32 v3  }
0x8c: {  	v5 =	vsub.f32 v9, v5;
	v4 =	vld [tilespmem:s1+$0x90];
	v2 =	vmul.f32 $1.442695020e+00, v2;
	v8 =	vmul.f32 v6, v16  }
0x8d: {  	(erf) = vpow2.f32 v7;
	v7 =	vld [tilespmem:s0+$0x10]  }
0x8e: {  	v3 =	vmul.f32 $1.442695020e+00, v5;
	(erf) = vpow2.f32 v2;
	v2 =	vld [tilespmem:s1+$0xE0];
	[tilespmem:s31+$0xF0] =	vst v8  }
0x8f: {  	v5 =	vld [tilespmem:s1+$0x100]  }
0x90: {  	(erf) = vpow2.f32 v3;
	v3 =	vld [tilespmem:s0+$0x20]  }
0x91: {  	v11 =	vld [tilespmem:s6+$0x30];
	s0 =	simm.s32 $0x11CC0  }
0x92: {  	v10 =	vld [tilespmem:s0+$0x130]  }
0x93: {  	v54 =	vld [tilespmem:s23+$0x0]  }
0x94: {  	v41 =	vld [tilespmem:s22+$0x90];
	v4 =	vadd.f32 v7, v4;
	v9 =	vpop (erf);
	v5 =	vmul.f32 v6, v5  }
0x95: {  	v42 =	vld [tilespmem:s23+$0x10];
	[tilespmem:s31+$0xFFFFFF00] =	vst v9;
	v2 =	vadd.f32 v3, v2  }
0x96: {  	v23 =	vld [tilespmem:s0+$0xFFFFFF00];
	v12 =	vmul.f32 $2.000000030e-01, v4;
	v8 =	vpop (erf);
	v3 =	vadd.f32 v3, v1;
	[tilespmem:s31+$0x100] =	vst v5;
	v5 =	vadd.f32 v7, v1  }
0x97: {  	v13 =	vld [tilespmem:s1+$0xFFFFFEC0];
	v16 =	vpop (erf);
	[tilespmem:s31+$0xFFFFFF50] =	vst v8;
	v10 =	vadd.f32 v11, v10;
	v11 =	vadd.f32 v11, v1;
	v19 =	vmul.f32 $2.000000030e-01, v2  }
0x98: {  	v15 =	vld [tilespmem:s1+$0xFFFFFF10];
	[tilespmem:s31+$0xFFFFFFA0] =	vst v16;
	v20 =	vmul.f32 $2.000000030e-01, v3;
	v14 =	vmul.f32 $2.000000030e-01, v5  }
0x99: {  	v4 =	vmax.f32 v4, v12;
	v12 =	vld [tilespmem:s1+$0xFFFFFF60];
	v21 =	vmul.f32 $2.000000030e-01, v10;
	v22 =	vmul.f32 $2.000000030e-01, v11  }
0x9a: {  	v2 =	vmax.f32 v2, v19;
	v3 =	vmax.f32 v3, v20;
	v19 =	vld [tilespmem:s0+$0xFFFFFF50];
	v5 =	vmax.f32 v5, v14  }
0x9b: {  	v2 =	vsub.f32 v2, v3;
	v3 =	vld [tilespmem:s6+$0xFFFFFFC0];
	v4 =	vsub.f32 v4, v5  }
0x9c: {  	v10 =	vmax.f32 v10, v21;
	v11 =	vmax.f32 v11, v22;
	v22 =	vld [tilespmem:s0+$0x40]  }
0x9d: {  	v10 =	vsub.f32 v10, v11;
	v11 =	vld [tilespmem:s6+$0xFFFFFFD0];
	v4 =	vmul.f32 $1.442695020e+00, v4  }
0x9e: {  	v17 =	vpop (erf);
	v13 =	vmul.f32 v9, v13;
	v7 =	vld [tilespmem:s1+$0x110];
	v2 =	vmul.f32 $1.442695020e+00, v2  }
0x9f: {  	v44 =	vld [tilespmem:s22+$0xE0];
	v18 =	vpop (erf);
	v10 =	vmul.f32 $1.442695020e+00, v10;
	(erf) = vpow2.f32 v4  }
0xa0: {  	v15 =	vmul.f32 v8, v15;
	v4 =	vld [tilespmem:s0+$0xFFFFFFA0];
	(erf) = vpow2.f32 v2  }
0xa1: {  	v21 =	vadd.f32 v3, v1;
	v3 =	vadd.f32 v3, v23;
	v2 =	vld [tilespmem:s6+$0xFFFFFFE0];
	(erf) = vpow2.f32 v10  }
0xa2: {  	v20 =	vld [tilespmem:s0+$0xFFFFFFF0];
	v12 =	vmul.f32 v16, v12;
	v22 =	vadd.f32 v25, v22;
	v19 =	vadd.f32 v11, v19  }
0xa3: {  	v11 =	vadd.f32 v11, v1;
	v7 =	vmul.f32 v6, v7;
	v24 =	vmul.f32 $2.000000030e-01, v21;
	v10 =	vld [tilespmem:s6+$0xFFFFFFF0]  }
0xa4: {  	v45 =	vld [tilespmem:s23+$0x20];
	[tilespmem:s31+$0xFFFFFFF0] =	vst v17;
	v23 =	vadd.f32 v25, v1;
	v35 =	vmul.f32 $2.000000030e-01, v3;
	v36 =	vmul.f32 $2.000000030e-01, v22  }
0xa5: {  	[tilespmem:s31+$0x40] =	vst v18;
	v14 =	vld [tilespmem:s1+$0xFFFFFFB0];
	v26 =	vmul.f32 $2.000000030e-01, v19;
	v24 =	vmax.f32 v21, v24;
	v21 =	vmul.f32 $2.000000030e-01, v11  }
0xa6: {  	v5 =	vld [tilespmem:s1+$0x0];
	v3 =	vmax.f32 v3, v35;
	v4 =	vadd.f32 v2, v4;
	v2 =	vadd.f32 v2, v1  }
0xa7: {  	v27 =	vld [tilespmem:s0+$0x90];
	[tilespmem:s31+$0xFFFFFEC0] =	vst v13;
	v19 =	vmax.f32 v19, v26;
	v3 =	vsub.f32 v3, v24;
	v11 =	vmax.f32 v11, v21  }
0xa8: {  	[tilespmem:s31+$0xFFFFFF10] =	vst v15;
	v26 =	vld [tilespmem:s0+$0xE0];
	v28 =	vadd.f32 v10, v20;
	v30 =	vmul.f32 $2.000000030e-01, v4;
	v32 =	vmul.f32 $2.000000030e-01, v2;
	v20 =	vpop (erf)  }
0xa9: {  	v15 =	vld [tilespmem:s1+$0xFFFFFED0];
	v62 =	vmul.f32 $2.000000030e-01, v23;
	v11 =	vsub.f32 v19, v11;
	v31 =	vadd.f32 v10, v1;
	v10 =	vpop (erf);
	[tilespmem:s31+$0x90] =	vst v20  }
0xaa: {  	s20 =	simm.s32 $0x17CC0;
	[tilespmem:s31+$0xFFFFFF60] =	vst v12;
	v3 =	vmul.f32 $1.442695020e+00, v3;
	v4 =	vmax.f32 v4, v30;
	v2 =	vmax.f32 v2, v32;
	v25 =	vld [tilespmem:s1+$0x50];
	v21 =	vpop (erf)  }
0xab: {  	v14 =	vmul.f32 v17, v14;
	v5 =	vmul.f32 v18, v5;
	v2 =	vsub.f32 v4, v2;
	v4 =	vld [tilespmem:s1+$0xFFFFFF20];
	[tilespmem:s20+$0x130] =	vst v21  }
0xac: {  	v11 =	vmul.f32 $1.442695020e+00, v11;
	(erf) = vpow2.f32 v3;
	[tilespmem:s31+$0xE0] =	vst v10;
	v61 =	vld [tilespmem:s0+$0xF0]  }
0xad: {  	[tilespmem:s31+$0x110] =	vst v7;
	v26 =	vadd.f32 v34, v26;
	v33 =	vmul.f32 $2.000000030e-01, v28;
	v30 =	vmul.f32 $2.000000030e-01, v31;
	v13 =	vld [tilespmem:s1+$0xA0]  }
0xae: {  	v7 =	vld [tilespmem:s1+$0x120];
	[tilespmem:s31+$0xFFFFFFB0] =	vst v14;
	(erf) = vpow2.f32 v11;
	v11 =	vmul.f32 v9, v15  }
0xaf: {  	[tilespmem:s31+$0x0] =	vst v5;
	v5 =	vld [tilespmem:s1+$0xFFFFFFC0];
	v47 =	vmul.f32 $2.000000030e-01, v26;
	v28 =	vmax.f32 v28, v33;
	v19 =	vmax.f32 v31, v30  }
0xb0: {  	v22 =	vmax.f32 v22, v36;
	v14 =	vld [tilespmem:s1+$0xFFFFFF70];
	v12 =	vsub.f32 v28, v19;
	v19 =	vmul.f32 v20, v25  }
0xb1: {  	[tilespmem:s31+$0xFFFFFED0] =	vst v11;
	v26 =	vmax.f32 v26, v47;
	v47 =	vld [tilespmem:s22+$0xFFFFFF00];
	v2 =	vmul.f32 $1.442695020e+00, v2;
	v24 =	vmul.f32 v21, v61  }
0xb2: {  	v25 =	vld [tilespmem:s1+$0x10];
	v4 =	vmul.f32 v8, v4;
	v3 =	vmul.f32 v10, v13;
	v13 =	vmax.f32 v23, v62;
	[tilespmem:s31+$0x50] =	vst v19  }
0xb3: {  	v12 =	vmul.f32 $1.442695020e+00, v12;
	v13 =	vsub.f32 v22, v13;
	v19 =	vld [tilespmem:s1+$0x60];
	[tilespmem:s20+$0xF0] =	vst v24  }
0xb4: {  	(erf) = vpow2.f32 v2;
	[tilespmem:s31+$0xFFFFFF20] =	vst v4;
	v4 =	vmul.f32 v17, v5;
	v22 =	vadd.f32 v29, v27;
	v2 =	vld [tilespmem:s0+$0x100]  }
0xb5: {  	[tilespmem:s31+$0xA0] =	vst v3;
	v3 =	vmul.f32 v16, v14;
	v5 =	vld [tilespmem:s1+$0xFFFFFF30];
	v11 =	vmul.f32 $1.442695020e+00, v13  }
0xb6: {  	(erf) = vpow2.f32 v12;
	v23 =	vld [tilespmem:s1+$0xB0];
	v30 =	vmul.f32 $2.000000030e-01, v22  }
0xb7: {  	v24 =	vld [tilespmem:s1+$0xFFFFFEE0];
	[tilespmem:s31+$0xFFFFFF70] =	vst v3;
	v3 =	vmul.f32 v18, v25;
	(erf) = vpow2.f32 v11  }
0xb8: {  	[tilespmem:s31+$0xFFFFFFC0] =	vst v4;
	v22 =	vmax.f32 v22, v30;
	v30 =	vld [tilespmem:s23+$0x30]  }
0xb9: {  	v25 =	vld [tilespmem:s1+$0xFFFFFF80];
	[tilespmem:s31+$0x10] =	vst v3;
	v11 =	vpop (erf);
	v2 =	vmul.f32 v21, v2  }
0xba: {  	v31 =	vadd.f32 v34, v1;
	v4 =	vmul.f32 v20, v19;
	v19 =	vld [tilespmem:s1+$0xFFFFFFD0];
	[tilespmem:s20+$0xFFFFFF00] =	vst v11  }
0xbb: {  	v28 =	vadd.f32 v29, v1;
	v3 =	vld [tilespmem:s1+$0x20];
	[tilespmem:s20+$0x100] =	vst v2  }
0xbc: {  	v36 =	vadd.f32 v52, v1;
	v49 =	vmul.f32 $2.000000030e-01, v31;
	v14 =	vpop (erf);
	[tilespmem:s31+$0x60] =	vst v4;
	v4 =	vld [tilespmem:s0+$0x110]  }
0xbd: {  	v46 =	vmul.f32 $2.000000030e-01, v28;
	v12 =	vpop (erf);
	v27 =	vld [tilespmem:s0+$0xFFFFFEC0];
	[tilespmem:s20+$0xFFFFFF50] =	vst v14;
	v51 =	vadd.f32 v30, v37;
	v30 =	vadd.f32 v30, v1  }
0xbe: {  	v57 =	vmul.f32 $2.000000030e-01, v36;
	v31 =	vmax.f32 v31, v49;
	v5 =	vmul.f32 v8, v5;
	v29 =	vld [tilespmem:s0+$0xFFFFFF10];
	[tilespmem:s20+$0xFFFFFFA0] =	vst v12  }
0xbf: {  	v28 =	vmax.f32 v28, v46;
	v13 =	vpop (erf);
	v63 =	vld [tilespmem:s0+$0xFFFFFF60];
	v37 =	vmul.f32 $2.000000030e-01, v51;
	v38 =	vmul.f32 $2.000000030e-01, v30  }
0xc0: {  	v28 =	vsub.f32 v22, v28;
	v24 =	vmul.f32 v9, v24;
	v25 =	vmul.f32 v16, v25;
	v2 =	vld [tilespmem:s1+$0x70];
	[tilespmem:s20+$0xFFFFFFF0] =	vst v13;
	v15 =	vpop (erf)  }
0xc1: {  	v48 =	vld [tilespmem:s0+$0xFFFFFFB0];
	v34 =	vmax.f32 v51, v37;
	v30 =	vmax.f32 v30, v38;
	[tilespmem:s20+$0x40] =	vst v15;
	v4 =	vmul.f32 v21, v4  }
0xc2: {  	v27 =	vmul.f32 v11, v27;
	v37 =	vadd.f32 v54, v53;
	v30 =	vsub.f32 v34, v30;
	v50 =	vld [tilespmem:s0+$0x0]  }
0xc3: {  	v34 =	vmul.f32 v17, v19;
	[tilespmem:s20+$0x110] =	vst v4;
	v4 =	vsub.f32 v26, v31;
	v26 =	vmul.f32 $1.442695020e+00, v28;
	v28 =	vld [tilespmem:s23+$0xFFFFFFC0]  }
0xc4: {  	v29 =	vmul.f32 v14, v29;
	v32 =	vmul.f32 v12, v63;
	v31 =	vld [tilespmem:s22+$0xFFFFFF50]  }
0xc5: {  	[tilespmem:s20+$0xFFFFFEC0] =	vst v27;
	v60 =	vmul.f32 $2.000000030e-01, v37;
	(erf) = vpow2.f32 v26;
	v26 =	vld [tilespmem:s23+$0xFFFFFFD0]  }
0xc6: {  	v19 =	vmul.f32 $1.442695020e+00, v30;
	[tilespmem:s20+$0xFFFFFF10] =	vst v29;
	v56 =	vld [tilespmem:s0+$0xFFFFFED0];
	v4 =	vmul.f32 $1.442695020e+00, v4  }
0xc7: {  	v39 =	vadd.f32 v40, v39;
	v30 =	vmul.f32 v20, v2;
	v35 =	vmul.f32 v13, v48;
	v51 =	vld [tilespmem:s0+$0xFFFFFF20]  }
0xc8: {  	s16 =	simm.s32 $0x121C0;
	[tilespmem:s20+$0xFFFFFF60] =	vst v32;
	v32 =	vmax.f32 v36, v57;
	v57 =	vadd.f32 v45, v44;
	(erf) = vpow2.f32 v4;
	v4 =	vld [tilespmem:s22+$0xFFFFFFA0]  }
0xc9: {  	v44 =	vld [tilespmem:s16+$0xFFFFFFF0];
	v33 =	vmul.f32 v15, v50;
	v43 =	vadd.f32 v28, v1;
	v28 =	vadd.f32 v28, v47  }
0xca: {  	[tilespmem:s31+$0xFFFFFFD0] =	vst v34;
	v59 =	vld [tilespmem:s0+$0xFFFFFF70];
	(erf) = vpow2.f32 v19;
	v31 =	vadd.f32 v26, v31;
	v26 =	vadd.f32 v26, v1  }
0xcb: {  	v58 =	vadd.f32 v54, v1;
	[tilespmem:s20+$0xFFFFFFB0] =	vst v35;
	v22 =	vld [tilespmem:s0+$0x120];
	v46 =	vmul.f32 $2.000000030e-01, v43;
	v62 =	vmul.f32 $2.000000030e-01, v28  }
0xcc: {  	v40 =	vadd.f32 v40, v1;
	[tilespmem:s31+$0x70] =	vst v30;
	v61 =	vld [tilespmem:s0+$0xFFFFFFC0];
	v48 =	vmul.f32 $2.000000030e-01, v31;
	v55 =	vmul.f32 $2.000000030e-01, v26  }
0xcd: {  	v34 =	vld [tilespmem:s1+$0x80];
	[tilespmem:s20+$0x0] =	vst v33;
	v4 =	vadd.f32 v52, v4;
	v27 =	vmax.f32 v43, v46;
	v52 =	vmul.f32 $2.000000030e-01, v58  }
0xce: {  	[tilespmem:s31+$0xFFFFFEE0] =	vst v24;
	v63 =	vld [tilespmem:s0+$0x10];
	v28 =	vmax.f32 v28, v62;
	v31 =	vmax.f32 v31, v48;
	v26 =	vmax.f32 v26, v55  }
0xcf: {  	v23 =	vmul.f32 v10, v23;
	[tilespmem:s31+$0xFFFFFF30] =	vst v5;
	v27 =	vsub.f32 v28, v27;
	v5 =	vsub.f32 v31, v26;
	v26 =	vld [tilespmem:s1+$0xFFFFFEF0]  }
0xd0: {  	v3 =	vmul.f32 v18, v3;
	[tilespmem:s31+$0xFFFFFF80] =	vst v25;
	v24 =	vmax.f32 v37, v60;
	v19 =	vpop (erf);
	v25 =	vmax.f32 v58, v52;
	v31 =	vld [tilespmem:s1+$0xFFFFFF40]  }
0xd1: {  	v29 =	vmul.f32 $2.000000030e-01, v4;
	[tilespmem:s20+$0x90] =	vst v19;
	v24 =	vsub.f32 v24, v25;
	v25 =	vmul.f32 $1.442695020e+00, v27;
	v27 =	vld [tilespmem:s1+$0xFFFFFF90]  }
0xd2: {  	v49 =	vld [tilespmem:s0+$0x50]  }
0xd3: {  	[tilespmem:s31+$0x20] =	vst v3;
	v2 =	vpop (erf);
	v4 =	vmax.f32 v4, v29;
	v29 =	vmul.f32 $2.000000030e-01, v40;
	v3 =	vmul.f32 $1.442695020e+00, v24;
	v24 =	vld [tilespmem:s1+$0xFFFFFFE0]  }
0xd4: {  	[tilespmem:s20+$0xE0] =	vst v2;
	v5 =	vmul.f32 $1.442695020e+00, v5;
	(erf) = vpow2.f32 v25;
	v25 =	vld [tilespmem:s1+$0x30]  }
0xd5: {  	[tilespmem:s31+$0xB0] =	vst v23;
	s23 =	simm.s32 $0x17F40;
	v23 =	vpop (erf);
	v46 =	vld [tilespmem:s0+$0xA0]  }
0xd6: {  	v29 =	vmax.f32 v40, v29;
	v40 =	vld [tilespmem:s1+$0xC0];
	[tilespmem:s23+$0x130] =	vst v23;
	(erf) = vpow2.f32 v5;
	v5 =	vmul.f32 v11, v56  }
0xd7: {  	v50 =	vmul.f32 $2.000000030e-01, v39;
	v4 =	vsub.f32 v4, v32;
	v54 =	vld [tilespmem:s22+$0xF0];
	v56 =	vmul.f32 v14, v51  }
0xd8: {  	v31 =	vmul.f32 v31, v8;
	v8 =	vld [tilespmem:s16+$0x130];
	[tilespmem:s20+$0xFFFFFED0] =	vst v5  }
0xd9: {  	v39 =	vmax.f32 v39, v50;
	v4 =	vmul.f32 $1.442695020e+00, v4;
	v28 =	vmul.f32 v19, v49;
	[tilespmem:s20+$0xFFFFFF20] =	vst v56;
	v36 =	vld [tilespmem:s0+$0xFFFFFEE0]  }
0xda: {  	s6 =	simm.s32 $0x16AC0;
	v29 =	vsub.f32 v39, v29;
	v5 =	vmul.f32 v12, v59;
	v60 =	vld [tilespmem:s0+$0xFFFFFF30]  }
0xdb: {  	(erf) = vpow2.f32 v4;
	v18 =	vmul.f32 v25, v18;
	v25 =	vld [tilespmem:s6+$0xFFFFFFC0];
	[tilespmem:s20+$0x50] =	vst v28  }
0xdc: {  	v28 =	vmul.f32 $1.442695020e+00, v29;
	v30 =	vmul.f32 v2, v46;
	[tilespmem:s20+$0xFFFFFF70] =	vst v5;
	v29 =	vld [tilespmem:s0+$0x60]  }
0xdd: {  	v5 =	vmul.f32 v15, v63;
	v55 =	vmul.f32 v23, v54;
	v62 =	vld [tilespmem:s0+$0xFFFFFF80]  }
0xde: {  	v54 =	vmul.f32 v22, v21;
	v22 =	vmul.f32 v27, v16;
	v27 =	vld [tilespmem:s6+$0x30]  }
0xdf: {  	v41 =	vadd.f32 v42, v41;
	v16 =	vmul.f32 v34, v20;
	v20 =	vld [tilespmem:s16+$0xFFFFFF50];
	(erf) = vpow2.f32 v28;
	[tilespmem:s23+$0xF0] =	vst v55  }
0xe0: {  	[tilespmem:s20+$0xA0] =	vst v30;
	v30 =	vadd.f32 v42, v1;
	(erf) = vpow2.f32 v3;
	v3 =	vmul.f32 v13, v61;
	v4 =	vld [tilespmem:s22+$0x100]  }
0xe1: {  	v53 =	vmul.f32 $2.000000030e-01, v41;
	v52 =	vmul.f32 v7, v6;
	[tilespmem:s20+$0x10] =	vst v5;
	v28 =	vld [tilespmem:s0+$0xB0]  }
0xe2: {  	v58 =	vadd.f32 v45, v1;
	v21 =	vmul.f32 v24, v17;
	v48 =	vld [tilespmem:s0+$0x20];
	v59 =	vmul.f32 $2.000000030e-01, v30;
	[tilespmem:s20+$0xFFFFFFC0] =	vst v3  }
0xe3: {  	[tilespmem:s31+$0x120] =	vst v52;
	v32 =	vmul.f32 v11, v36;
	v36 =	vmul.f32 v14, v60;
	v63 =	vld [tilespmem:s0+$0xFFFFFFD0]  }
0xe4: {  	[tilespmem:s31+$0xFFFFFF40] =	vst v31;
	v3 =	vmul.f32 v19, v29;
	v29 =	vmul.f32 $2.000000030e-01, v58;
	v30 =	vmax.f32 v30, v59;
	v59 =	vld [tilespmem:s16+$0xFFFFFFA0]  }
0xe5: {  	v5 =	vmax.f32 v41, v53;
	v24 =	vmul.f32 v12, v62;
	v62 =	vld [tilespmem:s6+$0xFFFFFFE0];
	[tilespmem:s20+$0xFFFFFF30] =	vst v36;
	v4 =	vmul.f32 v23, v4  }
0xe6: {  	[tilespmem:s20+$0x120] =	vst v54;
	v5 =	vsub.f32 v5, v30;
	v31 =	vld [tilespmem:s0+$0xFFFFFF40]  }
0xe7: {  	[tilespmem:s20+$0x60] =	vst v3;
	v29 =	vmax.f32 v58, v29;
	v28 =	vmul.f32 v2, v28;
	v58 =	vld [tilespmem:s6+$0xFFFFFFD0]  }
0xe8: {  	v61 =	vmul.f32 $2.000000030e-01, v57;
	v60 =	vadd.f32 v27, v8;
	v27 =	vadd.f32 v27, v1;
	v30 =	vld [tilespmem:s0+$0x70];
	v3 =	vpop (erf);
	[tilespmem:s23+$0x100] =	vst v4  }
0xe9: {  	[tilespmem:s20+$0xB0] =	vst v28;
	v49 =	vld [tilespmem:s22+$0x110];
	v4 =	vpop (erf)  }
0xea: {  	v35 =	vmax.f32 v57, v61;
	v52 =	vmul.f32 $2.000000030e-01, v27;
	v50 =	vmul.f32 $1.442695020e+00, v5;
	v28 =	vld [tilespmem:s16+$0xFFFFFF00];
	v5 =	vpop (erf);
	[tilespmem:s23+$0xFFFFFF50] =	vst v4  }
0xeb: {  	v29 =	vsub.f32 v35, v29;
	[tilespmem:s23+$0xFFFFFF00] =	vst v3;
	v38 =	vmul.f32 v13, v63;
	v63 =	vmul.f32 $2.000000030e-01, v60;
	v6 =	vpop (erf);
	v53 =	vld [tilespmem:s22+$0xFFFFFF10]  }
0xec: {  	v26 =	vmul.f32 v26, v9;
	v54 =	vadd.f32 v25, v1;
	v27 =	vmax.f32 v27, v52;
	v51 =	vld [tilespmem:s22+$0xFFFFFEC0];
	[tilespmem:s23+$0xFFFFFFA0] =	vst v5;
	v7 =	vpop (erf)  }
0xed: {  	v29 =	vmul.f32 $1.442695020e+00, v29;
	(erf) = vpow2.f32 v50;
	v43 =	vmax.f32 v60, v63;
	v55 =	vld [tilespmem:s22+$0xFFFFFF60];
	[tilespmem:s23+$0x40] =	vst v7  }
0xee: {  	v30 =	vmul.f32 v19, v30;
	v27 =	vsub.f32 v43, v27;
	[tilespmem:s23+$0xFFFFFFF0] =	vst v6;
	v9 =	vmul.f32 v23, v49;
	v57 =	vld [tilespmem:s22+$0x0]  }
0xef: {  	(erf) = vpow2.f32 v29;
	v29 =	vmul.f32 v10, v40;
	v25 =	vadd.f32 v25, v28;
	v56 =	vld [tilespmem:s22+$0xFFFFFFB0]  }
0xf0: {  	v41 =	vadd.f32 v62, v1;
	v27 =	vmul.f32 $1.442695020e+00, v27;
	[tilespmem:s23+$0x110] =	vst v9;
	v61 =	vmul.f32 v4, v53;
	v53 =	vld [tilespmem:s6+$0xFFFFFFF0]  }
0xf1: {  	[tilespmem:s31+$0xFFFFFEF0] =	vst v26;
	v20 =	vadd.f32 v58, v20;
	v37 =	vmul.f32 v3, v51;
	v50 =	vmul.f32 $2.000000030e-01, v25;
	v17 =	vld [tilespmem:s22+$0x120]  }
0xf2: {  	[tilespmem:s31+$0x30] =	vst v18;
	v34 =	vadd.f32 v58, v1;
	v58 =	vld [tilespmem:s16+$0x90];
	(erf) = vpow2.f32 v27;
	v27 =	vmul.f32 $2.000000030e-01, v41  }
0xf3: {  	[tilespmem:s31+$0xFFFFFF90] =	vst v22;
	v60 =	vld [tilespmem:s6+$0x10];
	v35 =	vmul.f32 v5, v55;
	v45 =	vmul.f32 v7, v57;
	v57 =	vadd.f32 v62, v59  }
0xf4: {  	[tilespmem:s31+$0x80] =	vst v16;
	v63 =	vld [tilespmem:s16+$0xE0];
	v25 =	vmax.f32 v25, v50;
	v40 =	vmul.f32 v6, v56;
	v56 =	vmul.f32 $2.000000030e-01, v54  }
0xf5: {  	[tilespmem:s23+$0xFFFFFEC0] =	vst v37;
	v62 =	vmul.f32 $2.000000030e-01, v57;
	v44 =	vadd.f32 v53, v44;
	v52 =	vadd.f32 v53, v1;
	v53 =	vld [tilespmem:s6+$0x20]  }
0xf6: {  	v27 =	vmax.f32 v41, v27;
	v41 =	vld [tilespmem:s22+$0xFFFFFED0];
	v9 =	vpop (erf);
	[tilespmem:s23+$0xFFFFFF10] =	vst v61;
	v61 =	vmul.f32 $2.000000030e-01, v34;
	v17 =	vmul.f32 v17, v23  }
0xf7: {  	v55 =	vld [tilespmem:s16+$0x40];
	[tilespmem:s23+$0x90] =	vst v9;
	v59 =	vmul.f32 $2.000000030e-01, v20;
	v37 =	vmax.f32 v54, v56;
	v39 =	vmax.f32 v57, v62  }
0xf8: {  	v56 =	vld [tilespmem:s22+$0x50];
	[tilespmem:s23+$0x120] =	vst v17;
	v17 =	vmul.f32 $2.000000030e-01, v52;
	v57 =	vadd.f32 v60, v58;
	v58 =	vadd.f32 v60, v1  }
0xf9: {  	[tilespmem:s20+$0x70] =	vst v30;
	v34 =	vmax.f32 v34, v61;
	v61 =	vld [tilespmem:s22+$0xFFFFFF20];
	v20 =	vmax.f32 v20, v59;
	v25 =	vsub.f32 v25, v37  }
0xfa: {  	[tilespmem:s23+$0xFFFFFF60] =	vst v35;
	v8 =	vpop (erf);
	v23 =	vld [tilespmem:s6+$0x0];
	v60 =	vadd.f32 v53, v63;
	v63 =	vmax.f32 v52, v17;
	v17 =	vmul.f32 $2.000000030e-01, v58  }
0xfb: {  	v28 =	vld [tilespmem:s22+$0xFFFFFF70];
	[tilespmem:s23+$0xE0] =	vst v8;
	v20 =	vsub.f32 v20, v34  }
0xfc: {  	v33 =	vmul.f32 v15, v48;
	[tilespmem:s23+$0xFFFFFFB0] =	vst v40;
	v47 =	vld [tilespmem:s22+$0xA0];
	v25 =	vmul.f32 $1.442695020e+00, v25;
	v48 =	vadd.f32 v53, v1  }
0xfd: {  	[tilespmem:s23+$0x0] =	vst v45;
	v49 =	vld [tilespmem:s22+$0xFFFFFFC0];
	v27 =	vsub.f32 v39, v27;
	v20 =	vmul.f32 $1.442695020e+00, v20;
	v62 =	vmul.f32 $2.000000030e-01, v57  }
0xfe: {  	s18 =	simm.s32 $0x181C0;
	[tilespmem:s31+$0xC0] =	vst v29;
	v51 =	vld [tilespmem:s22+$0x10];
	(erf) = vpow2.f32 v25;
	v29 =	vmul.f32 $2.000000030e-01, v48;
	v52 =	vmax.f32 v58, v17;
	v17 =	vpop (erf)  }
0xff: {  	v25 =	vld [tilespmem:s0+$0x80];
	v54 =	vadd.f32 v23, v55;
	v55 =	vmul.f32 $2.000000030e-01, v44;
	v23 =	vadd.f32 v23, v1;
	[tilespmem:s18+$0x130] =	vst v17  }
0x100: {  	[tilespmem:s20+$0xFFFFFEE0] =	vst v32;
	(erf) = vpow2.f32 v20;
	v30 =	vmul.f32 $2.000000030e-01, v60;
	v26 =	vmax.f32 v48, v29;
	v29 =	vld [tilespmem:s16+$0xF0]  }
0x101: {  	[tilespmem:s20+$0xFFFFFF80] =	vst v24;
	v53 =	vld [tilespmem:s0+$0xC0];
	v20 =	vmul.f32 v3, v41;
	v36 =	vmax.f32 v57, v62;
	v16 =	vmul.f32 v8, v47  }
0x102: {  	[tilespmem:s20+$0x20] =	vst v33;
	v57 =	vld [tilespmem:s0+$0xFFFFFF90];
	v46 =	vmul.f32 $2.000000030e-01, v54;
	v24 =	vmax.f32 v44, v55;
	v30 =	vmax.f32 v60, v30  }
0x103: {  	v59 =	vmul.f32 $2.000000030e-01, v23;
	v55 =	vmul.f32 v9, v56;
	v58 =	vld [tilespmem:s0+$0x30];
	[tilespmem:s23+$0xFFFFFED0] =	vst v20;
	v26 =	vsub.f32 v30, v26  }
0x104: {  	v24 =	vsub.f32 v24, v63;
	[tilespmem:s23+$0xA0] =	vst v16;
	v16 =	vmul.f32 v5, v28;
	v28 =	vld [tilespmem:s22+$0xFFFFFEE0];
	v35 =	vmax.f32 v54, v46  }
0x105: {  	[tilespmem:s31+$0xFFFFFFE0] =	vst v21;
	v23 =	vmax.f32 v23, v59;
	v54 =	vld [tilespmem:s0+$0xFFFFFEF0];
	v18 =	vmul.f32 $1.442695020e+00, v26;
	v26 =	vmul.f32 v17, v29  }
0x106: {  	v22 =	vmul.f32 $1.442695020e+00, v27;
	[tilespmem:s23+$0x50] =	vst v55;
	v59 =	vld [tilespmem:s1+$0xD0];
	v23 =	vsub.f32 v35, v23  }
0x107: {  	v20 =	vmul.f32 v6, v49;
	v56 =	vsub.f32 v36, v52;
	v24 =	vmul.f32 $1.442695020e+00, v24;
	v27 =	vld [tilespmem:s22+$0x60];
	[tilespmem:s18+$0xF0] =	vst v26  }
0x108: {  	[tilespmem:s20+$0xFFFFFFD0] =	vst v38;
	(erf) = vpow2.f32 v22;
	v21 =	vmul.f32 $1.442695020e+00, v23;
	v22 =	vld [tilespmem:s16+$0x100]  }
0x109: {  	[tilespmem:s23+$0xFFFFFFC0] =	vst v20;
	v30 =	vld [tilespmem:s0+$0xFFFFFFE0];
	v23 =	vmul.f32 $1.442695020e+00, v56;
	(erf) = vpow2.f32 v24  }
0x10a: {  	v60 =	vld [tilespmem:s22+$0xFFFFFFD0];
	(erf) = vpow2.f32 v21;
	v26 =	vmul.f32 v4, v61  }
0x10b: {  	[tilespmem:s23+$0xFFFFFF70] =	vst v16;
	v16 =	vmul.f32 v7, v51;
	v24 =	vld [tilespmem:s22+$0xB0];
	(erf) = vpow2.f32 v23  }
0x10c: {  	v21 =	vmul.f32 v9, v27;
	(erf) = vpow2.f32 v18;
	v29 =	vld [tilespmem:s22+$0xFFFFFF80];
	[tilespmem:s23+$0xFFFFFF20] =	vst v26  }
0x10d: {  	[tilespmem:s23+$0x10] =	vst v16;
	v23 =	vld [tilespmem:s22+$0xFFFFFF30];
	v22 =	vmul.f32 v17, v22  }
0x10e: {  	v25 =	vmul.f32 v25, v19;
	v20 =	vmul.f32 v2, v53;
	[tilespmem:s23+$0x60] =	vst v21;
	v61 =	vld [tilespmem:s22+$0x20]  }
0x10f: {  	v19 =	vmul.f32 v59, v10;
	v18 =	vmul.f32 v54, v11;
	v11 =	vpop (erf);
	v62 =	vld [tilespmem:s22+$0x70];
	[tilespmem:s18+$0x100] =	vst v22  }
0x110: {  	v27 =	vmul.f32 v3, v28;
	v21 =	vmul.f32 v31, v14;
	v14 =	vpop (erf);
	[tilespmem:s18+$0xFFFFFF00] =	vst v11;
	v63 =	vld [tilespmem:s16+$0x110]  }
0x111: {  	v33 =	vld [tilespmem:s16+$0xFFFFFEC0];
	[tilespmem:s18+$0xFFFFFF50] =	vst v14;
	v26 =	vmul.f32 v8, v24;
	v22 =	vmul.f32 v57, v12;
	v12 =	vpop (erf)  }
0x112: {  	v34 =	vld [tilespmem:s16+$0xFFFFFF10];
	v28 =	vmul.f32 v4, v23;
	v23 =	vmul.f32 v30, v13;
	v13 =	vpop (erf);
	[tilespmem:s18+$0xFFFFFFA0] =	vst v12  }
0x113: {  	v24 =	vmul.f32 v58, v15;
	v29 =	vmul.f32 v5, v29;
	v15 =	vpop (erf);
	v35 =	vld [tilespmem:s16+$0xFFFFFF60];
	[tilespmem:s18+$0xFFFFFFF0] =	vst v13  }
0x114: {  	v31 =	vmul.f32 v7, v61;
	v32 =	vmul.f32 v9, v62;
	v16 =	vpop (erf);
	v36 =	vld [tilespmem:s16+$0xFFFFFFB0];
	[tilespmem:s18+$0x40] =	vst v15  }
0x115: {  	s7 =	simm.s32 $0x12440;
	s1 =	simm.s32 $0x18;
	v30 =	vmul.f32 v6, v60;
	v10 =	vpop (erf);
	v37 =	vld [tilespmem:s16+$0x0];
	[tilespmem:s18+$0x90] =	vst v16;
	v38 =	vmul.f32 v17, v63  }
.LBB2_10:
0x116: {  	v39 =	vld [tilespmem:s7+$0x130];
	v33 =	vmul.f32 v11, v33;
	[tilespmem:s18+$0xE0] =	vst v10;
	s6 =	sadd.s32 $0x80, s6  }
0x117: {  	s1 =	sadd.s32 $0x8, s1;
	v40 =	vld [tilespmem:s6+$0x30];
	v34 =	vmul.f32 v14, v34;
	[tilespmem:s18+$0x110] =	vst v38  }
0x118: {  	p0 =	slt.u32 s1, $0x78;
	[tilespmem:s18+$0xFFFFFEC0] =	vst v33;
	v33 =	vmul.f32 v12, v35;
	v35 =	vld [tilespmem:s16+$0x120]  }
0x119: {  	v38 =	vld [tilespmem:s6+$0xFFFFFFC0];
	[tilespmem:s18+$0xFFFFFF10] =	vst v34;
	v34 =	vmul.f32 v13, v36  }
0x11a: {  	v36 =	vld [tilespmem:s7+$0xFFFFFF50];
	[tilespmem:s18+$0xFFFFFF60] =	vst v33;
	v33 =	vmul.f32 v15, v37  }
0x11b: {  	v37 =	vld [tilespmem:s6+$0xFFFFFFD0];
	[tilespmem:s18+$0xFFFFFFB0] =	vst v34  }
0x11c: {  	v34 =	vld [tilespmem:s7+$0xFFFFFFA0];
	v39 =	vadd.f32 v40, v39;
	v40 =	vadd.f32 v40, v1;
	[tilespmem:s18+$0x0] =	vst v33  }
0x11d: {  	v33 =	vld [tilespmem:s6+$0xFFFFFFE0];
	v17 =	vmul.f32 v35, v17;
	[tilespmem:s23+$0xB0] =	vst v26  }
0x11e: {  	v26 =	vadd.f32 v38, v1;
	v35 =	vld [tilespmem:s7+$0xFFFFFFF0];
	v41 =	vmul.f32 $2.000000030e-01, v39;
	v42 =	vmul.f32 $2.000000030e-01, v40;
	[tilespmem:s23+$0xFFFFFEE0] =	vst v27  }
0x11f: {  	v27 =	vld [tilespmem:s6+$0xFFFFFFF0];
	[tilespmem:s18+$0x120] =	vst v17  }
0x120: {  	v17 =	vadd.f32 v37, v36;
	v36 =	vld [tilespmem:s7+$0x40];
	v39 =	vmax.f32 v39, v41;
	v40 =	vmax.f32 v40, v42;
	[tilespmem:s23+$0xFFFFFF30] =	vst v28  }
0x121: {  	v28 =	vmul.f32 $2.000000030e-01, v26;
	v37 =	vadd.f32 v37, v1;
	v41 =	vld [tilespmem:s6+$0x0];
	v39 =	vsub.f32 v39, v40;
	[tilespmem:s23+$0xFFFFFF80] =	vst v29  }
0x122: {  	v29 =	vmul.f32 $2.000000030e-01, v17;
	v34 =	vadd.f32 v33, v34;
	v33 =	vadd.f32 v33, v1;
	v40 =	vld [tilespmem:s7+$0x90];
	[tilespmem:s23+$0xFFFFFFD0] =	vst v30  }
0x123: {  	v26 =	vmax.f32 v26, v28;
	v28 =	vmul.f32 $2.000000030e-01, v37;
	v30 =	vld [tilespmem:s6+$0x10];
	v39 =	vmul.f32 $1.442695020e+00, v39;
	[tilespmem:s23+$0x20] =	vst v31  }
0x124: {  	v31 =	vmul.f32 $2.000000030e-01, v34;
	v35 =	vadd.f32 v27, v35;
	v27 =	vadd.f32 v27, v1;
	v42 =	vld [tilespmem:s7+$0xE0];
	[tilespmem:s23+$0x70] =	vst v32  }
0x125: {  	v29 =	vmax.f32 v17, v29;
	v17 =	vmul.f32 $2.000000030e-01, v33;
	v32 =	vld [tilespmem:s6+$0x20];
	(erf) = vpow2.f32 v39;
	[tilespmem:s20+$0xC0] =	vst v20  }
0x126: {  	v20 =	vld [tilespmem:s7+$0xFFFFFF00];
	v39 =	vmul.f32 $2.000000030e-01, v35;
	v36 =	vadd.f32 v41, v36;
	v41 =	vadd.f32 v41, v1;
	[tilespmem:s20+$0xFFFFFEF0] =	vst v18  }
0x127: {  	v18 =	vmax.f32 v37, v28;
	v28 =	vmax.f32 v34, v31;
	v31 =	vmul.f32 $2.000000030e-01, v27;
	v34 =	vld [tilespmem:s16+$0x50];
	[tilespmem:s20+$0xFFFFFF40] =	vst v21  }
0x128: {  	v21 =	vmul.f32 $2.000000030e-01, v36;
	v37 =	vadd.f32 v30, v40;
	v30 =	vadd.f32 v30, v1;
	v40 =	vld [tilespmem:s16+$0xA0];
	[tilespmem:s20+$0xFFFFFF90] =	vst v22  }
0x129: {  	v22 =	vmax.f32 v33, v17;
	v33 =	vmax.f32 v35, v39;
	v17 =	vmul.f32 $2.000000030e-01, v41;
	v35 =	vld [tilespmem:s16+$0xFFFFFED0];
	[tilespmem:s20+$0xFFFFFFE0] =	vst v23  }
0x12a: {  	v23 =	vmul.f32 $2.000000030e-01, v37;
	v39 =	vadd.f32 v32, v42;
	v32 =	vadd.f32 v32, v1;
	v42 =	vld [tilespmem:s16+$0xFFFFFF20];
	[tilespmem:s20+$0x30] =	vst v24  }
0x12b: {  	v24 =	vmax.f32 v27, v31;
	v27 =	vmul.f32 $2.000000030e-01, v30;
	v20 =	vadd.f32 v38, v20;
	v31 =	vld [tilespmem:s16+$0xFFFFFF70];
	[tilespmem:s20+$0x80] =	vst v25  }
0x12c: {  	v21 =	vmax.f32 v36, v21;
	v25 =	vmul.f32 $2.000000030e-01, v39;
	v36 =	vmul.f32 $2.000000030e-01, v32;
	v38 =	vld [tilespmem:s16+$0xFFFFFFC0];
	[tilespmem:s31+$0xD0] =	vst v19;
	s31 =	smov.u32 s20;
	s20 =	smov.u32 s23;
	s23 =	smov.u32 s18  }
0x12d: {  	v41 =	vmax.f32 v41, v17;
	v23 =	vmax.f32 v37, v23;
	v19 =	vmul.f32 $2.000000030e-01, v20;
	v37 =	vld [tilespmem:s16+$0x10]  }
0x12e: {  	v27 =	vmax.f32 v30, v27;
	s18 =	sadd.s32 $0x280, s18;
	v25 =	vmax.f32 v39, v25;
	v30 =	vmax.f32 v32, v36;
	v17 =	vpop (erf);
	v32 =	vld [tilespmem:s22+$0xC0]  }
0x12f: {  	v18 =	vsub.f32 v29, v18;
	v19 =	vmax.f32 v20, v19;
	v20 =	vsub.f32 v28, v22;
	[tilespmem:s18+$0x130] =	vst v17;
	v22 =	vld [tilespmem:s22+$0xFFFFFEF0]  }
0x130: {  	v24 =	vsub.f32 v33, v24;
	v28 =	vmul.f32 v16, v34;
	v19 =	vsub.f32 v19, v26;
	v26 =	vld [tilespmem:s7+$0xF0]  }
0x131: {  	v18 =	vmul.f32 $1.442695020e+00, v18;
	v21 =	vsub.f32 v21, v41;
	v23 =	vsub.f32 v23, v27;
	v27 =	vld [tilespmem:s22+$0xFFFFFF40]  }
0x132: {  	v25 =	vsub.f32 v25, v30;
	v20 =	vmul.f32 $1.442695020e+00, v20;
	v19 =	vmul.f32 $1.442695020e+00, v19;
	[tilespmem:s23+$0x50] =	vst v28;
	v28 =	vld [tilespmem:s22+$0xFFFFFF90]  }
0x133: {  	v24 =	vmul.f32 $1.442695020e+00, v24;
	v21 =	vmul.f32 $1.442695020e+00, v21;
	v29 =	vld [tilespmem:s16+$0x60]  }
0x134: {  	v23 =	vmul.f32 $1.442695020e+00, v23;
	v25 =	vmul.f32 $1.442695020e+00, v25;
	v30 =	vld [tilespmem:s22+$0xFFFFFFE0]  }
0x135: {  	v26 =	vmul.f32 v17, v26;
	(erf) = vpow2.f32 v19;
	v19 =	vld [tilespmem:s22+$0x30]  }
0x136: {  	(erf) = vpow2.f32 v18;
	v18 =	vmul.f32 v10, v40;
	v36 =	vld [tilespmem:s22+$0x80]  }
0x137: {  	[tilespmem:s18+$0xF0] =	vst v26;
	(erf) = vpow2.f32 v20;
	v20 =	vmul.f32 v11, v35;
	v39 =	vld [tilespmem:s0+$0xD0];
	s0 =	smov.u32 s22;
	s22 =	smov.u32 s16;
	s16 =	smov.u32 s7  }
0x138: {  	v26 =	vld [tilespmem:s7+$0x100];
	(erf) = vpow2.f32 v24;
	v24 =	vmul.f32 v14, v42;
	[tilespmem:s23+$0xA0] =	vst v18  }
0x139: {  	v18 =	vmul.f32 v12, v31;
	(erf) = vpow2.f32 v21;
	[tilespmem:s23+$0xFFFFFED0] =	vst v20;
	v21 =	vld [tilespmem:s22+$0xB0]  }
0x13a: {  	v20 =	vmul.f32 v13, v38;
	(erf) = vpow2.f32 v23;
	v23 =	vld [tilespmem:s22+$0xFFFFFEE0];
	[tilespmem:s23+$0xFFFFFF20] =	vst v24  }
0x13b: {  	(erf) = vpow2.f32 v25;
	v24 =	vld [tilespmem:s22+$0xFFFFFF30];
	[tilespmem:s23+$0xFFFFFF70] =	vst v18;
	v18 =	vmul.f32 v15, v37  }
0x13c: {  	v29 =	vmul.f32 v16, v29;
	v25 =	vld [tilespmem:s22+$0xFFFFFF80];
	[tilespmem:s23+$0xFFFFFFC0] =	vst v20;
	v20 =	vmul.f32 v8, v32  }
0x13d: {  	v31 =	vmul.f32 v17, v26;
	v32 =	vld [tilespmem:s22+$0xFFFFFFD0];
	[tilespmem:s23+$0x10] =	vst v18;
	v18 =	vmul.f32 v22, v3;
	v3 =	vmov v11  }
0x13e: {  	v11 =	vpop (erf);
	v37 =	vld [tilespmem:s22+$0x20];
	[tilespmem:s23+$0x60] =	vst v29;
	v26 =	vmul.f32 v10, v21;
	v21 =	vmul.f32 v27, v4;
	v4 =	vmov v14  }
0x13f: {  	v22 =	vmul.f32 v28, v5;
	v5 =	vmov v12;
	[tilespmem:s18+$0x100] =	vst v31;
	v14 =	vpop (erf);
	v27 =	vmul.f32 v3, v23;
	v38 =	vld [tilespmem:s22+$0x70]  }
0x140: {  	v23 =	vmul.f32 v30, v6;
	v6 =	vmov v13;
	[tilespmem:s18+$0xFFFFFF00] =	vst v11;
	v40 =	vld [tilespmem:s7+$0x110];
	v12 =	vpop (erf);
	v28 =	vmul.f32 v4, v24  }
.Ltmp7:
0x141: {  	v24 =	vmul.f32 v19, v7;
	v7 =	vmov v15;
	v33 =	vld [tilespmem:s7+$0xFFFFFEC0];
	[tilespmem:s18+$0xFFFFFF50] =	vst v14;
	v13 =	vpop (erf);
	v29 =	vmul.f32 v5, v25;
	(pc) =	sbr.rel @p0 .LBB2_10-.Ltmp7, $4  }
0x142: {  	v25 =	vmul.f32 v36, v9;
	v9 =	vmov v16;
	v34 =	vld [tilespmem:s7+$0xFFFFFF10];
	[tilespmem:s18+$0xFFFFFFA0] =	vst v12;
	v15 =	vpop (erf);
	v30 =	vmul.f32 v6, v32  }
0x143: {  	v19 =	vmul.f32 v39, v2;
	v2 =	vmov v8;
	v35 =	vld [tilespmem:s7+$0xFFFFFF60];
	[tilespmem:s18+$0xFFFFFFF0] =	vst v13;
	v16 =	vpop (erf);
	v31 =	vmul.f32 v7, v37  }
0x144: {  	v8 =	vmov v10;
	v36 =	vld [tilespmem:s7+$0xFFFFFFB0];
	[tilespmem:s18+$0x40] =	vst v15;
	v32 =	vmul.f32 v9, v38;
	v10 =	vpop (erf)  }
0x145: {  	s7 =	sadd.s32 $0x280, s7;
	v37 =	vld [tilespmem:s16+$0x0];
	[tilespmem:s18+$0x90] =	vst v16;
	v38 =	vmul.f32 v17, v40  }
0x146: {  	[tilespmem:s18+$0xE0] =	vst v10  }
0x147: {  	[tilespmem:s23+$0xB0] =	vst v26  }
0x148: {  	[tilespmem:s23+$0xFFFFFEE0] =	vst v27  }
0x149: {  	[tilespmem:s23+$0xFFFFFF30] =	vst v28  }
0x14a: {  	[tilespmem:s23+$0xFFFFFF80] =	vst v29  }
0x14b: {  	[tilespmem:s23+$0xFFFFFFD0] =	vst v30  }
0x14c: {  	[tilespmem:s23+$0x20] =	vst v31  }
0x14d: {  	[tilespmem:s23+$0x70] =	vst v32  }
0x14e: {  	[tilespmem:s20+$0xC0] =	vst v20  }
0x14f: {  	[tilespmem:s20+$0xFFFFFEF0] =	vst v18  }
0x150: {  	[tilespmem:s20+$0xFFFFFF40] =	vst v21  }
0x151: {  	[tilespmem:s20+$0xFFFFFF90] =	vst v22  }
0x152: {  	[tilespmem:s20+$0xFFFFFFE0] =	vst v23  }
0x153: {  	[tilespmem:s20+$0x30] =	vst v24  }
0x154: {  	[tilespmem:s20+$0x80] =	vst v25  }
0x155: {  	v33 =	vmul.f32 v11, v33;
	[tilespmem:s31+$0xD0] =	vst v19;
	v29 =	vld [tilespmem:s16+$0xA0]  }
0x156: {  	v34 =	vmul.f32 v14, v34;
	[tilespmem:s18+$0x110] =	vst v38;
	v47 =	vld [tilespmem:s22+$0xC0]  }
0x157: {  	v48 =	vld [tilespmem:s22+$0xFFFFFEF0];
	[tilespmem:s18+$0xFFFFFEC0] =	vst v33;
	v60 =	vmul.f32 v12, v35  }
0x158: {  	v49 =	vld [tilespmem:s22+$0xFFFFFF40];
	[tilespmem:s18+$0xFFFFFF10] =	vst v34;
	v62 =	vmul.f32 v13, v36  }
0x159: {  	v61 =	vld [tilespmem:s16+$0x120];
	[tilespmem:s18+$0xFFFFFF60] =	vst v60;
	v63 =	vmul.f32 v15, v37  }
0x15a: {  	v50 =	vld [tilespmem:s22+$0xFFFFFF90];
	[tilespmem:s18+$0xFFFFFFB0] =	vst v62;
	v35 =	vmul.f32 v10, v29  }
0x15b: {  	v28 =	vld [tilespmem:s16+$0x50];
	[tilespmem:s18+$0x0] =	vst v63;
	v22 =	vmul.f32 v8, v47  }
0x15c: {  	v51 =	vld [tilespmem:s22+$0xFFFFFFE0];
	v3 =	vmul.f32 v48, v3;
	[tilespmem:s18+$0xA0] =	vst v35  }
0x15d: {  	v52 =	vld [tilespmem:s22+$0x30];
	v4 =	vmul.f32 v49, v4;
	[tilespmem:s23+$0xC0] =	vst v22  }
0x15e: {  	v30 =	vld [tilespmem:s16+$0xFFFFFED0];
	v17 =	vmul.f32 v61, v17;
	[tilespmem:s23+$0xFFFFFEF0] =	vst v3  }
0x15f: {  	v31 =	vld [tilespmem:s16+$0xFFFFFF20];
	v5 =	vmul.f32 v50, v5;
	[tilespmem:s23+$0xFFFFFF40] =	vst v4  }
0x160: {  	v32 =	vld [tilespmem:s16+$0xFFFFFF70];
	[tilespmem:s18+$0x120] =	vst v17;
	v17 =	vmul.f32 v16, v28  }
0x161: {  	v33 =	vld [tilespmem:s16+$0xFFFFFFC0];
	v6 =	vmul.f32 v51, v6;
	[tilespmem:s23+$0xFFFFFF90] =	vst v5  }
0x162: {  	v7 =	vmul.f32 v52, v7;
	v34 =	vld [tilespmem:s16+$0x10];
	[tilespmem:s18+$0x50] =	vst v17  }
0x163: {  	v20 =	vmul.f32 v11, v30;
	[tilespmem:s23+$0xFFFFFFE0] =	vst v6;
	v36 =	vld [tilespmem:s16+$0x60]  }
0x164: {  	v53 =	vld [tilespmem:s22+$0x80];
	[tilespmem:s23+$0x30] =	vst v7;
	v21 =	vmul.f32 v14, v31  }
0x165: {  	v38 =	vld [tilespmem:s16+$0xB0];
	[tilespmem:s18+$0xFFFFFED0] =	vst v20;
	v37 =	vmul.f32 v12, v32  }
0x166: {  	v39 =	vld [tilespmem:s16+$0xFFFFFEE0];
	[tilespmem:s18+$0xFFFFFF20] =	vst v21;
	v40 =	vmul.f32 v13, v33  }
0x167: {  	v41 =	vld [tilespmem:s16+$0xFFFFFF30];
	[tilespmem:s18+$0xFFFFFF70] =	vst v37;
	v42 =	vmul.f32 v15, v34  }
0x168: {  	v43 =	vld [tilespmem:s16+$0xFFFFFF80];
	[tilespmem:s18+$0xFFFFFFC0] =	vst v40;
	v18 =	vmul.f32 v16, v36  }
0x169: {  	v9 =	vmul.f32 v53, v9;
	v21 =	vld [tilespmem:s16+$0xFFFFFFD0];
	[tilespmem:s18+$0x10] =	vst v42  }
0x16a: {  	v44 =	vmul.f32 v10, v38;
	v17 =	vld [tilespmem:s16+$0x20];
	[tilespmem:s18+$0x60] =	vst v18  }
0x16b: {  	[tilespmem:s23+$0x80] =	vst v9;
	v45 =	vmul.f32 v11, v39;
	v46 =	vld [tilespmem:s16+$0x70]  }
0x16c: {  	v54 =	vld [tilespmem:s0+$0xD0];
	[tilespmem:s18+$0xB0] =	vst v44;
	v23 =	vmul.f32 v14, v41  }
0x16d: {  	v3 =	vld [tilespmem:s16+$0xC0];
	v24 =	vmul.f32 v12, v43;
	[tilespmem:s18+$0xFFFFFEE0] =	vst v45  }
0x16e: {  	v21 =	vmul.f32 v13, v21;
	[tilespmem:s18+$0xFFFFFF30] =	vst v23;
	v55 =	vld [tilespmem:s16+$0xFFFFFEF0]  }
0x16f: {  	v17 =	vmul.f32 v15, v17;
	[tilespmem:s18+$0xFFFFFF80] =	vst v24;
	v56 =	vld [tilespmem:s16+$0xFFFFFF40]  }
0x170: {  	[tilespmem:s18+$0xFFFFFFD0] =	vst v21;
	v57 =	vld [tilespmem:s16+$0xFFFFFF90];
	v20 =	vmul.f32 v16, v46  }
0x171: {  	v2 =	vmul.f32 v54, v2;
	[tilespmem:s18+$0x20] =	vst v17;
	v58 =	vld [tilespmem:s16+$0xFFFFFFE0]  }
0x172: {  	v3 =	vmul.f32 v10, v3;
	v59 =	vld [tilespmem:s16+$0x30];
	[tilespmem:s18+$0x70] =	vst v20  }
0x173: {  	[tilespmem:s20+$0xD0] =	vst v2;
	v4 =	vmul.f32 v55, v11;
	v2 =	vld [tilespmem:s16+$0x80]  }
0x174: {  	v60 =	vld [tilespmem:s22+$0xD0];
	[tilespmem:s18+$0xC0] =	vst v3;
	v5 =	vmul.f32 v56, v14  }
0x175: {  	v61 =	vld [tilespmem:s16+$0xD0];
	v3 =	vmul.f32 v57, v12;
	[tilespmem:s18+$0xFFFFFEF0] =	vst v4  }
0x176: {  	v62 =	vmul.f32 v58, v13;
	[tilespmem:s18+$0xFFFFFF40] =	vst v5  }
0x177: {  	v63 =	vmul.f32 v59, v15;
	[tilespmem:s18+$0xFFFFFF90] =	vst v3  }
.Ltmp8:
0x178: {  	[tilespmem:s18+$0xFFFFFFE0] =	vst v62;
	v2 =	vmul.f32 v2, v16;
	(pc) =	sbr.rel .LBB2_12-.Ltmp8, $4  }
0x179: {  	v3 =	vmul.f32 v60, v8;
	[tilespmem:s18+$0x30] =	vst v63  }
0x17a: {  	[tilespmem:s18+$0x80] =	vst v2;
	v2 =	vmul.f32 v61, v10  }
0x17b: {  	[tilespmem:s23+$0xD0] =	vst v3  }
0x17c: {  	[tilespmem:s18+$0xD0] =	vst v2  }
.LBB2_5:
0x17d: {  	s1 =	simm.s32 $0x14370  }
0x17e: {  	s0 =	simm.s32 $0x17170;
	v2 =	vld [tilespmem:s1+$0x0]  }
0x17f: {  	v3 =	vld [tilespmem:s0+$0x0];
	_ =	sdelay $0x4  }
0x180: {  	v2 =	vadd.f32 v3, v2;
	v3 =	vadd.f32 v3, v1;
	_ =	sdelay $0x1  }
0x181: {  	v6 =	vld [tilespmem:s1+$0xFFFFFE70];
	v4 =	vmul.f32 $2.000000030e-01, v2;
	v5 =	vmul.f32 $2.000000030e-01, v3  }
0x182: {  	v7 =	vld [tilespmem:s0+$0xFFFFFFB0]  }
0x183: {  	v10 =	vld [tilespmem:s1+$0xFFFFFDD0];
	v2 =	vmax.f32 v2, v4;
	v3 =	vmax.f32 v3, v5  }
0x184: {  	v11 =	vld [tilespmem:s1+$0xFFFFFF10];
	v2 =	vsub.f32 v2, v3  }
0x185: {  	v13 =	vld [tilespmem:s0+$0xFFFFFFD0]  }
0x186: {  	v4 =	vld [tilespmem:s0+$0xFFFFFF90];
	v2 =	vmul.f32 $1.442695020e+00, v2  }
0x187: {  	v5 =	vld [tilespmem:s0+$0xFFFFFFA0]  }
0x188: {  	v3 =	vld [tilespmem:s1+$0xFFFFFE20];
	(erf) = vpow2.f32 v2;
	_ =	sdelay $0x1  }
0x189: {  	v15 =	vadd.f32 v7, v6;
	v7 =	vadd.f32 v7, v1  }
0x18a: {  	v8 =	vld [tilespmem:s0+$0xFFFFFFC0];
	v11 =	vadd.f32 v13, v11;
	v13 =	vadd.f32 v13, v1  }
0x18b: {  	v2 =	vld [tilespmem:s1+$0xFFFFFEC0];
	v9 =	vadd.f32 v4, v1;
	v4 =	vadd.f32 v4, v10  }
0x18c: {  	v16 =	vmul.f32 $2.000000030e-01, v15;
	v10 =	vmul.f32 $2.000000030e-01, v7;
	v3 =	vadd.f32 v5, v3  }
0x18d: {  	s6 =	simm.s32 $0x171F0;
	v5 =	vadd.f32 v5, v1;
	v12 =	vmul.f32 $2.000000030e-01, v9;
	v17 =	vmul.f32 $2.000000030e-01, v4  }
0x18e: {  	v25 =	vld [tilespmem:s6+$0xFFFFFFD0];
	v18 =	vmul.f32 $2.000000030e-01, v11;
	v7 =	vmax.f32 v7, v10;
	v14 =	vmul.f32 $2.000000030e-01, v3  }
0x18f: {  	v29 =	vld [tilespmem:s6+$0xFFFFFFE0];
	v9 =	vmax.f32 v9, v12;
	v12 =	vmul.f32 $2.000000030e-01, v5;
	v4 =	vmax.f32 v4, v17  }
0x190: {  	s31 =	simm.s32 $0x1A370;
	s22 =	simm.s32 $0x14870;
	v34 =	vld [tilespmem:s6+$0xFFFFFFF0];
	v2 =	vadd.f32 v8, v2;
	v8 =	vadd.f32 v8, v1;
	v3 =	vmax.f32 v3, v14;
	v6 =	vpop (erf)  }
0x191: {  	v37 =	vld [tilespmem:s22+$0x0];
	v4 =	vsub.f32 v4, v9;
	v5 =	vmax.f32 v5, v12;
	v12 =	vmax.f32 v15, v16;
	[tilespmem:s31+$0x0] =	vst v6  }
0x192: {  	s23 =	simm.s32 $0x17270;
	v14 =	vmul.f32 $2.000000030e-01, v2;
	v15 =	vmul.f32 $2.000000030e-01, v8;
	v3 =	vsub.f32 v3, v5;
	v16 =	vld [tilespmem:s1+$0xFFFFFFC0]  }
0x193: {  	v52 =	vld [tilespmem:s23+$0xFFFFFFB0];
	v10 =	vmul.f32 $2.000000030e-01, v13;
	v7 =	vsub.f32 v12, v7;
	v4 =	vmul.f32 $1.442695020e+00, v4  }
0x194: {  	v39 =	vld [tilespmem:s22+$0xFFFFFEC0];
	v2 =	vmax.f32 v2, v14;
	v8 =	vmax.f32 v8, v15;
	v3 =	vmul.f32 $1.442695020e+00, v3  }
0x195: {  	v40 =	vld [tilespmem:s23+$0xFFFFFFC0];
	v9 =	vmax.f32 v11, v18;
	(erf) = vpow2.f32 v4;
	v2 =	vsub.f32 v2, v8  }
0x196: {  	v53 =	vld [tilespmem:s22+$0xFFFFFF10];
	v5 =	vmax.f32 v13, v10;
	v7 =	vmul.f32 $1.442695020e+00, v7;
	(erf) = vpow2.f32 v3  }
0x197: {  	v5 =	vsub.f32 v9, v5;
	v4 =	vld [tilespmem:s1+$0xFFFFFF60];
	v2 =	vmul.f32 $1.442695020e+00, v2;
	v8 =	vmul.f32 v6, v16  }
0x198: {  	(erf) = vpow2.f32 v7;
	v7 =	vld [tilespmem:s0+$0xFFFFFFE0]  }
0x199: {  	v3 =	vmul.f32 $1.442695020e+00, v5;
	(erf) = vpow2.f32 v2;
	v2 =	vld [tilespmem:s1+$0xFFFFFFB0];
	[tilespmem:s31+$0xFFFFFFC0] =	vst v8  }
0x19a: {  	v5 =	vld [tilespmem:s1+$0xFFFFFFD0]  }
0x19b: {  	(erf) = vpow2.f32 v3;
	v3 =	vld [tilespmem:s0+$0xFFFFFFF0]  }
0x19c: {  	v11 =	vld [tilespmem:s6+$0x0];
	s0 =	simm.s32 $0x145F0  }
0x19d: {  	v10 =	vld [tilespmem:s0+$0x0]  }
0x19e: {  	v54 =	vld [tilespmem:s23+$0xFFFFFFD0]  }
0x19f: {  	v41 =	vld [tilespmem:s22+$0xFFFFFF60];
	v4 =	vadd.f32 v7, v4;
	v9 =	vpop (erf);
	v5 =	vmul.f32 v6, v5  }
0x1a0: {  	v42 =	vld [tilespmem:s23+$0xFFFFFFE0];
	[tilespmem:s31+$0xFFFFFDD0] =	vst v9;
	v2 =	vadd.f32 v3, v2  }
0x1a1: {  	v23 =	vld [tilespmem:s0+$0xFFFFFDD0];
	v12 =	vmul.f32 $2.000000030e-01, v4;
	v8 =	vpop (erf);
	v3 =	vadd.f32 v3, v1;
	[tilespmem:s31+$0xFFFFFFD0] =	vst v5;
	v5 =	vadd.f32 v7, v1  }
0x1a2: {  	v13 =	vld [tilespmem:s1+$0xFFFFFD90];
	v16 =	vpop (erf);
	[tilespmem:s31+$0xFFFFFE20] =	vst v8;
	v10 =	vadd.f32 v11, v10;
	v11 =	vadd.f32 v11, v1;
	v19 =	vmul.f32 $2.000000030e-01, v2  }
0x1a3: {  	v15 =	vld [tilespmem:s1+$0xFFFFFDE0];
	[tilespmem:s31+$0xFFFFFE70] =	vst v16;
	v20 =	vmul.f32 $2.000000030e-01, v3;
	v14 =	vmul.f32 $2.000000030e-01, v5  }
0x1a4: {  	v4 =	vmax.f32 v4, v12;
	v12 =	vld [tilespmem:s1+$0xFFFFFE30];
	v21 =	vmul.f32 $2.000000030e-01, v10;
	v22 =	vmul.f32 $2.000000030e-01, v11  }
0x1a5: {  	v2 =	vmax.f32 v2, v19;
	v3 =	vmax.f32 v3, v20;
	v19 =	vld [tilespmem:s0+$0xFFFFFE20];
	v5 =	vmax.f32 v5, v14  }
0x1a6: {  	v2 =	vsub.f32 v2, v3;
	v3 =	vld [tilespmem:s6+$0xFFFFFF90];
	v4 =	vsub.f32 v4, v5  }
0x1a7: {  	v10 =	vmax.f32 v10, v21;
	v11 =	vmax.f32 v11, v22;
	v22 =	vld [tilespmem:s0+$0xFFFFFF10]  }
0x1a8: {  	v10 =	vsub.f32 v10, v11;
	v11 =	vld [tilespmem:s6+$0xFFFFFFA0];
	v4 =	vmul.f32 $1.442695020e+00, v4  }
0x1a9: {  	v17 =	vpop (erf);
	v13 =	vmul.f32 v9, v13;
	v7 =	vld [tilespmem:s1+$0xFFFFFFE0];
	v2 =	vmul.f32 $1.442695020e+00, v2  }
0x1aa: {  	v44 =	vld [tilespmem:s22+$0xFFFFFFB0];
	v18 =	vpop (erf);
	v10 =	vmul.f32 $1.442695020e+00, v10;
	(erf) = vpow2.f32 v4  }
0x1ab: {  	v15 =	vmul.f32 v8, v15;
	v4 =	vld [tilespmem:s0+$0xFFFFFE70];
	(erf) = vpow2.f32 v2  }
0x1ac: {  	v21 =	vadd.f32 v3, v1;
	v3 =	vadd.f32 v3, v23;
	v2 =	vld [tilespmem:s6+$0xFFFFFFB0];
	(erf) = vpow2.f32 v10  }
0x1ad: {  	v20 =	vld [tilespmem:s0+$0xFFFFFEC0];
	v12 =	vmul.f32 v16, v12;
	v22 =	vadd.f32 v25, v22;
	v19 =	vadd.f32 v11, v19  }
0x1ae: {  	v11 =	vadd.f32 v11, v1;
	v7 =	vmul.f32 v6, v7;
	v24 =	vmul.f32 $2.000000030e-01, v21;
	v10 =	vld [tilespmem:s6+$0xFFFFFFC0]  }
0x1af: {  	v45 =	vld [tilespmem:s23+$0xFFFFFFF0];
	[tilespmem:s31+$0xFFFFFEC0] =	vst v17;
	v23 =	vadd.f32 v25, v1;
	v35 =	vmul.f32 $2.000000030e-01, v3;
	v36 =	vmul.f32 $2.000000030e-01, v22  }
0x1b0: {  	[tilespmem:s31+$0xFFFFFF10] =	vst v18;
	v14 =	vld [tilespmem:s1+$0xFFFFFE80];
	v26 =	vmul.f32 $2.000000030e-01, v19;
	v24 =	vmax.f32 v21, v24;
	v21 =	vmul.f32 $2.000000030e-01, v11  }
0x1b1: {  	v5 =	vld [tilespmem:s1+$0xFFFFFED0];
	v3 =	vmax.f32 v3, v35;
	v4 =	vadd.f32 v2, v4;
	v2 =	vadd.f32 v2, v1  }
0x1b2: {  	v27 =	vld [tilespmem:s0+$0xFFFFFF60];
	[tilespmem:s31+$0xFFFFFD90] =	vst v13;
	v19 =	vmax.f32 v19, v26;
	v3 =	vsub.f32 v3, v24;
	v11 =	vmax.f32 v11, v21  }
0x1b3: {  	[tilespmem:s31+$0xFFFFFDE0] =	vst v15;
	v26 =	vld [tilespmem:s0+$0xFFFFFFB0];
	v28 =	vadd.f32 v10, v20;
	v30 =	vmul.f32 $2.000000030e-01, v4;
	v32 =	vmul.f32 $2.000000030e-01, v2;
	v20 =	vpop (erf)  }
0x1b4: {  	v15 =	vld [tilespmem:s1+$0xFFFFFDA0];
	v62 =	vmul.f32 $2.000000030e-01, v23;
	v11 =	vsub.f32 v19, v11;
	v31 =	vadd.f32 v10, v1;
	v10 =	vpop (erf);
	[tilespmem:s31+$0xFFFFFF60] =	vst v20  }
0x1b5: {  	s20 =	simm.s32 $0x1A5F0;
	[tilespmem:s31+$0xFFFFFE30] =	vst v12;
	v3 =	vmul.f32 $1.442695020e+00, v3;
	v4 =	vmax.f32 v4, v30;
	v2 =	vmax.f32 v2, v32;
	v25 =	vld [tilespmem:s1+$0xFFFFFF20];
	v21 =	vpop (erf)  }
0x1b6: {  	v14 =	vmul.f32 v17, v14;
	v5 =	vmul.f32 v18, v5;
	v2 =	vsub.f32 v4, v2;
	v4 =	vld [tilespmem:s1+$0xFFFFFDF0];
	[tilespmem:s20+$0x0] =	vst v21  }
0x1b7: {  	v11 =	vmul.f32 $1.442695020e+00, v11;
	(erf) = vpow2.f32 v3;
	[tilespmem:s31+$0xFFFFFFB0] =	vst v10;
	v61 =	vld [tilespmem:s0+$0xFFFFFFC0]  }
0x1b8: {  	[tilespmem:s31+$0xFFFFFFE0] =	vst v7;
	v26 =	vadd.f32 v34, v26;
	v33 =	vmul.f32 $2.000000030e-01, v28;
	v30 =	vmul.f32 $2.000000030e-01, v31;
	v13 =	vld [tilespmem:s1+$0xFFFFFF70]  }
0x1b9: {  	v7 =	vld [tilespmem:s1+$0xFFFFFFF0];
	[tilespmem:s31+$0xFFFFFE80] =	vst v14;
	(erf) = vpow2.f32 v11;
	v11 =	vmul.f32 v9, v15  }
0x1ba: {  	[tilespmem:s31+$0xFFFFFED0] =	vst v5;
	v5 =	vld [tilespmem:s1+$0xFFFFFE90];
	v47 =	vmul.f32 $2.000000030e-01, v26;
	v28 =	vmax.f32 v28, v33;
	v19 =	vmax.f32 v31, v30  }
0x1bb: {  	v22 =	vmax.f32 v22, v36;
	v14 =	vld [tilespmem:s1+$0xFFFFFE40];
	v12 =	vsub.f32 v28, v19;
	v19 =	vmul.f32 v20, v25  }
0x1bc: {  	[tilespmem:s31+$0xFFFFFDA0] =	vst v11;
	v26 =	vmax.f32 v26, v47;
	v47 =	vld [tilespmem:s22+$0xFFFFFDD0];
	v2 =	vmul.f32 $1.442695020e+00, v2;
	v24 =	vmul.f32 v21, v61  }
0x1bd: {  	v25 =	vld [tilespmem:s1+$0xFFFFFEE0];
	v4 =	vmul.f32 v8, v4;
	v3 =	vmul.f32 v10, v13;
	v13 =	vmax.f32 v23, v62;
	[tilespmem:s31+$0xFFFFFF20] =	vst v19  }
0x1be: {  	v12 =	vmul.f32 $1.442695020e+00, v12;
	v13 =	vsub.f32 v22, v13;
	v19 =	vld [tilespmem:s1+$0xFFFFFF30];
	[tilespmem:s20+$0xFFFFFFC0] =	vst v24  }
0x1bf: {  	(erf) = vpow2.f32 v2;
	[tilespmem:s31+$0xFFFFFDF0] =	vst v4;
	v4 =	vmul.f32 v17, v5;
	v22 =	vadd.f32 v29, v27;
	v2 =	vld [tilespmem:s0+$0xFFFFFFD0]  }
0x1c0: {  	[tilespmem:s31+$0xFFFFFF70] =	vst v3;
	v3 =	vmul.f32 v16, v14;
	v5 =	vld [tilespmem:s1+$0xFFFFFE00];
	v11 =	vmul.f32 $1.442695020e+00, v13  }
0x1c1: {  	(erf) = vpow2.f32 v12;
	v23 =	vld [tilespmem:s1+$0xFFFFFF80];
	v30 =	vmul.f32 $2.000000030e-01, v22  }
0x1c2: {  	v24 =	vld [tilespmem:s1+$0xFFFFFDB0];
	[tilespmem:s31+$0xFFFFFE40] =	vst v3;
	v3 =	vmul.f32 v18, v25;
	(erf) = vpow2.f32 v11  }
0x1c3: {  	[tilespmem:s31+$0xFFFFFE90] =	vst v4;
	v22 =	vmax.f32 v22, v30;
	v30 =	vld [tilespmem:s23+$0x0]  }
0x1c4: {  	v25 =	vld [tilespmem:s1+$0xFFFFFE50];
	[tilespmem:s31+$0xFFFFFEE0] =	vst v3;
	v11 =	vpop (erf);
	v2 =	vmul.f32 v21, v2  }
0x1c5: {  	v31 =	vadd.f32 v34, v1;
	v4 =	vmul.f32 v20, v19;
	v19 =	vld [tilespmem:s1+$0xFFFFFEA0];
	[tilespmem:s20+$0xFFFFFDD0] =	vst v11  }
0x1c6: {  	v28 =	vadd.f32 v29, v1;
	v3 =	vld [tilespmem:s1+$0xFFFFFEF0];
	[tilespmem:s20+$0xFFFFFFD0] =	vst v2  }
0x1c7: {  	v36 =	vadd.f32 v52, v1;
	v49 =	vmul.f32 $2.000000030e-01, v31;
	v14 =	vpop (erf);
	[tilespmem:s31+$0xFFFFFF30] =	vst v4;
	v4 =	vld [tilespmem:s0+$0xFFFFFFE0]  }
0x1c8: {  	v46 =	vmul.f32 $2.000000030e-01, v28;
	v12 =	vpop (erf);
	v27 =	vld [tilespmem:s0+$0xFFFFFD90];
	[tilespmem:s20+$0xFFFFFE20] =	vst v14;
	v51 =	vadd.f32 v30, v37;
	v30 =	vadd.f32 v30, v1  }
0x1c9: {  	v57 =	vmul.f32 $2.000000030e-01, v36;
	v31 =	vmax.f32 v31, v49;
	v5 =	vmul.f32 v8, v5;
	v29 =	vld [tilespmem:s0+$0xFFFFFDE0];
	[tilespmem:s20+$0xFFFFFE70] =	vst v12  }
0x1ca: {  	v28 =	vmax.f32 v28, v46;
	v13 =	vpop (erf);
	v63 =	vld [tilespmem:s0+$0xFFFFFE30];
	v37 =	vmul.f32 $2.000000030e-01, v51;
	v38 =	vmul.f32 $2.000000030e-01, v30  }
0x1cb: {  	v28 =	vsub.f32 v22, v28;
	v24 =	vmul.f32 v9, v24;
	v25 =	vmul.f32 v16, v25;
	v2 =	vld [tilespmem:s1+$0xFFFFFF40];
	[tilespmem:s20+$0xFFFFFEC0] =	vst v13;
	v15 =	vpop (erf)  }
0x1cc: {  	v48 =	vld [tilespmem:s0+$0xFFFFFE80];
	v34 =	vmax.f32 v51, v37;
	v30 =	vmax.f32 v30, v38;
	[tilespmem:s20+$0xFFFFFF10] =	vst v15;
	v4 =	vmul.f32 v21, v4  }
0x1cd: {  	v27 =	vmul.f32 v11, v27;
	v37 =	vadd.f32 v54, v53;
	v30 =	vsub.f32 v34, v30;
	v50 =	vld [tilespmem:s0+$0xFFFFFED0]  }
0x1ce: {  	v34 =	vmul.f32 v17, v19;
	[tilespmem:s20+$0xFFFFFFE0] =	vst v4;
	v4 =	vsub.f32 v26, v31;
	v26 =	vmul.f32 $1.442695020e+00, v28;
	v28 =	vld [tilespmem:s23+$0xFFFFFF90]  }
0x1cf: {  	v29 =	vmul.f32 v14, v29;
	v32 =	vmul.f32 v12, v63;
	v31 =	vld [tilespmem:s22+$0xFFFFFE20]  }
0x1d0: {  	[tilespmem:s20+$0xFFFFFD90] =	vst v27;
	v60 =	vmul.f32 $2.000000030e-01, v37;
	(erf) = vpow2.f32 v26;
	v26 =	vld [tilespmem:s23+$0xFFFFFFA0]  }
0x1d1: {  	v19 =	vmul.f32 $1.442695020e+00, v30;
	[tilespmem:s20+$0xFFFFFDE0] =	vst v29;
	v56 =	vld [tilespmem:s0+$0xFFFFFDA0];
	v4 =	vmul.f32 $1.442695020e+00, v4  }
0x1d2: {  	v39 =	vadd.f32 v40, v39;
	v30 =	vmul.f32 v20, v2;
	v35 =	vmul.f32 v13, v48;
	v51 =	vld [tilespmem:s0+$0xFFFFFDF0]  }
0x1d3: {  	s16 =	simm.s32 $0x14AF0;
	[tilespmem:s20+$0xFFFFFE30] =	vst v32;
	v32 =	vmax.f32 v36, v57;
	v57 =	vadd.f32 v45, v44;
	(erf) = vpow2.f32 v4;
	v4 =	vld [tilespmem:s22+$0xFFFFFE70]  }
0x1d4: {  	v44 =	vld [tilespmem:s16+$0xFFFFFEC0];
	v33 =	vmul.f32 v15, v50;
	v43 =	vadd.f32 v28, v1;
	v28 =	vadd.f32 v28, v47  }
0x1d5: {  	[tilespmem:s31+$0xFFFFFEA0] =	vst v34;
	v59 =	vld [tilespmem:s0+$0xFFFFFE40];
	(erf) = vpow2.f32 v19;
	v31 =	vadd.f32 v26, v31;
	v26 =	vadd.f32 v26, v1  }
0x1d6: {  	v58 =	vadd.f32 v54, v1;
	[tilespmem:s20+$0xFFFFFE80] =	vst v35;
	v22 =	vld [tilespmem:s0+$0xFFFFFFF0];
	v46 =	vmul.f32 $2.000000030e-01, v43;
	v62 =	vmul.f32 $2.000000030e-01, v28  }
0x1d7: {  	v40 =	vadd.f32 v40, v1;
	[tilespmem:s31+$0xFFFFFF40] =	vst v30;
	v61 =	vld [tilespmem:s0+$0xFFFFFE90];
	v48 =	vmul.f32 $2.000000030e-01, v31;
	v55 =	vmul.f32 $2.000000030e-01, v26  }
0x1d8: {  	v34 =	vld [tilespmem:s1+$0xFFFFFF50];
	[tilespmem:s20+$0xFFFFFED0] =	vst v33;
	v4 =	vadd.f32 v52, v4;
	v27 =	vmax.f32 v43, v46;
	v52 =	vmul.f32 $2.000000030e-01, v58  }
0x1d9: {  	[tilespmem:s31+$0xFFFFFDB0] =	vst v24;
	v63 =	vld [tilespmem:s0+$0xFFFFFEE0];
	v28 =	vmax.f32 v28, v62;
	v31 =	vmax.f32 v31, v48;
	v26 =	vmax.f32 v26, v55  }
0x1da: {  	v23 =	vmul.f32 v10, v23;
	[tilespmem:s31+$0xFFFFFE00] =	vst v5;
	v27 =	vsub.f32 v28, v27;
	v5 =	vsub.f32 v31, v26;
	v26 =	vld [tilespmem:s1+$0xFFFFFDC0]  }
0x1db: {  	v3 =	vmul.f32 v18, v3;
	[tilespmem:s31+$0xFFFFFE50] =	vst v25;
	v24 =	vmax.f32 v37, v60;
	v19 =	vpop (erf);
	v25 =	vmax.f32 v58, v52;
	v31 =	vld [tilespmem:s1+$0xFFFFFE10]  }
0x1dc: {  	v29 =	vmul.f32 $2.000000030e-01, v4;
	[tilespmem:s20+$0xFFFFFF60] =	vst v19;
	v24 =	vsub.f32 v24, v25;
	v25 =	vmul.f32 $1.442695020e+00, v27;
	v27 =	vld [tilespmem:s1+$0xFFFFFE60]  }
0x1dd: {  	v49 =	vld [tilespmem:s0+$0xFFFFFF20]  }
0x1de: {  	[tilespmem:s31+$0xFFFFFEF0] =	vst v3;
	v2 =	vpop (erf);
	v4 =	vmax.f32 v4, v29;
	v29 =	vmul.f32 $2.000000030e-01, v40;
	v3 =	vmul.f32 $1.442695020e+00, v24;
	v24 =	vld [tilespmem:s1+$0xFFFFFEB0]  }
0x1df: {  	[tilespmem:s20+$0xFFFFFFB0] =	vst v2;
	v5 =	vmul.f32 $1.442695020e+00, v5;
	(erf) = vpow2.f32 v25;
	v25 =	vld [tilespmem:s1+$0xFFFFFF00]  }
0x1e0: {  	[tilespmem:s31+$0xFFFFFF80] =	vst v23;
	s23 =	simm.s32 $0x1A870;
	v23 =	vpop (erf);
	v46 =	vld [tilespmem:s0+$0xFFFFFF70]  }
0x1e1: {  	v29 =	vmax.f32 v40, v29;
	v40 =	vld [tilespmem:s1+$0xFFFFFF90];
	[tilespmem:s23+$0x0] =	vst v23;
	(erf) = vpow2.f32 v5;
	v5 =	vmul.f32 v11, v56  }
0x1e2: {  	v50 =	vmul.f32 $2.000000030e-01, v39;
	v4 =	vsub.f32 v4, v32;
	v54 =	vld [tilespmem:s22+$0xFFFFFFC0];
	v56 =	vmul.f32 v14, v51  }
0x1e3: {  	v31 =	vmul.f32 v31, v8;
	v8 =	vld [tilespmem:s16+$0x0];
	[tilespmem:s20+$0xFFFFFDA0] =	vst v5  }
0x1e4: {  	v39 =	vmax.f32 v39, v50;
	v4 =	vmul.f32 $1.442695020e+00, v4;
	v28 =	vmul.f32 v19, v49;
	[tilespmem:s20+$0xFFFFFDF0] =	vst v56;
	v36 =	vld [tilespmem:s0+$0xFFFFFDB0]  }
0x1e5: {  	s6 =	simm.s32 $0x172F0;
	v29 =	vsub.f32 v39, v29;
	v5 =	vmul.f32 v12, v59;
	v60 =	vld [tilespmem:s0+$0xFFFFFE00]  }
0x1e6: {  	(erf) = vpow2.f32 v4;
	v18 =	vmul.f32 v25, v18;
	v25 =	vld [tilespmem:s6+$0xFFFFFF90];
	[tilespmem:s20+$0xFFFFFF20] =	vst v28  }
0x1e7: {  	v28 =	vmul.f32 $1.442695020e+00, v29;
	v30 =	vmul.f32 v2, v46;
	[tilespmem:s20+$0xFFFFFE40] =	vst v5;
	v29 =	vld [tilespmem:s0+$0xFFFFFF30]  }
0x1e8: {  	v5 =	vmul.f32 v15, v63;
	v55 =	vmul.f32 v23, v54;
	v62 =	vld [tilespmem:s0+$0xFFFFFE50]  }
0x1e9: {  	v54 =	vmul.f32 v22, v21;
	v22 =	vmul.f32 v27, v16;
	v27 =	vld [tilespmem:s6+$0x0]  }
0x1ea: {  	v41 =	vadd.f32 v42, v41;
	v16 =	vmul.f32 v34, v20;
	v20 =	vld [tilespmem:s16+$0xFFFFFE20];
	(erf) = vpow2.f32 v28;
	[tilespmem:s23+$0xFFFFFFC0] =	vst v55  }
0x1eb: {  	[tilespmem:s20+$0xFFFFFF70] =	vst v30;
	v30 =	vadd.f32 v42, v1;
	(erf) = vpow2.f32 v3;
	v3 =	vmul.f32 v13, v61;
	v4 =	vld [tilespmem:s22+$0xFFFFFFD0]  }
0x1ec: {  	v53 =	vmul.f32 $2.000000030e-01, v41;
	v52 =	vmul.f32 v7, v6;
	[tilespmem:s20+$0xFFFFFEE0] =	vst v5;
	v28 =	vld [tilespmem:s0+$0xFFFFFF80]  }
0x1ed: {  	v58 =	vadd.f32 v45, v1;
	v21 =	vmul.f32 v24, v17;
	v48 =	vld [tilespmem:s0+$0xFFFFFEF0];
	v59 =	vmul.f32 $2.000000030e-01, v30;
	[tilespmem:s20+$0xFFFFFE90] =	vst v3  }
0x1ee: {  	[tilespmem:s31+$0xFFFFFFF0] =	vst v52;
	v32 =	vmul.f32 v11, v36;
	v36 =	vmul.f32 v14, v60;
	v63 =	vld [tilespmem:s0+$0xFFFFFEA0]  }
0x1ef: {  	[tilespmem:s31+$0xFFFFFE10] =	vst v31;
	v3 =	vmul.f32 v19, v29;
	v29 =	vmul.f32 $2.000000030e-01, v58;
	v30 =	vmax.f32 v30, v59;
	v59 =	vld [tilespmem:s16+$0xFFFFFE70]  }
0x1f0: {  	v5 =	vmax.f32 v41, v53;
	v24 =	vmul.f32 v12, v62;
	v62 =	vld [tilespmem:s6+$0xFFFFFFB0];
	[tilespmem:s20+$0xFFFFFE00] =	vst v36;
	v4 =	vmul.f32 v23, v4  }
0x1f1: {  	[tilespmem:s20+$0xFFFFFFF0] =	vst v54;
	v5 =	vsub.f32 v5, v30;
	v31 =	vld [tilespmem:s0+$0xFFFFFE10]  }
0x1f2: {  	[tilespmem:s20+$0xFFFFFF30] =	vst v3;
	v29 =	vmax.f32 v58, v29;
	v28 =	vmul.f32 v2, v28;
	v58 =	vld [tilespmem:s6+$0xFFFFFFA0]  }
0x1f3: {  	v61 =	vmul.f32 $2.000000030e-01, v57;
	v60 =	vadd.f32 v27, v8;
	v27 =	vadd.f32 v27, v1;
	v30 =	vld [tilespmem:s0+$0xFFFFFF40];
	v3 =	vpop (erf);
	[tilespmem:s23+$0xFFFFFFD0] =	vst v4  }
0x1f4: {  	[tilespmem:s20+$0xFFFFFF80] =	vst v28;
	v49 =	vld [tilespmem:s22+$0xFFFFFFE0];
	v4 =	vpop (erf)  }
0x1f5: {  	v35 =	vmax.f32 v57, v61;
	v52 =	vmul.f32 $2.000000030e-01, v27;
	v50 =	vmul.f32 $1.442695020e+00, v5;
	v28 =	vld [tilespmem:s16+$0xFFFFFDD0];
	v5 =	vpop (erf);
	[tilespmem:s23+$0xFFFFFE20] =	vst v4  }
0x1f6: {  	v29 =	vsub.f32 v35, v29;
	[tilespmem:s23+$0xFFFFFDD0] =	vst v3;
	v38 =	vmul.f32 v13, v63;
	v63 =	vmul.f32 $2.000000030e-01, v60;
	v6 =	vpop (erf);
	v53 =	vld [tilespmem:s22+$0xFFFFFDE0]  }
0x1f7: {  	v26 =	vmul.f32 v26, v9;
	v54 =	vadd.f32 v25, v1;
	v27 =	vmax.f32 v27, v52;
	v51 =	vld [tilespmem:s22+$0xFFFFFD90];
	[tilespmem:s23+$0xFFFFFE70] =	vst v5;
	v7 =	vpop (erf)  }
0x1f8: {  	v29 =	vmul.f32 $1.442695020e+00, v29;
	(erf) = vpow2.f32 v50;
	v43 =	vmax.f32 v60, v63;
	v55 =	vld [tilespmem:s22+$0xFFFFFE30];
	[tilespmem:s23+$0xFFFFFF10] =	vst v7  }
0x1f9: {  	v30 =	vmul.f32 v19, v30;
	v27 =	vsub.f32 v43, v27;
	[tilespmem:s23+$0xFFFFFEC0] =	vst v6;
	v9 =	vmul.f32 v23, v49;
	v57 =	vld [tilespmem:s22+$0xFFFFFED0]  }
0x1fa: {  	(erf) = vpow2.f32 v29;
	v29 =	vmul.f32 v10, v40;
	v25 =	vadd.f32 v25, v28;
	v56 =	vld [tilespmem:s22+$0xFFFFFE80]  }
0x1fb: {  	v41 =	vadd.f32 v62, v1;
	v27 =	vmul.f32 $1.442695020e+00, v27;
	[tilespmem:s23+$0xFFFFFFE0] =	vst v9;
	v61 =	vmul.f32 v4, v53;
	v53 =	vld [tilespmem:s6+$0xFFFFFFC0]  }
0x1fc: {  	[tilespmem:s31+$0xFFFFFDC0] =	vst v26;
	v20 =	vadd.f32 v58, v20;
	v37 =	vmul.f32 v3, v51;
	v50 =	vmul.f32 $2.000000030e-01, v25;
	v17 =	vld [tilespmem:s22+$0xFFFFFFF0]  }
0x1fd: {  	[tilespmem:s31+$0xFFFFFF00] =	vst v18;
	v34 =	vadd.f32 v58, v1;
	v58 =	vld [tilespmem:s16+$0xFFFFFF60];
	(erf) = vpow2.f32 v27;
	v27 =	vmul.f32 $2.000000030e-01, v41  }
0x1fe: {  	[tilespmem:s31+$0xFFFFFE60] =	vst v22;
	v60 =	vld [tilespmem:s6+$0xFFFFFFE0];
	v35 =	vmul.f32 v5, v55;
	v45 =	vmul.f32 v7, v57;
	v57 =	vadd.f32 v62, v59  }
0x1ff: {  	[tilespmem:s31+$0xFFFFFF50] =	vst v16;
	v63 =	vld [tilespmem:s16+$0xFFFFFFB0];
	v25 =	vmax.f32 v25, v50;
	v40 =	vmul.f32 v6, v56;
	v56 =	vmul.f32 $2.000000030e-01, v54  }
0x200: {  	[tilespmem:s23+$0xFFFFFD90] =	vst v37;
	v62 =	vmul.f32 $2.000000030e-01, v57;
	v44 =	vadd.f32 v53, v44;
	v52 =	vadd.f32 v53, v1;
	v53 =	vld [tilespmem:s6+$0xFFFFFFF0]  }
0x201: {  	v27 =	vmax.f32 v41, v27;
	v41 =	vld [tilespmem:s22+$0xFFFFFDA0];
	v9 =	vpop (erf);
	[tilespmem:s23+$0xFFFFFDE0] =	vst v61;
	v61 =	vmul.f32 $2.000000030e-01, v34;
	v17 =	vmul.f32 v17, v23  }
0x202: {  	v55 =	vld [tilespmem:s16+$0xFFFFFF10];
	[tilespmem:s23+$0xFFFFFF60] =	vst v9;
	v59 =	vmul.f32 $2.000000030e-01, v20;
	v37 =	vmax.f32 v54, v56;
	v39 =	vmax.f32 v57, v62  }
0x203: {  	v56 =	vld [tilespmem:s22+$0xFFFFFF20];
	[tilespmem:s23+$0xFFFFFFF0] =	vst v17;
	v17 =	vmul.f32 $2.000000030e-01, v52;
	v57 =	vadd.f32 v60, v58;
	v58 =	vadd.f32 v60, v1  }
0x204: {  	[tilespmem:s20+$0xFFFFFF40] =	vst v30;
	v34 =	vmax.f32 v34, v61;
	v61 =	vld [tilespmem:s22+$0xFFFFFDF0];
	v20 =	vmax.f32 v20, v59;
	v25 =	vsub.f32 v25, v37  }
0x205: {  	[tilespmem:s23+$0xFFFFFE30] =	vst v35;
	v8 =	vpop (erf);
	v23 =	vld [tilespmem:s6+$0xFFFFFFD0];
	v60 =	vadd.f32 v53, v63;
	v63 =	vmax.f32 v52, v17;
	v17 =	vmul.f32 $2.000000030e-01, v58  }
0x206: {  	v28 =	vld [tilespmem:s22+$0xFFFFFE40];
	[tilespmem:s23+$0xFFFFFFB0] =	vst v8;
	v20 =	vsub.f32 v20, v34  }
0x207: {  	v33 =	vmul.f32 v15, v48;
	[tilespmem:s23+$0xFFFFFE80] =	vst v40;
	v47 =	vld [tilespmem:s22+$0xFFFFFF70];
	v25 =	vmul.f32 $1.442695020e+00, v25;
	v48 =	vadd.f32 v53, v1  }
0x208: {  	[tilespmem:s23+$0xFFFFFED0] =	vst v45;
	v49 =	vld [tilespmem:s22+$0xFFFFFE90];
	v27 =	vsub.f32 v39, v27;
	v20 =	vmul.f32 $1.442695020e+00, v20;
	v62 =	vmul.f32 $2.000000030e-01, v57  }
0x209: {  	s18 =	simm.s32 $0x1AAF0;
	[tilespmem:s31+$0xFFFFFF90] =	vst v29;
	v51 =	vld [tilespmem:s22+$0xFFFFFEE0];
	(erf) = vpow2.f32 v25;
	v29 =	vmul.f32 $2.000000030e-01, v48;
	v52 =	vmax.f32 v58, v17;
	v17 =	vpop (erf)  }
0x20a: {  	v25 =	vld [tilespmem:s0+$0xFFFFFF50];
	v54 =	vadd.f32 v23, v55;
	v55 =	vmul.f32 $2.000000030e-01, v44;
	v23 =	vadd.f32 v23, v1;
	[tilespmem:s18+$0x0] =	vst v17  }
0x20b: {  	[tilespmem:s20+$0xFFFFFDB0] =	vst v32;
	(erf) = vpow2.f32 v20;
	v30 =	vmul.f32 $2.000000030e-01, v60;
	v26 =	vmax.f32 v48, v29;
	v29 =	vld [tilespmem:s16+$0xFFFFFFC0]  }
0x20c: {  	[tilespmem:s20+$0xFFFFFE50] =	vst v24;
	v53 =	vld [tilespmem:s0+$0xFFFFFF90];
	v20 =	vmul.f32 v3, v41;
	v36 =	vmax.f32 v57, v62;
	v16 =	vmul.f32 v8, v47  }
0x20d: {  	[tilespmem:s20+$0xFFFFFEF0] =	vst v33;
	v57 =	vld [tilespmem:s0+$0xFFFFFE60];
	v46 =	vmul.f32 $2.000000030e-01, v54;
	v24 =	vmax.f32 v44, v55;
	v30 =	vmax.f32 v60, v30  }
0x20e: {  	v59 =	vmul.f32 $2.000000030e-01, v23;
	v55 =	vmul.f32 v9, v56;
	v58 =	vld [tilespmem:s0+$0xFFFFFF00];
	[tilespmem:s23+$0xFFFFFDA0] =	vst v20;
	v26 =	vsub.f32 v30, v26  }
0x20f: {  	v24 =	vsub.f32 v24, v63;
	[tilespmem:s23+$0xFFFFFF70] =	vst v16;
	v16 =	vmul.f32 v5, v28;
	v28 =	vld [tilespmem:s22+$0xFFFFFDB0];
	v35 =	vmax.f32 v54, v46  }
0x210: {  	[tilespmem:s31+$0xFFFFFEB0] =	vst v21;
	v23 =	vmax.f32 v23, v59;
	v54 =	vld [tilespmem:s0+$0xFFFFFDC0];
	v18 =	vmul.f32 $1.442695020e+00, v26;
	v26 =	vmul.f32 v17, v29  }
0x211: {  	v22 =	vmul.f32 $1.442695020e+00, v27;
	[tilespmem:s23+$0xFFFFFF20] =	vst v55;
	v59 =	vld [tilespmem:s1+$0xFFFFFFA0];
	v23 =	vsub.f32 v35, v23  }
0x212: {  	v20 =	vmul.f32 v6, v49;
	v56 =	vsub.f32 v36, v52;
	v24 =	vmul.f32 $1.442695020e+00, v24;
	v27 =	vld [tilespmem:s22+$0xFFFFFF30];
	[tilespmem:s18+$0xFFFFFFC0] =	vst v26  }
0x213: {  	[tilespmem:s20+$0xFFFFFEA0] =	vst v38;
	(erf) = vpow2.f32 v22;
	v21 =	vmul.f32 $1.442695020e+00, v23;
	v22 =	vld [tilespmem:s16+$0xFFFFFFD0]  }
0x214: {  	[tilespmem:s23+$0xFFFFFE90] =	vst v20;
	v30 =	vld [tilespmem:s0+$0xFFFFFEB0];
	v23 =	vmul.f32 $1.442695020e+00, v56;
	(erf) = vpow2.f32 v24  }
0x215: {  	v60 =	vld [tilespmem:s22+$0xFFFFFEA0];
	(erf) = vpow2.f32 v21;
	v26 =	vmul.f32 v4, v61  }
0x216: {  	[tilespmem:s23+$0xFFFFFE40] =	vst v16;
	v16 =	vmul.f32 v7, v51;
	v24 =	vld [tilespmem:s22+$0xFFFFFF80];
	(erf) = vpow2.f32 v23  }
0x217: {  	v21 =	vmul.f32 v9, v27;
	(erf) = vpow2.f32 v18;
	v29 =	vld [tilespmem:s22+$0xFFFFFE50];
	[tilespmem:s23+$0xFFFFFDF0] =	vst v26  }
0x218: {  	[tilespmem:s23+$0xFFFFFEE0] =	vst v16;
	v23 =	vld [tilespmem:s22+$0xFFFFFE00];
	v22 =	vmul.f32 v17, v22  }
0x219: {  	v25 =	vmul.f32 v25, v19;
	v20 =	vmul.f32 v2, v53;
	[tilespmem:s23+$0xFFFFFF30] =	vst v21;
	v61 =	vld [tilespmem:s22+$0xFFFFFEF0]  }
0x21a: {  	v19 =	vmul.f32 v59, v10;
	v18 =	vmul.f32 v54, v11;
	v11 =	vpop (erf);
	v62 =	vld [tilespmem:s22+$0xFFFFFF40];
	[tilespmem:s18+$0xFFFFFFD0] =	vst v22  }
0x21b: {  	v27 =	vmul.f32 v3, v28;
	v21 =	vmul.f32 v31, v14;
	v14 =	vpop (erf);
	[tilespmem:s18+$0xFFFFFDD0] =	vst v11;
	v63 =	vld [tilespmem:s16+$0xFFFFFFE0]  }
0x21c: {  	v33 =	vld [tilespmem:s16+$0xFFFFFD90];
	[tilespmem:s18+$0xFFFFFE20] =	vst v14;
	v26 =	vmul.f32 v8, v24;
	v22 =	vmul.f32 v57, v12;
	v12 =	vpop (erf)  }
0x21d: {  	v34 =	vld [tilespmem:s16+$0xFFFFFDE0];
	v28 =	vmul.f32 v4, v23;
	v23 =	vmul.f32 v30, v13;
	v13 =	vpop (erf);
	[tilespmem:s18+$0xFFFFFE70] =	vst v12  }
0x21e: {  	v24 =	vmul.f32 v58, v15;
	v29 =	vmul.f32 v5, v29;
	v15 =	vpop (erf);
	v35 =	vld [tilespmem:s16+$0xFFFFFE30];
	[tilespmem:s18+$0xFFFFFEC0] =	vst v13  }
0x21f: {  	v31 =	vmul.f32 v7, v61;
	v32 =	vmul.f32 v9, v62;
	v16 =	vpop (erf);
	v36 =	vld [tilespmem:s16+$0xFFFFFE80];
	[tilespmem:s18+$0xFFFFFF10] =	vst v15  }
0x220: {  	s7 =	simm.s32 $0x14D70;
	s1 =	simm.s32 $0x18;
	v30 =	vmul.f32 v6, v60;
	v10 =	vpop (erf);
	v37 =	vld [tilespmem:s16+$0xFFFFFED0];
	[tilespmem:s18+$0xFFFFFF60] =	vst v16;
	v38 =	vmul.f32 v17, v63  }
.LBB2_6:
0x221: {  	v39 =	vld [tilespmem:s7+$0x0];
	v33 =	vmul.f32 v11, v33;
	[tilespmem:s18+$0xFFFFFFB0] =	vst v10;
	s6 =	sadd.s32 $0x80, s6  }
0x222: {  	s1 =	sadd.s32 $0x8, s1;
	v40 =	vld [tilespmem:s6+$0x0];
	v34 =	vmul.f32 v14, v34;
	[tilespmem:s18+$0xFFFFFFE0] =	vst v38  }
0x223: {  	p0 =	slt.u32 s1, $0x78;
	[tilespmem:s18+$0xFFFFFD90] =	vst v33;
	v33 =	vmul.f32 v12, v35;
	v35 =	vld [tilespmem:s16+$0xFFFFFFF0]  }
0x224: {  	v38 =	vld [tilespmem:s6+$0xFFFFFF90];
	[tilespmem:s18+$0xFFFFFDE0] =	vst v34;
	v34 =	vmul.f32 v13, v36  }
0x225: {  	v36 =	vld [tilespmem:s7+$0xFFFFFE20];
	[tilespmem:s18+$0xFFFFFE30] =	vst v33;
	v33 =	vmul.f32 v15, v37  }
0x226: {  	v37 =	vld [tilespmem:s6+$0xFFFFFFA0];
	[tilespmem:s18+$0xFFFFFE80] =	vst v34  }
0x227: {  	v34 =	vld [tilespmem:s7+$0xFFFFFE70];
	v39 =	vadd.f32 v40, v39;
	v40 =	vadd.f32 v40, v1;
	[tilespmem:s18+$0xFFFFFED0] =	vst v33  }
0x228: {  	v33 =	vld [tilespmem:s6+$0xFFFFFFB0];
	v17 =	vmul.f32 v35, v17;
	[tilespmem:s23+$0xFFFFFF80] =	vst v26  }
0x229: {  	v26 =	vadd.f32 v38, v1;
	v35 =	vld [tilespmem:s7+$0xFFFFFEC0];
	v41 =	vmul.f32 $2.000000030e-01, v39;
	v42 =	vmul.f32 $2.000000030e-01, v40;
	[tilespmem:s23+$0xFFFFFDB0] =	vst v27  }
0x22a: {  	v27 =	vld [tilespmem:s6+$0xFFFFFFC0];
	[tilespmem:s18+$0xFFFFFFF0] =	vst v17  }
0x22b: {  	v17 =	vadd.f32 v37, v36;
	v36 =	vld [tilespmem:s7+$0xFFFFFF10];
	v39 =	vmax.f32 v39, v41;
	v40 =	vmax.f32 v40, v42;
	[tilespmem:s23+$0xFFFFFE00] =	vst v28  }
0x22c: {  	v28 =	vmul.f32 $2.000000030e-01, v26;
	v37 =	vadd.f32 v37, v1;
	v41 =	vld [tilespmem:s6+$0xFFFFFFD0];
	v39 =	vsub.f32 v39, v40;
	[tilespmem:s23+$0xFFFFFE50] =	vst v29  }
0x22d: {  	v29 =	vmul.f32 $2.000000030e-01, v17;
	v34 =	vadd.f32 v33, v34;
	v33 =	vadd.f32 v33, v1;
	v40 =	vld [tilespmem:s7+$0xFFFFFF60];
	[tilespmem:s23+$0xFFFFFEA0] =	vst v30  }
0x22e: {  	v26 =	vmax.f32 v26, v28;
	v28 =	vmul.f32 $2.000000030e-01, v37;
	v30 =	vld [tilespmem:s6+$0xFFFFFFE0];
	v39 =	vmul.f32 $1.442695020e+00, v39;
	[tilespmem:s23+$0xFFFFFEF0] =	vst v31  }
0x22f: {  	v31 =	vmul.f32 $2.000000030e-01, v34;
	v35 =	vadd.f32 v27, v35;
	v27 =	vadd.f32 v27, v1;
	v42 =	vld [tilespmem:s7+$0xFFFFFFB0];
	[tilespmem:s23+$0xFFFFFF40] =	vst v32  }
0x230: {  	v29 =	vmax.f32 v17, v29;
	v17 =	vmul.f32 $2.000000030e-01, v33;
	v32 =	vld [tilespmem:s6+$0xFFFFFFF0];
	(erf) = vpow2.f32 v39;
	[tilespmem:s20+$0xFFFFFF90] =	vst v20  }
0x231: {  	v20 =	vld [tilespmem:s7+$0xFFFFFDD0];
	v39 =	vmul.f32 $2.000000030e-01, v35;
	v36 =	vadd.f32 v41, v36;
	v41 =	vadd.f32 v41, v1;
	[tilespmem:s20+$0xFFFFFDC0] =	vst v18  }
0x232: {  	v18 =	vmax.f32 v37, v28;
	v28 =	vmax.f32 v34, v31;
	v31 =	vmul.f32 $2.000000030e-01, v27;
	v34 =	vld [tilespmem:s16+$0xFFFFFF20];
	[tilespmem:s20+$0xFFFFFE10] =	vst v21  }
0x233: {  	v21 =	vmul.f32 $2.000000030e-01, v36;
	v37 =	vadd.f32 v30, v40;
	v30 =	vadd.f32 v30, v1;
	v40 =	vld [tilespmem:s16+$0xFFFFFF70];
	[tilespmem:s20+$0xFFFFFE60] =	vst v22  }
0x234: {  	v22 =	vmax.f32 v33, v17;
	v33 =	vmax.f32 v35, v39;
	v17 =	vmul.f32 $2.000000030e-01, v41;
	v35 =	vld [tilespmem:s16+$0xFFFFFDA0];
	[tilespmem:s20+$0xFFFFFEB0] =	vst v23  }
0x235: {  	v23 =	vmul.f32 $2.000000030e-01, v37;
	v39 =	vadd.f32 v32, v42;
	v32 =	vadd.f32 v32, v1;
	v42 =	vld [tilespmem:s16+$0xFFFFFDF0];
	[tilespmem:s20+$0xFFFFFF00] =	vst v24  }
0x236: {  	v24 =	vmax.f32 v27, v31;
	v27 =	vmul.f32 $2.000000030e-01, v30;
	v20 =	vadd.f32 v38, v20;
	v31 =	vld [tilespmem:s16+$0xFFFFFE40];
	[tilespmem:s20+$0xFFFFFF50] =	vst v25  }
0x237: {  	v21 =	vmax.f32 v36, v21;
	v25 =	vmul.f32 $2.000000030e-01, v39;
	v36 =	vmul.f32 $2.000000030e-01, v32;
	v38 =	vld [tilespmem:s16+$0xFFFFFE90];
	[tilespmem:s31+$0xFFFFFFA0] =	vst v19;
	s31 =	smov.u32 s20;
	s20 =	smov.u32 s23;
	s23 =	smov.u32 s18  }
0x238: {  	v41 =	vmax.f32 v41, v17;
	v23 =	vmax.f32 v37, v23;
	v19 =	vmul.f32 $2.000000030e-01, v20;
	v37 =	vld [tilespmem:s16+$0xFFFFFEE0]  }
0x239: {  	v27 =	vmax.f32 v30, v27;
	s18 =	sadd.s32 $0x280, s18;
	v25 =	vmax.f32 v39, v25;
	v30 =	vmax.f32 v32, v36;
	v17 =	vpop (erf);
	v32 =	vld [tilespmem:s22+$0xFFFFFF90]  }
0x23a: {  	v18 =	vsub.f32 v29, v18;
	v19 =	vmax.f32 v20, v19;
	v20 =	vsub.f32 v28, v22;
	[tilespmem:s18+$0x0] =	vst v17;
	v22 =	vld [tilespmem:s22+$0xFFFFFDC0]  }
0x23b: {  	v24 =	vsub.f32 v33, v24;
	v28 =	vmul.f32 v16, v34;
	v19 =	vsub.f32 v19, v26;
	v26 =	vld [tilespmem:s7+$0xFFFFFFC0]  }
0x23c: {  	v18 =	vmul.f32 $1.442695020e+00, v18;
	v21 =	vsub.f32 v21, v41;
	v23 =	vsub.f32 v23, v27;
	v27 =	vld [tilespmem:s22+$0xFFFFFE10]  }
0x23d: {  	v25 =	vsub.f32 v25, v30;
	v20 =	vmul.f32 $1.442695020e+00, v20;
	v19 =	vmul.f32 $1.442695020e+00, v19;
	[tilespmem:s23+$0xFFFFFF20] =	vst v28;
	v28 =	vld [tilespmem:s22+$0xFFFFFE60]  }
0x23e: {  	v24 =	vmul.f32 $1.442695020e+00, v24;
	v21 =	vmul.f32 $1.442695020e+00, v21;
	v29 =	vld [tilespmem:s16+$0xFFFFFF30]  }
0x23f: {  	v23 =	vmul.f32 $1.442695020e+00, v23;
	v25 =	vmul.f32 $1.442695020e+00, v25;
	v30 =	vld [tilespmem:s22+$0xFFFFFEB0]  }
0x240: {  	v26 =	vmul.f32 v17, v26;
	(erf) = vpow2.f32 v19;
	v19 =	vld [tilespmem:s22+$0xFFFFFF00]  }
0x241: {  	(erf) = vpow2.f32 v18;
	v18 =	vmul.f32 v10, v40;
	v36 =	vld [tilespmem:s22+$0xFFFFFF50]  }
0x242: {  	[tilespmem:s18+$0xFFFFFFC0] =	vst v26;
	(erf) = vpow2.f32 v20;
	v20 =	vmul.f32 v11, v35;
	v39 =	vld [tilespmem:s0+$0xFFFFFFA0];
	s0 =	smov.u32 s22;
	s22 =	smov.u32 s16;
	s16 =	smov.u32 s7  }
0x243: {  	v26 =	vld [tilespmem:s7+$0xFFFFFFD0];
	(erf) = vpow2.f32 v24;
	v24 =	vmul.f32 v14, v42;
	[tilespmem:s23+$0xFFFFFF70] =	vst v18  }
0x244: {  	v18 =	vmul.f32 v12, v31;
	(erf) = vpow2.f32 v21;
	[tilespmem:s23+$0xFFFFFDA0] =	vst v20;
	v21 =	vld [tilespmem:s22+$0xFFFFFF80]  }
0x245: {  	v20 =	vmul.f32 v13, v38;
	(erf) = vpow2.f32 v23;
	v23 =	vld [tilespmem:s22+$0xFFFFFDB0];
	[tilespmem:s23+$0xFFFFFDF0] =	vst v24  }
0x246: {  	(erf) = vpow2.f32 v25;
	v24 =	vld [tilespmem:s22+$0xFFFFFE00];
	[tilespmem:s23+$0xFFFFFE40] =	vst v18;
	v18 =	vmul.f32 v15, v37  }
0x247: {  	v29 =	vmul.f32 v16, v29;
	v25 =	vld [tilespmem:s22+$0xFFFFFE50];
	[tilespmem:s23+$0xFFFFFE90] =	vst v20;
	v20 =	vmul.f32 v8, v32  }
0x248: {  	v31 =	vmul.f32 v17, v26;
	v32 =	vld [tilespmem:s22+$0xFFFFFEA0];
	[tilespmem:s23+$0xFFFFFEE0] =	vst v18;
	v18 =	vmul.f32 v22, v3;
	v3 =	vmov v11  }
0x249: {  	v11 =	vpop (erf);
	v37 =	vld [tilespmem:s22+$0xFFFFFEF0];
	[tilespmem:s23+$0xFFFFFF30] =	vst v29;
	v26 =	vmul.f32 v10, v21;
	v21 =	vmul.f32 v27, v4;
	v4 =	vmov v14  }
0x24a: {  	v22 =	vmul.f32 v28, v5;
	v5 =	vmov v12;
	[tilespmem:s18+$0xFFFFFFD0] =	vst v31;
	v14 =	vpop (erf);
	v27 =	vmul.f32 v3, v23;
	v38 =	vld [tilespmem:s22+$0xFFFFFF40]  }
0x24b: {  	v23 =	vmul.f32 v30, v6;
	v6 =	vmov v13;
	[tilespmem:s18+$0xFFFFFDD0] =	vst v11;
	v40 =	vld [tilespmem:s7+$0xFFFFFFE0];
	v12 =	vpop (erf);
	v28 =	vmul.f32 v4, v24  }
.Ltmp9:
0x24c: {  	v24 =	vmul.f32 v19, v7;
	v7 =	vmov v15;
	v33 =	vld [tilespmem:s7+$0xFFFFFD90];
	[tilespmem:s18+$0xFFFFFE20] =	vst v14;
	v13 =	vpop (erf);
	v29 =	vmul.f32 v5, v25;
	(pc) =	sbr.rel @p0 .LBB2_6-.Ltmp9, $4  }
0x24d: {  	v25 =	vmul.f32 v36, v9;
	v9 =	vmov v16;
	v34 =	vld [tilespmem:s7+$0xFFFFFDE0];
	[tilespmem:s18+$0xFFFFFE70] =	vst v12;
	v15 =	vpop (erf);
	v30 =	vmul.f32 v6, v32  }
0x24e: {  	v19 =	vmul.f32 v39, v2;
	v2 =	vmov v8;
	v35 =	vld [tilespmem:s7+$0xFFFFFE30];
	[tilespmem:s18+$0xFFFFFEC0] =	vst v13;
	v16 =	vpop (erf);
	v31 =	vmul.f32 v7, v37  }
0x24f: {  	v8 =	vmov v10;
	v36 =	vld [tilespmem:s7+$0xFFFFFE80];
	[tilespmem:s18+$0xFFFFFF10] =	vst v15;
	v32 =	vmul.f32 v9, v38;
	v10 =	vpop (erf)  }
0x250: {  	s7 =	sadd.s32 $0x280, s7;
	v37 =	vld [tilespmem:s16+$0xFFFFFED0];
	[tilespmem:s18+$0xFFFFFF60] =	vst v16;
	v38 =	vmul.f32 v17, v40  }
0x251: {  	[tilespmem:s18+$0xFFFFFFB0] =	vst v10  }
0x252: {  	[tilespmem:s23+$0xFFFFFF80] =	vst v26  }
0x253: {  	[tilespmem:s23+$0xFFFFFDB0] =	vst v27  }
0x254: {  	[tilespmem:s23+$0xFFFFFE00] =	vst v28  }
0x255: {  	[tilespmem:s23+$0xFFFFFE50] =	vst v29  }
0x256: {  	[tilespmem:s23+$0xFFFFFEA0] =	vst v30  }
0x257: {  	[tilespmem:s23+$0xFFFFFEF0] =	vst v31  }
0x258: {  	[tilespmem:s23+$0xFFFFFF40] =	vst v32  }
0x259: {  	[tilespmem:s20+$0xFFFFFF90] =	vst v20  }
0x25a: {  	[tilespmem:s20+$0xFFFFFDC0] =	vst v18  }
0x25b: {  	[tilespmem:s20+$0xFFFFFE10] =	vst v21  }
0x25c: {  	[tilespmem:s20+$0xFFFFFE60] =	vst v22  }
0x25d: {  	[tilespmem:s20+$0xFFFFFEB0] =	vst v23  }
0x25e: {  	[tilespmem:s20+$0xFFFFFF00] =	vst v24  }
0x25f: {  	[tilespmem:s20+$0xFFFFFF50] =	vst v25  }
0x260: {  	v33 =	vmul.f32 v11, v33;
	[tilespmem:s31+$0xFFFFFFA0] =	vst v19;
	v29 =	vld [tilespmem:s16+$0xFFFFFF70]  }
0x261: {  	v34 =	vmul.f32 v14, v34;
	[tilespmem:s18+$0xFFFFFFE0] =	vst v38;
	v47 =	vld [tilespmem:s22+$0xFFFFFF90]  }
0x262: {  	v48 =	vld [tilespmem:s22+$0xFFFFFDC0];
	[tilespmem:s18+$0xFFFFFD90] =	vst v33;
	v60 =	vmul.f32 v12, v35  }
0x263: {  	v49 =	vld [tilespmem:s22+$0xFFFFFE10];
	[tilespmem:s18+$0xFFFFFDE0] =	vst v34;
	v62 =	vmul.f32 v13, v36  }
0x264: {  	v61 =	vld [tilespmem:s16+$0xFFFFFFF0];
	[tilespmem:s18+$0xFFFFFE30] =	vst v60;
	v63 =	vmul.f32 v15, v37  }
0x265: {  	v50 =	vld [tilespmem:s22+$0xFFFFFE60];
	[tilespmem:s18+$0xFFFFFE80] =	vst v62;
	v35 =	vmul.f32 v10, v29  }
0x266: {  	v28 =	vld [tilespmem:s16+$0xFFFFFF20];
	[tilespmem:s18+$0xFFFFFED0] =	vst v63;
	v22 =	vmul.f32 v8, v47  }
0x267: {  	v51 =	vld [tilespmem:s22+$0xFFFFFEB0];
	v3 =	vmul.f32 v48, v3;
	[tilespmem:s18+$0xFFFFFF70] =	vst v35  }
0x268: {  	v52 =	vld [tilespmem:s22+$0xFFFFFF00];
	v4 =	vmul.f32 v49, v4;
	[tilespmem:s23+$0xFFFFFF90] =	vst v22  }
0x269: {  	v30 =	vld [tilespmem:s16+$0xFFFFFDA0];
	v17 =	vmul.f32 v61, v17;
	[tilespmem:s23+$0xFFFFFDC0] =	vst v3  }
0x26a: {  	v31 =	vld [tilespmem:s16+$0xFFFFFDF0];
	v5 =	vmul.f32 v50, v5;
	[tilespmem:s23+$0xFFFFFE10] =	vst v4  }
0x26b: {  	v32 =	vld [tilespmem:s16+$0xFFFFFE40];
	[tilespmem:s18+$0xFFFFFFF0] =	vst v17;
	v17 =	vmul.f32 v16, v28  }
0x26c: {  	v33 =	vld [tilespmem:s16+$0xFFFFFE90];
	v6 =	vmul.f32 v51, v6;
	[tilespmem:s23+$0xFFFFFE60] =	vst v5  }
0x26d: {  	v7 =	vmul.f32 v52, v7;
	v34 =	vld [tilespmem:s16+$0xFFFFFEE0];
	[tilespmem:s18+$0xFFFFFF20] =	vst v17  }
0x26e: {  	v20 =	vmul.f32 v11, v30;
	[tilespmem:s23+$0xFFFFFEB0] =	vst v6;
	v36 =	vld [tilespmem:s16+$0xFFFFFF30]  }
0x26f: {  	v53 =	vld [tilespmem:s22+$0xFFFFFF50];
	[tilespmem:s23+$0xFFFFFF00] =	vst v7;
	v21 =	vmul.f32 v14, v31  }
0x270: {  	v38 =	vld [tilespmem:s16+$0xFFFFFF80];
	[tilespmem:s18+$0xFFFFFDA0] =	vst v20;
	v37 =	vmul.f32 v12, v32  }
0x271: {  	v39 =	vld [tilespmem:s16+$0xFFFFFDB0];
	[tilespmem:s18+$0xFFFFFDF0] =	vst v21;
	v40 =	vmul.f32 v13, v33  }
0x272: {  	v41 =	vld [tilespmem:s16+$0xFFFFFE00];
	[tilespmem:s18+$0xFFFFFE40] =	vst v37;
	v42 =	vmul.f32 v15, v34  }
0x273: {  	v43 =	vld [tilespmem:s16+$0xFFFFFE50];
	[tilespmem:s18+$0xFFFFFE90] =	vst v40;
	v18 =	vmul.f32 v16, v36  }
0x274: {  	v9 =	vmul.f32 v53, v9;
	v21 =	vld [tilespmem:s16+$0xFFFFFEA0];
	[tilespmem:s18+$0xFFFFFEE0] =	vst v42  }
0x275: {  	v44 =	vmul.f32 v10, v38;
	v17 =	vld [tilespmem:s16+$0xFFFFFEF0];
	[tilespmem:s18+$0xFFFFFF30] =	vst v18  }
0x276: {  	[tilespmem:s23+$0xFFFFFF50] =	vst v9;
	v45 =	vmul.f32 v11, v39;
	v46 =	vld [tilespmem:s16+$0xFFFFFF40]  }
0x277: {  	v54 =	vld [tilespmem:s0+$0xFFFFFFA0];
	[tilespmem:s18+$0xFFFFFF80] =	vst v44;
	v23 =	vmul.f32 v14, v41  }
0x278: {  	v3 =	vld [tilespmem:s16+$0xFFFFFF90];
	v24 =	vmul.f32 v12, v43;
	[tilespmem:s18+$0xFFFFFDB0] =	vst v45  }
0x279: {  	v21 =	vmul.f32 v13, v21;
	[tilespmem:s18+$0xFFFFFE00] =	vst v23;
	v55 =	vld [tilespmem:s16+$0xFFFFFDC0]  }
0x27a: {  	v17 =	vmul.f32 v15, v17;
	[tilespmem:s18+$0xFFFFFE50] =	vst v24;
	v56 =	vld [tilespmem:s16+$0xFFFFFE10]  }
0x27b: {  	[tilespmem:s18+$0xFFFFFEA0] =	vst v21;
	v57 =	vld [tilespmem:s16+$0xFFFFFE60];
	v20 =	vmul.f32 v16, v46  }
0x27c: {  	v2 =	vmul.f32 v54, v2;
	[tilespmem:s18+$0xFFFFFEF0] =	vst v17;
	v58 =	vld [tilespmem:s16+$0xFFFFFEB0]  }
0x27d: {  	v3 =	vmul.f32 v10, v3;
	v59 =	vld [tilespmem:s16+$0xFFFFFF00];
	[tilespmem:s18+$0xFFFFFF40] =	vst v20  }
0x27e: {  	[tilespmem:s20+$0xFFFFFFA0] =	vst v2;
	v4 =	vmul.f32 v55, v11;
	v2 =	vld [tilespmem:s16+$0xFFFFFF50]  }
0x27f: {  	v60 =	vld [tilespmem:s22+$0xFFFFFFA0];
	[tilespmem:s18+$0xFFFFFF90] =	vst v3;
	v5 =	vmul.f32 v56, v14  }
0x280: {  	v61 =	vld [tilespmem:s16+$0xFFFFFFA0];
	v3 =	vmul.f32 v57, v12;
	[tilespmem:s18+$0xFFFFFDC0] =	vst v4  }
0x281: {  	v62 =	vmul.f32 v58, v13;
	[tilespmem:s18+$0xFFFFFE10] =	vst v5  }
0x282: {  	v63 =	vmul.f32 v59, v15;
	[tilespmem:s18+$0xFFFFFE60] =	vst v3  }
.Ltmp10:
0x283: {  	[tilespmem:s18+$0xFFFFFEB0] =	vst v62;
	v2 =	vmul.f32 v2, v16;
	(pc) =	sbr.rel .LBB2_12-.Ltmp10, $4  }
0x284: {  	v3 =	vmul.f32 v60, v8;
	[tilespmem:s18+$0xFFFFFF00] =	vst v63  }
0x285: {  	[tilespmem:s18+$0xFFFFFF50] =	vst v2;
	v2 =	vmul.f32 v61, v10  }
0x286: {  	[tilespmem:s23+$0xFFFFFFA0] =	vst v3  }
0x287: {  	[tilespmem:s18+$0xFFFFFFA0] =	vst v2  }
.LBB2_14:
0x288: {  	_ =	sfence.sel $0x180000  }
0x289: {  	[bflag:$0x0] =	sbarrier.arrive $0xFFFF  }
0x28a: {  	_ =	strace $0x90000047  }
0x28b: {  	s0 =	stileid.u32;
	[bflag:$0x2] =	sbarrier.arrive $0xFFFF  }
0x28c: {  	p0 =	sne.s32 s0, $0x0;
	s0 =	rddreg [dreg:$0x4]  }
0x28d: {  	s0 =	sadd.s32 @!p0 $0x100000, s0  }
0x28e: {  	[sflag:s0] =	ssyncadd.tile.s32 @!p0 $0x1;
	_ =	shalt  }
.Lfunc_end2:
_tile_overlayer_lowered:
.L_overlay_start_2:
0x28f: {  	(tag) =	ssettag $0x2  }
0x290: {  	s0 =	rddreg [dreg:$0x0];
	s2 =	stileid.u32  }
0x291: {  	s1 =	rddreg [dreg:$0x1];
	p0 =	sne.s32 s2, $0x0  }
0x292: {  	s3 =	rddreg [dreg:$0x2];
	[bflag:$0x3] =	sbarrier.arrive $0xFFFF;
	s2 =	simm.s32 @!p0 $0x1C05  }
0x293: {  	[timem:s3], [sflag:s2] =	dma.local @!p0 [hbm:s0], s1  }
0x294: {  	s0 =	simm.s32 @!p0 $0x5  }
0x295: {  	_ =	swait.ge @!p0 [sflag:s0], s1  }
0x296: {  	s1 =	ssub.s32 @!p0 $0x0, s1;
	[sflag:s0] =	ssyncset.done @!p0 $0x0  }
0x297: {  	[sflag:s0] =	ssyncadd.s32 @!p0 s1  }
0x298: {  	[bflag:$0x3] =	sbarrier.arrive $0xFFFF  }
0x299: {  	_ =	shalt  }

</sc_bundles>
